<compile_context>
chip_gen: v7x
topology: tpu7x:2x2x1
jax: 0.10.2.dev20260603
libtpu: 0.0.44.dev20260713+nightly
codegen_flags: <defaults>
</compile_context>

<pallas_src>
import functools

import jax
import jax.numpy as jnp
from jax import lax
from jax.experimental import pallas as pl
from jax.experimental.pallas import tpu as pltpu
from jax.experimental.pallas import tpu_sc as plsc

_NC = 2
_NS = 16
_NW = _NC * _NS

_CB = 16
_L = 16


@functools.partial(jax.jit, static_argnums=(2, 3, 4))
def _embed(W, data, B, H, D):
    rows_per_w = B // _NW
    n_sup = rows_per_w // _CB
    mesh = plsc.VectorSubcoreMesh(
        core_axis_name="c", subcore_axis_name="s",
        num_cores=_NC, num_subcores=_NS,
    )

    @functools.partial(
        pl.kernel,
        out_type=jax.ShapeDtypeStruct((H * D, B), jnp.float32),
        mesh=mesh,
        scratch_types=[
            pltpu.VMEM((2, _CB, H), jnp.int32),
            pltpu.VMEM((2, _CB * H, D), jnp.float32),
            pltpu.VMEM((H * D, _CB), jnp.float32),
            pltpu.SemaphoreType.DMA,
            pltpu.SemaphoreType.DMA,
        ],
        compiler_params=pltpu.CompilerParams(
            use_tc_tiling_on_sc=False, needs_layout_passes=False,
        ),
    )
    def k(table_hbm, idx_hbm, out_hbm, idx_v, rows_v, rows_t, gsem, osem):
        wid = lax.axis_index("s") * _NC + lax.axis_index("c")
        base = wid * rows_per_w

        def load_idx(c, slot):
            row = pl.multiple_of(base + c * _CB, 8)
            pltpu.sync_copy(idx_hbm.at[pl.ds(row, _CB)], idx_v.at[slot])

        def fire(slot):
            for j in range(_CB):
                pltpu.async_copy(
                    table_hbm.at[idx_v.at[slot].at[j]],
                    rows_v.at[slot].at[pl.ds(j * H, H)],
                    gsem,
                )

        def drain(slot):
            for j in range(_CB):
                pltpu.make_async_copy(
                    table_hbm.at[idx_v.at[slot].at[j]],
                    rows_v.at[slot].at[pl.ds(j * H, H)],
                    gsem,
                ).wait()

        diota = lax.iota(jnp.int32, _L)
        bvecs = [jnp.full((_L,), b, dtype=jnp.int32) for b in range(_CB)]

        def out_copy(c):
            row = pl.multiple_of(base + c * _CB, 8)
            return pltpu.make_async_copy(
                rows_t, out_hbm.at[:, pl.ds(row, _CB)], osem,
            )

        def transpose_store(c, slot):
            src = rows_v.at[slot]

            @pl.when(c > 0)
            def _():
                out_copy(c).wait()

            def h_body(h, carry):
                for d0 in range(0, D, _L):
                    r_idx = diota + (h * D + d0)
                    for b in range(_CB):
                        v = src[b * H + h, pl.ds(d0, _L)]
                        plsc.store_scatter(rows_t, [r_idx, bvecs[b]], v)
                return carry

            lax.fori_loop(0, H, h_body, 0)
            out_copy(c).start()

        load_idx(0, 0)
        fire(0)

        def body(p, carry):
            a = 2 * p
            b = a + 1

            load_idx(b, 1)
            fire(1)

            drain(0)
            transpose_store(a, 0)

            @pl.when(a + 2 < n_sup)
            def _():
                load_idx(a + 2, 0)
                fire(0)

            drain(1)
            transpose_store(b, 1)
            return carry

        lax.fori_loop(0, n_sup // 2, body, 0)
        out_copy(n_sup - 1).wait()

    return k(W, data)


def kernel(data, W):
    B, H = data.shape
    D = W.shape[1]
    out2 = _embed(W, data, B, H, D)
    return jnp.transpose(out2.reshape(H, D, B), (2, 0, 1))

# --- scband reference (transcript-rebuilt; emitter-appended) ---
"""Pipeline reference for scband-my-embedding-65601330479589 (READ-ONLY COPY).

The authoritative reference and input builder live on the scoring server;
editing this copy changes nothing except your own understanding.
"""

import jax, jax.numpy as jnp
import numpy as np

VOCAB = 1000000
EMBED_DIM = 32
BATCH = 16384
HIST = 50


def setup_inputs(seed: int = 0) -> dict:
    key = jax.random.key(seed)
    k1, k2 = jax.random.split(key)
    # word indices (valid rows are [0, VOCAB); row VOCAB is the padding row)
    data = jax.random.randint(k1, (BATCH, HIST), 0, VOCAB, dtype=jnp.int32)
    # wembeddings table: num_embeddings = VOCAB + 1 (padding=True => p1=1),
    # padding_idx = VOCAB so that row is zeroed, matching nn.Embedding.
    W = jax.random.normal(k2, (VOCAB + 1, EMBED_DIM), dtype=jnp.float32) * 0.02
    W = W.at[VOCAB].set(0.0)
    return {"data": data, "W": W}


def reference(data, W):
    # flavor 'a': return self.wembeddings(data.long())
    return jnp.take(W, data, axis=0)

if __name__ == "__main__":
    import jax
    _d = setup_inputs()
    print(jax.jit(kernel)(*tuple(_d.values())))

</pallas_src>

<mosaic_0001>
#map = affine_map<(d0, d1) -> (0, 0)>
module attributes {stable_mosaic.version = 14 : i64} {
  func.func @k(%arg0: i32, %arg1: i32, %arg2: memref<1000001x32xf32, #tpu.memory_space<hbm>>, %arg3: memref<16384x50xi32, #tpu.memory_space<hbm>>, %arg4: memref<1600x16384xf32, #tpu.memory_space<hbm>>, %arg5: memref<2x16x50xi32, #tpu.memory_space<vmem>>, %arg6: memref<2x800x32xf32, #tpu.memory_space<vmem>>, %arg7: memref<1600x16xf32, #tpu.memory_space<vmem>>, %arg8: memref<!tpu.dma_semaphore, #tpu.memory_space<semaphore_mem>>, %arg9: memref<!tpu.dma_semaphore, #tpu.memory_space<semaphore_mem>>) attributes {dimension_semantics = [#tpu.dimension_semantics<core_parallel>, #tpu.dimension_semantics<subcore_parallel>], iteration_bounds = array<i64: 2, 16>, scalar_prefetch = 0 : i64, scratch_operands = 5 : i64, tpu.core_type = #tpu.core_type<sc_vector_subcore>, window_params = [{transform_indices = #map}, {transform_indices = #map}, {transform_indices = #map}]} {
    %mul3A = arith.constant 2 : i32
    %mul3A_0 = arith.muli %arg1, %mul3A : i32
    %add3A = arith.addi %mul3A_0, %arg0 : i32
    %mul3A_1 = arith.constant 512 : i32
    %mul3A_2 = arith.muli %add3A, %mul3A_1 : i32
    %iota3A = tpu.iota {dimensions = array<i32: 0>} : vector<16xi32>
    %broadcast_in_dim3A = arith.constant 0 : i32
    %broadcast_in_dim3A_3 = vector.broadcast %broadcast_in_dim3A : i32 to vector<16xi32>
    %broadcast_in_dim3A_4 = arith.constant 1 : i32
    %broadcast_in_dim3A_5 = vector.broadcast %broadcast_in_dim3A_4 : i32 to vector<16xi32>
    %broadcast_in_dim3A_6 = arith.constant 2 : i32
    %broadcast_in_dim3A_7 = vector.broadcast %broadcast_in_dim3A_6 : i32 to vector<16xi32>
    %broadcast_in_dim3A_8 = arith.constant 3 : i32
    %broadcast_in_dim3A_9 = vector.broadcast %broadcast_in_dim3A_8 : i32 to vector<16xi32>
    %broadcast_in_dim3A_10 = arith.constant 4 : i32
    %broadcast_in_dim3A_11 = vector.broadcast %broadcast_in_dim3A_10 : i32 to vector<16xi32>
    %broadcast_in_dim3A_12 = arith.constant 5 : i32
    %broadcast_in_dim3A_13 = vector.broadcast %broadcast_in_dim3A_12 : i32 to vector<16xi32>
    %broadcast_in_dim3A_14 = arith.constant 6 : i32
    %broadcast_in_dim3A_15 = vector.broadcast %broadcast_in_dim3A_14 : i32 to vector<16xi32>
    %broadcast_in_dim3A_16 = arith.constant 7 : i32
    %broadcast_in_dim3A_17 = vector.broadcast %broadcast_in_dim3A_16 : i32 to vector<16xi32>
    %broadcast_in_dim3A_18 = arith.constant 8 : i32
    %broadcast_in_dim3A_19 = vector.broadcast %broadcast_in_dim3A_18 : i32 to vector<16xi32>
    %broadcast_in_dim3A_20 = arith.constant 9 : i32
    %broadcast_in_dim3A_21 = vector.broadcast %broadcast_in_dim3A_20 : i32 to vector<16xi32>
    %broadcast_in_dim3A_22 = arith.constant 10 : i32
    %broadcast_in_dim3A_23 = vector.broadcast %broadcast_in_dim3A_22 : i32 to vector<16xi32>
    %broadcast_in_dim3A_24 = arith.constant 11 : i32
    %broadcast_in_dim3A_25 = vector.broadcast %broadcast_in_dim3A_24 : i32 to vector<16xi32>
    %broadcast_in_dim3A_26 = arith.constant 12 : i32
    %broadcast_in_dim3A_27 = vector.broadcast %broadcast_in_dim3A_26 : i32 to vector<16xi32>
    %broadcast_in_dim3A_28 = arith.constant 13 : i32
    %broadcast_in_dim3A_29 = vector.broadcast %broadcast_in_dim3A_28 : i32 to vector<16xi32>
    %broadcast_in_dim3A_30 = arith.constant 14 : i32
    %broadcast_in_dim3A_31 = vector.broadcast %broadcast_in_dim3A_30 : i32 to vector<16xi32>
    %broadcast_in_dim3A_32 = arith.constant 15 : i32
    %broadcast_in_dim3A_33 = vector.broadcast %broadcast_in_dim3A_32 : i32 to vector<16xi32>
    %add3A_34 = arith.constant 0 : i32
    %add3A_35 = arith.addi %mul3A_2, %add3A_34 : i32
    %multiple_of3A = tpu.assume_multiple %add3A_35, 8 : i32
    %run_scoped3A = arith.constant 0 : i32
    "tpu.region"() ({
      %run_scoped3A_366 = tpu.sem_alloc : memref<!tpu.dma_semaphore, #tpu.memory_space<semaphore_mem>>
      %dma_start3A_367 = arith.constant 0 : i32
      %dma_start3A_368 = arith.constant 0 : i32
      %dma_start3A_369 = tpu.memref_slice %arg5[%run_scoped3A, %dma_start3A_367, %dma_start3A_368] : memref<2x16x50xi32, #tpu.memory_space<vmem>> -> memref<1x16x50xi32, #tpu.memory_space<vmem>>
      %dma_start3A_370 = tpu.memref_squeeze %dma_start3A_369 : memref<1x16x50xi32, #tpu.memory_space<vmem>> -> memref<16x50xi32, #tpu.memory_space<vmem>>
      %dma_start3A_371 = arith.constant 0 : i32
      %dma_start3A_372 = tpu.memref_slice %arg3[%multiple_of3A, %dma_start3A_371] : memref<16384x50xi32, #tpu.memory_space<hbm>> -> memref<16x50xi32, #tpu.memory_space<hbm>>
      %dma_start3A_373 = arith.constant 0 : i32
      %dma_start3A_374 = arith.constant 0 : i32
      %dma_start3A_375 = tpu.memref_slice %arg5[%run_scoped3A, %dma_start3A_373, %dma_start3A_374] : memref<2x16x50xi32, #tpu.memory_space<vmem>> -> memref<1x16x50xi32, #tpu.memory_space<vmem>>
      %dma_start3A_376 = tpu.memref_squeeze %dma_start3A_375 : memref<1x16x50xi32, #tpu.memory_space<vmem>> -> memref<16x50xi32, #tpu.memory_space<vmem>>
      %dma_start3A_377 = arith.constant 0 : i32
      %dma_start3A_378 = tpu.memref_slice %arg3[%multiple_of3A, %dma_start3A_377] : memref<16384x50xi32, #tpu.memory_space<hbm>> -> memref<16x50xi32, #tpu.memory_space<hbm>>
      tpu.enqueue_dma source(%dma_start3A_378 : memref<16x50xi32, #tpu.memory_space<hbm>>) target(%dma_start3A_376 : memref<16x50xi32, #tpu.memory_space<vmem>>) target_semaphore(%run_scoped3A_366 : memref<!tpu.dma_semaphore, #tpu.memory_space<semaphore_mem>>)
      %dma_wait3A_379 = arith.constant 0 : i32
      %dma_wait3A_380 = arith.constant 0 : i32
      %dma_wait3A_381 = tpu.memref_slice %arg5[%run_scoped3A, %dma_wait3A_379, %dma_wait3A_380] : memref<2x16x50xi32, #tpu.memory_space<vmem>> -> memref<1x16x50xi32, #tpu.memory_space<vmem>>
      %dma_wait3A_382 = tpu.memref_squeeze %dma_wait3A_381 : memref<1x16x50xi32, #tpu.memory_space<vmem>> -> memref<16x50xi32, #tpu.memory_space<vmem>>
      %dma_wait3A_383 = arith.constant 0 : i32
      %dma_wait3A_384 = tpu.memref_slice %arg3[%multiple_of3A, %dma_wait3A_383] : memref<16384x50xi32, #tpu.memory_space<hbm>> -> memref<16x50xi32, #tpu.memory_space<hbm>>
      %dma_wait3A_385 = arith.constant 0 : i32
      %dma_wait3A_386 = arith.constant 0 : i32
      %dma_wait3A_387 = tpu.memref_slice %arg5[%run_scoped3A, %dma_wait3A_385, %dma_wait3A_386] : memref<2x16x50xi32, #tpu.memory_space<vmem>> -> memref<1x16x50xi32, #tpu.memory_space<vmem>>
      %dma_wait3A_388 = tpu.memref_squeeze %dma_wait3A_387 : memref<1x16x50xi32, #tpu.memory_space<vmem>> -> memref<16x50xi32, #tpu.memory_space<vmem>>
      %dma_wait3A_389 = arith.constant 0 : i32
      %dma_wait3A_390 = tpu.memref_slice %arg3[%multiple_of3A, %dma_wait3A_389] : memref<16384x50xi32, #tpu.memory_space<hbm>> -> memref<16x50xi32, #tpu.memory_space<hbm>>
      tpu.wait_dma2 semaphore(%run_scoped3A_366 : memref<!tpu.dma_semaphore, #tpu.memory_space<semaphore_mem>>) src(%dma_wait3A_390 : memref<16x50xi32, #tpu.memory_space<hbm>>) dst(%dma_wait3A_388 : memref<16x50xi32, #tpu.memory_space<vmem>>)
      tpu.yield
    }) : () -> ()
    %dma_start3A = arith.constant 0 : i32
    %dma_start3A_36 = arith.constant 0 : i32
    %dma_start3A_37 = arith.constant 0 : i32
    %dma_start3A_38 = arith.constant 0 : i32
    %dma_start3A_39 = arith.constant 0 : i32
    %dma_start3A_40 = tpu.memref_slice %arg6[%dma_start3A_37, %dma_start3A_38, %dma_start3A_39] : memref<2x800x32xf32, #tpu.memory_space<vmem>> -> memref<1x800x32xf32, #tpu.memory_space<vmem>>
    %dma_start3A_41 = tpu.memref_squeeze %dma_start3A_40 : memref<1x800x32xf32, #tpu.memory_space<vmem>> -> memref<800x32xf32, #tpu.memory_space<vmem>>
    %dma_start3A_42 = arith.constant 0 : i32
    %dma_start3A_43 = arith.constant 0 : i32
    %dma_start3A_44 = tpu.memref_slice %dma_start3A_41[%dma_start3A_42, %dma_start3A_43] : memref<800x32xf32, #tpu.memory_space<vmem>> -> memref<50x32xf32, #tpu.memory_space<vmem>>
    %dma_start3A_45 = arith.constant 0 : i32
    %dma_start3A_46 = arith.constant 0 : i32
    %dma_start3A_47 = tpu.memref_slice %arg5[%dma_start3A, %dma_start3A_45, %dma_start3A_46] : memref<2x16x50xi32, #tpu.memory_space<vmem>> -> memref<1x16x50xi32, #tpu.memory_space<vmem>>
    %dma_start3A_48 = tpu.memref_squeeze %dma_start3A_47 : memref<1x16x50xi32, #tpu.memory_space<vmem>> -> memref<16x50xi32, #tpu.memory_space<vmem>>
    %dma_start3A_49 = arith.constant 0 : i32
    %dma_start3A_50 = tpu.memref_slice %dma_start3A_48[%dma_start3A_36, %dma_start3A_49] : memref<16x50xi32, #tpu.memory_space<vmem>> -> memref<1x50xi32, #tpu.memory_space<vmem>>
    %dma_start3A_51 = tpu.memref_squeeze %dma_start3A_50 : memref<1x50xi32, #tpu.memory_space<vmem>> -> memref<50xi32, #tpu.memory_space<vmem>>
    %dma_start3A_52 = arith.constant 0 : i32
    %dma_start3A_53 = arith.constant 0 : i32
    %dma_start3A_54 = tpu.memref_slice %arg2[%dma_start3A_52, %dma_start3A_53] : memref<1000001x32xf32, #tpu.memory_space<hbm>> -> memref<1000001x32xf32, #tpu.memory_space<hbm>>
    tpu.enqueue_indirect_dma source(%dma_start3A_54 : memref<1000001x32xf32, #tpu.memory_space<hbm>>) target(%dma_start3A_44 : memref<50x32xf32, #tpu.memory_space<vmem>>) offsets(%dma_start3A_51 : memref<50xi32, #tpu.memory_space<vmem>>) semaphore(%arg8 : memref<!tpu.dma_semaphore, #tpu.memory_space<semaphore_mem>>)
    %dma_start3A_55 = arith.constant 0 : i32
    %dma_start3A_56 = arith.constant 1 : i32
    %dma_start3A_57 = arith.constant 0 : i32
    %dma_start3A_58 = arith.constant 0 : i32
    %dma_start3A_59 = arith.constant 0 : i32
    %dma_start3A_60 = tpu.memref_slice %arg6[%dma_start3A_57, %dma_start3A_58, %dma_start3A_59] : memref<2x800x32xf32, #tpu.memory_space<vmem>> -> memref<1x800x32xf32, #tpu.memory_space<vmem>>
    %dma_start3A_61 = tpu.memref_squeeze %dma_start3A_60 : memref<1x800x32xf32, #tpu.memory_space<vmem>> -> memref<800x32xf32, #tpu.memory_space<vmem>>
    %dma_start3A_62 = arith.constant 50 : i32
    %dma_start3A_63 = arith.constant 0 : i32
    %dma_start3A_64 = tpu.memref_slice %dma_start3A_61[%dma_start3A_62, %dma_start3A_63] : memref<800x32xf32, #tpu.memory_space<vmem>> -> memref<50x32xf32, #tpu.memory_space<vmem>>
    %dma_start3A_65 = arith.constant 0 : i32
    %dma_start3A_66 = arith.constant 0 : i32
    %dma_start3A_67 = tpu.memref_slice %arg5[%dma_start3A_55, %dma_start3A_65, %dma_start3A_66] : memref<2x16x50xi32, #tpu.memory_space<vmem>> -> memref<1x16x50xi32, #tpu.memory_space<vmem>>
    %dma_start3A_68 = tpu.memref_squeeze %dma_start3A_67 : memref<1x16x50xi32, #tpu.memory_space<vmem>> -> memref<16x50xi32, #tpu.memory_space<vmem>>
    %dma_start3A_69 = arith.constant 0 : i32
    %dma_start3A_70 = tpu.memref_slice %dma_start3A_68[%dma_start3A_56, %dma_start3A_69] : memref<16x50xi32, #tpu.memory_space<vmem>> -> memref<1x50xi32, #tpu.memory_space<vmem>>
    %dma_start3A_71 = tpu.memref_squeeze %dma_start3A_70 : memref<1x50xi32, #tpu.memory_space<vmem>> -> memref<50xi32, #tpu.memory_space<vmem>>
    %dma_start3A_72 = arith.constant 0 : i32
    %dma_start3A_73 = arith.constant 0 : i32
    %dma_start3A_74 = tpu.memref_slice %arg2[%dma_start3A_72, %dma_start3A_73] : memref<1000001x32xf32, #tpu.memory_space<hbm>> -> memref<1000001x32xf32, #tpu.memory_space<hbm>>
    tpu.enqueue_indirect_dma source(%dma_start3A_74 : memref<1000001x32xf32, #tpu.memory_space<hbm>>) target(%dma_start3A_64 : memref<50x32xf32, #tpu.memory_space<vmem>>) offsets(%dma_start3A_71 : memref<50xi32, #tpu.memory_space<vmem>>) semaphore(%arg8 : memref<!tpu.dma_semaphore, #tpu.memory_space<semaphore_mem>>)
    %dma_start3A_75 = arith.constant 0 : i32
    %dma_start3A_76 = arith.constant 2 : i32
    %dma_start3A_77 = arith.constant 0 : i32
    %dma_start3A_78 = arith.constant 0 : i32
    %dma_start3A_79 = arith.constant 0 : i32
    %dma_start3A_80 = tpu.memref_slice %arg6[%dma_start3A_77, %dma_start3A_78, %dma_start3A_79] : memref<2x800x32xf32, #tpu.memory_space<vmem>> -> memref<1x800x32xf32, #tpu.memory_space<vmem>>
    %dma_start3A_81 = tpu.memref_squeeze %dma_start3A_80 : memref<1x800x32xf32, #tpu.memory_space<vmem>> -> memref<800x32xf32, #tpu.memory_space<vmem>>
    %dma_start3A_82 = arith.constant 100 : i32
    %dma_start3A_83 = arith.constant 0 : i32
    %dma_start3A_84 = tpu.memref_slice %dma_start3A_81[%dma_start3A_82, %dma_start3A_83] : memref<800x32xf32, #tpu.memory_space<vmem>> -> memref<50x32xf32, #tpu.memory_space<vmem>>
    %dma_start3A_85 = arith.constant 0 : i32
    %dma_start3A_86 = arith.constant 0 : i32
    %dma_start3A_87 = tpu.memref_slice %arg5[%dma_start3A_75, %dma_start3A_85, %dma_start3A_86] : memref<2x16x50xi32, #tpu.memory_space<vmem>> -> memref<1x16x50xi32, #tpu.memory_space<vmem>>
    %dma_start3A_88 = tpu.memref_squeeze %dma_start3A_87 : memref<1x16x50xi32, #tpu.memory_space<vmem>> -> memref<16x50xi32, #tpu.memory_space<vmem>>
    %dma_start3A_89 = arith.constant 0 : i32
    %dma_start3A_90 = tpu.memref_slice %dma_start3A_88[%dma_start3A_76, %dma_start3A_89] : memref<16x50xi32, #tpu.memory_space<vmem>> -> memref<1x50xi32, #tpu.memory_space<vmem>>
    %dma_start3A_91 = tpu.memref_squeeze %dma_start3A_90 : memref<1x50xi32, #tpu.memory_space<vmem>> -> memref<50xi32, #tpu.memory_space<vmem>>
    %dma_start3A_92 = arith.constant 0 : i32
    %dma_start3A_93 = arith.constant 0 : i32
    %dma_start3A_94 = tpu.memref_slice %arg2[%dma_start3A_92, %dma_start3A_93] : memref<1000001x32xf32, #tpu.memory_space<hbm>> -> memref<1000001x32xf32, #tpu.memory_space<hbm>>
    tpu.enqueue_indirect_dma source(%dma_start3A_94 : memref<1000001x32xf32, #tpu.memory_space<hbm>>) target(%dma_start3A_84 : memref<50x32xf32, #tpu.memory_space<vmem>>) offsets(%dma_start3A_91 : memref<50xi32, #tpu.memory_space<vmem>>) semaphore(%arg8 : memref<!tpu.dma_semaphore, #tpu.memory_space<semaphore_mem>>)
    %dma_start3A_95 = arith.constant 0 : i32
    %dma_start3A_96 = arith.constant 3 : i32
    %dma_start3A_97 = arith.constant 0 : i32
    %dma_start3A_98 = arith.constant 0 : i32
    %dma_start3A_99 = arith.constant 0 : i32
    %dma_start3A_100 = tpu.memref_slice %arg6[%dma_start3A_97, %dma_start3A_98, %dma_start3A_99] : memref<2x800x32xf32, #tpu.memory_space<vmem>> -> memref<1x800x32xf32, #tpu.memory_space<vmem>>
    %dma_start3A_101 = tpu.memref_squeeze %dma_start3A_100 : memref<1x800x32xf32, #tpu.memory_space<vmem>> -> memref<800x32xf32, #tpu.memory_space<vmem>>
    %dma_start3A_102 = arith.constant 150 : i32
    %dma_start3A_103 = arith.constant 0 : i32
    %dma_start3A_104 = tpu.memref_slice %dma_start3A_101[%dma_start3A_102, %dma_start3A_103] : memref<800x32xf32, #tpu.memory_space<vmem>> -> memref<50x32xf32, #tpu.memory_space<vmem>>
    %dma_start3A_105 = arith.constant 0 : i32
    %dma_start3A_106 = arith.constant 0 : i32
    %dma_start3A_107 = tpu.memref_slice %arg5[%dma_start3A_95, %dma_start3A_105, %dma_start3A_106] : memref<2x16x50xi32, #tpu.memory_space<vmem>> -> memref<1x16x50xi32, #tpu.memory_space<vmem>>
    %dma_start3A_108 = tpu.memref_squeeze %dma_start3A_107 : memref<1x16x50xi32, #tpu.memory_space<vmem>> -> memref<16x50xi32, #tpu.memory_space<vmem>>
    %dma_start3A_109 = arith.constant 0 : i32
    %dma_start3A_110 = tpu.memref_slice %dma_start3A_108[%dma_start3A_96, %dma_start3A_109] : memref<16x50xi32, #tpu.memory_space<vmem>> -> memref<1x50xi32, #tpu.memory_space<vmem>>
    %dma_start3A_111 = tpu.memref_squeeze %dma_start3A_110 : memref<1x50xi32, #tpu.memory_space<vmem>> -> memref<50xi32, #tpu.memory_space<vmem>>
    %dma_start3A_112 = arith.constant 0 : i32
    %dma_start3A_113 = arith.constant 0 : i32
    %dma_start3A_114 = tpu.memref_slice %arg2[%dma_start3A_112, %dma_start3A_113] : memref<1000001x32xf32, #tpu.memory_space<hbm>> -> memref<1000001x32xf32, #tpu.memory_space<hbm>>
    tpu.enqueue_indirect_dma source(%dma_start3A_114 : memref<1000001x32xf32, #tpu.memory_space<hbm>>) target(%dma_start3A_104 : memref<50x32xf32, #tpu.memory_space<vmem>>) offsets(%dma_start3A_111 : memref<50xi32, #tpu.memory_space<vmem>>) semaphore(%arg8 : memref<!tpu.dma_semaphore, #tpu.memory_space<semaphore_mem>>)
    %dma_start3A_115 = arith.constant 0 : i32
    %dma_start3A_116 = arith.constant 4 : i32
    %dma_start3A_117 = arith.constant 0 : i32
    %dma_start3A_118 = arith.constant 0 : i32
    %dma_start3A_119 = arith.constant 0 : i32
    %dma_start3A_120 = tpu.memref_slice %arg6[%dma_start3A_117, %dma_start3A_118, %dma_start3A_119] : memref<2x800x32xf32, #tpu.memory_space<vmem>> -> memref<1x800x32xf32, #tpu.memory_space<vmem>>
    %dma_start3A_121 = tpu.memref_squeeze %dma_start3A_120 : memref<1x800x32xf32, #tpu.memory_space<vmem>> -> memref<800x32xf32, #tpu.memory_space<vmem>>
    %dma_start3A_122 = arith.constant 200 : i32
    %dma_start3A_123 = arith.constant 0 : i32
    %dma_start3A_124 = tpu.memref_slice %dma_start3A_121[%dma_start3A_122, %dma_start3A_123] : memref<800x32xf32, #tpu.memory_space<vmem>> -> memref<50x32xf32, #tpu.memory_space<vmem>>
    %dma_start3A_125 = arith.constant 0 : i32
    %dma_start3A_126 = arith.constant 0 : i32
    %dma_start3A_127 = tpu.memref_slice %arg5[%dma_start3A_115, %dma_start3A_125, %dma_start3A_126] : memref<2x16x50xi32, #tpu.memory_space<vmem>> -> memref<1x16x50xi32, #tpu.memory_space<vmem>>
    %dma_start3A_128 = tpu.memref_squeeze %dma_start3A_127 : memref<1x16x50xi32, #tpu.memory_space<vmem>> -> memref<16x50xi32, #tpu.memory_space<vmem>>
    %dma_start3A_129 = arith.constant 0 : i32
    %dma_start3A_130 = tpu.memref_slice %dma_start3A_128[%dma_start3A_116, %dma_start3A_129] : memref<16x50xi32, #tpu.memory_space<vmem>> -> memref<1x50xi32, #tpu.memory_space<vmem>>
    %dma_start3A_131 = tpu.memref_squeeze %dma_start3A_130 : memref<1x50xi32, #tpu.memory_space<vmem>> -> memref<50xi32, #tpu.memory_space<vmem>>
    %dma_start3A_132 = arith.constant 0 : i32
    %dma_start3A_133 = arith.constant 0 : i32
    %dma_start3A_134 = tpu.memref_slice %arg2[%dma_start3A_132, %dma_start3A_133] : memref<1000001x32xf32, #tpu.memory_space<hbm>> -> memref<1000001x32xf32, #tpu.memory_space<hbm>>
    tpu.enqueue_indirect_dma source(%dma_start3A_134 : memref<1000001x32xf32, #tpu.memory_space<hbm>>) target(%dma_start3A_124 : memref<50x32xf32, #tpu.memory_space<vmem>>) offsets(%dma_start3A_131 : memref<50xi32, #tpu.memory_space<vmem>>) semaphore(%arg8 : memref<!tpu.dma_semaphore, #tpu.memory_space<semaphore_mem>>)
    %dma_start3A_135 = arith.constant 0 : i32
    %dma_start3A_136 = arith.constant 5 : i32
    %dma_start3A_137 = arith.constant 0 : i32
    %dma_start3A_138 = arith.constant 0 : i32
    %dma_start3A_139 = arith.constant 0 : i32
    %dma_start3A_140 = tpu.memref_slice %arg6[%dma_start3A_137, %dma_start3A_138, %dma_start3A_139] : memref<2x800x32xf32, #tpu.memory_space<vmem>> -> memref<1x800x32xf32, #tpu.memory_space<vmem>>
    %dma_start3A_141 = tpu.memref_squeeze %dma_start3A_140 : memref<1x800x32xf32, #tpu.memory_space<vmem>> -> memref<800x32xf32, #tpu.memory_space<vmem>>
    %dma_start3A_142 = arith.constant 250 : i32
    %dma_start3A_143 = arith.constant 0 : i32
    %dma_start3A_144 = tpu.memref_slice %dma_start3A_141[%dma_start3A_142, %dma_start3A_143] : memref<800x32xf32, #tpu.memory_space<vmem>> -> memref<50x32xf32, #tpu.memory_space<vmem>>
    %dma_start3A_145 = arith.constant 0 : i32
    %dma_start3A_146 = arith.constant 0 : i32
    %dma_start3A_147 = tpu.memref_slice %arg5[%dma_start3A_135, %dma_start3A_145, %dma_start3A_146] : memref<2x16x50xi32, #tpu.memory_space<vmem>> -> memref<1x16x50xi32, #tpu.memory_space<vmem>>
    %dma_start3A_148 = tpu.memref_squeeze %dma_start3A_147 : memref<1x16x50xi32, #tpu.memory_space<vmem>> -> memref<16x50xi32, #tpu.memory_space<vmem>>
    %dma_start3A_149 = arith.constant 0 : i32
    %dma_start3A_150 = tpu.memref_slice %dma_start3A_148[%dma_start3A_136, %dma_start3A_149] : memref<16x50xi32, #tpu.memory_space<vmem>> -> memref<1x50xi32, #tpu.memory_space<vmem>>
    %dma_start3A_151 = tpu.memref_squeeze %dma_start3A_150 : memref<1x50xi32, #tpu.memory_space<vmem>> -> memref<50xi32, #tpu.memory_space<vmem>>
    %dma_start3A_152 = arith.constant 0 : i32
    %dma_start3A_153 = arith.constant 0 : i32
    %dma_start3A_154 = tpu.memref_slice %arg2[%dma_start3A_152, %dma_start3A_153] : memref<1000001x32xf32, #tpu.memory_space<hbm>> -> memref<1000001x32xf32, #tpu.memory_space<hbm>>
    tpu.enqueue_indirect_dma source(%dma_start3A_154 : memref<1000001x32xf32, #tpu.memory_space<hbm>>) target(%dma_start3A_144 : memref<50x32xf32, #tpu.memory_space<vmem>>) offsets(%dma_start3A_151 : memref<50xi32, #tpu.memory_space<vmem>>) semaphore(%arg8 : memref<!tpu.dma_semaphore, #tpu.memory_space<semaphore_mem>>)
    %dma_start3A_155 = arith.constant 0 : i32
    %dma_start3A_156 = arith.constant 6 : i32
    %dma_start3A_157 = arith.constant 0 : i32
    %dma_start3A_158 = arith.constant 0 : i32
    %dma_start3A_159 = arith.constant 0 : i32
    %dma_start3A_160 = tpu.memref_slice %arg6[%dma_start3A_157, %dma_start3A_158, %dma_start3A_159] : memref<2x800x32xf32, #tpu.memory_space<vmem>> -> memref<1x800x32xf32, #tpu.memory_space<vmem>>
    %dma_start3A_161 = tpu.memref_squeeze %dma_start3A_160 : memref<1x800x32xf32, #tpu.memory_space<vmem>> -> memref<800x32xf32, #tpu.memory_space<vmem>>
    %dma_start3A_162 = arith.constant 300 : i32
    %dma_start3A_163 = arith.constant 0 : i32
    %dma_start3A_164 = tpu.memref_slice %dma_start3A_161[%dma_start3A_162, %dma_start3A_163] : memref<800x32xf32, #tpu.memory_space<vmem>> -> memref<50x32xf32, #tpu.memory_space<vmem>>
    %dma_start3A_165 = arith.constant 0 : i32
    %dma_start3A_166 = arith.constant 0 : i32
    %dma_start3A_167 = tpu.memref_slice %arg5[%dma_start3A_155, %dma_start3A_165, %dma_start3A_166] : memref<2x16x50xi32, #tpu.memory_space<vmem>> -> memref<1x16x50xi32, #tpu.memory_space<vmem>>
    %dma_start3A_168 = tpu.memref_squeeze %dma_start3A_167 : memref<1x16x50xi32, #tpu.memory_space<vmem>> -> memref<16x50xi32, #tpu.memory_space<vmem>>
    %dma_start3A_169 = arith.constant 0 : i32
    %dma_start3A_170 = tpu.memref_slice %dma_start3A_168[%dma_start3A_156, %dma_start3A_169] : memref<16x50xi32, #tpu.memory_space<vmem>> -> memref<1x50xi32, #tpu.memory_space<vmem>>
    %dma_start3A_171 = tpu.memref_squeeze %dma_start3A_170 : memref<1x50xi32, #tpu.memory_space<vmem>> -> memref<50xi32, #tpu.memory_space<vmem>>
    %dma_start3A_172 = arith.constant 0 : i32
    %dma_start3A_173 = arith.constant 0 : i32
    %dma_start3A_174 = tpu.memref_slice %arg2[%dma_start3A_172, %dma_start3A_173] : memref<1000001x32xf32, #tpu.memory_space<hbm>> -> memref<1000001x32xf32, #tpu.memory_space<hbm>>
    tpu.enqueue_indirect_dma source(%dma_start3A_174 : memref<1000001x32xf32, #tpu.memory_space<hbm>>) target(%dma_start3A_164 : memref<50x32xf32, #tpu.memory_space<vmem>>) offsets(%dma_start3A_171 : memref<50xi32, #tpu.memory_space<vmem>>) semaphore(%arg8 : memref<!tpu.dma_semaphore, #tpu.memory_space<semaphore_mem>>)
    %dma_start3A_175 = arith.constant 0 : i32
    %dma_start3A_176 = arith.constant 7 : i32
    %dma_start3A_177 = arith.constant 0 : i32
    %dma_start3A_178 = arith.constant 0 : i32
    %dma_start3A_179 = arith.constant 0 : i32
    %dma_start3A_180 = tpu.memref_slice %arg6[%dma_start3A_177, %dma_start3A_178, %dma_start3A_179] : memref<2x800x32xf32, #tpu.memory_space<vmem>> -> memref<1x800x32xf32, #tpu.memory_space<vmem>>
    %dma_start3A_181 = tpu.memref_squeeze %dma_start3A_180 : memref<1x800x32xf32, #tpu.memory_space<vmem>> -> memref<800x32xf32, #tpu.memory_space<vmem>>
    %dma_start3A_182 = arith.constant 350 : i32
    %dma_start3A_183 = arith.constant 0 : i32
    %dma_start3A_184 = tpu.memref_slice %dma_start3A_181[%dma_start3A_182, %dma_start3A_183] : memref<800x32xf32, #tpu.memory_space<vmem>> -> memref<50x32xf32, #tpu.memory_space<vmem>>
    %dma_start3A_185 = arith.constant 0 : i32
    %dma_start3A_186 = arith.constant 0 : i32
    %dma_start3A_187 = tpu.memref_slice %arg5[%dma_start3A_175, %dma_start3A_185, %dma_start3A_186] : memref<2x16x50xi32, #tpu.memory_space<vmem>> -> memref<1x16x50xi32, #tpu.memory_space<vmem>>
    %dma_start3A_188 = tpu.memref_squeeze %dma_start3A_187 : memref<1x16x50xi32, #tpu.memory_space<vmem>> -> memref<16x50xi32, #tpu.memory_space<vmem>>
    %dma_start3A_189 = arith.constant 0 : i32
    %dma_start3A_190 = tpu.memref_slice %dma_start3A_188[%dma_start3A_176, %dma_start3A_189] : memref<16x50xi32, #tpu.memory_space<vmem>> -> memref<1x50xi32, #tpu.memory_space<vmem>>
    %dma_start3A_191 = tpu.memref_squeeze %dma_start3A_190 : memref<1x50xi32, #tpu.memory_space<vmem>> -> memref<50xi32, #tpu.memory_space<vmem>>
    %dma_start3A_192 = arith.constant 0 : i32
    %dma_start3A_193 = arith.constant 0 : i32
    %dma_start3A_194 = tpu.memref_slice %arg2[%dma_start3A_192, %dma_start3A_193] : memref<1000001x32xf32, #tpu.memory_space<hbm>> -> memref<1000001x32xf32, #tpu.memory_space<hbm>>
    tpu.enqueue_indirect_dma source(%dma_start3A_194 : memref<1000001x32xf32, #tpu.memory_space<hbm>>) target(%dma_start3A_184 : memref<50x32xf32, #tpu.memory_space<vmem>>) offsets(%dma_start3A_191 : memref<50xi32, #tpu.memory_space<vmem>>) semaphore(%arg8 : memref<!tpu.dma_semaphore, #tpu.memory_space<semaphore_mem>>)
    %dma_start3A_195 = arith.constant 0 : i32
    %dma_start3A_196 = arith.constant 8 : i32
    %dma_start3A_197 = arith.constant 0 : i32
    %dma_start3A_198 = arith.constant 0 : i32
    %dma_start3A_199 = arith.constant 0 : i32
    %dma_start3A_200 = tpu.memref_slice %arg6[%dma_start3A_197, %dma_start3A_198, %dma_start3A_199] : memref<2x800x32xf32, #tpu.memory_space<vmem>> -> memref<1x800x32xf32, #tpu.memory_space<vmem>>
    %dma_start3A_201 = tpu.memref_squeeze %dma_start3A_200 : memref<1x800x32xf32, #tpu.memory_space<vmem>> -> memref<800x32xf32, #tpu.memory_space<vmem>>
    %dma_start3A_202 = arith.constant 400 : i32
    %dma_start3A_203 = arith.constant 0 : i32
    %dma_start3A_204 = tpu.memref_slice %dma_start3A_201[%dma_start3A_202, %dma_start3A_203] : memref<800x32xf32, #tpu.memory_space<vmem>> -> memref<50x32xf32, #tpu.memory_space<vmem>>
    %dma_start3A_205 = arith.constant 0 : i32
    %dma_start3A_206 = arith.constant 0 : i32
    %dma_start3A_207 = tpu.memref_slice %arg5[%dma_start3A_195, %dma_start3A_205, %dma_start3A_206] : memref<2x16x50xi32, #tpu.memory_space<vmem>> -> memref<1x16x50xi32, #tpu.memory_space<vmem>>
    %dma_start3A_208 = tpu.memref_squeeze %dma_start3A_207 : memref<1x16x50xi32, #tpu.memory_space<vmem>> -> memref<16x50xi32, #tpu.memory_space<vmem>>
    %dma_start3A_209 = arith.constant 0 : i32
    %dma_start3A_210 = tpu.memref_slice %dma_start3A_208[%dma_start3A_196, %dma_start3A_209] : memref<16x50xi32, #tpu.memory_space<vmem>> -> memref<1x50xi32, #tpu.memory_space<vmem>>
    %dma_start3A_211 = tpu.memref_squeeze %dma_start3A_210 : memref<1x50xi32, #tpu.memory_space<vmem>> -> memref<50xi32, #tpu.memory_space<vmem>>
    %dma_start3A_212 = arith.constant 0 : i32
    %dma_start3A_213 = arith.constant 0 : i32
    %dma_start3A_214 = tpu.memref_slice %arg2[%dma_start3A_212, %dma_start3A_213] : memref<1000001x32xf32, #tpu.memory_space<hbm>> -> memref<1000001x32xf32, #tpu.memory_space<hbm>>
    tpu.enqueue_indirect_dma source(%dma_start3A_214 : memref<1000001x32xf32, #tpu.memory_space<hbm>>) target(%dma_start3A_204 : memref<50x32xf32, #tpu.memory_space<vmem>>) offsets(%dma_start3A_211 : memref<50xi32, #tpu.memory_space<vmem>>) semaphore(%arg8 : memref<!tpu.dma_semaphore, #tpu.memory_space<semaphore_mem>>)
    %dma_start3A_215 = arith.constant 0 : i32
    %dma_start3A_216 = arith.constant 9 : i32
    %dma_start3A_217 = arith.constant 0 : i32
    %dma_start3A_218 = arith.constant 0 : i32
    %dma_start3A_219 = arith.constant 0 : i32
    %dma_start3A_220 = tpu.memref_slice %arg6[%dma_start3A_217, %dma_start3A_218, %dma_start3A_219] : memref<2x800x32xf32, #tpu.memory_space<vmem>> -> memref<1x800x32xf32, #tpu.memory_space<vmem>>
    %dma_start3A_221 = tpu.memref_squeeze %dma_start3A_220 : memref<1x800x32xf32, #tpu.memory_space<vmem>> -> memref<800x32xf32, #tpu.memory_space<vmem>>
    %dma_start3A_222 = arith.constant 450 : i32
    %dma_start3A_223 = arith.constant 0 : i32
    %dma_start3A_224 = tpu.memref_slice %dma_start3A_221[%dma_start3A_222, %dma_start3A_223] : memref<800x32xf32, #tpu.memory_space<vmem>> -> memref<50x32xf32, #tpu.memory_space<vmem>>
    %dma_start3A_225 = arith.constant 0 : i32
    %dma_start3A_226 = arith.constant 0 : i32
    %dma_start3A_227 = tpu.memref_slice %arg5[%dma_start3A_215, %dma_start3A_225, %dma_start3A_226] : memref<2x16x50xi32, #tpu.memory_space<vmem>> -> memref<1x16x50xi32, #tpu.memory_space<vmem>>
    %dma_start3A_228 = tpu.memref_squeeze %dma_start3A_227 : memref<1x16x50xi32, #tpu.memory_space<vmem>> -> memref<16x50xi32, #tpu.memory_space<vmem>>
    %dma_start3A_229 = arith.constant 0 : i32
    %dma_start3A_230 = tpu.memref_slice %dma_start3A_228[%dma_start3A_216, %dma_start3A_229] : memref<16x50xi32, #tpu.memory_space<vmem>> -> memref<1x50xi32, #tpu.memory_space<vmem>>
    %dma_start3A_231 = tpu.memref_squeeze %dma_start3A_230 : memref<1x50xi32, #tpu.memory_space<vmem>> -> memref<50xi32, #tpu.memory_space<vmem>>
    %dma_start3A_232 = arith.constant 0 : i32
    %dma_start3A_233 = arith.constant 0 : i32
    %dma_start3A_234 = tpu.memref_slice %arg2[%dma_start3A_232, %dma_start3A_233] : memref<1000001x32xf32, #tpu.memory_space<hbm>> -> memref<1000001x32xf32, #tpu.memory_space<hbm>>
    tpu.enqueue_indirect_dma source(%dma_start3A_234 : memref<1000001x32xf32, #tpu.memory_space<hbm>>) target(%dma_start3A_224 : memref<50x32xf32, #tpu.memory_space<vmem>>) offsets(%dma_start3A_231 : memref<50xi32, #tpu.memory_space<vmem>>) semaphore(%arg8 : memref<!tpu.dma_semaphore, #tpu.memory_space<semaphore_mem>>)
    %dma_start3A_235 = arith.constant 0 : i32
    %dma_start3A_236 = arith.constant 10 : i32
    %dma_start3A_237 = arith.constant 0 : i32
    %dma_start3A_238 = arith.constant 0 : i32
    %dma_start3A_239 = arith.constant 0 : i32
    %dma_start3A_240 = tpu.memref_slice %arg6[%dma_start3A_237, %dma_start3A_238, %dma_start3A_239] : memref<2x800x32xf32, #tpu.memory_space<vmem>> -> memref<1x800x32xf32, #tpu.memory_space<vmem>>
    %dma_start3A_241 = tpu.memref_squeeze %dma_start3A_240 : memref<1x800x32xf32, #tpu.memory_space<vmem>> -> memref<800x32xf32, #tpu.memory_space<vmem>>
    %dma_start3A_242 = arith.constant 500 : i32
    %dma_start3A_243 = arith.constant 0 : i32
    %dma_start3A_244 = tpu.memref_slice %dma_start3A_241[%dma_start3A_242, %dma_start3A_243] : memref<800x32xf32, #tpu.memory_space<vmem>> -> memref<50x32xf32, #tpu.memory_space<vmem>>
    %dma_start3A_245 = arith.constant 0 : i32
    %dma_start3A_246 = arith.constant 0 : i32
    %dma_start3A_247 = tpu.memref_slice %arg5[%dma_start3A_235, %dma_start3A_245, %dma_start3A_246] : memref<2x16x50xi32, #tpu.memory_space<vmem>> -> memref<1x16x50xi32, #tpu.memory_space<vmem>>
    %dma_start3A_248 = tpu.memref_squeeze %dma_start3A_247 : memref<1x16x50xi32, #tpu.memory_space<vmem>> -> memref<16x50xi32, #tpu.memory_space<vmem>>
    %dma_start3A_249 = arith.constant 0 : i32
    %dma_start3A_250 = tpu.memref_slice %dma_start3A_248[%dma_start3A_236, %dma_start3A_249] : memref<16x50xi32, #tpu.memory_space<vmem>> -> memref<1x50xi32, #tpu.memory_space<vmem>>
    %dma_start3A_251 = tpu.memref_squeeze %dma_start3A_250 : memref<1x50xi32, #tpu.memory_space<vmem>> -> memref<50xi32, #tpu.memory_space<vmem>>
    %dma_start3A_252 = arith.constant 0 : i32
    %dma_start3A_253 = arith.constant 0 : i32
    %dma_start3A_254 = tpu.memref_slice %arg2[%dma_start3A_252, %dma_start3A_253] : memref<1000001x32xf32, #tpu.memory_space<hbm>> -> memref<1000001x32xf32, #tpu.memory_space<hbm>>
    tpu.enqueue_indirect_dma source(%dma_start3A_254 : memref<1000001x32xf32, #tpu.memory_space<hbm>>) target(%dma_start3A_244 : memref<50x32xf32, #tpu.memory_space<vmem>>) offsets(%dma_start3A_251 : memref<50xi32, #tpu.memory_space<vmem>>) semaphore(%arg8 : memref<!tpu.dma_semaphore, #tpu.memory_space<semaphore_mem>>)
    %dma_start3A_255 = arith.constant 0 : i32
    %dma_start3A_256 = arith.constant 11 : i32
    %dma_start3A_257 = arith.constant 0 : i32
    %dma_start3A_258 = arith.constant 0 : i32
    %dma_start3A_259 = arith.constant 0 : i32
    %dma_start3A_260 = tpu.memref_slice %arg6[%dma_start3A_257, %dma_start3A_258, %dma_start3A_259] : memref<2x800x32xf32, #tpu.memory_space<vmem>> -> memref<1x800x32xf32, #tpu.memory_space<vmem>>
    %dma_start3A_261 = tpu.memref_squeeze %dma_start3A_260 : memref<1x800x32xf32, #tpu.memory_space<vmem>> -> memref<800x32xf32, #tpu.memory_space<vmem>>
    %dma_start3A_262 = arith.constant 550 : i32
    %dma_start3A_263 = arith.constant 0 : i32
    %dma_start3A_264 = tpu.memref_slice %dma_start3A_261[%dma_start3A_262, %dma_start3A_263] : memref<800x32xf32, #tpu.memory_space<vmem>> -> memref<50x32xf32, #tpu.memory_space<vmem>>
    %dma_start3A_265 = arith.constant 0 : i32
    %dma_start3A_266 = arith.constant 0 : i32
    %dma_start3A_267 = tpu.memref_slice %arg5[%dma_start3A_255, %dma_start3A_265, %dma_start3A_266] : memref<2x16x50xi32, #tpu.memory_space<vmem>> -> memref<1x16x50xi32, #tpu.memory_space<vmem>>
    %dma_start3A_268 = tpu.memref_squeeze %dma_start3A_267 : memref<1x16x50xi32, #tpu.memory_space<vmem>> -> memref<16x50xi32, #tpu.memory_space<vmem>>
    %dma_start3A_269 = arith.constant 0 : i32
    %dma_start3A_270 = tpu.memref_slice %dma_start3A_268[%dma_start3A_256, %dma_start3A_269] : memref<16x50xi32, #tpu.memory_space<vmem>> -> memref<1x50xi32, #tpu.memory_space<vmem>>
    %dma_start3A_271 = tpu.memref_squeeze %dma_start3A_270 : memref<1x50xi32, #tpu.memory_space<vmem>> -> memref<50xi32, #tpu.memory_space<vmem>>
    %dma_start3A_272 = arith.constant 0 : i32
    %dma_start3A_273 = arith.constant 0 : i32
    %dma_start3A_274 = tpu.memref_slice %arg2[%dma_start3A_272, %dma_start3A_273] : memref<1000001x32xf32, #tpu.memory_space<hbm>> -> memref<1000001x32xf32, #tpu.memory_space<hbm>>
    tpu.enqueue_indirect_dma source(%dma_start3A_274 : memref<1000001x32xf32, #tpu.memory_space<hbm>>) target(%dma_start3A_264 : memref<50x32xf32, #tpu.memory_space<vmem>>) offsets(%dma_start3A_271 : memref<50xi32, #tpu.memory_space<vmem>>) semaphore(%arg8 : memref<!tpu.dma_semaphore, #tpu.memory_space<semaphore_mem>>)
    %dma_start3A_275 = arith.constant 0 : i32
    %dma_start3A_276 = arith.constant 12 : i32
    %dma_start3A_277 = arith.constant 0 : i32
    %dma_start3A_278 = arith.constant 0 : i32
    %dma_start3A_279 = arith.constant 0 : i32
    %dma_start3A_280 = tpu.memref_slice %arg6[%dma_start3A_277, %dma_start3A_278, %dma_start3A_279] : memref<2x800x32xf32, #tpu.memory_space<vmem>> -> memref<1x800x32xf32, #tpu.memory_space<vmem>>
    %dma_start3A_281 = tpu.memref_squeeze %dma_start3A_280 : memref<1x800x32xf32, #tpu.memory_space<vmem>> -> memref<800x32xf32, #tpu.memory_space<vmem>>
    %dma_start3A_282 = arith.constant 600 : i32
    %dma_start3A_283 = arith.constant 0 : i32
    %dma_start3A_284 = tpu.memref_slice %dma_start3A_281[%dma_start3A_282, %dma_start3A_283] : memref<800x32xf32, #tpu.memory_space<vmem>> -> memref<50x32xf32, #tpu.memory_space<vmem>>
    %dma_start3A_285 = arith.constant 0 : i32
    %dma_start3A_286 = arith.constant 0 : i32
    %dma_start3A_287 = tpu.memref_slice %arg5[%dma_start3A_275, %dma_start3A_285, %dma_start3A_286] : memref<2x16x50xi32, #tpu.memory_space<vmem>> -> memref<1x16x50xi32, #tpu.memory_space<vmem>>
    %dma_start3A_288 = tpu.memref_squeeze %dma_start3A_287 : memref<1x16x50xi32, #tpu.memory_space<vmem>> -> memref<16x50xi32, #tpu.memory_space<vmem>>
    %dma_start3A_289 = arith.constant 0 : i32
    %dma_start3A_290 = tpu.memref_slice %dma_start3A_288[%dma_start3A_276, %dma_start3A_289] : memref<16x50xi32, #tpu.memory_space<vmem>> -> memref<1x50xi32, #tpu.memory_space<vmem>>
    %dma_start3A_291 = tpu.memref_squeeze %dma_start3A_290 : memref<1x50xi32, #tpu.memory_space<vmem>> -> memref<50xi32, #tpu.memory_space<vmem>>
    %dma_start3A_292 = arith.constant 0 : i32
    %dma_start3A_293 = arith.constant 0 : i32
    %dma_start3A_294 = tpu.memref_slice %arg2[%dma_start3A_292, %dma_start3A_293] : memref<1000001x32xf32, #tpu.memory_space<hbm>> -> memref<1000001x32xf32, #tpu.memory_space<hbm>>
    tpu.enqueue_indirect_dma source(%dma_start3A_294 : memref<1000001x32xf32, #tpu.memory_space<hbm>>) target(%dma_start3A_284 : memref<50x32xf32, #tpu.memory_space<vmem>>) offsets(%dma_start3A_291 : memref<50xi32, #tpu.memory_space<vmem>>) semaphore(%arg8 : memref<!tpu.dma_semaphore, #tpu.memory_space<semaphore_mem>>)
    %dma_start3A_295 = arith.constant 0 : i32
    %dma_start3A_296 = arith.constant 13 : i32
    %dma_start3A_297 = arith.constant 0 : i32
    %dma_start3A_298 = arith.constant 0 : i32
    %dma_start3A_299 = arith.constant 0 : i32
    %dma_start3A_300 = tpu.memref_slice %arg6[%dma_start3A_297, %dma_start3A_298, %dma_start3A_299] : memref<2x800x32xf32, #tpu.memory_space<vmem>> -> memref<1x800x32xf32, #tpu.memory_space<vmem>>
    %dma_start3A_301 = tpu.memref_squeeze %dma_start3A_300 : memref<1x800x32xf32, #tpu.memory_space<vmem>> -> memref<800x32xf32, #tpu.memory_space<vmem>>
    %dma_start3A_302 = arith.constant 650 : i32
    %dma_start3A_303 = arith.constant 0 : i32
    %dma_start3A_304 = tpu.memref_slice %dma_start3A_301[%dma_start3A_302, %dma_start3A_303] : memref<800x32xf32, #tpu.memory_space<vmem>> -> memref<50x32xf32, #tpu.memory_space<vmem>>
    %dma_start3A_305 = arith.constant 0 : i32
    %dma_start3A_306 = arith.constant 0 : i32
    %dma_start3A_307 = tpu.memref_slice %arg5[%dma_start3A_295, %dma_start3A_305, %dma_start3A_306] : memref<2x16x50xi32, #tpu.memory_space<vmem>> -> memref<1x16x50xi32, #tpu.memory_space<vmem>>
    %dma_start3A_308 = tpu.memref_squeeze %dma_start3A_307 : memref<1x16x50xi32, #tpu.memory_space<vmem>> -> memref<16x50xi32, #tpu.memory_space<vmem>>
    %dma_start3A_309 = arith.constant 0 : i32
    %dma_start3A_310 = tpu.memref_slice %dma_start3A_308[%dma_start3A_296, %dma_start3A_309] : memref<16x50xi32, #tpu.memory_space<vmem>> -> memref<1x50xi32, #tpu.memory_space<vmem>>
    %dma_start3A_311 = tpu.memref_squeeze %dma_start3A_310 : memref<1x50xi32, #tpu.memory_space<vmem>> -> memref<50xi32, #tpu.memory_space<vmem>>
    %dma_start3A_312 = arith.constant 0 : i32
    %dma_start3A_313 = arith.constant 0 : i32
    %dma_start3A_314 = tpu.memref_slice %arg2[%dma_start3A_312, %dma_start3A_313] : memref<1000001x32xf32, #tpu.memory_space<hbm>> -> memref<1000001x32xf32, #tpu.memory_space<hbm>>
    tpu.enqueue_indirect_dma source(%dma_start3A_314 : memref<1000001x32xf32, #tpu.memory_space<hbm>>) target(%dma_start3A_304 : memref<50x32xf32, #tpu.memory_space<vmem>>) offsets(%dma_start3A_311 : memref<50xi32, #tpu.memory_space<vmem>>) semaphore(%arg8 : memref<!tpu.dma_semaphore, #tpu.memory_space<semaphore_mem>>)
    %dma_start3A_315 = arith.constant 0 : i32
    %dma_start3A_316 = arith.constant 14 : i32
    %dma_start3A_317 = arith.constant 0 : i32
    %dma_start3A_318 = arith.constant 0 : i32
    %dma_start3A_319 = arith.constant 0 : i32
    %dma_start3A_320 = tpu.memref_slice %arg6[%dma_start3A_317, %dma_start3A_318, %dma_start3A_319] : memref<2x800x32xf32, #tpu.memory_space<vmem>> -> memref<1x800x32xf32, #tpu.memory_space<vmem>>
    %dma_start3A_321 = tpu.memref_squeeze %dma_start3A_320 : memref<1x800x32xf32, #tpu.memory_space<vmem>> -> memref<800x32xf32, #tpu.memory_space<vmem>>
    %dma_start3A_322 = arith.constant 700 : i32
    %dma_start3A_323 = arith.constant 0 : i32
    %dma_start3A_324 = tpu.memref_slice %dma_start3A_321[%dma_start3A_322, %dma_start3A_323] : memref<800x32xf32, #tpu.memory_space<vmem>> -> memref<50x32xf32, #tpu.memory_space<vmem>>
    %dma_start3A_325 = arith.constant 0 : i32
    %dma_start3A_326 = arith.constant 0 : i32
    %dma_start3A_327 = tpu.memref_slice %arg5[%dma_start3A_315, %dma_start3A_325, %dma_start3A_326] : memref<2x16x50xi32, #tpu.memory_space<vmem>> -> memref<1x16x50xi32, #tpu.memory_space<vmem>>
    %dma_start3A_328 = tpu.memref_squeeze %dma_start3A_327 : memref<1x16x50xi32, #tpu.memory_space<vmem>> -> memref<16x50xi32, #tpu.memory_space<vmem>>
    %dma_start3A_329 = arith.constant 0 : i32
    %dma_start3A_330 = tpu.memref_slice %dma_start3A_328[%dma_start3A_316, %dma_start3A_329] : memref<16x50xi32, #tpu.memory_space<vmem>> -> memref<1x50xi32, #tpu.memory_space<vmem>>
    %dma_start3A_331 = tpu.memref_squeeze %dma_start3A_330 : memref<1x50xi32, #tpu.memory_space<vmem>> -> memref<50xi32, #tpu.memory_space<vmem>>
    %dma_start3A_332 = arith.constant 0 : i32
    %dma_start3A_333 = arith.constant 0 : i32
    %dma_start3A_334 = tpu.memref_slice %arg2[%dma_start3A_332, %dma_start3A_333] : memref<1000001x32xf32, #tpu.memory_space<hbm>> -> memref<1000001x32xf32, #tpu.memory_space<hbm>>
    tpu.enqueue_indirect_dma source(%dma_start3A_334 : memref<1000001x32xf32, #tpu.memory_space<hbm>>) target(%dma_start3A_324 : memref<50x32xf32, #tpu.memory_space<vmem>>) offsets(%dma_start3A_331 : memref<50xi32, #tpu.memory_space<vmem>>) semaphore(%arg8 : memref<!tpu.dma_semaphore, #tpu.memory_space<semaphore_mem>>)
    %dma_start3A_335 = arith.constant 0 : i32
    %dma_start3A_336 = arith.constant 15 : i32
    %dma_start3A_337 = arith.constant 0 : i32
    %dma_start3A_338 = arith.constant 0 : i32
    %dma_start3A_339 = arith.constant 0 : i32
    %dma_start3A_340 = tpu.memref_slice %arg6[%dma_start3A_337, %dma_start3A_338, %dma_start3A_339] : memref<2x800x32xf32, #tpu.memory_space<vmem>> -> memref<1x800x32xf32, #tpu.memory_space<vmem>>
    %dma_start3A_341 = tpu.memref_squeeze %dma_start3A_340 : memref<1x800x32xf32, #tpu.memory_space<vmem>> -> memref<800x32xf32, #tpu.memory_space<vmem>>
    %dma_start3A_342 = arith.constant 750 : i32
    %dma_start3A_343 = arith.constant 0 : i32
    %dma_start3A_344 = tpu.memref_slice %dma_start3A_341[%dma_start3A_342, %dma_start3A_343] : memref<800x32xf32, #tpu.memory_space<vmem>> -> memref<50x32xf32, #tpu.memory_space<vmem>>
    %dma_start3A_345 = arith.constant 0 : i32
    %dma_start3A_346 = arith.constant 0 : i32
    %dma_start3A_347 = tpu.memref_slice %arg5[%dma_start3A_335, %dma_start3A_345, %dma_start3A_346] : memref<2x16x50xi32, #tpu.memory_space<vmem>> -> memref<1x16x50xi32, #tpu.memory_space<vmem>>
    %dma_start3A_348 = tpu.memref_squeeze %dma_start3A_347 : memref<1x16x50xi32, #tpu.memory_space<vmem>> -> memref<16x50xi32, #tpu.memory_space<vmem>>
    %dma_start3A_349 = arith.constant 0 : i32
    %dma_start3A_350 = tpu.memref_slice %dma_start3A_348[%dma_start3A_336, %dma_start3A_349] : memref<16x50xi32, #tpu.memory_space<vmem>> -> memref<1x50xi32, #tpu.memory_space<vmem>>
    %dma_start3A_351 = tpu.memref_squeeze %dma_start3A_350 : memref<1x50xi32, #tpu.memory_space<vmem>> -> memref<50xi32, #tpu.memory_space<vmem>>
    %dma_start3A_352 = arith.constant 0 : i32
    %dma_start3A_353 = arith.constant 0 : i32
    %dma_start3A_354 = tpu.memref_slice %arg2[%dma_start3A_352, %dma_start3A_353] : memref<1000001x32xf32, #tpu.memory_space<hbm>> -> memref<1000001x32xf32, #tpu.memory_space<hbm>>
    tpu.enqueue_indirect_dma source(%dma_start3A_354 : memref<1000001x32xf32, #tpu.memory_space<hbm>>) target(%dma_start3A_344 : memref<50x32xf32, #tpu.memory_space<vmem>>) offsets(%dma_start3A_351 : memref<50xi32, #tpu.memory_space<vmem>>) semaphore(%arg8 : memref<!tpu.dma_semaphore, #tpu.memory_space<semaphore_mem>>)
    %scan3A = arith.constant 0 : i32
    %scan3A_355 = arith.constant 0 : i32
    %scan3A_356 = arith.constant 16 : i32
    %scan3A_357 = arith.addi %scan3A_355, %scan3A_356 : i32
    %scan3A_358 = arith.constant 1 : i32
    scf.for %scan3A_366 = %scan3A_355 to %scan3A_357 step %scan3A_358  : i32 {
      %mul3A_367 = arith.constant 2 : i32
      %mul3A_368 = arith.muli %mul3A_367, %scan3A_366 : i32
      %add3A_369 = arith.constant 1 : i32
      %add3A_370 = arith.addi %mul3A_368, %add3A_369 : i32
      %mul3A_371 = arith.constant 16 : i32
      %mul3A_372 = arith.muli %add3A_370, %mul3A_371 : i32
      %add3A_373 = arith.addi %mul3A_2, %mul3A_372 : i32
      %multiple_of3A_374 = tpu.assume_multiple %add3A_373, 8 : i32
      %run_scoped3A_375 = arith.constant 1 : i32
      "tpu.region"() ({
        %run_scoped3A_1379 = tpu.sem_alloc : memref<!tpu.dma_semaphore, #tpu.memory_space<semaphore_mem>>
        %dma_start3A_1380 = arith.constant 0 : i32
        %dma_start3A_1381 = arith.constant 0 : i32
        %dma_start3A_1382 = tpu.memref_slice %arg5[%run_scoped3A_375, %dma_start3A_1380, %dma_start3A_1381] : memref<2x16x50xi32, #tpu.memory_space<vmem>> -> memref<1x16x50xi32, #tpu.memory_space<vmem>>
        %dma_start3A_1383 = tpu.memref_squeeze %dma_start3A_1382 : memref<1x16x50xi32, #tpu.memory_space<vmem>> -> memref<16x50xi32, #tpu.memory_space<vmem>>
        %dma_start3A_1384 = arith.constant 0 : i32
        %dma_start3A_1385 = tpu.memref_slice %arg3[%multiple_of3A_374, %dma_start3A_1384] : memref<16384x50xi32, #tpu.memory_space<hbm>> -> memref<16x50xi32, #tpu.memory_space<hbm>>
        %dma_start3A_1386 = arith.constant 0 : i32
        %dma_start3A_1387 = arith.constant 0 : i32
        %dma_start3A_1388 = tpu.memref_slice %arg5[%run_scoped3A_375, %dma_start3A_1386, %dma_start3A_1387] : memref<2x16x50xi32, #tpu.memory_space<vmem>> -> memref<1x16x50xi32, #tpu.memory_space<vmem>>
        %dma_start3A_1389 = tpu.memref_squeeze %dma_start3A_1388 : memref<1x16x50xi32, #tpu.memory_space<vmem>> -> memref<16x50xi32, #tpu.memory_space<vmem>>
        %dma_start3A_1390 = arith.constant 0 : i32
        %dma_start3A_1391 = tpu.memref_slice %arg3[%multiple_of3A_374, %dma_start3A_1390] : memref<16384x50xi32, #tpu.memory_space<hbm>> -> memref<16x50xi32, #tpu.memory_space<hbm>>
        tpu.enqueue_dma source(%dma_start3A_1391 : memref<16x50xi32, #tpu.memory_space<hbm>>) target(%dma_start3A_1389 : memref<16x50xi32, #tpu.memory_space<vmem>>) target_semaphore(%run_scoped3A_1379 : memref<!tpu.dma_semaphore, #tpu.memory_space<semaphore_mem>>)
        %dma_wait3A_1392 = arith.constant 0 : i32
        %dma_wait3A_1393 = arith.constant 0 : i32
        %dma_wait3A_1394 = tpu.memref_slice %arg5[%run_scoped3A_375, %dma_wait3A_1392, %dma_wait3A_1393] : memref<2x16x50xi32, #tpu.memory_space<vmem>> -> memref<1x16x50xi32, #tpu.memory_space<vmem>>
        %dma_wait3A_1395 = tpu.memref_squeeze %dma_wait3A_1394 : memref<1x16x50xi32, #tpu.memory_space<vmem>> -> memref<16x50xi32, #tpu.memory_space<vmem>>
        %dma_wait3A_1396 = arith.constant 0 : i32
        %dma_wait3A_1397 = tpu.memref_slice %arg3[%multiple_of3A_374, %dma_wait3A_1396] : memref<16384x50xi32, #tpu.memory_space<hbm>> -> memref<16x50xi32, #tpu.memory_space<hbm>>
        %dma_wait3A_1398 = arith.constant 0 : i32
        %dma_wait3A_1399 = arith.constant 0 : i32
        %dma_wait3A_1400 = tpu.memref_slice %arg5[%run_scoped3A_375, %dma_wait3A_1398, %dma_wait3A_1399] : memref<2x16x50xi32, #tpu.memory_space<vmem>> -> memref<1x16x50xi32, #tpu.memory_space<vmem>>
        %dma_wait3A_1401 = tpu.memref_squeeze %dma_wait3A_1400 : memref<1x16x50xi32, #tpu.memory_space<vmem>> -> memref<16x50xi32, #tpu.memory_space<vmem>>
        %dma_wait3A_1402 = arith.constant 0 : i32
        %dma_wait3A_1403 = tpu.memref_slice %arg3[%multiple_of3A_374, %dma_wait3A_1402] : memref<16384x50xi32, #tpu.memory_space<hbm>> -> memref<16x50xi32, #tpu.memory_space<hbm>>
        tpu.wait_dma2 semaphore(%run_scoped3A_1379 : memref<!tpu.dma_semaphore, #tpu.memory_space<semaphore_mem>>) src(%dma_wait3A_1403 : memref<16x50xi32, #tpu.memory_space<hbm>>) dst(%dma_wait3A_1401 : memref<16x50xi32, #tpu.memory_space<vmem>>)
        tpu.yield
      }) : () -> ()
      %dma_start3A_376 = arith.constant 1 : i32
      %dma_start3A_377 = arith.constant 0 : i32
      %dma_start3A_378 = arith.constant 1 : i32
      %dma_start3A_379 = arith.constant 0 : i32
      %dma_start3A_380 = arith.constant 0 : i32
      %dma_start3A_381 = tpu.memref_slice %arg6[%dma_start3A_378, %dma_start3A_379, %dma_start3A_380] : memref<2x800x32xf32, #tpu.memory_space<vmem>> -> memref<1x800x32xf32, #tpu.memory_space<vmem>>
      %dma_start3A_382 = tpu.memref_squeeze %dma_start3A_381 : memref<1x800x32xf32, #tpu.memory_space<vmem>> -> memref<800x32xf32, #tpu.memory_space<vmem>>
      %dma_start3A_383 = arith.constant 0 : i32
      %dma_start3A_384 = arith.constant 0 : i32
      %dma_start3A_385 = tpu.memref_slice %dma_start3A_382[%dma_start3A_383, %dma_start3A_384] : memref<800x32xf32, #tpu.memory_space<vmem>> -> memref<50x32xf32, #tpu.memory_space<vmem>>
      %dma_start3A_386 = arith.constant 0 : i32
      %dma_start3A_387 = arith.constant 0 : i32
      %dma_start3A_388 = tpu.memref_slice %arg5[%dma_start3A_376, %dma_start3A_386, %dma_start3A_387] : memref<2x16x50xi32, #tpu.memory_space<vmem>> -> memref<1x16x50xi32, #tpu.memory_space<vmem>>
      %dma_start3A_389 = tpu.memref_squeeze %dma_start3A_388 : memref<1x16x50xi32, #tpu.memory_space<vmem>> -> memref<16x50xi32, #tpu.memory_space<vmem>>
      %dma_start3A_390 = arith.constant 0 : i32
      %dma_start3A_391 = tpu.memref_slice %dma_start3A_389[%dma_start3A_377, %dma_start3A_390] : memref<16x50xi32, #tpu.memory_space<vmem>> -> memref<1x50xi32, #tpu.memory_space<vmem>>
      %dma_start3A_392 = tpu.memref_squeeze %dma_start3A_391 : memref<1x50xi32, #tpu.memory_space<vmem>> -> memref<50xi32, #tpu.memory_space<vmem>>
      %dma_start3A_393 = arith.constant 0 : i32
      %dma_start3A_394 = arith.constant 0 : i32
      %dma_start3A_395 = tpu.memref_slice %arg2[%dma_start3A_393, %dma_start3A_394] : memref<1000001x32xf32, #tpu.memory_space<hbm>> -> memref<1000001x32xf32, #tpu.memory_space<hbm>>
      tpu.enqueue_indirect_dma source(%dma_start3A_395 : memref<1000001x32xf32, #tpu.memory_space<hbm>>) target(%dma_start3A_385 : memref<50x32xf32, #tpu.memory_space<vmem>>) offsets(%dma_start3A_392 : memref<50xi32, #tpu.memory_space<vmem>>) semaphore(%arg8 : memref<!tpu.dma_semaphore, #tpu.memory_space<semaphore_mem>>)
      %dma_start3A_396 = arith.constant 1 : i32
      %dma_start3A_397 = arith.constant 1 : i32
      %dma_start3A_398 = arith.constant 1 : i32
      %dma_start3A_399 = arith.constant 0 : i32
      %dma_start3A_400 = arith.constant 0 : i32
      %dma_start3A_401 = tpu.memref_slice %arg6[%dma_start3A_398, %dma_start3A_399, %dma_start3A_400] : memref<2x800x32xf32, #tpu.memory_space<vmem>> -> memref<1x800x32xf32, #tpu.memory_space<vmem>>
      %dma_start3A_402 = tpu.memref_squeeze %dma_start3A_401 : memref<1x800x32xf32, #tpu.memory_space<vmem>> -> memref<800x32xf32, #tpu.memory_space<vmem>>
      %dma_start3A_403 = arith.constant 50 : i32
      %dma_start3A_404 = arith.constant 0 : i32
      %dma_start3A_405 = tpu.memref_slice %dma_start3A_402[%dma_start3A_403, %dma_start3A_404] : memref<800x32xf32, #tpu.memory_space<vmem>> -> memref<50x32xf32, #tpu.memory_space<vmem>>
      %dma_start3A_406 = arith.constant 0 : i32
      %dma_start3A_407 = arith.constant 0 : i32
      %dma_start3A_408 = tpu.memref_slice %arg5[%dma_start3A_396, %dma_start3A_406, %dma_start3A_407] : memref<2x16x50xi32, #tpu.memory_space<vmem>> -> memref<1x16x50xi32, #tpu.memory_space<vmem>>
      %dma_start3A_409 = tpu.memref_squeeze %dma_start3A_408 : memref<1x16x50xi32, #tpu.memory_space<vmem>> -> memref<16x50xi32, #tpu.memory_space<vmem>>
      %dma_start3A_410 = arith.constant 0 : i32
      %dma_start3A_411 = tpu.memref_slice %dma_start3A_409[%dma_start3A_397, %dma_start3A_410] : memref<16x50xi32, #tpu.memory_space<vmem>> -> memref<1x50xi32, #tpu.memory_space<vmem>>
      %dma_start3A_412 = tpu.memref_squeeze %dma_start3A_411 : memref<1x50xi32, #tpu.memory_space<vmem>> -> memref<50xi32, #tpu.memory_space<vmem>>
      %dma_start3A_413 = arith.constant 0 : i32
      %dma_start3A_414 = arith.constant 0 : i32
      %dma_start3A_415 = tpu.memref_slice %arg2[%dma_start3A_413, %dma_start3A_414] : memref<1000001x32xf32, #tpu.memory_space<hbm>> -> memref<1000001x32xf32, #tpu.memory_space<hbm>>
      tpu.enqueue_indirect_dma source(%dma_start3A_415 : memref<1000001x32xf32, #tpu.memory_space<hbm>>) target(%dma_start3A_405 : memref<50x32xf32, #tpu.memory_space<vmem>>) offsets(%dma_start3A_412 : memref<50xi32, #tpu.memory_space<vmem>>) semaphore(%arg8 : memref<!tpu.dma_semaphore, #tpu.memory_space<semaphore_mem>>)
      %dma_start3A_416 = arith.constant 1 : i32
      %dma_start3A_417 = arith.constant 2 : i32
      %dma_start3A_418 = arith.constant 1 : i32
      %dma_start3A_419 = arith.constant 0 : i32
      %dma_start3A_420 = arith.constant 0 : i32
      %dma_start3A_421 = tpu.memref_slice %arg6[%dma_start3A_418, %dma_start3A_419, %dma_start3A_420] : memref<2x800x32xf32, #tpu.memory_space<vmem>> -> memref<1x800x32xf32, #tpu.memory_space<vmem>>
      %dma_start3A_422 = tpu.memref_squeeze %dma_start3A_421 : memref<1x800x32xf32, #tpu.memory_space<vmem>> -> memref<800x32xf32, #tpu.memory_space<vmem>>
      %dma_start3A_423 = arith.constant 100 : i32
      %dma_start3A_424 = arith.constant 0 : i32
      %dma_start3A_425 = tpu.memref_slice %dma_start3A_422[%dma_start3A_423, %dma_start3A_424] : memref<800x32xf32, #tpu.memory_space<vmem>> -> memref<50x32xf32, #tpu.memory_space<vmem>>
      %dma_start3A_426 = arith.constant 0 : i32
      %dma_start3A_427 = arith.constant 0 : i32
      %dma_start3A_428 = tpu.memref_slice %arg5[%dma_start3A_416, %dma_start3A_426, %dma_start3A_427] : memref<2x16x50xi32, #tpu.memory_space<vmem>> -> memref<1x16x50xi32, #tpu.memory_space<vmem>>
      %dma_start3A_429 = tpu.memref_squeeze %dma_start3A_428 : memref<1x16x50xi32, #tpu.memory_space<vmem>> -> memref<16x50xi32, #tpu.memory_space<vmem>>
      %dma_start3A_430 = arith.constant 0 : i32
      %dma_start3A_431 = tpu.memref_slice %dma_start3A_429[%dma_start3A_417, %dma_start3A_430] : memref<16x50xi32, #tpu.memory_space<vmem>> -> memref<1x50xi32, #tpu.memory_space<vmem>>
      %dma_start3A_432 = tpu.memref_squeeze %dma_start3A_431 : memref<1x50xi32, #tpu.memory_space<vmem>> -> memref<50xi32, #tpu.memory_space<vmem>>
      %dma_start3A_433 = arith.constant 0 : i32
      %dma_start3A_434 = arith.constant 0 : i32
      %dma_start3A_435 = tpu.memref_slice %arg2[%dma_start3A_433, %dma_start3A_434] : memref<1000001x32xf32, #tpu.memory_space<hbm>> -> memref<1000001x32xf32, #tpu.memory_space<hbm>>
      tpu.enqueue_indirect_dma source(%dma_start3A_435 : memref<1000001x32xf32, #tpu.memory_space<hbm>>) target(%dma_start3A_425 : memref<50x32xf32, #tpu.memory_space<vmem>>) offsets(%dma_start3A_432 : memref<50xi32, #tpu.memory_space<vmem>>) semaphore(%arg8 : memref<!tpu.dma_semaphore, #tpu.memory_space<semaphore_mem>>)
      %dma_start3A_436 = arith.constant 1 : i32
      %dma_start3A_437 = arith.constant 3 : i32
      %dma_start3A_438 = arith.constant 1 : i32
      %dma_start3A_439 = arith.constant 0 : i32
      %dma_start3A_440 = arith.constant 0 : i32
      %dma_start3A_441 = tpu.memref_slice %arg6[%dma_start3A_438, %dma_start3A_439, %dma_start3A_440] : memref<2x800x32xf32, #tpu.memory_space<vmem>> -> memref<1x800x32xf32, #tpu.memory_space<vmem>>
      %dma_start3A_442 = tpu.memref_squeeze %dma_start3A_441 : memref<1x800x32xf32, #tpu.memory_space<vmem>> -> memref<800x32xf32, #tpu.memory_space<vmem>>
      %dma_start3A_443 = arith.constant 150 : i32
      %dma_start3A_444 = arith.constant 0 : i32
      %dma_start3A_445 = tpu.memref_slice %dma_start3A_442[%dma_start3A_443, %dma_start3A_444] : memref<800x32xf32, #tpu.memory_space<vmem>> -> memref<50x32xf32, #tpu.memory_space<vmem>>
      %dma_start3A_446 = arith.constant 0 : i32
      %dma_start3A_447 = arith.constant 0 : i32
      %dma_start3A_448 = tpu.memref_slice %arg5[%dma_start3A_436, %dma_start3A_446, %dma_start3A_447] : memref<2x16x50xi32, #tpu.memory_space<vmem>> -> memref<1x16x50xi32, #tpu.memory_space<vmem>>
      %dma_start3A_449 = tpu.memref_squeeze %dma_start3A_448 : memref<1x16x50xi32, #tpu.memory_space<vmem>> -> memref<16x50xi32, #tpu.memory_space<vmem>>
      %dma_start3A_450 = arith.constant 0 : i32
      %dma_start3A_451 = tpu.memref_slice %dma_start3A_449[%dma_start3A_437, %dma_start3A_450] : memref<16x50xi32, #tpu.memory_space<vmem>> -> memref<1x50xi32, #tpu.memory_space<vmem>>
      %dma_start3A_452 = tpu.memref_squeeze %dma_start3A_451 : memref<1x50xi32, #tpu.memory_space<vmem>> -> memref<50xi32, #tpu.memory_space<vmem>>
      %dma_start3A_453 = arith.constant 0 : i32
      %dma_start3A_454 = arith.constant 0 : i32
      %dma_start3A_455 = tpu.memref_slice %arg2[%dma_start3A_453, %dma_start3A_454] : memref<1000001x32xf32, #tpu.memory_space<hbm>> -> memref<1000001x32xf32, #tpu.memory_space<hbm>>
      tpu.enqueue_indirect_dma source(%dma_start3A_455 : memref<1000001x32xf32, #tpu.memory_space<hbm>>) target(%dma_start3A_445 : memref<50x32xf32, #tpu.memory_space<vmem>>) offsets(%dma_start3A_452 : memref<50xi32, #tpu.memory_space<vmem>>) semaphore(%arg8 : memref<!tpu.dma_semaphore, #tpu.memory_space<semaphore_mem>>)
      %dma_start3A_456 = arith.constant 1 : i32
      %dma_start3A_457 = arith.constant 4 : i32
      %dma_start3A_458 = arith.constant 1 : i32
      %dma_start3A_459 = arith.constant 0 : i32
      %dma_start3A_460 = arith.constant 0 : i32
      %dma_start3A_461 = tpu.memref_slice %arg6[%dma_start3A_458, %dma_start3A_459, %dma_start3A_460] : memref<2x800x32xf32, #tpu.memory_space<vmem>> -> memref<1x800x32xf32, #tpu.memory_space<vmem>>
      %dma_start3A_462 = tpu.memref_squeeze %dma_start3A_461 : memref<1x800x32xf32, #tpu.memory_space<vmem>> -> memref<800x32xf32, #tpu.memory_space<vmem>>
      %dma_start3A_463 = arith.constant 200 : i32
      %dma_start3A_464 = arith.constant 0 : i32
      %dma_start3A_465 = tpu.memref_slice %dma_start3A_462[%dma_start3A_463, %dma_start3A_464] : memref<800x32xf32, #tpu.memory_space<vmem>> -> memref<50x32xf32, #tpu.memory_space<vmem>>
      %dma_start3A_466 = arith.constant 0 : i32
      %dma_start3A_467 = arith.constant 0 : i32
      %dma_start3A_468 = tpu.memref_slice %arg5[%dma_start3A_456, %dma_start3A_466, %dma_start3A_467] : memref<2x16x50xi32, #tpu.memory_space<vmem>> -> memref<1x16x50xi32, #tpu.memory_space<vmem>>
      %dma_start3A_469 = tpu.memref_squeeze %dma_start3A_468 : memref<1x16x50xi32, #tpu.memory_space<vmem>> -> memref<16x50xi32, #tpu.memory_space<vmem>>
      %dma_start3A_470 = arith.constant 0 : i32
      %dma_start3A_471 = tpu.memref_slice %dma_start3A_469[%dma_start3A_457, %dma_start3A_470] : memref<16x50xi32, #tpu.memory_space<vmem>> -> memref<1x50xi32, #tpu.memory_space<vmem>>
      %dma_start3A_472 = tpu.memref_squeeze %dma_start3A_471 : memref<1x50xi32, #tpu.memory_space<vmem>> -> memref<50xi32, #tpu.memory_space<vmem>>
      %dma_start3A_473 = arith.constant 0 : i32
      %dma_start3A_474 = arith.constant 0 : i32
      %dma_start3A_475 = tpu.memref_slice %arg2[%dma_start3A_473, %dma_start3A_474] : memref<1000001x32xf32, #tpu.memory_space<hbm>> -> memref<1000001x32xf32, #tpu.memory_space<hbm>>
      tpu.enqueue_indirect_dma source(%dma_start3A_475 : memref<1000001x32xf32, #tpu.memory_space<hbm>>) target(%dma_start3A_465 : memref<50x32xf32, #tpu.memory_space<vmem>>) offsets(%dma_start3A_472 : memref<50xi32, #tpu.memory_space<vmem>>) semaphore(%arg8 : memref<!tpu.dma_semaphore, #tpu.memory_space<semaphore_mem>>)
      %dma_start3A_476 = arith.constant 1 : i32
      %dma_start3A_477 = arith.constant 5 : i32
      %dma_start3A_478 = arith.constant 1 : i32
      %dma_start3A_479 = arith.constant 0 : i32
      %dma_start3A_480 = arith.constant 0 : i32
      %dma_start3A_481 = tpu.memref_slice %arg6[%dma_start3A_478, %dma_start3A_479, %dma_start3A_480] : memref<2x800x32xf32, #tpu.memory_space<vmem>> -> memref<1x800x32xf32, #tpu.memory_space<vmem>>
      %dma_start3A_482 = tpu.memref_squeeze %dma_start3A_481 : memref<1x800x32xf32, #tpu.memory_space<vmem>> -> memref<800x32xf32, #tpu.memory_space<vmem>>
      %dma_start3A_483 = arith.constant 250 : i32
      %dma_start3A_484 = arith.constant 0 : i32
      %dma_start3A_485 = tpu.memref_slice %dma_start3A_482[%dma_start3A_483, %dma_start3A_484] : memref<800x32xf32, #tpu.memory_space<vmem>> -> memref<50x32xf32, #tpu.memory_space<vmem>>
      %dma_start3A_486 = arith.constant 0 : i32
      %dma_start3A_487 = arith.constant 0 : i32
      %dma_start3A_488 = tpu.memref_slice %arg5[%dma_start3A_476, %dma_start3A_486, %dma_start3A_487] : memref<2x16x50xi32, #tpu.memory_space<vmem>> -> memref<1x16x50xi32, #tpu.memory_space<vmem>>
      %dma_start3A_489 = tpu.memref_squeeze %dma_start3A_488 : memref<1x16x50xi32, #tpu.memory_space<vmem>> -> memref<16x50xi32, #tpu.memory_space<vmem>>
      %dma_start3A_490 = arith.constant 0 : i32
      %dma_start3A_491 = tpu.memref_slice %dma_start3A_489[%dma_start3A_477, %dma_start3A_490] : memref<16x50xi32, #tpu.memory_space<vmem>> -> memref<1x50xi32, #tpu.memory_space<vmem>>
      %dma_start3A_492 = tpu.memref_squeeze %dma_start3A_491 : memref<1x50xi32, #tpu.memory_space<vmem>> -> memref<50xi32, #tpu.memory_space<vmem>>
      %dma_start3A_493 = arith.constant 0 : i32
      %dma_start3A_494 = arith.constant 0 : i32
      %dma_start3A_495 = tpu.memref_slice %arg2[%dma_start3A_493, %dma_start3A_494] : memref<1000001x32xf32, #tpu.memory_space<hbm>> -> memref<1000001x32xf32, #tpu.memory_space<hbm>>
      tpu.enqueue_indirect_dma source(%dma_start3A_495 : memref<1000001x32xf32, #tpu.memory_space<hbm>>) target(%dma_start3A_485 : memref<50x32xf32, #tpu.memory_space<vmem>>) offsets(%dma_start3A_492 : memref<50xi32, #tpu.memory_space<vmem>>) semaphore(%arg8 : memref<!tpu.dma_semaphore, #tpu.memory_space<semaphore_mem>>)
      %dma_start3A_496 = arith.constant 1 : i32
      %dma_start3A_497 = arith.constant 6 : i32
      %dma_start3A_498 = arith.constant 1 : i32
      %dma_start3A_499 = arith.constant 0 : i32
      %dma_start3A_500 = arith.constant 0 : i32
      %dma_start3A_501 = tpu.memref_slice %arg6[%dma_start3A_498, %dma_start3A_499, %dma_start3A_500] : memref<2x800x32xf32, #tpu.memory_space<vmem>> -> memref<1x800x32xf32, #tpu.memory_space<vmem>>
      %dma_start3A_502 = tpu.memref_squeeze %dma_start3A_501 : memref<1x800x32xf32, #tpu.memory_space<vmem>> -> memref<800x32xf32, #tpu.memory_space<vmem>>
      %dma_start3A_503 = arith.constant 300 : i32
      %dma_start3A_504 = arith.constant 0 : i32
      %dma_start3A_505 = tpu.memref_slice %dma_start3A_502[%dma_start3A_503, %dma_start3A_504] : memref<800x32xf32, #tpu.memory_space<vmem>> -> memref<50x32xf32, #tpu.memory_space<vmem>>
      %dma_start3A_506 = arith.constant 0 : i32
      %dma_start3A_507 = arith.constant 0 : i32
      %dma_start3A_508 = tpu.memref_slice %arg5[%dma_start3A_496, %dma_start3A_506, %dma_start3A_507] : memref<2x16x50xi32, #tpu.memory_space<vmem>> -> memref<1x16x50xi32, #tpu.memory_space<vmem>>
      %dma_start3A_509 = tpu.memref_squeeze %dma_start3A_508 : memref<1x16x50xi32, #tpu.memory_space<vmem>> -> memref<16x50xi32, #tpu.memory_space<vmem>>
      %dma_start3A_510 = arith.constant 0 : i32
      %dma_start3A_511 = tpu.memref_slice %dma_start3A_509[%dma_start3A_497, %dma_start3A_510] : memref<16x50xi32, #tpu.memory_space<vmem>> -> memref<1x50xi32, #tpu.memory_space<vmem>>
      %dma_start3A_512 = tpu.memref_squeeze %dma_start3A_511 : memref<1x50xi32, #tpu.memory_space<vmem>> -> memref<50xi32, #tpu.memory_space<vmem>>
      %dma_start3A_513 = arith.constant 0 : i32
      %dma_start3A_514 = arith.constant 0 : i32
      %dma_start3A_515 = tpu.memref_slice %arg2[%dma_start3A_513, %dma_start3A_514] : memref<1000001x32xf32, #tpu.memory_space<hbm>> -> memref<1000001x32xf32, #tpu.memory_space<hbm>>
      tpu.enqueue_indirect_dma source(%dma_start3A_515 : memref<1000001x32xf32, #tpu.memory_space<hbm>>) target(%dma_start3A_505 : memref<50x32xf32, #tpu.memory_space<vmem>>) offsets(%dma_start3A_512 : memref<50xi32, #tpu.memory_space<vmem>>) semaphore(%arg8 : memref<!tpu.dma_semaphore, #tpu.memory_space<semaphore_mem>>)
      %dma_start3A_516 = arith.constant 1 : i32
      %dma_start3A_517 = arith.constant 7 : i32
      %dma_start3A_518 = arith.constant 1 : i32
      %dma_start3A_519 = arith.constant 0 : i32
      %dma_start3A_520 = arith.constant 0 : i32
      %dma_start3A_521 = tpu.memref_slice %arg6[%dma_start3A_518, %dma_start3A_519, %dma_start3A_520] : memref<2x800x32xf32, #tpu.memory_space<vmem>> -> memref<1x800x32xf32, #tpu.memory_space<vmem>>
      %dma_start3A_522 = tpu.memref_squeeze %dma_start3A_521 : memref<1x800x32xf32, #tpu.memory_space<vmem>> -> memref<800x32xf32, #tpu.memory_space<vmem>>
      %dma_start3A_523 = arith.constant 350 : i32
      %dma_start3A_524 = arith.constant 0 : i32
      %dma_start3A_525 = tpu.memref_slice %dma_start3A_522[%dma_start3A_523, %dma_start3A_524] : memref<800x32xf32, #tpu.memory_space<vmem>> -> memref<50x32xf32, #tpu.memory_space<vmem>>
      %dma_start3A_526 = arith.constant 0 : i32
      %dma_start3A_527 = arith.constant 0 : i32
      %dma_start3A_528 = tpu.memref_slice %arg5[%dma_start3A_516, %dma_start3A_526, %dma_start3A_527] : memref<2x16x50xi32, #tpu.memory_space<vmem>> -> memref<1x16x50xi32, #tpu.memory_space<vmem>>
      %dma_start3A_529 = tpu.memref_squeeze %dma_start3A_528 : memref<1x16x50xi32, #tpu.memory_space<vmem>> -> memref<16x50xi32, #tpu.memory_space<vmem>>
      %dma_start3A_530 = arith.constant 0 : i32
      %dma_start3A_531 = tpu.memref_slice %dma_start3A_529[%dma_start3A_517, %dma_start3A_530] : memref<16x50xi32, #tpu.memory_space<vmem>> -> memref<1x50xi32, #tpu.memory_space<vmem>>
      %dma_start3A_532 = tpu.memref_squeeze %dma_start3A_531 : memref<1x50xi32, #tpu.memory_space<vmem>> -> memref<50xi32, #tpu.memory_space<vmem>>
      %dma_start3A_533 = arith.constant 0 : i32
      %dma_start3A_534 = arith.constant 0 : i32
      %dma_start3A_535 = tpu.memref_slice %arg2[%dma_start3A_533, %dma_start3A_534] : memref<1000001x32xf32, #tpu.memory_space<hbm>> -> memref<1000001x32xf32, #tpu.memory_space<hbm>>
      tpu.enqueue_indirect_dma source(%dma_start3A_535 : memref<1000001x32xf32, #tpu.memory_space<hbm>>) target(%dma_start3A_525 : memref<50x32xf32, #tpu.memory_space<vmem>>) offsets(%dma_start3A_532 : memref<50xi32, #tpu.memory_space<vmem>>) semaphore(%arg8 : memref<!tpu.dma_semaphore, #tpu.memory_space<semaphore_mem>>)
      %dma_start3A_536 = arith.constant 1 : i32
      %dma_start3A_537 = arith.constant 8 : i32
      %dma_start3A_538 = arith.constant 1 : i32
      %dma_start3A_539 = arith.constant 0 : i32
      %dma_start3A_540 = arith.constant 0 : i32
      %dma_start3A_541 = tpu.memref_slice %arg6[%dma_start3A_538, %dma_start3A_539, %dma_start3A_540] : memref<2x800x32xf32, #tpu.memory_space<vmem>> -> memref<1x800x32xf32, #tpu.memory_space<vmem>>
      %dma_start3A_542 = tpu.memref_squeeze %dma_start3A_541 : memref<1x800x32xf32, #tpu.memory_space<vmem>> -> memref<800x32xf32, #tpu.memory_space<vmem>>
      %dma_start3A_543 = arith.constant 400 : i32
      %dma_start3A_544 = arith.constant 0 : i32
      %dma_start3A_545 = tpu.memref_slice %dma_start3A_542[%dma_start3A_543, %dma_start3A_544] : memref<800x32xf32, #tpu.memory_space<vmem>> -> memref<50x32xf32, #tpu.memory_space<vmem>>
      %dma_start3A_546 = arith.constant 0 : i32
      %dma_start3A_547 = arith.constant 0 : i32
      %dma_start3A_548 = tpu.memref_slice %arg5[%dma_start3A_536, %dma_start3A_546, %dma_start3A_547] : memref<2x16x50xi32, #tpu.memory_space<vmem>> -> memref<1x16x50xi32, #tpu.memory_space<vmem>>
      %dma_start3A_549 = tpu.memref_squeeze %dma_start3A_548 : memref<1x16x50xi32, #tpu.memory_space<vmem>> -> memref<16x50xi32, #tpu.memory_space<vmem>>
      %dma_start3A_550 = arith.constant 0 : i32
      %dma_start3A_551 = tpu.memref_slice %dma_start3A_549[%dma_start3A_537, %dma_start3A_550] : memref<16x50xi32, #tpu.memory_space<vmem>> -> memref<1x50xi32, #tpu.memory_space<vmem>>
      %dma_start3A_552 = tpu.memref_squeeze %dma_start3A_551 : memref<1x50xi32, #tpu.memory_space<vmem>> -> memref<50xi32, #tpu.memory_space<vmem>>
      %dma_start3A_553 = arith.constant 0 : i32
      %dma_start3A_554 = arith.constant 0 : i32
      %dma_start3A_555 = tpu.memref_slice %arg2[%dma_start3A_553, %dma_start3A_554] : memref<1000001x32xf32, #tpu.memory_space<hbm>> -> memref<1000001x32xf32, #tpu.memory_space<hbm>>
      tpu.enqueue_indirect_dma source(%dma_start3A_555 : memref<1000001x32xf32, #tpu.memory_space<hbm>>) target(%dma_start3A_545 : memref<50x32xf32, #tpu.memory_space<vmem>>) offsets(%dma_start3A_552 : memref<50xi32, #tpu.memory_space<vmem>>) semaphore(%arg8 : memref<!tpu.dma_semaphore, #tpu.memory_space<semaphore_mem>>)
      %dma_start3A_556 = arith.constant 1 : i32
      %dma_start3A_557 = arith.constant 9 : i32
      %dma_start3A_558 = arith.constant 1 : i32
      %dma_start3A_559 = arith.constant 0 : i32
      %dma_start3A_560 = arith.constant 0 : i32
      %dma_start3A_561 = tpu.memref_slice %arg6[%dma_start3A_558, %dma_start3A_559, %dma_start3A_560] : memref<2x800x32xf32, #tpu.memory_space<vmem>> -> memref<1x800x32xf32, #tpu.memory_space<vmem>>
      %dma_start3A_562 = tpu.memref_squeeze %dma_start3A_561 : memref<1x800x32xf32, #tpu.memory_space<vmem>> -> memref<800x32xf32, #tpu.memory_space<vmem>>
      %dma_start3A_563 = arith.constant 450 : i32
      %dma_start3A_564 = arith.constant 0 : i32
      %dma_start3A_565 = tpu.memref_slice %dma_start3A_562[%dma_start3A_563, %dma_start3A_564] : memref<800x32xf32, #tpu.memory_space<vmem>> -> memref<50x32xf32, #tpu.memory_space<vmem>>
      %dma_start3A_566 = arith.constant 0 : i32
      %dma_start3A_567 = arith.constant 0 : i32
      %dma_start3A_568 = tpu.memref_slice %arg5[%dma_start3A_556, %dma_start3A_566, %dma_start3A_567] : memref<2x16x50xi32, #tpu.memory_space<vmem>> -> memref<1x16x50xi32, #tpu.memory_space<vmem>>
      %dma_start3A_569 = tpu.memref_squeeze %dma_start3A_568 : memref<1x16x50xi32, #tpu.memory_space<vmem>> -> memref<16x50xi32, #tpu.memory_space<vmem>>
      %dma_start3A_570 = arith.constant 0 : i32
      %dma_start3A_571 = tpu.memref_slice %dma_start3A_569[%dma_start3A_557, %dma_start3A_570] : memref<16x50xi32, #tpu.memory_space<vmem>> -> memref<1x50xi32, #tpu.memory_space<vmem>>
      %dma_start3A_572 = tpu.memref_squeeze %dma_start3A_571 : memref<1x50xi32, #tpu.memory_space<vmem>> -> memref<50xi32, #tpu.memory_space<vmem>>
      %dma_start3A_573 = arith.constant 0 : i32
      %dma_start3A_574 = arith.constant 0 : i32
      %dma_start3A_575 = tpu.memref_slice %arg2[%dma_start3A_573, %dma_start3A_574] : memref<1000001x32xf32, #tpu.memory_space<hbm>> -> memref<1000001x32xf32, #tpu.memory_space<hbm>>
      tpu.enqueue_indirect_dma source(%dma_start3A_575 : memref<1000001x32xf32, #tpu.memory_space<hbm>>) target(%dma_start3A_565 : memref<50x32xf32, #tpu.memory_space<vmem>>) offsets(%dma_start3A_572 : memref<50xi32, #tpu.memory_space<vmem>>) semaphore(%arg8 : memref<!tpu.dma_semaphore, #tpu.memory_space<semaphore_mem>>)
      %dma_start3A_576 = arith.constant 1 : i32
      %dma_start3A_577 = arith.constant 10 : i32
      %dma_start3A_578 = arith.constant 1 : i32
      %dma_start3A_579 = arith.constant 0 : i32
      %dma_start3A_580 = arith.constant 0 : i32
      %dma_start3A_581 = tpu.memref_slice %arg6[%dma_start3A_578, %dma_start3A_579, %dma_start3A_580] : memref<2x800x32xf32, #tpu.memory_space<vmem>> -> memref<1x800x32xf32, #tpu.memory_space<vmem>>
      %dma_start3A_582 = tpu.memref_squeeze %dma_start3A_581 : memref<1x800x32xf32, #tpu.memory_space<vmem>> -> memref<800x32xf32, #tpu.memory_space<vmem>>
      %dma_start3A_583 = arith.constant 500 : i32
      %dma_start3A_584 = arith.constant 0 : i32
      %dma_start3A_585 = tpu.memref_slice %dma_start3A_582[%dma_start3A_583, %dma_start3A_584] : memref<800x32xf32, #tpu.memory_space<vmem>> -> memref<50x32xf32, #tpu.memory_space<vmem>>
      %dma_start3A_586 = arith.constant 0 : i32
      %dma_start3A_587 = arith.constant 0 : i32
      %dma_start3A_588 = tpu.memref_slice %arg5[%dma_start3A_576, %dma_start3A_586, %dma_start3A_587] : memref<2x16x50xi32, #tpu.memory_space<vmem>> -> memref<1x16x50xi32, #tpu.memory_space<vmem>>
      %dma_start3A_589 = tpu.memref_squeeze %dma_start3A_588 : memref<1x16x50xi32, #tpu.memory_space<vmem>> -> memref<16x50xi32, #tpu.memory_space<vmem>>
      %dma_start3A_590 = arith.constant 0 : i32
      %dma_start3A_591 = tpu.memref_slice %dma_start3A_589[%dma_start3A_577, %dma_start3A_590] : memref<16x50xi32, #tpu.memory_space<vmem>> -> memref<1x50xi32, #tpu.memory_space<vmem>>
      %dma_start3A_592 = tpu.memref_squeeze %dma_start3A_591 : memref<1x50xi32, #tpu.memory_space<vmem>> -> memref<50xi32, #tpu.memory_space<vmem>>
      %dma_start3A_593 = arith.constant 0 : i32
      %dma_start3A_594 = arith.constant 0 : i32
      %dma_start3A_595 = tpu.memref_slice %arg2[%dma_start3A_593, %dma_start3A_594] : memref<1000001x32xf32, #tpu.memory_space<hbm>> -> memref<1000001x32xf32, #tpu.memory_space<hbm>>
      tpu.enqueue_indirect_dma source(%dma_start3A_595 : memref<1000001x32xf32, #tpu.memory_space<hbm>>) target(%dma_start3A_585 : memref<50x32xf32, #tpu.memory_space<vmem>>) offsets(%dma_start3A_592 : memref<50xi32, #tpu.memory_space<vmem>>) semaphore(%arg8 : memref<!tpu.dma_semaphore, #tpu.memory_space<semaphore_mem>>)
      %dma_start3A_596 = arith.constant 1 : i32
      %dma_start3A_597 = arith.constant 11 : i32
      %dma_start3A_598 = arith.constant 1 : i32
      %dma_start3A_599 = arith.constant 0 : i32
      %dma_start3A_600 = arith.constant 0 : i32
      %dma_start3A_601 = tpu.memref_slice %arg6[%dma_start3A_598, %dma_start3A_599, %dma_start3A_600] : memref<2x800x32xf32, #tpu.memory_space<vmem>> -> memref<1x800x32xf32, #tpu.memory_space<vmem>>
      %dma_start3A_602 = tpu.memref_squeeze %dma_start3A_601 : memref<1x800x32xf32, #tpu.memory_space<vmem>> -> memref<800x32xf32, #tpu.memory_space<vmem>>
      %dma_start3A_603 = arith.constant 550 : i32
      %dma_start3A_604 = arith.constant 0 : i32
      %dma_start3A_605 = tpu.memref_slice %dma_start3A_602[%dma_start3A_603, %dma_start3A_604] : memref<800x32xf32, #tpu.memory_space<vmem>> -> memref<50x32xf32, #tpu.memory_space<vmem>>
      %dma_start3A_606 = arith.constant 0 : i32
      %dma_start3A_607 = arith.constant 0 : i32
      %dma_start3A_608 = tpu.memref_slice %arg5[%dma_start3A_596, %dma_start3A_606, %dma_start3A_607] : memref<2x16x50xi32, #tpu.memory_space<vmem>> -> memref<1x16x50xi32, #tpu.memory_space<vmem>>
      %dma_start3A_609 = tpu.memref_squeeze %dma_start3A_608 : memref<1x16x50xi32, #tpu.memory_space<vmem>> -> memref<16x50xi32, #tpu.memory_space<vmem>>
      %dma_start3A_610 = arith.constant 0 : i32
      %dma_start3A_611 = tpu.memref_slice %dma_start3A_609[%dma_start3A_597, %dma_start3A_610] : memref<16x50xi32, #tpu.memory_space<vmem>> -> memref<1x50xi32, #tpu.memory_space<vmem>>
      %dma_start3A_612 = tpu.memref_squeeze %dma_start3A_611 : memref<1x50xi32, #tpu.memory_space<vmem>> -> memref<50xi32, #tpu.memory_space<vmem>>
      %dma_start3A_613 = arith.constant 0 : i32
      %dma_start3A_614 = arith.constant 0 : i32
      %dma_start3A_615 = tpu.memref_slice %arg2[%dma_start3A_613, %dma_start3A_614] : memref<1000001x32xf32, #tpu.memory_space<hbm>> -> memref<1000001x32xf32, #tpu.memory_space<hbm>>
      tpu.enqueue_indirect_dma source(%dma_start3A_615 : memref<1000001x32xf32, #tpu.memory_space<hbm>>) target(%dma_start3A_605 : memref<50x32xf32, #tpu.memory_space<vmem>>) offsets(%dma_start3A_612 : memref<50xi32, #tpu.memory_space<vmem>>) semaphore(%arg8 : memref<!tpu.dma_semaphore, #tpu.memory_space<semaphore_mem>>)
      %dma_start3A_616 = arith.constant 1 : i32
      %dma_start3A_617 = arith.constant 12 : i32
      %dma_start3A_618 = arith.constant 1 : i32
      %dma_start3A_619 = arith.constant 0 : i32
      %dma_start3A_620 = arith.constant 0 : i32
      %dma_start3A_621 = tpu.memref_slice %arg6[%dma_start3A_618, %dma_start3A_619, %dma_start3A_620] : memref<2x800x32xf32, #tpu.memory_space<vmem>> -> memref<1x800x32xf32, #tpu.memory_space<vmem>>
      %dma_start3A_622 = tpu.memref_squeeze %dma_start3A_621 : memref<1x800x32xf32, #tpu.memory_space<vmem>> -> memref<800x32xf32, #tpu.memory_space<vmem>>
      %dma_start3A_623 = arith.constant 600 : i32
      %dma_start3A_624 = arith.constant 0 : i32
      %dma_start3A_625 = tpu.memref_slice %dma_start3A_622[%dma_start3A_623, %dma_start3A_624] : memref<800x32xf32, #tpu.memory_space<vmem>> -> memref<50x32xf32, #tpu.memory_space<vmem>>
      %dma_start3A_626 = arith.constant 0 : i32
      %dma_start3A_627 = arith.constant 0 : i32
      %dma_start3A_628 = tpu.memref_slice %arg5[%dma_start3A_616, %dma_start3A_626, %dma_start3A_627] : memref<2x16x50xi32, #tpu.memory_space<vmem>> -> memref<1x16x50xi32, #tpu.memory_space<vmem>>
      %dma_start3A_629 = tpu.memref_squeeze %dma_start3A_628 : memref<1x16x50xi32, #tpu.memory_space<vmem>> -> memref<16x50xi32, #tpu.memory_space<vmem>>
      %dma_start3A_630 = arith.constant 0 : i32
      %dma_start3A_631 = tpu.memref_slice %dma_start3A_629[%dma_start3A_617, %dma_start3A_630] : memref<16x50xi32, #tpu.memory_space<vmem>> -> memref<1x50xi32, #tpu.memory_space<vmem>>
      %dma_start3A_632 = tpu.memref_squeeze %dma_start3A_631 : memref<1x50xi32, #tpu.memory_space<vmem>> -> memref<50xi32, #tpu.memory_space<vmem>>
      %dma_start3A_633 = arith.constant 0 : i32
      %dma_start3A_634 = arith.constant 0 : i32
      %dma_start3A_635 = tpu.memref_slice %arg2[%dma_start3A_633, %dma_start3A_634] : memref<1000001x32xf32, #tpu.memory_space<hbm>> -> memref<1000001x32xf32, #tpu.memory_space<hbm>>
      tpu.enqueue_indirect_dma source(%dma_start3A_635 : memref<1000001x32xf32, #tpu.memory_space<hbm>>) target(%dma_start3A_625 : memref<50x32xf32, #tpu.memory_space<vmem>>) offsets(%dma_start3A_632 : memref<50xi32, #tpu.memory_space<vmem>>) semaphore(%arg8 : memref<!tpu.dma_semaphore, #tpu.memory_space<semaphore_mem>>)
      %dma_start3A_636 = arith.constant 1 : i32
      %dma_start3A_637 = arith.constant 13 : i32
      %dma_start3A_638 = arith.constant 1 : i32
      %dma_start3A_639 = arith.constant 0 : i32
      %dma_start3A_640 = arith.constant 0 : i32
      %dma_start3A_641 = tpu.memref_slice %arg6[%dma_start3A_638, %dma_start3A_639, %dma_start3A_640] : memref<2x800x32xf32, #tpu.memory_space<vmem>> -> memref<1x800x32xf32, #tpu.memory_space<vmem>>
      %dma_start3A_642 = tpu.memref_squeeze %dma_start3A_641 : memref<1x800x32xf32, #tpu.memory_space<vmem>> -> memref<800x32xf32, #tpu.memory_space<vmem>>
      %dma_start3A_643 = arith.constant 650 : i32
      %dma_start3A_644 = arith.constant 0 : i32
      %dma_start3A_645 = tpu.memref_slice %dma_start3A_642[%dma_start3A_643, %dma_start3A_644] : memref<800x32xf32, #tpu.memory_space<vmem>> -> memref<50x32xf32, #tpu.memory_space<vmem>>
      %dma_start3A_646 = arith.constant 0 : i32
      %dma_start3A_647 = arith.constant 0 : i32
      %dma_start3A_648 = tpu.memref_slice %arg5[%dma_start3A_636, %dma_start3A_646, %dma_start3A_647] : memref<2x16x50xi32, #tpu.memory_space<vmem>> -> memref<1x16x50xi32, #tpu.memory_space<vmem>>
      %dma_start3A_649 = tpu.memref_squeeze %dma_start3A_648 : memref<1x16x50xi32, #tpu.memory_space<vmem>> -> memref<16x50xi32, #tpu.memory_space<vmem>>
      %dma_start3A_650 = arith.constant 0 : i32
      %dma_start3A_651 = tpu.memref_slice %dma_start3A_649[%dma_start3A_637, %dma_start3A_650] : memref<16x50xi32, #tpu.memory_space<vmem>> -> memref<1x50xi32, #tpu.memory_space<vmem>>
      %dma_start3A_652 = tpu.memref_squeeze %dma_start3A_651 : memref<1x50xi32, #tpu.memory_space<vmem>> -> memref<50xi32, #tpu.memory_space<vmem>>
      %dma_start3A_653 = arith.constant 0 : i32
      %dma_start3A_654 = arith.constant 0 : i32
      %dma_start3A_655 = tpu.memref_slice %arg2[%dma_start3A_653, %dma_start3A_654] : memref<1000001x32xf32, #tpu.memory_space<hbm>> -> memref<1000001x32xf32, #tpu.memory_space<hbm>>
      tpu.enqueue_indirect_dma source(%dma_start3A_655 : memref<1000001x32xf32, #tpu.memory_space<hbm>>) target(%dma_start3A_645 : memref<50x32xf32, #tpu.memory_space<vmem>>) offsets(%dma_start3A_652 : memref<50xi32, #tpu.memory_space<vmem>>) semaphore(%arg8 : memref<!tpu.dma_semaphore, #tpu.memory_space<semaphore_mem>>)
      %dma_start3A_656 = arith.constant 1 : i32
      %dma_start3A_657 = arith.constant 14 : i32
      %dma_start3A_658 = arith.constant 1 : i32
      %dma_start3A_659 = arith.constant 0 : i32
      %dma_start3A_660 = arith.constant 0 : i32
      %dma_start3A_661 = tpu.memref_slice %arg6[%dma_start3A_658, %dma_start3A_659, %dma_start3A_660] : memref<2x800x32xf32, #tpu.memory_space<vmem>> -> memref<1x800x32xf32, #tpu.memory_space<vmem>>
      %dma_start3A_662 = tpu.memref_squeeze %dma_start3A_661 : memref<1x800x32xf32, #tpu.memory_space<vmem>> -> memref<800x32xf32, #tpu.memory_space<vmem>>
      %dma_start3A_663 = arith.constant 700 : i32
      %dma_start3A_664 = arith.constant 0 : i32
      %dma_start3A_665 = tpu.memref_slice %dma_start3A_662[%dma_start3A_663, %dma_start3A_664] : memref<800x32xf32, #tpu.memory_space<vmem>> -> memref<50x32xf32, #tpu.memory_space<vmem>>
      %dma_start3A_666 = arith.constant 0 : i32
      %dma_start3A_667 = arith.constant 0 : i32
      %dma_start3A_668 = tpu.memref_slice %arg5[%dma_start3A_656, %dma_start3A_666, %dma_start3A_667] : memref<2x16x50xi32, #tpu.memory_space<vmem>> -> memref<1x16x50xi32, #tpu.memory_space<vmem>>
      %dma_start3A_669 = tpu.memref_squeeze %dma_start3A_668 : memref<1x16x50xi32, #tpu.memory_space<vmem>> -> memref<16x50xi32, #tpu.memory_space<vmem>>
      %dma_start3A_670 = arith.constant 0 : i32
      %dma_start3A_671 = tpu.memref_slice %dma_start3A_669[%dma_start3A_657, %dma_start3A_670] : memref<16x50xi32, #tpu.memory_space<vmem>> -> memref<1x50xi32, #tpu.memory_space<vmem>>
      %dma_start3A_672 = tpu.memref_squeeze %dma_start3A_671 : memref<1x50xi32, #tpu.memory_space<vmem>> -> memref<50xi32, #tpu.memory_space<vmem>>
      %dma_start3A_673 = arith.constant 0 : i32
      %dma_start3A_674 = arith.constant 0 : i32
      %dma_start3A_675 = tpu.memref_slice %arg2[%dma_start3A_673, %dma_start3A_674] : memref<1000001x32xf32, #tpu.memory_space<hbm>> -> memref<1000001x32xf32, #tpu.memory_space<hbm>>
      tpu.enqueue_indirect_dma source(%dma_start3A_675 : memref<1000001x32xf32, #tpu.memory_space<hbm>>) target(%dma_start3A_665 : memref<50x32xf32, #tpu.memory_space<vmem>>) offsets(%dma_start3A_672 : memref<50xi32, #tpu.memory_space<vmem>>) semaphore(%arg8 : memref<!tpu.dma_semaphore, #tpu.memory_space<semaphore_mem>>)
      %dma_start3A_676 = arith.constant 1 : i32
      %dma_start3A_677 = arith.constant 15 : i32
      %dma_start3A_678 = arith.constant 1 : i32
      %dma_start3A_679 = arith.constant 0 : i32
      %dma_start3A_680 = arith.constant 0 : i32
      %dma_start3A_681 = tpu.memref_slice %arg6[%dma_start3A_678, %dma_start3A_679, %dma_start3A_680] : memref<2x800x32xf32, #tpu.memory_space<vmem>> -> memref<1x800x32xf32, #tpu.memory_space<vmem>>
      %dma_start3A_682 = tpu.memref_squeeze %dma_start3A_681 : memref<1x800x32xf32, #tpu.memory_space<vmem>> -> memref<800x32xf32, #tpu.memory_space<vmem>>
      %dma_start3A_683 = arith.constant 750 : i32
      %dma_start3A_684 = arith.constant 0 : i32
      %dma_start3A_685 = tpu.memref_slice %dma_start3A_682[%dma_start3A_683, %dma_start3A_684] : memref<800x32xf32, #tpu.memory_space<vmem>> -> memref<50x32xf32, #tpu.memory_space<vmem>>
      %dma_start3A_686 = arith.constant 0 : i32
      %dma_start3A_687 = arith.constant 0 : i32
      %dma_start3A_688 = tpu.memref_slice %arg5[%dma_start3A_676, %dma_start3A_686, %dma_start3A_687] : memref<2x16x50xi32, #tpu.memory_space<vmem>> -> memref<1x16x50xi32, #tpu.memory_space<vmem>>
      %dma_start3A_689 = tpu.memref_squeeze %dma_start3A_688 : memref<1x16x50xi32, #tpu.memory_space<vmem>> -> memref<16x50xi32, #tpu.memory_space<vmem>>
      %dma_start3A_690 = arith.constant 0 : i32
      %dma_start3A_691 = tpu.memref_slice %dma_start3A_689[%dma_start3A_677, %dma_start3A_690] : memref<16x50xi32, #tpu.memory_space<vmem>> -> memref<1x50xi32, #tpu.memory_space<vmem>>
      %dma_start3A_692 = tpu.memref_squeeze %dma_start3A_691 : memref<1x50xi32, #tpu.memory_space<vmem>> -> memref<50xi32, #tpu.memory_space<vmem>>
      %dma_start3A_693 = arith.constant 0 : i32
      %dma_start3A_694 = arith.constant 0 : i32
      %dma_start3A_695 = tpu.memref_slice %arg2[%dma_start3A_693, %dma_start3A_694] : memref<1000001x32xf32, #tpu.memory_space<hbm>> -> memref<1000001x32xf32, #tpu.memory_space<hbm>>
      tpu.enqueue_indirect_dma source(%dma_start3A_695 : memref<1000001x32xf32, #tpu.memory_space<hbm>>) target(%dma_start3A_685 : memref<50x32xf32, #tpu.memory_space<vmem>>) offsets(%dma_start3A_692 : memref<50xi32, #tpu.memory_space<vmem>>) semaphore(%arg8 : memref<!tpu.dma_semaphore, #tpu.memory_space<semaphore_mem>>)
      %dma_wait3A_696 = arith.constant 0 : i32
      %dma_wait3A_697 = arith.constant 0 : i32
      %dma_wait3A_698 = arith.constant 0 : i32
      %dma_wait3A_699 = arith.constant 0 : i32
      %dma_wait3A_700 = arith.constant 0 : i32
      %dma_wait3A_701 = tpu.memref_slice %arg6[%dma_wait3A_698, %dma_wait3A_699, %dma_wait3A_700] : memref<2x800x32xf32, #tpu.memory_space<vmem>> -> memref<1x800x32xf32, #tpu.memory_space<vmem>>
      %dma_wait3A_702 = tpu.memref_squeeze %dma_wait3A_701 : memref<1x800x32xf32, #tpu.memory_space<vmem>> -> memref<800x32xf32, #tpu.memory_space<vmem>>
      %dma_wait3A_703 = arith.constant 0 : i32
      %dma_wait3A_704 = arith.constant 0 : i32
      %dma_wait3A_705 = tpu.memref_slice %dma_wait3A_702[%dma_wait3A_703, %dma_wait3A_704] : memref<800x32xf32, #tpu.memory_space<vmem>> -> memref<50x32xf32, #tpu.memory_space<vmem>>
      %dma_wait3A_706 = arith.constant 0 : i32
      %dma_wait3A_707 = arith.constant 0 : i32
      %dma_wait3A_708 = tpu.memref_slice %arg5[%dma_wait3A_696, %dma_wait3A_706, %dma_wait3A_707] : memref<2x16x50xi32, #tpu.memory_space<vmem>> -> memref<1x16x50xi32, #tpu.memory_space<vmem>>
      %dma_wait3A_709 = tpu.memref_squeeze %dma_wait3A_708 : memref<1x16x50xi32, #tpu.memory_space<vmem>> -> memref<16x50xi32, #tpu.memory_space<vmem>>
      %dma_wait3A_710 = arith.constant 0 : i32
      %dma_wait3A_711 = tpu.memref_slice %dma_wait3A_709[%dma_wait3A_697, %dma_wait3A_710] : memref<16x50xi32, #tpu.memory_space<vmem>> -> memref<1x50xi32, #tpu.memory_space<vmem>>
      %dma_wait3A_712 = tpu.memref_squeeze %dma_wait3A_711 : memref<1x50xi32, #tpu.memory_space<vmem>> -> memref<50xi32, #tpu.memory_space<vmem>>
      %dma_wait3A_713 = arith.constant 0 : i32
      %dma_wait3A_714 = arith.constant 0 : i32
      %dma_wait3A_715 = tpu.memref_slice %arg2[%dma_wait3A_713, %dma_wait3A_714] : memref<1000001x32xf32, #tpu.memory_space<hbm>> -> memref<1000001x32xf32, #tpu.memory_space<hbm>>
      tpu.wait_indirect_dma semaphore(%arg8 : memref<!tpu.dma_semaphore, #tpu.memory_space<semaphore_mem>>) src(%dma_wait3A_715 : memref<1000001x32xf32, #tpu.memory_space<hbm>>) dst(%dma_wait3A_705 : memref<50x32xf32, #tpu.memory_space<vmem>>)
      %dma_wait3A_716 = arith.constant 0 : i32
      %dma_wait3A_717 = arith.constant 1 : i32
      %dma_wait3A_718 = arith.constant 0 : i32
      %dma_wait3A_719 = arith.constant 0 : i32
      %dma_wait3A_720 = arith.constant 0 : i32
      %dma_wait3A_721 = tpu.memref_slice %arg6[%dma_wait3A_718, %dma_wait3A_719, %dma_wait3A_720] : memref<2x800x32xf32, #tpu.memory_space<vmem>> -> memref<1x800x32xf32, #tpu.memory_space<vmem>>
      %dma_wait3A_722 = tpu.memref_squeeze %dma_wait3A_721 : memref<1x800x32xf32, #tpu.memory_space<vmem>> -> memref<800x32xf32, #tpu.memory_space<vmem>>
      %dma_wait3A_723 = arith.constant 50 : i32
      %dma_wait3A_724 = arith.constant 0 : i32
      %dma_wait3A_725 = tpu.memref_slice %dma_wait3A_722[%dma_wait3A_723, %dma_wait3A_724] : memref<800x32xf32, #tpu.memory_space<vmem>> -> memref<50x32xf32, #tpu.memory_space<vmem>>
      %dma_wait3A_726 = arith.constant 0 : i32
      %dma_wait3A_727 = arith.constant 0 : i32
      %dma_wait3A_728 = tpu.memref_slice %arg5[%dma_wait3A_716, %dma_wait3A_726, %dma_wait3A_727] : memref<2x16x50xi32, #tpu.memory_space<vmem>> -> memref<1x16x50xi32, #tpu.memory_space<vmem>>
      %dma_wait3A_729 = tpu.memref_squeeze %dma_wait3A_728 : memref<1x16x50xi32, #tpu.memory_space<vmem>> -> memref<16x50xi32, #tpu.memory_space<vmem>>
      %dma_wait3A_730 = arith.constant 0 : i32
      %dma_wait3A_731 = tpu.memref_slice %dma_wait3A_729[%dma_wait3A_717, %dma_wait3A_730] : memref<16x50xi32, #tpu.memory_space<vmem>> -> memref<1x50xi32, #tpu.memory_space<vmem>>
      %dma_wait3A_732 = tpu.memref_squeeze %dma_wait3A_731 : memref<1x50xi32, #tpu.memory_space<vmem>> -> memref<50xi32, #tpu.memory_space<vmem>>
      %dma_wait3A_733 = arith.constant 0 : i32
      %dma_wait3A_734 = arith.constant 0 : i32
      %dma_wait3A_735 = tpu.memref_slice %arg2[%dma_wait3A_733, %dma_wait3A_734] : memref<1000001x32xf32, #tpu.memory_space<hbm>> -> memref<1000001x32xf32, #tpu.memory_space<hbm>>
      tpu.wait_indirect_dma semaphore(%arg8 : memref<!tpu.dma_semaphore, #tpu.memory_space<semaphore_mem>>) src(%dma_wait3A_735 : memref<1000001x32xf32, #tpu.memory_space<hbm>>) dst(%dma_wait3A_725 : memref<50x32xf32, #tpu.memory_space<vmem>>)
      %dma_wait3A_736 = arith.constant 0 : i32
      %dma_wait3A_737 = arith.constant 2 : i32
      %dma_wait3A_738 = arith.constant 0 : i32
      %dma_wait3A_739 = arith.constant 0 : i32
      %dma_wait3A_740 = arith.constant 0 : i32
      %dma_wait3A_741 = tpu.memref_slice %arg6[%dma_wait3A_738, %dma_wait3A_739, %dma_wait3A_740] : memref<2x800x32xf32, #tpu.memory_space<vmem>> -> memref<1x800x32xf32, #tpu.memory_space<vmem>>
      %dma_wait3A_742 = tpu.memref_squeeze %dma_wait3A_741 : memref<1x800x32xf32, #tpu.memory_space<vmem>> -> memref<800x32xf32, #tpu.memory_space<vmem>>
      %dma_wait3A_743 = arith.constant 100 : i32
      %dma_wait3A_744 = arith.constant 0 : i32
      %dma_wait3A_745 = tpu.memref_slice %dma_wait3A_742[%dma_wait3A_743, %dma_wait3A_744] : memref<800x32xf32, #tpu.memory_space<vmem>> -> memref<50x32xf32, #tpu.memory_space<vmem>>
      %dma_wait3A_746 = arith.constant 0 : i32
      %dma_wait3A_747 = arith.constant 0 : i32
      %dma_wait3A_748 = tpu.memref_slice %arg5[%dma_wait3A_736, %dma_wait3A_746, %dma_wait3A_747] : memref<2x16x50xi32, #tpu.memory_space<vmem>> -> memref<1x16x50xi32, #tpu.memory_space<vmem>>
      %dma_wait3A_749 = tpu.memref_squeeze %dma_wait3A_748 : memref<1x16x50xi32, #tpu.memory_space<vmem>> -> memref<16x50xi32, #tpu.memory_space<vmem>>
      %dma_wait3A_750 = arith.constant 0 : i32
      %dma_wait3A_751 = tpu.memref_slice %dma_wait3A_749[%dma_wait3A_737, %dma_wait3A_750] : memref<16x50xi32, #tpu.memory_space<vmem>> -> memref<1x50xi32, #tpu.memory_space<vmem>>
      %dma_wait3A_752 = tpu.memref_squeeze %dma_wait3A_751 : memref<1x50xi32, #tpu.memory_space<vmem>> -> memref<50xi32, #tpu.memory_space<vmem>>
      %dma_wait3A_753 = arith.constant 0 : i32
      %dma_wait3A_754 = arith.constant 0 : i32
      %dma_wait3A_755 = tpu.memref_slice %arg2[%dma_wait3A_753, %dma_wait3A_754] : memref<1000001x32xf32, #tpu.memory_space<hbm>> -> memref<1000001x32xf32, #tpu.memory_space<hbm>>
      tpu.wait_indirect_dma semaphore(%arg8 : memref<!tpu.dma_semaphore, #tpu.memory_space<semaphore_mem>>) src(%dma_wait3A_755 : memref<1000001x32xf32, #tpu.memory_space<hbm>>) dst(%dma_wait3A_745 : memref<50x32xf32, #tpu.memory_space<vmem>>)
      %dma_wait3A_756 = arith.constant 0 : i32
      %dma_wait3A_757 = arith.constant 3 : i32
      %dma_wait3A_758 = arith.constant 0 : i32
      %dma_wait3A_759 = arith.constant 0 : i32
      %dma_wait3A_760 = arith.constant 0 : i32
      %dma_wait3A_761 = tpu.memref_slice %arg6[%dma_wait3A_758, %dma_wait3A_759, %dma_wait3A_760] : memref<2x800x32xf32, #tpu.memory_space<vmem>> -> memref<1x800x32xf32, #tpu.memory_space<vmem>>
      %dma_wait3A_762 = tpu.memref_squeeze %dma_wait3A_761 : memref<1x800x32xf32, #tpu.memory_space<vmem>> -> memref<800x32xf32, #tpu.memory_space<vmem>>
      %dma_wait3A_763 = arith.constant 150 : i32
      %dma_wait3A_764 = arith.constant 0 : i32
      %dma_wait3A_765 = tpu.memref_slice %dma_wait3A_762[%dma_wait3A_763, %dma_wait3A_764] : memref<800x32xf32, #tpu.memory_space<vmem>> -> memref<50x32xf32, #tpu.memory_space<vmem>>
      %dma_wait3A_766 = arith.constant 0 : i32
      %dma_wait3A_767 = arith.constant 0 : i32
      %dma_wait3A_768 = tpu.memref_slice %arg5[%dma_wait3A_756, %dma_wait3A_766, %dma_wait3A_767] : memref<2x16x50xi32, #tpu.memory_space<vmem>> -> memref<1x16x50xi32, #tpu.memory_space<vmem>>
      %dma_wait3A_769 = tpu.memref_squeeze %dma_wait3A_768 : memref<1x16x50xi32, #tpu.memory_space<vmem>> -> memref<16x50xi32, #tpu.memory_space<vmem>>
      %dma_wait3A_770 = arith.constant 0 : i32
      %dma_wait3A_771 = tpu.memref_slice %dma_wait3A_769[%dma_wait3A_757, %dma_wait3A_770] : memref<16x50xi32, #tpu.memory_space<vmem>> -> memref<1x50xi32, #tpu.memory_space<vmem>>
      %dma_wait3A_772 = tpu.memref_squeeze %dma_wait3A_771 : memref<1x50xi32, #tpu.memory_space<vmem>> -> memref<50xi32, #tpu.memory_space<vmem>>
      %dma_wait3A_773 = arith.constant 0 : i32
      %dma_wait3A_774 = arith.constant 0 : i32
      %dma_wait3A_775 = tpu.memref_slice %arg2[%dma_wait3A_773, %dma_wait3A_774] : memref<1000001x32xf32, #tpu.memory_space<hbm>> -> memref<1000001x32xf32, #tpu.memory_space<hbm>>
      tpu.wait_indirect_dma semaphore(%arg8 : memref<!tpu.dma_semaphore, #tpu.memory_space<semaphore_mem>>) src(%dma_wait3A_775 : memref<1000001x32xf32, #tpu.memory_space<hbm>>) dst(%dma_wait3A_765 : memref<50x32xf32, #tpu.memory_space<vmem>>)
      %dma_wait3A_776 = arith.constant 0 : i32
      %dma_wait3A_777 = arith.constant 4 : i32
      %dma_wait3A_778 = arith.constant 0 : i32
      %dma_wait3A_779 = arith.constant 0 : i32
      %dma_wait3A_780 = arith.constant 0 : i32
      %dma_wait3A_781 = tpu.memref_slice %arg6[%dma_wait3A_778, %dma_wait3A_779, %dma_wait3A_780] : memref<2x800x32xf32, #tpu.memory_space<vmem>> -> memref<1x800x32xf32, #tpu.memory_space<vmem>>
      %dma_wait3A_782 = tpu.memref_squeeze %dma_wait3A_781 : memref<1x800x32xf32, #tpu.memory_space<vmem>> -> memref<800x32xf32, #tpu.memory_space<vmem>>
      %dma_wait3A_783 = arith.constant 200 : i32
      %dma_wait3A_784 = arith.constant 0 : i32
      %dma_wait3A_785 = tpu.memref_slice %dma_wait3A_782[%dma_wait3A_783, %dma_wait3A_784] : memref<800x32xf32, #tpu.memory_space<vmem>> -> memref<50x32xf32, #tpu.memory_space<vmem>>
      %dma_wait3A_786 = arith.constant 0 : i32
      %dma_wait3A_787 = arith.constant 0 : i32
      %dma_wait3A_788 = tpu.memref_slice %arg5[%dma_wait3A_776, %dma_wait3A_786, %dma_wait3A_787] : memref<2x16x50xi32, #tpu.memory_space<vmem>> -> memref<1x16x50xi32, #tpu.memory_space<vmem>>
      %dma_wait3A_789 = tpu.memref_squeeze %dma_wait3A_788 : memref<1x16x50xi32, #tpu.memory_space<vmem>> -> memref<16x50xi32, #tpu.memory_space<vmem>>
      %dma_wait3A_790 = arith.constant 0 : i32
      %dma_wait3A_791 = tpu.memref_slice %dma_wait3A_789[%dma_wait3A_777, %dma_wait3A_790] : memref<16x50xi32, #tpu.memory_space<vmem>> -> memref<1x50xi32, #tpu.memory_space<vmem>>
      %dma_wait3A_792 = tpu.memref_squeeze %dma_wait3A_791 : memref<1x50xi32, #tpu.memory_space<vmem>> -> memref<50xi32, #tpu.memory_space<vmem>>
      %dma_wait3A_793 = arith.constant 0 : i32
      %dma_wait3A_794 = arith.constant 0 : i32
      %dma_wait3A_795 = tpu.memref_slice %arg2[%dma_wait3A_793, %dma_wait3A_794] : memref<1000001x32xf32, #tpu.memory_space<hbm>> -> memref<1000001x32xf32, #tpu.memory_space<hbm>>
      tpu.wait_indirect_dma semaphore(%arg8 : memref<!tpu.dma_semaphore, #tpu.memory_space<semaphore_mem>>) src(%dma_wait3A_795 : memref<1000001x32xf32, #tpu.memory_space<hbm>>) dst(%dma_wait3A_785 : memref<50x32xf32, #tpu.memory_space<vmem>>)
      %dma_wait3A_796 = arith.constant 0 : i32
      %dma_wait3A_797 = arith.constant 5 : i32
      %dma_wait3A_798 = arith.constant 0 : i32
      %dma_wait3A_799 = arith.constant 0 : i32
      %dma_wait3A_800 = arith.constant 0 : i32
      %dma_wait3A_801 = tpu.memref_slice %arg6[%dma_wait3A_798, %dma_wait3A_799, %dma_wait3A_800] : memref<2x800x32xf32, #tpu.memory_space<vmem>> -> memref<1x800x32xf32, #tpu.memory_space<vmem>>
      %dma_wait3A_802 = tpu.memref_squeeze %dma_wait3A_801 : memref<1x800x32xf32, #tpu.memory_space<vmem>> -> memref<800x32xf32, #tpu.memory_space<vmem>>
      %dma_wait3A_803 = arith.constant 250 : i32
      %dma_wait3A_804 = arith.constant 0 : i32
      %dma_wait3A_805 = tpu.memref_slice %dma_wait3A_802[%dma_wait3A_803, %dma_wait3A_804] : memref<800x32xf32, #tpu.memory_space<vmem>> -> memref<50x32xf32, #tpu.memory_space<vmem>>
      %dma_wait3A_806 = arith.constant 0 : i32
      %dma_wait3A_807 = arith.constant 0 : i32
      %dma_wait3A_808 = tpu.memref_slice %arg5[%dma_wait3A_796, %dma_wait3A_806, %dma_wait3A_807] : memref<2x16x50xi32, #tpu.memory_space<vmem>> -> memref<1x16x50xi32, #tpu.memory_space<vmem>>
      %dma_wait3A_809 = tpu.memref_squeeze %dma_wait3A_808 : memref<1x16x50xi32, #tpu.memory_space<vmem>> -> memref<16x50xi32, #tpu.memory_space<vmem>>
      %dma_wait3A_810 = arith.constant 0 : i32
      %dma_wait3A_811 = tpu.memref_slice %dma_wait3A_809[%dma_wait3A_797, %dma_wait3A_810] : memref<16x50xi32, #tpu.memory_space<vmem>> -> memref<1x50xi32, #tpu.memory_space<vmem>>
      %dma_wait3A_812 = tpu.memref_squeeze %dma_wait3A_811 : memref<1x50xi32, #tpu.memory_space<vmem>> -> memref<50xi32, #tpu.memory_space<vmem>>
      %dma_wait3A_813 = arith.constant 0 : i32
      %dma_wait3A_814 = arith.constant 0 : i32
      %dma_wait3A_815 = tpu.memref_slice %arg2[%dma_wait3A_813, %dma_wait3A_814] : memref<1000001x32xf32, #tpu.memory_space<hbm>> -> memref<1000001x32xf32, #tpu.memory_space<hbm>>
      tpu.wait_indirect_dma semaphore(%arg8 : memref<!tpu.dma_semaphore, #tpu.memory_space<semaphore_mem>>) src(%dma_wait3A_815 : memref<1000001x32xf32, #tpu.memory_space<hbm>>) dst(%dma_wait3A_805 : memref<50x32xf32, #tpu.memory_space<vmem>>)
      %dma_wait3A_816 = arith.constant 0 : i32
      %dma_wait3A_817 = arith.constant 6 : i32
      %dma_wait3A_818 = arith.constant 0 : i32
      %dma_wait3A_819 = arith.constant 0 : i32
      %dma_wait3A_820 = arith.constant 0 : i32
      %dma_wait3A_821 = tpu.memref_slice %arg6[%dma_wait3A_818, %dma_wait3A_819, %dma_wait3A_820] : memref<2x800x32xf32, #tpu.memory_space<vmem>> -> memref<1x800x32xf32, #tpu.memory_space<vmem>>
      %dma_wait3A_822 = tpu.memref_squeeze %dma_wait3A_821 : memref<1x800x32xf32, #tpu.memory_space<vmem>> -> memref<800x32xf32, #tpu.memory_space<vmem>>
      %dma_wait3A_823 = arith.constant 300 : i32
      %dma_wait3A_824 = arith.constant 0 : i32
      %dma_wait3A_825 = tpu.memref_slice %dma_wait3A_822[%dma_wait3A_823, %dma_wait3A_824] : memref<800x32xf32, #tpu.memory_space<vmem>> -> memref<50x32xf32, #tpu.memory_space<vmem>>
      %dma_wait3A_826 = arith.constant 0 : i32
      %dma_wait3A_827 = arith.constant 0 : i32
      %dma_wait3A_828 = tpu.memref_slice %arg5[%dma_wait3A_816, %dma_wait3A_826, %dma_wait3A_827] : memref<2x16x50xi32, #tpu.memory_space<vmem>> -> memref<1x16x50xi32, #tpu.memory_space<vmem>>
      %dma_wait3A_829 = tpu.memref_squeeze %dma_wait3A_828 : memref<1x16x50xi32, #tpu.memory_space<vmem>> -> memref<16x50xi32, #tpu.memory_space<vmem>>
      %dma_wait3A_830 = arith.constant 0 : i32
      %dma_wait3A_831 = tpu.memref_slice %dma_wait3A_829[%dma_wait3A_817, %dma_wait3A_830] : memref<16x50xi32, #tpu.memory_space<vmem>> -> memref<1x50xi32, #tpu.memory_space<vmem>>
      %dma_wait3A_832 = tpu.memref_squeeze %dma_wait3A_831 : memref<1x50xi32, #tpu.memory_space<vmem>> -> memref<50xi32, #tpu.memory_space<vmem>>
      %dma_wait3A_833 = arith.constant 0 : i32
      %dma_wait3A_834 = arith.constant 0 : i32
      %dma_wait3A_835 = tpu.memref_slice %arg2[%dma_wait3A_833, %dma_wait3A_834] : memref<1000001x32xf32, #tpu.memory_space<hbm>> -> memref<1000001x32xf32, #tpu.memory_space<hbm>>
      tpu.wait_indirect_dma semaphore(%arg8 : memref<!tpu.dma_semaphore, #tpu.memory_space<semaphore_mem>>) src(%dma_wait3A_835 : memref<1000001x32xf32, #tpu.memory_space<hbm>>) dst(%dma_wait3A_825 : memref<50x32xf32, #tpu.memory_space<vmem>>)
      %dma_wait3A_836 = arith.constant 0 : i32
      %dma_wait3A_837 = arith.constant 7 : i32
      %dma_wait3A_838 = arith.constant 0 : i32
      %dma_wait3A_839 = arith.constant 0 : i32
      %dma_wait3A_840 = arith.constant 0 : i32
      %dma_wait3A_841 = tpu.memref_slice %arg6[%dma_wait3A_838, %dma_wait3A_839, %dma_wait3A_840] : memref<2x800x32xf32, #tpu.memory_space<vmem>> -> memref<1x800x32xf32, #tpu.memory_space<vmem>>
      %dma_wait3A_842 = tpu.memref_squeeze %dma_wait3A_841 : memref<1x800x32xf32, #tpu.memory_space<vmem>> -> memref<800x32xf32, #tpu.memory_space<vmem>>
      %dma_wait3A_843 = arith.constant 350 : i32
      %dma_wait3A_844 = arith.constant 0 : i32
      %dma_wait3A_845 = tpu.memref_slice %dma_wait3A_842[%dma_wait3A_843, %dma_wait3A_844] : memref<800x32xf32, #tpu.memory_space<vmem>> -> memref<50x32xf32, #tpu.memory_space<vmem>>
      %dma_wait3A_846 = arith.constant 0 : i32
      %dma_wait3A_847 = arith.constant 0 : i32
      %dma_wait3A_848 = tpu.memref_slice %arg5[%dma_wait3A_836, %dma_wait3A_846, %dma_wait3A_847] : memref<2x16x50xi32, #tpu.memory_space<vmem>> -> memref<1x16x50xi32, #tpu.memory_space<vmem>>
      %dma_wait3A_849 = tpu.memref_squeeze %dma_wait3A_848 : memref<1x16x50xi32, #tpu.memory_space<vmem>> -> memref<16x50xi32, #tpu.memory_space<vmem>>
      %dma_wait3A_850 = arith.constant 0 : i32
      %dma_wait3A_851 = tpu.memref_slice %dma_wait3A_849[%dma_wait3A_837, %dma_wait3A_850] : memref<16x50xi32, #tpu.memory_space<vmem>> -> memref<1x50xi32, #tpu.memory_space<vmem>>
      %dma_wait3A_852 = tpu.memref_squeeze %dma_wait3A_851 : memref<1x50xi32, #tpu.memory_space<vmem>> -> memref<50xi32, #tpu.memory_space<vmem>>
      %dma_wait3A_853 = arith.constant 0 : i32
      %dma_wait3A_854 = arith.constant 0 : i32
      %dma_wait3A_855 = tpu.memref_slice %arg2[%dma_wait3A_853, %dma_wait3A_854] : memref<1000001x32xf32, #tpu.memory_space<hbm>> -> memref<1000001x32xf32, #tpu.memory_space<hbm>>
      tpu.wait_indirect_dma semaphore(%arg8 : memref<!tpu.dma_semaphore, #tpu.memory_space<semaphore_mem>>) src(%dma_wait3A_855 : memref<1000001x32xf32, #tpu.memory_space<hbm>>) dst(%dma_wait3A_845 : memref<50x32xf32, #tpu.memory_space<vmem>>)
      %dma_wait3A_856 = arith.constant 0 : i32
      %dma_wait3A_857 = arith.constant 8 : i32
      %dma_wait3A_858 = arith.constant 0 : i32
      %dma_wait3A_859 = arith.constant 0 : i32
      %dma_wait3A_860 = arith.constant 0 : i32
      %dma_wait3A_861 = tpu.memref_slice %arg6[%dma_wait3A_858, %dma_wait3A_859, %dma_wait3A_860] : memref<2x800x32xf32, #tpu.memory_space<vmem>> -> memref<1x800x32xf32, #tpu.memory_space<vmem>>
      %dma_wait3A_862 = tpu.memref_squeeze %dma_wait3A_861 : memref<1x800x32xf32, #tpu.memory_space<vmem>> -> memref<800x32xf32, #tpu.memory_space<vmem>>
      %dma_wait3A_863 = arith.constant 400 : i32
      %dma_wait3A_864 = arith.constant 0 : i32
      %dma_wait3A_865 = tpu.memref_slice %dma_wait3A_862[%dma_wait3A_863, %dma_wait3A_864] : memref<800x32xf32, #tpu.memory_space<vmem>> -> memref<50x32xf32, #tpu.memory_space<vmem>>
      %dma_wait3A_866 = arith.constant 0 : i32
      %dma_wait3A_867 = arith.constant 0 : i32
      %dma_wait3A_868 = tpu.memref_slice %arg5[%dma_wait3A_856, %dma_wait3A_866, %dma_wait3A_867] : memref<2x16x50xi32, #tpu.memory_space<vmem>> -> memref<1x16x50xi32, #tpu.memory_space<vmem>>
      %dma_wait3A_869 = tpu.memref_squeeze %dma_wait3A_868 : memref<1x16x50xi32, #tpu.memory_space<vmem>> -> memref<16x50xi32, #tpu.memory_space<vmem>>
      %dma_wait3A_870 = arith.constant 0 : i32
      %dma_wait3A_871 = tpu.memref_slice %dma_wait3A_869[%dma_wait3A_857, %dma_wait3A_870] : memref<16x50xi32, #tpu.memory_space<vmem>> -> memref<1x50xi32, #tpu.memory_space<vmem>>
      %dma_wait3A_872 = tpu.memref_squeeze %dma_wait3A_871 : memref<1x50xi32, #tpu.memory_space<vmem>> -> memref<50xi32, #tpu.memory_space<vmem>>
      %dma_wait3A_873 = arith.constant 0 : i32
      %dma_wait3A_874 = arith.constant 0 : i32
      %dma_wait3A_875 = tpu.memref_slice %arg2[%dma_wait3A_873, %dma_wait3A_874] : memref<1000001x32xf32, #tpu.memory_space<hbm>> -> memref<1000001x32xf32, #tpu.memory_space<hbm>>
      tpu.wait_indirect_dma semaphore(%arg8 : memref<!tpu.dma_semaphore, #tpu.memory_space<semaphore_mem>>) src(%dma_wait3A_875 : memref<1000001x32xf32, #tpu.memory_space<hbm>>) dst(%dma_wait3A_865 : memref<50x32xf32, #tpu.memory_space<vmem>>)
      %dma_wait3A_876 = arith.constant 0 : i32
      %dma_wait3A_877 = arith.constant 9 : i32
      %dma_wait3A_878 = arith.constant 0 : i32
      %dma_wait3A_879 = arith.constant 0 : i32
      %dma_wait3A_880 = arith.constant 0 : i32
      %dma_wait3A_881 = tpu.memref_slice %arg6[%dma_wait3A_878, %dma_wait3A_879, %dma_wait3A_880] : memref<2x800x32xf32, #tpu.memory_space<vmem>> -> memref<1x800x32xf32, #tpu.memory_space<vmem>>
      %dma_wait3A_882 = tpu.memref_squeeze %dma_wait3A_881 : memref<1x800x32xf32, #tpu.memory_space<vmem>> -> memref<800x32xf32, #tpu.memory_space<vmem>>
      %dma_wait3A_883 = arith.constant 450 : i32
      %dma_wait3A_884 = arith.constant 0 : i32
      %dma_wait3A_885 = tpu.memref_slice %dma_wait3A_882[%dma_wait3A_883, %dma_wait3A_884] : memref<800x32xf32, #tpu.memory_space<vmem>> -> memref<50x32xf32, #tpu.memory_space<vmem>>
      %dma_wait3A_886 = arith.constant 0 : i32
      %dma_wait3A_887 = arith.constant 0 : i32
      %dma_wait3A_888 = tpu.memref_slice %arg5[%dma_wait3A_876, %dma_wait3A_886, %dma_wait3A_887] : memref<2x16x50xi32, #tpu.memory_space<vmem>> -> memref<1x16x50xi32, #tpu.memory_space<vmem>>
      %dma_wait3A_889 = tpu.memref_squeeze %dma_wait3A_888 : memref<1x16x50xi32, #tpu.memory_space<vmem>> -> memref<16x50xi32, #tpu.memory_space<vmem>>
      %dma_wait3A_890 = arith.constant 0 : i32
      %dma_wait3A_891 = tpu.memref_slice %dma_wait3A_889[%dma_wait3A_877, %dma_wait3A_890] : memref<16x50xi32, #tpu.memory_space<vmem>> -> memref<1x50xi32, #tpu.memory_space<vmem>>
      %dma_wait3A_892 = tpu.memref_squeeze %dma_wait3A_891 : memref<1x50xi32, #tpu.memory_space<vmem>> -> memref<50xi32, #tpu.memory_space<vmem>>
      %dma_wait3A_893 = arith.constant 0 : i32
      %dma_wait3A_894 = arith.constant 0 : i32
      %dma_wait3A_895 = tpu.memref_slice %arg2[%dma_wait3A_893, %dma_wait3A_894] : memref<1000001x32xf32, #tpu.memory_space<hbm>> -> memref<1000001x32xf32, #tpu.memory_space<hbm>>
      tpu.wait_indirect_dma semaphore(%arg8 : memref<!tpu.dma_semaphore, #tpu.memory_space<semaphore_mem>>) src(%dma_wait3A_895 : memref<1000001x32xf32, #tpu.memory_space<hbm>>) dst(%dma_wait3A_885 : memref<50x32xf32, #tpu.memory_space<vmem>>)
      %dma_wait3A_896 = arith.constant 0 : i32
      %dma_wait3A_897 = arith.constant 10 : i32
      %dma_wait3A_898 = arith.constant 0 : i32
      %dma_wait3A_899 = arith.constant 0 : i32
      %dma_wait3A_900 = arith.constant 0 : i32
      %dma_wait3A_901 = tpu.memref_slice %arg6[%dma_wait3A_898, %dma_wait3A_899, %dma_wait3A_900] : memref<2x800x32xf32, #tpu.memory_space<vmem>> -> memref<1x800x32xf32, #tpu.memory_space<vmem>>
      %dma_wait3A_902 = tpu.memref_squeeze %dma_wait3A_901 : memref<1x800x32xf32, #tpu.memory_space<vmem>> -> memref<800x32xf32, #tpu.memory_space<vmem>>
      %dma_wait3A_903 = arith.constant 500 : i32
      %dma_wait3A_904 = arith.constant 0 : i32
      %dma_wait3A_905 = tpu.memref_slice %dma_wait3A_902[%dma_wait3A_903, %dma_wait3A_904] : memref<800x32xf32, #tpu.memory_space<vmem>> -> memref<50x32xf32, #tpu.memory_space<vmem>>
      %dma_wait3A_906 = arith.constant 0 : i32
      %dma_wait3A_907 = arith.constant 0 : i32
      %dma_wait3A_908 = tpu.memref_slice %arg5[%dma_wait3A_896, %dma_wait3A_906, %dma_wait3A_907] : memref<2x16x50xi32, #tpu.memory_space<vmem>> -> memref<1x16x50xi32, #tpu.memory_space<vmem>>
      %dma_wait3A_909 = tpu.memref_squeeze %dma_wait3A_908 : memref<1x16x50xi32, #tpu.memory_space<vmem>> -> memref<16x50xi32, #tpu.memory_space<vmem>>
      %dma_wait3A_910 = arith.constant 0 : i32
      %dma_wait3A_911 = tpu.memref_slice %dma_wait3A_909[%dma_wait3A_897, %dma_wait3A_910] : memref<16x50xi32, #tpu.memory_space<vmem>> -> memref<1x50xi32, #tpu.memory_space<vmem>>
      %dma_wait3A_912 = tpu.memref_squeeze %dma_wait3A_911 : memref<1x50xi32, #tpu.memory_space<vmem>> -> memref<50xi32, #tpu.memory_space<vmem>>
      %dma_wait3A_913 = arith.constant 0 : i32
      %dma_wait3A_914 = arith.constant 0 : i32
      %dma_wait3A_915 = tpu.memref_slice %arg2[%dma_wait3A_913, %dma_wait3A_914] : memref<1000001x32xf32, #tpu.memory_space<hbm>> -> memref<1000001x32xf32, #tpu.memory_space<hbm>>
      tpu.wait_indirect_dma semaphore(%arg8 : memref<!tpu.dma_semaphore, #tpu.memory_space<semaphore_mem>>) src(%dma_wait3A_915 : memref<1000001x32xf32, #tpu.memory_space<hbm>>) dst(%dma_wait3A_905 : memref<50x32xf32, #tpu.memory_space<vmem>>)
      %dma_wait3A_916 = arith.constant 0 : i32
      %dma_wait3A_917 = arith.constant 11 : i32
      %dma_wait3A_918 = arith.constant 0 : i32
      %dma_wait3A_919 = arith.constant 0 : i32
      %dma_wait3A_920 = arith.constant 0 : i32
      %dma_wait3A_921 = tpu.memref_slice %arg6[%dma_wait3A_918, %dma_wait3A_919, %dma_wait3A_920] : memref<2x800x32xf32, #tpu.memory_space<vmem>> -> memref<1x800x32xf32, #tpu.memory_space<vmem>>
      %dma_wait3A_922 = tpu.memref_squeeze %dma_wait3A_921 : memref<1x800x32xf32, #tpu.memory_space<vmem>> -> memref<800x32xf32, #tpu.memory_space<vmem>>
      %dma_wait3A_923 = arith.constant 550 : i32
      %dma_wait3A_924 = arith.constant 0 : i32
      %dma_wait3A_925 = tpu.memref_slice %dma_wait3A_922[%dma_wait3A_923, %dma_wait3A_924] : memref<800x32xf32, #tpu.memory_space<vmem>> -> memref<50x32xf32, #tpu.memory_space<vmem>>
      %dma_wait3A_926 = arith.constant 0 : i32
      %dma_wait3A_927 = arith.constant 0 : i32
      %dma_wait3A_928 = tpu.memref_slice %arg5[%dma_wait3A_916, %dma_wait3A_926, %dma_wait3A_927] : memref<2x16x50xi32, #tpu.memory_space<vmem>> -> memref<1x16x50xi32, #tpu.memory_space<vmem>>
      %dma_wait3A_929 = tpu.memref_squeeze %dma_wait3A_928 : memref<1x16x50xi32, #tpu.memory_space<vmem>> -> memref<16x50xi32, #tpu.memory_space<vmem>>
      %dma_wait3A_930 = arith.constant 0 : i32
      %dma_wait3A_931 = tpu.memref_slice %dma_wait3A_929[%dma_wait3A_917, %dma_wait3A_930] : memref<16x50xi32, #tpu.memory_space<vmem>> -> memref<1x50xi32, #tpu.memory_space<vmem>>
      %dma_wait3A_932 = tpu.memref_squeeze %dma_wait3A_931 : memref<1x50xi32, #tpu.memory_space<vmem>> -> memref<50xi32, #tpu.memory_space<vmem>>
      %dma_wait3A_933 = arith.constant 0 : i32
      %dma_wait3A_934 = arith.constant 0 : i32
      %dma_wait3A_935 = tpu.memref_slice %arg2[%dma_wait3A_933, %dma_wait3A_934] : memref<1000001x32xf32, #tpu.memory_space<hbm>> -> memref<1000001x32xf32, #tpu.memory_space<hbm>>
      tpu.wait_indirect_dma semaphore(%arg8 : memref<!tpu.dma_semaphore, #tpu.memory_space<semaphore_mem>>) src(%dma_wait3A_935 : memref<1000001x32xf32, #tpu.memory_space<hbm>>) dst(%dma_wait3A_925 : memref<50x32xf32, #tpu.memory_space<vmem>>)
      %dma_wait3A_936 = arith.constant 0 : i32
      %dma_wait3A_937 = arith.constant 12 : i32
      %dma_wait3A_938 = arith.constant 0 : i32
      %dma_wait3A_939 = arith.constant 0 : i32
      %dma_wait3A_940 = arith.constant 0 : i32
      %dma_wait3A_941 = tpu.memref_slice %arg6[%dma_wait3A_938, %dma_wait3A_939, %dma_wait3A_940] : memref<2x800x32xf32, #tpu.memory_space<vmem>> -> memref<1x800x32xf32, #tpu.memory_space<vmem>>
      %dma_wait3A_942 = tpu.memref_squeeze %dma_wait3A_941 : memref<1x800x32xf32, #tpu.memory_space<vmem>> -> memref<800x32xf32, #tpu.memory_space<vmem>>
      %dma_wait3A_943 = arith.constant 600 : i32
      %dma_wait3A_944 = arith.constant 0 : i32
      %dma_wait3A_945 = tpu.memref_slice %dma_wait3A_942[%dma_wait3A_943, %dma_wait3A_944] : memref<800x32xf32, #tpu.memory_space<vmem>> -> memref<50x32xf32, #tpu.memory_space<vmem>>
      %dma_wait3A_946 = arith.constant 0 : i32
      %dma_wait3A_947 = arith.constant 0 : i32
      %dma_wait3A_948 = tpu.memref_slice %arg5[%dma_wait3A_936, %dma_wait3A_946, %dma_wait3A_947] : memref<2x16x50xi32, #tpu.memory_space<vmem>> -> memref<1x16x50xi32, #tpu.memory_space<vmem>>
      %dma_wait3A_949 = tpu.memref_squeeze %dma_wait3A_948 : memref<1x16x50xi32, #tpu.memory_space<vmem>> -> memref<16x50xi32, #tpu.memory_space<vmem>>
      %dma_wait3A_950 = arith.constant 0 : i32
      %dma_wait3A_951 = tpu.memref_slice %dma_wait3A_949[%dma_wait3A_937, %dma_wait3A_950] : memref<16x50xi32, #tpu.memory_space<vmem>> -> memref<1x50xi32, #tpu.memory_space<vmem>>
      %dma_wait3A_952 = tpu.memref_squeeze %dma_wait3A_951 : memref<1x50xi32, #tpu.memory_space<vmem>> -> memref<50xi32, #tpu.memory_space<vmem>>
      %dma_wait3A_953 = arith.constant 0 : i32
      %dma_wait3A_954 = arith.constant 0 : i32
      %dma_wait3A_955 = tpu.memref_slice %arg2[%dma_wait3A_953, %dma_wait3A_954] : memref<1000001x32xf32, #tpu.memory_space<hbm>> -> memref<1000001x32xf32, #tpu.memory_space<hbm>>
      tpu.wait_indirect_dma semaphore(%arg8 : memref<!tpu.dma_semaphore, #tpu.memory_space<semaphore_mem>>) src(%dma_wait3A_955 : memref<1000001x32xf32, #tpu.memory_space<hbm>>) dst(%dma_wait3A_945 : memref<50x32xf32, #tpu.memory_space<vmem>>)
      %dma_wait3A_956 = arith.constant 0 : i32
      %dma_wait3A_957 = arith.constant 13 : i32
      %dma_wait3A_958 = arith.constant 0 : i32
      %dma_wait3A_959 = arith.constant 0 : i32
      %dma_wait3A_960 = arith.constant 0 : i32
      %dma_wait3A_961 = tpu.memref_slice %arg6[%dma_wait3A_958, %dma_wait3A_959, %dma_wait3A_960] : memref<2x800x32xf32, #tpu.memory_space<vmem>> -> memref<1x800x32xf32, #tpu.memory_space<vmem>>
      %dma_wait3A_962 = tpu.memref_squeeze %dma_wait3A_961 : memref<1x800x32xf32, #tpu.memory_space<vmem>> -> memref<800x32xf32, #tpu.memory_space<vmem>>
      %dma_wait3A_963 = arith.constant 650 : i32
      %dma_wait3A_964 = arith.constant 0 : i32
      %dma_wait3A_965 = tpu.memref_slice %dma_wait3A_962[%dma_wait3A_963, %dma_wait3A_964] : memref<800x32xf32, #tpu.memory_space<vmem>> -> memref<50x32xf32, #tpu.memory_space<vmem>>
      %dma_wait3A_966 = arith.constant 0 : i32
      %dma_wait3A_967 = arith.constant 0 : i32
      %dma_wait3A_968 = tpu.memref_slice %arg5[%dma_wait3A_956, %dma_wait3A_966, %dma_wait3A_967] : memref<2x16x50xi32, #tpu.memory_space<vmem>> -> memref<1x16x50xi32, #tpu.memory_space<vmem>>
      %dma_wait3A_969 = tpu.memref_squeeze %dma_wait3A_968 : memref<1x16x50xi32, #tpu.memory_space<vmem>> -> memref<16x50xi32, #tpu.memory_space<vmem>>
      %dma_wait3A_970 = arith.constant 0 : i32
      %dma_wait3A_971 = tpu.memref_slice %dma_wait3A_969[%dma_wait3A_957, %dma_wait3A_970] : memref<16x50xi32, #tpu.memory_space<vmem>> -> memref<1x50xi32, #tpu.memory_space<vmem>>
      %dma_wait3A_972 = tpu.memref_squeeze %dma_wait3A_971 : memref<1x50xi32, #tpu.memory_space<vmem>> -> memref<50xi32, #tpu.memory_space<vmem>>
      %dma_wait3A_973 = arith.constant 0 : i32
      %dma_wait3A_974 = arith.constant 0 : i32
      %dma_wait3A_975 = tpu.memref_slice %arg2[%dma_wait3A_973, %dma_wait3A_974] : memref<1000001x32xf32, #tpu.memory_space<hbm>> -> memref<1000001x32xf32, #tpu.memory_space<hbm>>
      tpu.wait_indirect_dma semaphore(%arg8 : memref<!tpu.dma_semaphore, #tpu.memory_space<semaphore_mem>>) src(%dma_wait3A_975 : memref<1000001x32xf32, #tpu.memory_space<hbm>>) dst(%dma_wait3A_965 : memref<50x32xf32, #tpu.memory_space<vmem>>)
      %dma_wait3A_976 = arith.constant 0 : i32
      %dma_wait3A_977 = arith.constant 14 : i32
      %dma_wait3A_978 = arith.constant 0 : i32
      %dma_wait3A_979 = arith.constant 0 : i32
      %dma_wait3A_980 = arith.constant 0 : i32
      %dma_wait3A_981 = tpu.memref_slice %arg6[%dma_wait3A_978, %dma_wait3A_979, %dma_wait3A_980] : memref<2x800x32xf32, #tpu.memory_space<vmem>> -> memref<1x800x32xf32, #tpu.memory_space<vmem>>
      %dma_wait3A_982 = tpu.memref_squeeze %dma_wait3A_981 : memref<1x800x32xf32, #tpu.memory_space<vmem>> -> memref<800x32xf32, #tpu.memory_space<vmem>>
      %dma_wait3A_983 = arith.constant 700 : i32
      %dma_wait3A_984 = arith.constant 0 : i32
      %dma_wait3A_985 = tpu.memref_slice %dma_wait3A_982[%dma_wait3A_983, %dma_wait3A_984] : memref<800x32xf32, #tpu.memory_space<vmem>> -> memref<50x32xf32, #tpu.memory_space<vmem>>
      %dma_wait3A_986 = arith.constant 0 : i32
      %dma_wait3A_987 = arith.constant 0 : i32
      %dma_wait3A_988 = tpu.memref_slice %arg5[%dma_wait3A_976, %dma_wait3A_986, %dma_wait3A_987] : memref<2x16x50xi32, #tpu.memory_space<vmem>> -> memref<1x16x50xi32, #tpu.memory_space<vmem>>
      %dma_wait3A_989 = tpu.memref_squeeze %dma_wait3A_988 : memref<1x16x50xi32, #tpu.memory_space<vmem>> -> memref<16x50xi32, #tpu.memory_space<vmem>>
      %dma_wait3A_990 = arith.constant 0 : i32
      %dma_wait3A_991 = tpu.memref_slice %dma_wait3A_989[%dma_wait3A_977, %dma_wait3A_990] : memref<16x50xi32, #tpu.memory_space<vmem>> -> memref<1x50xi32, #tpu.memory_space<vmem>>
      %dma_wait3A_992 = tpu.memref_squeeze %dma_wait3A_991 : memref<1x50xi32, #tpu.memory_space<vmem>> -> memref<50xi32, #tpu.memory_space<vmem>>
      %dma_wait3A_993 = arith.constant 0 : i32
      %dma_wait3A_994 = arith.constant 0 : i32
      %dma_wait3A_995 = tpu.memref_slice %arg2[%dma_wait3A_993, %dma_wait3A_994] : memref<1000001x32xf32, #tpu.memory_space<hbm>> -> memref<1000001x32xf32, #tpu.memory_space<hbm>>
      tpu.wait_indirect_dma semaphore(%arg8 : memref<!tpu.dma_semaphore, #tpu.memory_space<semaphore_mem>>) src(%dma_wait3A_995 : memref<1000001x32xf32, #tpu.memory_space<hbm>>) dst(%dma_wait3A_985 : memref<50x32xf32, #tpu.memory_space<vmem>>)
      %dma_wait3A_996 = arith.constant 0 : i32
      %dma_wait3A_997 = arith.constant 15 : i32
      %dma_wait3A_998 = arith.constant 0 : i32
      %dma_wait3A_999 = arith.constant 0 : i32
      %dma_wait3A_1000 = arith.constant 0 : i32
      %dma_wait3A_1001 = tpu.memref_slice %arg6[%dma_wait3A_998, %dma_wait3A_999, %dma_wait3A_1000] : memref<2x800x32xf32, #tpu.memory_space<vmem>> -> memref<1x800x32xf32, #tpu.memory_space<vmem>>
      %dma_wait3A_1002 = tpu.memref_squeeze %dma_wait3A_1001 : memref<1x800x32xf32, #tpu.memory_space<vmem>> -> memref<800x32xf32, #tpu.memory_space<vmem>>
      %dma_wait3A_1003 = arith.constant 750 : i32
      %dma_wait3A_1004 = arith.constant 0 : i32
      %dma_wait3A_1005 = tpu.memref_slice %dma_wait3A_1002[%dma_wait3A_1003, %dma_wait3A_1004] : memref<800x32xf32, #tpu.memory_space<vmem>> -> memref<50x32xf32, #tpu.memory_space<vmem>>
      %dma_wait3A_1006 = arith.constant 0 : i32
      %dma_wait3A_1007 = arith.constant 0 : i32
      %dma_wait3A_1008 = tpu.memref_slice %arg5[%dma_wait3A_996, %dma_wait3A_1006, %dma_wait3A_1007] : memref<2x16x50xi32, #tpu.memory_space<vmem>> -> memref<1x16x50xi32, #tpu.memory_space<vmem>>
      %dma_wait3A_1009 = tpu.memref_squeeze %dma_wait3A_1008 : memref<1x16x50xi32, #tpu.memory_space<vmem>> -> memref<16x50xi32, #tpu.memory_space<vmem>>
      %dma_wait3A_1010 = arith.constant 0 : i32
      %dma_wait3A_1011 = tpu.memref_slice %dma_wait3A_1009[%dma_wait3A_997, %dma_wait3A_1010] : memref<16x50xi32, #tpu.memory_space<vmem>> -> memref<1x50xi32, #tpu.memory_space<vmem>>
      %dma_wait3A_1012 = tpu.memref_squeeze %dma_wait3A_1011 : memref<1x50xi32, #tpu.memory_space<vmem>> -> memref<50xi32, #tpu.memory_space<vmem>>
      %dma_wait3A_1013 = arith.constant 0 : i32
      %dma_wait3A_1014 = arith.constant 0 : i32
      %dma_wait3A_1015 = tpu.memref_slice %arg2[%dma_wait3A_1013, %dma_wait3A_1014] : memref<1000001x32xf32, #tpu.memory_space<hbm>> -> memref<1000001x32xf32, #tpu.memory_space<hbm>>
      tpu.wait_indirect_dma semaphore(%arg8 : memref<!tpu.dma_semaphore, #tpu.memory_space<semaphore_mem>>) src(%dma_wait3A_1015 : memref<1000001x32xf32, #tpu.memory_space<hbm>>) dst(%dma_wait3A_1005 : memref<50x32xf32, #tpu.memory_space<vmem>>)
      %gt3A = arith.constant 0 : i32
      %gt3A_1016 = arith.cmpi sgt, %mul3A_368, %gt3A : i32
      %convert_element_type3A = arith.extui %gt3A_1016 : i1 to i32
      %cond3A = arith.constant 0 : i32
      %cond3A_1017 = arith.cmpi ne, %convert_element_type3A, %cond3A : i32
      scf.if %cond3A_1017 {
        %mul3A_1379 = arith.constant 16 : i32
        %mul3A_1380 = arith.muli %mul3A_368, %mul3A_1379 : i32
        %add3A_1381 = arith.addi %mul3A_2, %mul3A_1380 : i32
        %multiple_of3A_1382 = tpu.assume_multiple %add3A_1381, 8 : i32
        %dma_wait3A_1383 = arith.constant 0 : i32
        %dma_wait3A_1384 = tpu.memref_slice %arg4[%dma_wait3A_1383, %multiple_of3A_1382] : memref<1600x16384xf32, #tpu.memory_space<hbm>> -> memref<1600x16xf32, #tpu.memory_space<hbm>>
        %dma_wait3A_1385 = arith.constant 0 : i32
        %dma_wait3A_1386 = tpu.memref_slice %arg4[%dma_wait3A_1385, %multiple_of3A_1382] : memref<1600x16384xf32, #tpu.memory_space<hbm>> -> memref<1600x16xf32, #tpu.memory_space<hbm>>
        tpu.wait_dma2 semaphore(%arg9 : memref<!tpu.dma_semaphore, #tpu.memory_space<semaphore_mem>>) src(%arg7 : memref<1600x16xf32, #tpu.memory_space<vmem>>) dst(%dma_wait3A_1386 : memref<1600x16xf32, #tpu.memory_space<hbm>>)
      } else {
      }
      %scan3A_1018 = arith.constant 0 : i32
      %scan3A_1019 = arith.constant 0 : i32
      %scan3A_1020 = arith.constant 0 : i32
      %scan3A_1021 = arith.constant 50 : i32
      %scan3A_1022 = arith.addi %scan3A_1020, %scan3A_1021 : i32
      %scan3A_1023 = arith.constant 1 : i32
      scf.for %scan3A_1379 = %scan3A_1020 to %scan3A_1022 step %scan3A_1023  : i32 {
        %mul3A_1380 = arith.constant 32 : i32
        %mul3A_1381 = arith.muli %scan3A_1379, %mul3A_1380 : i32
        %add3A_1382 = arith.constant 0 : i32
        %add3A_1383 = arith.addi %mul3A_1381, %add3A_1382 : i32
        %add3A_1384 = vector.broadcast %add3A_1383 : i32 to vector<16xi32>
        %add3A_1385 = arith.addi %iota3A, %add3A_1384 : vector<16xi32>
        %add3A_1386 = arith.constant 0 : i32
        %add3A_1387 = arith.addi %add3A_1386, %scan3A_1379 : i32
        %get3A = arith.constant 0 : i32
        %get3A_1388 = arith.constant 0 : i32
        %get3A_1389 = tpu.memref_slice %arg6[%scan3A_1019, %get3A, %get3A_1388] : memref<2x800x32xf32, #tpu.memory_space<vmem>> -> memref<1x800x32xf32, #tpu.memory_space<vmem>>
        %get3A_1390 = tpu.memref_squeeze %get3A_1389 : memref<1x800x32xf32, #tpu.memory_space<vmem>> -> memref<800x32xf32, #tpu.memory_space<vmem>>
        %get3A_1391 = arith.index_cast %add3A_1387 : i32 to index
        %get3A_1392 = arith.constant 0 : index
        %get3A_1393 = tpu.vector_load %get3A_1390[%get3A_1391, %get3A_1392] {strides = array<i32>} : memref<800x32xf32, #tpu.memory_space<vmem>>, vector<16xf32>,
        tpu.vector_store_idx %arg7[%add3A_1385, %broadcast_in_dim3A_3], %get3A_1393 : memref<1600x16xf32, #tpu.memory_space<vmem>>[vector<16xi32>, vector<16xi32>], vector<16xf32>,
        %add3A_1394 = arith.constant 50 : i32
        %add3A_1395 = arith.addi %add3A_1394, %scan3A_1379 : i32
        %get3A_1396 = arith.constant 0 : i32
        %get3A_1397 = arith.constant 0 : i32
        %get3A_1398 = tpu.memref_slice %arg6[%scan3A_1019, %get3A_1396, %get3A_1397] : memref<2x800x32xf32, #tpu.memory_space<vmem>> -> memref<1x800x32xf32, #tpu.memory_space<vmem>>
        %get3A_1399 = tpu.memref_squeeze %get3A_1398 : memref<1x800x32xf32, #tpu.memory_space<vmem>> -> memref<800x32xf32, #tpu.memory_space<vmem>>
        %get3A_1400 = arith.index_cast %add3A_1395 : i32 to index
        %get3A_1401 = arith.constant 0 : index
        %get3A_1402 = tpu.vector_load %get3A_1399[%get3A_1400, %get3A_1401] {strides = array<i32>} : memref<800x32xf32, #tpu.memory_space<vmem>>, vector<16xf32>,
        tpu.vector_store_idx %arg7[%add3A_1385, %broadcast_in_dim3A_5], %get3A_1402 : memref<1600x16xf32, #tpu.memory_space<vmem>>[vector<16xi32>, vector<16xi32>], vector<16xf32>,
        %add3A_1403 = arith.constant 100 : i32
        %add3A_1404 = arith.addi %add3A_1403, %scan3A_1379 : i32
        %get3A_1405 = arith.constant 0 : i32
        %get3A_1406 = arith.constant 0 : i32
        %get3A_1407 = tpu.memref_slice %arg6[%scan3A_1019, %get3A_1405, %get3A_1406] : memref<2x800x32xf32, #tpu.memory_space<vmem>> -> memref<1x800x32xf32, #tpu.memory_space<vmem>>
        %get3A_1408 = tpu.memref_squeeze %get3A_1407 : memref<1x800x32xf32, #tpu.memory_space<vmem>> -> memref<800x32xf32, #tpu.memory_space<vmem>>
        %get3A_1409 = arith.index_cast %add3A_1404 : i32 to index
        %get3A_1410 = arith.constant 0 : index
        %get3A_1411 = tpu.vector_load %get3A_1408[%get3A_1409, %get3A_1410] {strides = array<i32>} : memref<800x32xf32, #tpu.memory_space<vmem>>, vector<16xf32>,
        tpu.vector_store_idx %arg7[%add3A_1385, %broadcast_in_dim3A_7], %get3A_1411 : memref<1600x16xf32, #tpu.memory_space<vmem>>[vector<16xi32>, vector<16xi32>], vector<16xf32>,
        %add3A_1412 = arith.constant 150 : i32
        %add3A_1413 = arith.addi %add3A_1412, %scan3A_1379 : i32
        %get3A_1414 = arith.constant 0 : i32
        %get3A_1415 = arith.constant 0 : i32
        %get3A_1416 = tpu.memref_slice %arg6[%scan3A_1019, %get3A_1414, %get3A_1415] : memref<2x800x32xf32, #tpu.memory_space<vmem>> -> memref<1x800x32xf32, #tpu.memory_space<vmem>>
        %get3A_1417 = tpu.memref_squeeze %get3A_1416 : memref<1x800x32xf32, #tpu.memory_space<vmem>> -> memref<800x32xf32, #tpu.memory_space<vmem>>
        %get3A_1418 = arith.index_cast %add3A_1413 : i32 to index
        %get3A_1419 = arith.constant 0 : index
        %get3A_1420 = tpu.vector_load %get3A_1417[%get3A_1418, %get3A_1419] {strides = array<i32>} : memref<800x32xf32, #tpu.memory_space<vmem>>, vector<16xf32>,
        tpu.vector_store_idx %arg7[%add3A_1385, %broadcast_in_dim3A_9], %get3A_1420 : memref<1600x16xf32, #tpu.memory_space<vmem>>[vector<16xi32>, vector<16xi32>], vector<16xf32>,
        %add3A_1421 = arith.constant 200 : i32
        %add3A_1422 = arith.addi %add3A_1421, %scan3A_1379 : i32
        %get3A_1423 = arith.constant 0 : i32
        %get3A_1424 = arith.constant 0 : i32
        %get3A_1425 = tpu.memref_slice %arg6[%scan3A_1019, %get3A_1423, %get3A_1424] : memref<2x800x32xf32, #tpu.memory_space<vmem>> -> memref<1x800x32xf32, #tpu.memory_space<vmem>>
        %get3A_1426 = tpu.memref_squeeze %get3A_1425 : memref<1x800x32xf32, #tpu.memory_space<vmem>> -> memref<800x32xf32, #tpu.memory_space<vmem>>
        %get3A_1427 = arith.index_cast %add3A_1422 : i32 to index
        %get3A_1428 = arith.constant 0 : index
        %get3A_1429 = tpu.vector_load %get3A_1426[%get3A_1427, %get3A_1428] {strides = array<i32>} : memref<800x32xf32, #tpu.memory_space<vmem>>, vector<16xf32>,
        tpu.vector_store_idx %arg7[%add3A_1385, %broadcast_in_dim3A_11], %get3A_1429 : memref<1600x16xf32, #tpu.memory_space<vmem>>[vector<16xi32>, vector<16xi32>], vector<16xf32>,
        %add3A_1430 = arith.constant 250 : i32
        %add3A_1431 = arith.addi %add3A_1430, %scan3A_1379 : i32
        %get3A_1432 = arith.constant 0 : i32
        %get3A_1433 = arith.constant 0 : i32
        %get3A_1434 = tpu.memref_slice %arg6[%scan3A_1019, %get3A_1432, %get3A_1433] : memref<2x800x32xf32, #tpu.memory_space<vmem>> -> memref<1x800x32xf32, #tpu.memory_space<vmem>>
        %get3A_1435 = tpu.memref_squeeze %get3A_1434 : memref<1x800x32xf32, #tpu.memory_space<vmem>> -> memref<800x32xf32, #tpu.memory_space<vmem>>
        %get3A_1436 = arith.index_cast %add3A_1431 : i32 to index
        %get3A_1437 = arith.constant 0 : index
        %get3A_1438 = tpu.vector_load %get3A_1435[%get3A_1436, %get3A_1437] {strides = array<i32>} : memref<800x32xf32, #tpu.memory_space<vmem>>, vector<16xf32>,
        tpu.vector_store_idx %arg7[%add3A_1385, %broadcast_in_dim3A_13], %get3A_1438 : memref<1600x16xf32, #tpu.memory_space<vmem>>[vector<16xi32>, vector<16xi32>], vector<16xf32>,
        %add3A_1439 = arith.constant 300 : i32
        %add3A_1440 = arith.addi %add3A_1439, %scan3A_1379 : i32
        %get3A_1441 = arith.constant 0 : i32
        %get3A_1442 = arith.constant 0 : i32
        %get3A_1443 = tpu.memref_slice %arg6[%scan3A_1019, %get3A_1441, %get3A_1442] : memref<2x800x32xf32, #tpu.memory_space<vmem>> -> memref<1x800x32xf32, #tpu.memory_space<vmem>>
        %get3A_1444 = tpu.memref_squeeze %get3A_1443 : memref<1x800x32xf32, #tpu.memory_space<vmem>> -> memref<800x32xf32, #tpu.memory_space<vmem>>
        %get3A_1445 = arith.index_cast %add3A_1440 : i32 to index
        %get3A_1446 = arith.constant 0 : index
        %get3A_1447 = tpu.vector_load %get3A_1444[%get3A_1445, %get3A_1446] {strides = array<i32>} : memref<800x32xf32, #tpu.memory_space<vmem>>, vector<16xf32>,
        tpu.vector_store_idx %arg7[%add3A_1385, %broadcast_in_dim3A_15], %get3A_1447 : memref<1600x16xf32, #tpu.memory_space<vmem>>[vector<16xi32>, vector<16xi32>], vector<16xf32>,
        %add3A_1448 = arith.constant 350 : i32
        %add3A_1449 = arith.addi %add3A_1448, %scan3A_1379 : i32
        %get3A_1450 = arith.constant 0 : i32
        %get3A_1451 = arith.constant 0 : i32
        %get3A_1452 = tpu.memref_slice %arg6[%scan3A_1019, %get3A_1450, %get3A_1451] : memref<2x800x32xf32, #tpu.memory_space<vmem>> -> memref<1x800x32xf32, #tpu.memory_space<vmem>>
        %get3A_1453 = tpu.memref_squeeze %get3A_1452 : memref<1x800x32xf32, #tpu.memory_space<vmem>> -> memref<800x32xf32, #tpu.memory_space<vmem>>
        %get3A_1454 = arith.index_cast %add3A_1449 : i32 to index
        %get3A_1455 = arith.constant 0 : index
        %get3A_1456 = tpu.vector_load %get3A_1453[%get3A_1454, %get3A_1455] {strides = array<i32>} : memref<800x32xf32, #tpu.memory_space<vmem>>, vector<16xf32>,
        tpu.vector_store_idx %arg7[%add3A_1385, %broadcast_in_dim3A_17], %get3A_1456 : memref<1600x16xf32, #tpu.memory_space<vmem>>[vector<16xi32>, vector<16xi32>], vector<16xf32>,
        %add3A_1457 = arith.constant 400 : i32
        %add3A_1458 = arith.addi %add3A_1457, %scan3A_1379 : i32
        %get3A_1459 = arith.constant 0 : i32
        %get3A_1460 = arith.constant 0 : i32
        %get3A_1461 = tpu.memref_slice %arg6[%scan3A_1019, %get3A_1459, %get3A_1460] : memref<2x800x32xf32, #tpu.memory_space<vmem>> -> memref<1x800x32xf32, #tpu.memory_space<vmem>>
        %get3A_1462 = tpu.memref_squeeze %get3A_1461 : memref<1x800x32xf32, #tpu.memory_space<vmem>> -> memref<800x32xf32, #tpu.memory_space<vmem>>
        %get3A_1463 = arith.index_cast %add3A_1458 : i32 to index
        %get3A_1464 = arith.constant 0 : index
        %get3A_1465 = tpu.vector_load %get3A_1462[%get3A_1463, %get3A_1464] {strides = array<i32>} : memref<800x32xf32, #tpu.memory_space<vmem>>, vector<16xf32>,
        tpu.vector_store_idx %arg7[%add3A_1385, %broadcast_in_dim3A_19], %get3A_1465 : memref<1600x16xf32, #tpu.memory_space<vmem>>[vector<16xi32>, vector<16xi32>], vector<16xf32>,
        %add3A_1466 = arith.constant 450 : i32
        %add3A_1467 = arith.addi %add3A_1466, %scan3A_1379 : i32
        %get3A_1468 = arith.constant 0 : i32
        %get3A_1469 = arith.constant 0 : i32
        %get3A_1470 = tpu.memref_slice %arg6[%scan3A_1019, %get3A_1468, %get3A_1469] : memref<2x800x32xf32, #tpu.memory_space<vmem>> -> memref<1x800x32xf32, #tpu.memory_space<vmem>>
        %get3A_1471 = tpu.memref_squeeze %get3A_1470 : memref<1x800x32xf32, #tpu.memory_space<vmem>> -> memref<800x32xf32, #tpu.memory_space<vmem>>
        %get3A_1472 = arith.index_cast %add3A_1467 : i32 to index
        %get3A_1473 = arith.constant 0 : index
        %get3A_1474 = tpu.vector_load %get3A_1471[%get3A_1472, %get3A_1473] {strides = array<i32>} : memref<800x32xf32, #tpu.memory_space<vmem>>, vector<16xf32>,
        tpu.vector_store_idx %arg7[%add3A_1385, %broadcast_in_dim3A_21], %get3A_1474 : memref<1600x16xf32, #tpu.memory_space<vmem>>[vector<16xi32>, vector<16xi32>], vector<16xf32>,
        %add3A_1475 = arith.constant 500 : i32
        %add3A_1476 = arith.addi %add3A_1475, %scan3A_1379 : i32
        %get3A_1477 = arith.constant 0 : i32
        %get3A_1478 = arith.constant 0 : i32
        %get3A_1479 = tpu.memref_slice %arg6[%scan3A_1019, %get3A_1477, %get3A_1478] : memref<2x800x32xf32, #tpu.memory_space<vmem>> -> memref<1x800x32xf32, #tpu.memory_space<vmem>>
        %get3A_1480 = tpu.memref_squeeze %get3A_1479 : memref<1x800x32xf32, #tpu.memory_space<vmem>> -> memref<800x32xf32, #tpu.memory_space<vmem>>
        %get3A_1481 = arith.index_cast %add3A_1476 : i32 to index
        %get3A_1482 = arith.constant 0 : index
        %get3A_1483 = tpu.vector_load %get3A_1480[%get3A_1481, %get3A_1482] {strides = array<i32>} : memref<800x32xf32, #tpu.memory_space<vmem>>, vector<16xf32>,
        tpu.vector_store_idx %arg7[%add3A_1385, %broadcast_in_dim3A_23], %get3A_1483 : memref<1600x16xf32, #tpu.memory_space<vmem>>[vector<16xi32>, vector<16xi32>], vector<16xf32>,
        %add3A_1484 = arith.constant 550 : i32
        %add3A_1485 = arith.addi %add3A_1484, %scan3A_1379 : i32
        %get3A_1486 = arith.constant 0 : i32
        %get3A_1487 = arith.constant 0 : i32
        %get3A_1488 = tpu.memref_slice %arg6[%scan3A_1019, %get3A_1486, %get3A_1487] : memref<2x800x32xf32, #tpu.memory_space<vmem>> -> memref<1x800x32xf32, #tpu.memory_space<vmem>>
        %get3A_1489 = tpu.memref_squeeze %get3A_1488 : memref<1x800x32xf32, #tpu.memory_space<vmem>> -> memref<800x32xf32, #tpu.memory_space<vmem>>
        %get3A_1490 = arith.index_cast %add3A_1485 : i32 to index
        %get3A_1491 = arith.constant 0 : index
        %get3A_1492 = tpu.vector_load %get3A_1489[%get3A_1490, %get3A_1491] {strides = array<i32>} : memref<800x32xf32, #tpu.memory_space<vmem>>, vector<16xf32>,
        tpu.vector_store_idx %arg7[%add3A_1385, %broadcast_in_dim3A_25], %get3A_1492 : memref<1600x16xf32, #tpu.memory_space<vmem>>[vector<16xi32>, vector<16xi32>], vector<16xf32>,
        %add3A_1493 = arith.constant 600 : i32
        %add3A_1494 = arith.addi %add3A_1493, %scan3A_1379 : i32
        %get3A_1495 = arith.constant 0 : i32
        %get3A_1496 = arith.constant 0 : i32
        %get3A_1497 = tpu.memref_slice %arg6[%scan3A_1019, %get3A_1495, %get3A_1496] : memref<2x800x32xf32, #tpu.memory_space<vmem>> -> memref<1x800x32xf32, #tpu.memory_space<vmem>>
        %get3A_1498 = tpu.memref_squeeze %get3A_1497 : memref<1x800x32xf32, #tpu.memory_space<vmem>> -> memref<800x32xf32, #tpu.memory_space<vmem>>
        %get3A_1499 = arith.index_cast %add3A_1494 : i32 to index
        %get3A_1500 = arith.constant 0 : index
        %get3A_1501 = tpu.vector_load %get3A_1498[%get3A_1499, %get3A_1500] {strides = array<i32>} : memref<800x32xf32, #tpu.memory_space<vmem>>, vector<16xf32>,
        tpu.vector_store_idx %arg7[%add3A_1385, %broadcast_in_dim3A_27], %get3A_1501 : memref<1600x16xf32, #tpu.memory_space<vmem>>[vector<16xi32>, vector<16xi32>], vector<16xf32>,
        %add3A_1502 = arith.constant 650 : i32
        %add3A_1503 = arith.addi %add3A_1502, %scan3A_1379 : i32
        %get3A_1504 = arith.constant 0 : i32
        %get3A_1505 = arith.constant 0 : i32
        %get3A_1506 = tpu.memref_slice %arg6[%scan3A_1019, %get3A_1504, %get3A_1505] : memref<2x800x32xf32, #tpu.memory_space<vmem>> -> memref<1x800x32xf32, #tpu.memory_space<vmem>>
        %get3A_1507 = tpu.memref_squeeze %get3A_1506 : memref<1x800x32xf32, #tpu.memory_space<vmem>> -> memref<800x32xf32, #tpu.memory_space<vmem>>
        %get3A_1508 = arith.index_cast %add3A_1503 : i32 to index
        %get3A_1509 = arith.constant 0 : index
        %get3A_1510 = tpu.vector_load %get3A_1507[%get3A_1508, %get3A_1509] {strides = array<i32>} : memref<800x32xf32, #tpu.memory_space<vmem>>, vector<16xf32>,
        tpu.vector_store_idx %arg7[%add3A_1385, %broadcast_in_dim3A_29], %get3A_1510 : memref<1600x16xf32, #tpu.memory_space<vmem>>[vector<16xi32>, vector<16xi32>], vector<16xf32>,
        %add3A_1511 = arith.constant 700 : i32
        %add3A_1512 = arith.addi %add3A_1511, %scan3A_1379 : i32
        %get3A_1513 = arith.constant 0 : i32
        %get3A_1514 = arith.constant 0 : i32
        %get3A_1515 = tpu.memref_slice %arg6[%scan3A_1019, %get3A_1513, %get3A_1514] : memref<2x800x32xf32, #tpu.memory_space<vmem>> -> memref<1x800x32xf32, #tpu.memory_space<vmem>>
        %get3A_1516 = tpu.memref_squeeze %get3A_1515 : memref<1x800x32xf32, #tpu.memory_space<vmem>> -> memref<800x32xf32, #tpu.memory_space<vmem>>
        %get3A_1517 = arith.index_cast %add3A_1512 : i32 to index
        %get3A_1518 = arith.constant 0 : index
        %get3A_1519 = tpu.vector_load %get3A_1516[%get3A_1517, %get3A_1518] {strides = array<i32>} : memref<800x32xf32, #tpu.memory_space<vmem>>, vector<16xf32>,
        tpu.vector_store_idx %arg7[%add3A_1385, %broadcast_in_dim3A_31], %get3A_1519 : memref<1600x16xf32, #tpu.memory_space<vmem>>[vector<16xi32>, vector<16xi32>], vector<16xf32>,
        %add3A_1520 = arith.constant 750 : i32
        %add3A_1521 = arith.addi %add3A_1520, %scan3A_1379 : i32
        %get3A_1522 = arith.constant 0 : i32
        %get3A_1523 = arith.constant 0 : i32
        %get3A_1524 = tpu.memref_slice %arg6[%scan3A_1019, %get3A_1522, %get3A_1523] : memref<2x800x32xf32, #tpu.memory_space<vmem>> -> memref<1x800x32xf32, #tpu.memory_space<vmem>>
        %get3A_1525 = tpu.memref_squeeze %get3A_1524 : memref<1x800x32xf32, #tpu.memory_space<vmem>> -> memref<800x32xf32, #tpu.memory_space<vmem>>
        %get3A_1526 = arith.index_cast %add3A_1521 : i32 to index
        %get3A_1527 = arith.constant 0 : index
        %get3A_1528 = tpu.vector_load %get3A_1525[%get3A_1526, %get3A_1527] {strides = array<i32>} : memref<800x32xf32, #tpu.memory_space<vmem>>, vector<16xf32>,
        tpu.vector_store_idx %arg7[%add3A_1385, %broadcast_in_dim3A_33], %get3A_1528 : memref<1600x16xf32, #tpu.memory_space<vmem>>[vector<16xi32>, vector<16xi32>], vector<16xf32>,
        %mul3A_1529 = arith.constant 32 : i32
        %mul3A_1530 = arith.muli %scan3A_1379, %mul3A_1529 : i32
        %add3A_1531 = arith.constant 16 : i32
        %add3A_1532 = arith.addi %mul3A_1530, %add3A_1531 : i32
        %add3A_1533 = vector.broadcast %add3A_1532 : i32 to vector<16xi32>
        %add3A_1534 = arith.addi %iota3A, %add3A_1533 : vector<16xi32>
        %add3A_1535 = arith.constant 0 : i32
        %add3A_1536 = arith.addi %add3A_1535, %scan3A_1379 : i32
        %get3A_1537 = arith.constant 0 : i32
        %get3A_1538 = arith.constant 0 : i32
        %get3A_1539 = tpu.memref_slice %arg6[%scan3A_1019, %get3A_1537, %get3A_1538] : memref<2x800x32xf32, #tpu.memory_space<vmem>> -> memref<1x800x32xf32, #tpu.memory_space<vmem>>
        %get3A_1540 = tpu.memref_squeeze %get3A_1539 : memref<1x800x32xf32, #tpu.memory_space<vmem>> -> memref<800x32xf32, #tpu.memory_space<vmem>>
        %get3A_1541 = arith.index_cast %add3A_1536 : i32 to index
        %get3A_1542 = arith.constant 16 : index
        %get3A_1543 = tpu.vector_load %get3A_1540[%get3A_1541, %get3A_1542] {strides = array<i32>} : memref<800x32xf32, #tpu.memory_space<vmem>>, vector<16xf32>,
        tpu.vector_store_idx %arg7[%add3A_1534, %broadcast_in_dim3A_3], %get3A_1543 : memref<1600x16xf32, #tpu.memory_space<vmem>>[vector<16xi32>, vector<16xi32>], vector<16xf32>,
        %add3A_1544 = arith.constant 50 : i32
        %add3A_1545 = arith.addi %add3A_1544, %scan3A_1379 : i32
        %get3A_1546 = arith.constant 0 : i32
        %get3A_1547 = arith.constant 0 : i32
        %get3A_1548 = tpu.memref_slice %arg6[%scan3A_1019, %get3A_1546, %get3A_1547] : memref<2x800x32xf32, #tpu.memory_space<vmem>> -> memref<1x800x32xf32, #tpu.memory_space<vmem>>
        %get3A_1549 = tpu.memref_squeeze %get3A_1548 : memref<1x800x32xf32, #tpu.memory_space<vmem>> -> memref<800x32xf32, #tpu.memory_space<vmem>>
        %get3A_1550 = arith.index_cast %add3A_1545 : i32 to index
        %get3A_1551 = arith.constant 16 : index
        %get3A_1552 = tpu.vector_load %get3A_1549[%get3A_1550, %get3A_1551] {strides = array<i32>} : memref<800x32xf32, #tpu.memory_space<vmem>>, vector<16xf32>,
        tpu.vector_store_idx %arg7[%add3A_1534, %broadcast_in_dim3A_5], %get3A_1552 : memref<1600x16xf32, #tpu.memory_space<vmem>>[vector<16xi32>, vector<16xi32>], vector<16xf32>,
        %add3A_1553 = arith.constant 100 : i32
        %add3A_1554 = arith.addi %add3A_1553, %scan3A_1379 : i32
        %get3A_1555 = arith.constant 0 : i32
        %get3A_1556 = arith.constant 0 : i32
        %get3A_1557 = tpu.memref_slice %arg6[%scan3A_1019, %get3A_1555, %get3A_1556] : memref<2x800x32xf32, #tpu.memory_space<vmem>> -> memref<1x800x32xf32, #tpu.memory_space<vmem>>
        %get3A_1558 = tpu.memref_squeeze %get3A_1557 : memref<1x800x32xf32, #tpu.memory_space<vmem>> -> memref<800x32xf32, #tpu.memory_space<vmem>>
        %get3A_1559 = arith.index_cast %add3A_1554 : i32 to index
        %get3A_1560 = arith.constant 16 : index
        %get3A_1561 = tpu.vector_load %get3A_1558[%get3A_1559, %get3A_1560] {strides = array<i32>} : memref<800x32xf32, #tpu.memory_space<vmem>>, vector<16xf32>,
        tpu.vector_store_idx %arg7[%add3A_1534, %broadcast_in_dim3A_7], %get3A_1561 : memref<1600x16xf32, #tpu.memory_space<vmem>>[vector<16xi32>, vector<16xi32>], vector<16xf32>,
        %add3A_1562 = arith.constant 150 : i32
        %add3A_1563 = arith.addi %add3A_1562, %scan3A_1379 : i32
        %get3A_1564 = arith.constant 0 : i32
        %get3A_1565 = arith.constant 0 : i32
        %get3A_1566 = tpu.memref_slice %arg6[%scan3A_1019, %get3A_1564, %get3A_1565] : memref<2x800x32xf32, #tpu.memory_space<vmem>> -> memref<1x800x32xf32, #tpu.memory_space<vmem>>
        %get3A_1567 = tpu.memref_squeeze %get3A_1566 : memref<1x800x32xf32, #tpu.memory_space<vmem>> -> memref<800x32xf32, #tpu.memory_space<vmem>>
        %get3A_1568 = arith.index_cast %add3A_1563 : i32 to index
        %get3A_1569 = arith.constant 16 : index
        %get3A_1570 = tpu.vector_load %get3A_1567[%get3A_1568, %get3A_1569] {strides = array<i32>} : memref<800x32xf32, #tpu.memory_space<vmem>>, vector<16xf32>,
        tpu.vector_store_idx %arg7[%add3A_1534, %broadcast_in_dim3A_9], %get3A_1570 : memref<1600x16xf32, #tpu.memory_space<vmem>>[vector<16xi32>, vector<16xi32>], vector<16xf32>,
        %add3A_1571 = arith.constant 200 : i32
        %add3A_1572 = arith.addi %add3A_1571, %scan3A_1379 : i32
        %get3A_1573 = arith.constant 0 : i32
        %get3A_1574 = arith.constant 0 : i32
        %get3A_1575 = tpu.memref_slice %arg6[%scan3A_1019, %get3A_1573, %get3A_1574] : memref<2x800x32xf32, #tpu.memory_space<vmem>> -> memref<1x800x32xf32, #tpu.memory_space<vmem>>
        %get3A_1576 = tpu.memref_squeeze %get3A_1575 : memref<1x800x32xf32, #tpu.memory_space<vmem>> -> memref<800x32xf32, #tpu.memory_space<vmem>>
        %get3A_1577 = arith.index_cast %add3A_1572 : i32 to index
        %get3A_1578 = arith.constant 16 : index
        %get3A_1579 = tpu.vector_load %get3A_1576[%get3A_1577, %get3A_1578] {strides = array<i32>} : memref<800x32xf32, #tpu.memory_space<vmem>>, vector<16xf32>,
        tpu.vector_store_idx %arg7[%add3A_1534, %broadcast_in_dim3A_11], %get3A_1579 : memref<1600x16xf32, #tpu.memory_space<vmem>>[vector<16xi32>, vector<16xi32>], vector<16xf32>,
        %add3A_1580 = arith.constant 250 : i32
        %add3A_1581 = arith.addi %add3A_1580, %scan3A_1379 : i32
        %get3A_1582 = arith.constant 0 : i32
        %get3A_1583 = arith.constant 0 : i32
        %get3A_1584 = tpu.memref_slice %arg6[%scan3A_1019, %get3A_1582, %get3A_1583] : memref<2x800x32xf32, #tpu.memory_space<vmem>> -> memref<1x800x32xf32, #tpu.memory_space<vmem>>
        %get3A_1585 = tpu.memref_squeeze %get3A_1584 : memref<1x800x32xf32, #tpu.memory_space<vmem>> -> memref<800x32xf32, #tpu.memory_space<vmem>>
        %get3A_1586 = arith.index_cast %add3A_1581 : i32 to index
        %get3A_1587 = arith.constant 16 : index
        %get3A_1588 = tpu.vector_load %get3A_1585[%get3A_1586, %get3A_1587] {strides = array<i32>} : memref<800x32xf32, #tpu.memory_space<vmem>>, vector<16xf32>,
        tpu.vector_store_idx %arg7[%add3A_1534, %broadcast_in_dim3A_13], %get3A_1588 : memref<1600x16xf32, #tpu.memory_space<vmem>>[vector<16xi32>, vector<16xi32>], vector<16xf32>,
        %add3A_1589 = arith.constant 300 : i32
        %add3A_1590 = arith.addi %add3A_1589, %scan3A_1379 : i32
        %get3A_1591 = arith.constant 0 : i32
        %get3A_1592 = arith.constant 0 : i32
        %get3A_1593 = tpu.memref_slice %arg6[%scan3A_1019, %get3A_1591, %get3A_1592] : memref<2x800x32xf32, #tpu.memory_space<vmem>> -> memref<1x800x32xf32, #tpu.memory_space<vmem>>
        %get3A_1594 = tpu.memref_squeeze %get3A_1593 : memref<1x800x32xf32, #tpu.memory_space<vmem>> -> memref<800x32xf32, #tpu.memory_space<vmem>>
        %get3A_1595 = arith.index_cast %add3A_1590 : i32 to index
        %get3A_1596 = arith.constant 16 : index
        %get3A_1597 = tpu.vector_load %get3A_1594[%get3A_1595, %get3A_1596] {strides = array<i32>} : memref<800x32xf32, #tpu.memory_space<vmem>>, vector<16xf32>,
        tpu.vector_store_idx %arg7[%add3A_1534, %broadcast_in_dim3A_15], %get3A_1597 : memref<1600x16xf32, #tpu.memory_space<vmem>>[vector<16xi32>, vector<16xi32>], vector<16xf32>,
        %add3A_1598 = arith.constant 350 : i32
        %add3A_1599 = arith.addi %add3A_1598, %scan3A_1379 : i32
        %get3A_1600 = arith.constant 0 : i32
        %get3A_1601 = arith.constant 0 : i32
        %get3A_1602 = tpu.memref_slice %arg6[%scan3A_1019, %get3A_1600, %get3A_1601] : memref<2x800x32xf32, #tpu.memory_space<vmem>> -> memref<1x800x32xf32, #tpu.memory_space<vmem>>
        %get3A_1603 = tpu.memref_squeeze %get3A_1602 : memref<1x800x32xf32, #tpu.memory_space<vmem>> -> memref<800x32xf32, #tpu.memory_space<vmem>>
        %get3A_1604 = arith.index_cast %add3A_1599 : i32 to index
        %get3A_1605 = arith.constant 16 : index
        %get3A_1606 = tpu.vector_load %get3A_1603[%get3A_1604, %get3A_1605] {strides = array<i32>} : memref<800x32xf32, #tpu.memory_space<vmem>>, vector<16xf32>,
        tpu.vector_store_idx %arg7[%add3A_1534, %broadcast_in_dim3A_17], %get3A_1606 : memref<1600x16xf32, #tpu.memory_space<vmem>>[vector<16xi32>, vector<16xi32>], vector<16xf32>,
        %add3A_1607 = arith.constant 400 : i32
        %add3A_1608 = arith.addi %add3A_1607, %scan3A_1379 : i32
        %get3A_1609 = arith.constant 0 : i32
        %get3A_1610 = arith.constant 0 : i32
        %get3A_1611 = tpu.memref_slice %arg6[%scan3A_1019, %get3A_1609, %get3A_1610] : memref<2x800x32xf32, #tpu.memory_space<vmem>> -> memref<1x800x32xf32, #tpu.memory_space<vmem>>
        %get3A_1612 = tpu.memref_squeeze %get3A_1611 : memref<1x800x32xf32, #tpu.memory_space<vmem>> -> memref<800x32xf32, #tpu.memory_space<vmem>>
        %get3A_1613 = arith.index_cast %add3A_1608 : i32 to index
        %get3A_1614 = arith.constant 16 : index
        %get3A_1615 = tpu.vector_load %get3A_1612[%get3A_1613, %get3A_1614] {strides = array<i32>} : memref<800x32xf32, #tpu.memory_space<vmem>>, vector<16xf32>,
        tpu.vector_store_idx %arg7[%add3A_1534, %broadcast_in_dim3A_19], %get3A_1615 : memref<1600x16xf32, #tpu.memory_space<vmem>>[vector<16xi32>, vector<16xi32>], vector<16xf32>,
        %add3A_1616 = arith.constant 450 : i32
        %add3A_1617 = arith.addi %add3A_1616, %scan3A_1379 : i32
        %get3A_1618 = arith.constant 0 : i32
        %get3A_1619 = arith.constant 0 : i32
        %get3A_1620 = tpu.memref_slice %arg6[%scan3A_1019, %get3A_1618, %get3A_1619] : memref<2x800x32xf32, #tpu.memory_space<vmem>> -> memref<1x800x32xf32, #tpu.memory_space<vmem>>
        %get3A_1621 = tpu.memref_squeeze %get3A_1620 : memref<1x800x32xf32, #tpu.memory_space<vmem>> -> memref<800x32xf32, #tpu.memory_space<vmem>>
        %get3A_1622 = arith.index_cast %add3A_1617 : i32 to index
        %get3A_1623 = arith.constant 16 : index
        %get3A_1624 = tpu.vector_load %get3A_1621[%get3A_1622, %get3A_1623] {strides = array<i32>} : memref<800x32xf32, #tpu.memory_space<vmem>>, vector<16xf32>,
        tpu.vector_store_idx %arg7[%add3A_1534, %broadcast_in_dim3A_21], %get3A_1624 : memref<1600x16xf32, #tpu.memory_space<vmem>>[vector<16xi32>, vector<16xi32>], vector<16xf32>,
        %add3A_1625 = arith.constant 500 : i32
        %add3A_1626 = arith.addi %add3A_1625, %scan3A_1379 : i32
        %get3A_1627 = arith.constant 0 : i32
        %get3A_1628 = arith.constant 0 : i32
        %get3A_1629 = tpu.memref_slice %arg6[%scan3A_1019, %get3A_1627, %get3A_1628] : memref<2x800x32xf32, #tpu.memory_space<vmem>> -> memref<1x800x32xf32, #tpu.memory_space<vmem>>
        %get3A_1630 = tpu.memref_squeeze %get3A_1629 : memref<1x800x32xf32, #tpu.memory_space<vmem>> -> memref<800x32xf32, #tpu.memory_space<vmem>>
        %get3A_1631 = arith.index_cast %add3A_1626 : i32 to index
        %get3A_1632 = arith.constant 16 : index
        %get3A_1633 = tpu.vector_load %get3A_1630[%get3A_1631, %get3A_1632] {strides = array<i32>} : memref<800x32xf32, #tpu.memory_space<vmem>>, vector<16xf32>,
        tpu.vector_store_idx %arg7[%add3A_1534, %broadcast_in_dim3A_23], %get3A_1633 : memref<1600x16xf32, #tpu.memory_space<vmem>>[vector<16xi32>, vector<16xi32>], vector<16xf32>,
        %add3A_1634 = arith.constant 550 : i32
        %add3A_1635 = arith.addi %add3A_1634, %scan3A_1379 : i32
        %get3A_1636 = arith.constant 0 : i32
        %get3A_1637 = arith.constant 0 : i32
        %get3A_1638 = tpu.memref_slice %arg6[%scan3A_1019, %get3A_1636, %get3A_1637] : memref<2x800x32xf32, #tpu.memory_space<vmem>> -> memref<1x800x32xf32, #tpu.memory_space<vmem>>
        %get3A_1639 = tpu.memref_squeeze %get3A_1638 : memref<1x800x32xf32, #tpu.memory_space<vmem>> -> memref<800x32xf32, #tpu.memory_space<vmem>>
        %get3A_1640 = arith.index_cast %add3A_1635 : i32 to index
        %get3A_1641 = arith.constant 16 : index
        %get3A_1642 = tpu.vector_load %get3A_1639[%get3A_1640, %get3A_1641] {strides = array<i32>} : memref<800x32xf32, #tpu.memory_space<vmem>>, vector<16xf32>,
        tpu.vector_store_idx %arg7[%add3A_1534, %broadcast_in_dim3A_25], %get3A_1642 : memref<1600x16xf32, #tpu.memory_space<vmem>>[vector<16xi32>, vector<16xi32>], vector<16xf32>,
        %add3A_1643 = arith.constant 600 : i32
        %add3A_1644 = arith.addi %add3A_1643, %scan3A_1379 : i32
        %get3A_1645 = arith.constant 0 : i32
        %get3A_1646 = arith.constant 0 : i32
        %get3A_1647 = tpu.memref_slice %arg6[%scan3A_1019, %get3A_1645, %get3A_1646] : memref<2x800x32xf32, #tpu.memory_space<vmem>> -> memref<1x800x32xf32, #tpu.memory_space<vmem>>
        %get3A_1648 = tpu.memref_squeeze %get3A_1647 : memref<1x800x32xf32, #tpu.memory_space<vmem>> -> memref<800x32xf32, #tpu.memory_space<vmem>>
        %get3A_1649 = arith.index_cast %add3A_1644 : i32 to index
        %get3A_1650 = arith.constant 16 : index
        %get3A_1651 = tpu.vector_load %get3A_1648[%get3A_1649, %get3A_1650] {strides = array<i32>} : memref<800x32xf32, #tpu.memory_space<vmem>>, vector<16xf32>,
        tpu.vector_store_idx %arg7[%add3A_1534, %broadcast_in_dim3A_27], %get3A_1651 : memref<1600x16xf32, #tpu.memory_space<vmem>>[vector<16xi32>, vector<16xi32>], vector<16xf32>,
        %add3A_1652 = arith.constant 650 : i32
        %add3A_1653 = arith.addi %add3A_1652, %scan3A_1379 : i32
        %get3A_1654 = arith.constant 0 : i32
        %get3A_1655 = arith.constant 0 : i32
        %get3A_1656 = tpu.memref_slice %arg6[%scan3A_1019, %get3A_1654, %get3A_1655] : memref<2x800x32xf32, #tpu.memory_space<vmem>> -> memref<1x800x32xf32, #tpu.memory_space<vmem>>
        %get3A_1657 = tpu.memref_squeeze %get3A_1656 : memref<1x800x32xf32, #tpu.memory_space<vmem>> -> memref<800x32xf32, #tpu.memory_space<vmem>>
        %get3A_1658 = arith.index_cast %add3A_1653 : i32 to index
        %get3A_1659 = arith.constant 16 : index
        %get3A_1660 = tpu.vector_load %get3A_1657[%get3A_1658, %get3A_1659] {strides = array<i32>} : memref<800x32xf32, #tpu.memory_space<vmem>>, vector<16xf32>,
        tpu.vector_store_idx %arg7[%add3A_1534, %broadcast_in_dim3A_29], %get3A_1660 : memref<1600x16xf32, #tpu.memory_space<vmem>>[vector<16xi32>, vector<16xi32>], vector<16xf32>,
        %add3A_1661 = arith.constant 700 : i32
        %add3A_1662 = arith.addi %add3A_1661, %scan3A_1379 : i32
        %get3A_1663 = arith.constant 0 : i32
        %get3A_1664 = arith.constant 0 : i32
        %get3A_1665 = tpu.memref_slice %arg6[%scan3A_1019, %get3A_1663, %get3A_1664] : memref<2x800x32xf32, #tpu.memory_space<vmem>> -> memref<1x800x32xf32, #tpu.memory_space<vmem>>
        %get3A_1666 = tpu.memref_squeeze %get3A_1665 : memref<1x800x32xf32, #tpu.memory_space<vmem>> -> memref<800x32xf32, #tpu.memory_space<vmem>>
        %get3A_1667 = arith.index_cast %add3A_1662 : i32 to index
        %get3A_1668 = arith.constant 16 : index
        %get3A_1669 = tpu.vector_load %get3A_1666[%get3A_1667, %get3A_1668] {strides = array<i32>} : memref<800x32xf32, #tpu.memory_space<vmem>>, vector<16xf32>,
        tpu.vector_store_idx %arg7[%add3A_1534, %broadcast_in_dim3A_31], %get3A_1669 : memref<1600x16xf32, #tpu.memory_space<vmem>>[vector<16xi32>, vector<16xi32>], vector<16xf32>,
        %add3A_1670 = arith.constant 750 : i32
        %add3A_1671 = arith.addi %add3A_1670, %scan3A_1379 : i32
        %get3A_1672 = arith.constant 0 : i32
        %get3A_1673 = arith.constant 0 : i32
        %get3A_1674 = tpu.memref_slice %arg6[%scan3A_1019, %get3A_1672, %get3A_1673] : memref<2x800x32xf32, #tpu.memory_space<vmem>> -> memref<1x800x32xf32, #tpu.memory_space<vmem>>
        %get3A_1675 = tpu.memref_squeeze %get3A_1674 : memref<1x800x32xf32, #tpu.memory_space<vmem>> -> memref<800x32xf32, #tpu.memory_space<vmem>>
        %get3A_1676 = arith.index_cast %add3A_1671 : i32 to index
        %get3A_1677 = arith.constant 16 : index
        %get3A_1678 = tpu.vector_load %get3A_1675[%get3A_1676, %get3A_1677] {strides = array<i32>} : memref<800x32xf32, #tpu.memory_space<vmem>>, vector<16xf32>,
        tpu.vector_store_idx %arg7[%add3A_1534, %broadcast_in_dim3A_33], %get3A_1678 : memref<1600x16xf32, #tpu.memory_space<vmem>>[vector<16xi32>, vector<16xi32>], vector<16xf32>,
      }
      %scan3A_1024 = arith.constant 50 : i32
      %mul3A_1025 = arith.constant 16 : i32
      %mul3A_1026 = arith.muli %mul3A_368, %mul3A_1025 : i32
      %add3A_1027 = arith.addi %mul3A_2, %mul3A_1026 : i32
      %multiple_of3A_1028 = tpu.assume_multiple %add3A_1027, 8 : i32
      %dma_start3A_1029 = arith.constant 0 : i32
      %dma_start3A_1030 = tpu.memref_slice %arg4[%dma_start3A_1029, %multiple_of3A_1028] : memref<1600x16384xf32, #tpu.memory_space<hbm>> -> memref<1600x16xf32, #tpu.memory_space<hbm>>
      %dma_start3A_1031 = arith.constant 0 : i32
      %dma_start3A_1032 = tpu.memref_slice %arg4[%dma_start3A_1031, %multiple_of3A_1028] : memref<1600x16384xf32, #tpu.memory_space<hbm>> -> memref<1600x16xf32, #tpu.memory_space<hbm>>
      tpu.enqueue_dma source(%arg7 : memref<1600x16xf32, #tpu.memory_space<vmem>>) target(%dma_start3A_1032 : memref<1600x16xf32, #tpu.memory_space<hbm>>) target_semaphore(%arg9 : memref<!tpu.dma_semaphore, #tpu.memory_space<semaphore_mem>>)
      %add3A_1033 = arith.constant 2 : i32
      %add3A_1034 = arith.addi %mul3A_368, %add3A_1033 : i32
      %lt3A = arith.constant 32 : i32
      %lt3A_1035 = arith.cmpi slt, %add3A_1034, %lt3A : i32
      %convert_element_type3A_1036 = arith.extui %lt3A_1035 : i1 to i32
      %cond3A_1037 = arith.constant 0 : i32
      %cond3A_1038 = arith.cmpi ne, %convert_element_type3A_1036, %cond3A_1037 : i32
      scf.if %cond3A_1038 {
        %add3A_1379 = arith.constant 2 : i32
        %add3A_1380 = arith.addi %mul3A_368, %add3A_1379 : i32
        %mul3A_1381 = arith.constant 16 : i32
        %mul3A_1382 = arith.muli %add3A_1380, %mul3A_1381 : i32
        %add3A_1383 = arith.addi %mul3A_2, %mul3A_1382 : i32
        %multiple_of3A_1384 = tpu.assume_multiple %add3A_1383, 8 : i32
        %run_scoped3A_1385 = arith.constant 0 : i32
        "tpu.region"() ({
          %run_scoped3A_1706 = tpu.sem_alloc : memref<!tpu.dma_semaphore, #tpu.memory_space<semaphore_mem>>
          %dma_start3A_1707 = arith.constant 0 : i32
          %dma_start3A_1708 = arith.constant 0 : i32
          %dma_start3A_1709 = tpu.memref_slice %arg5[%run_scoped3A_1385, %dma_start3A_1707, %dma_start3A_1708] : memref<2x16x50xi32, #tpu.memory_space<vmem>> -> memref<1x16x50xi32, #tpu.memory_space<vmem>>
          %dma_start3A_1710 = tpu.memref_squeeze %dma_start3A_1709 : memref<1x16x50xi32, #tpu.memory_space<vmem>> -> memref<16x50xi32, #tpu.memory_space<vmem>>
          %dma_start3A_1711 = arith.constant 0 : i32
          %dma_start3A_1712 = tpu.memref_slice %arg3[%multiple_of3A_1384, %dma_start3A_1711] : memref<16384x50xi32, #tpu.memory_space<hbm>> -> memref<16x50xi32, #tpu.memory_space<hbm>>
          %dma_start3A_1713 = arith.constant 0 : i32
          %dma_start3A_1714 = arith.constant 0 : i32
          %dma_start3A_1715 = tpu.memref_slice %arg5[%run_scoped3A_1385, %dma_start3A_1713, %dma_start3A_1714] : memref<2x16x50xi32, #tpu.memory_space<vmem>> -> memref<1x16x50xi32, #tpu.memory_space<vmem>>
          %dma_start3A_1716 = tpu.memref_squeeze %dma_start3A_1715 : memref<1x16x50xi32, #tpu.memory_space<vmem>> -> memref<16x50xi32, #tpu.memory_space<vmem>>
          %dma_start3A_1717 = arith.constant 0 : i32
          %dma_start3A_1718 = tpu.memref_slice %arg3[%multiple_of3A_1384, %dma_start3A_1717] : memref<16384x50xi32, #tpu.memory_space<hbm>> -> memref<16x50xi32, #tpu.memory_space<hbm>>
          tpu.enqueue_dma source(%dma_start3A_1718 : memref<16x50xi32, #tpu.memory_space<hbm>>) target(%dma_start3A_1716 : memref<16x50xi32, #tpu.memory_space<vmem>>) target_semaphore(%run_scoped3A_1706 : memref<!tpu.dma_semaphore, #tpu.memory_space<semaphore_mem>>)
          %dma_wait3A_1719 = arith.constant 0 : i32
          %dma_wait3A_1720 = arith.constant 0 : i32
          %dma_wait3A_1721 = tpu.memref_slice %arg5[%run_scoped3A_1385, %dma_wait3A_1719, %dma_wait3A_1720] : memref<2x16x50xi32, #tpu.memory_space<vmem>> -> memref<1x16x50xi32, #tpu.memory_space<vmem>>
          %dma_wait3A_1722 = tpu.memref_squeeze %dma_wait3A_1721 : memref<1x16x50xi32, #tpu.memory_space<vmem>> -> memref<16x50xi32, #tpu.memory_space<vmem>>
          %dma_wait3A_1723 = arith.constant 0 : i32
          %dma_wait3A_1724 = tpu.memref_slice %arg3[%multiple_of3A_1384, %dma_wait3A_1723] : memref<16384x50xi32, #tpu.memory_space<hbm>> -> memref<16x50xi32, #tpu.memory_space<hbm>>
          %dma_wait3A_1725 = arith.constant 0 : i32
          %dma_wait3A_1726 = arith.constant 0 : i32
          %dma_wait3A_1727 = tpu.memref_slice %arg5[%run_scoped3A_1385, %dma_wait3A_1725, %dma_wait3A_1726] : memref<2x16x50xi32, #tpu.memory_space<vmem>> -> memref<1x16x50xi32, #tpu.memory_space<vmem>>
          %dma_wait3A_1728 = tpu.memref_squeeze %dma_wait3A_1727 : memref<1x16x50xi32, #tpu.memory_space<vmem>> -> memref<16x50xi32, #tpu.memory_space<vmem>>
          %dma_wait3A_1729 = arith.constant 0 : i32
          %dma_wait3A_1730 = tpu.memref_slice %arg3[%multiple_of3A_1384, %dma_wait3A_1729] : memref<16384x50xi32, #tpu.memory_space<hbm>> -> memref<16x50xi32, #tpu.memory_space<hbm>>
          tpu.wait_dma2 semaphore(%run_scoped3A_1706 : memref<!tpu.dma_semaphore, #tpu.memory_space<semaphore_mem>>) src(%dma_wait3A_1730 : memref<16x50xi32, #tpu.memory_space<hbm>>) dst(%dma_wait3A_1728 : memref<16x50xi32, #tpu.memory_space<vmem>>)
          tpu.yield
        }) : () -> ()
        %dma_start3A_1386 = arith.constant 0 : i32
        %dma_start3A_1387 = arith.constant 0 : i32
        %dma_start3A_1388 = arith.constant 0 : i32
        %dma_start3A_1389 = arith.constant 0 : i32
        %dma_start3A_1390 = arith.constant 0 : i32
        %dma_start3A_1391 = tpu.memref_slice %arg6[%dma_start3A_1388, %dma_start3A_1389, %dma_start3A_1390] : memref<2x800x32xf32, #tpu.memory_space<vmem>> -> memref<1x800x32xf32, #tpu.memory_space<vmem>>
        %dma_start3A_1392 = tpu.memref_squeeze %dma_start3A_1391 : memref<1x800x32xf32, #tpu.memory_space<vmem>> -> memref<800x32xf32, #tpu.memory_space<vmem>>
        %dma_start3A_1393 = arith.constant 0 : i32
        %dma_start3A_1394 = arith.constant 0 : i32
        %dma_start3A_1395 = tpu.memref_slice %dma_start3A_1392[%dma_start3A_1393, %dma_start3A_1394] : memref<800x32xf32, #tpu.memory_space<vmem>> -> memref<50x32xf32, #tpu.memory_space<vmem>>
        %dma_start3A_1396 = arith.constant 0 : i32
        %dma_start3A_1397 = arith.constant 0 : i32
        %dma_start3A_1398 = tpu.memref_slice %arg5[%dma_start3A_1386, %dma_start3A_1396, %dma_start3A_1397] : memref<2x16x50xi32, #tpu.memory_space<vmem>> -> memref<1x16x50xi32, #tpu.memory_space<vmem>>
        %dma_start3A_1399 = tpu.memref_squeeze %dma_start3A_1398 : memref<1x16x50xi32, #tpu.memory_space<vmem>> -> memref<16x50xi32, #tpu.memory_space<vmem>>
        %dma_start3A_1400 = arith.constant 0 : i32
        %dma_start3A_1401 = tpu.memref_slice %dma_start3A_1399[%dma_start3A_1387, %dma_start3A_1400] : memref<16x50xi32, #tpu.memory_space<vmem>> -> memref<1x50xi32, #tpu.memory_space<vmem>>
        %dma_start3A_1402 = tpu.memref_squeeze %dma_start3A_1401 : memref<1x50xi32, #tpu.memory_space<vmem>> -> memref<50xi32, #tpu.memory_space<vmem>>
        %dma_start3A_1403 = arith.constant 0 : i32
        %dma_start3A_1404 = arith.constant 0 : i32
        %dma_start3A_1405 = tpu.memref_slice %arg2[%dma_start3A_1403, %dma_start3A_1404] : memref<1000001x32xf32, #tpu.memory_space<hbm>> -> memref<1000001x32xf32, #tpu.memory_space<hbm>>
        tpu.enqueue_indirect_dma source(%dma_start3A_1405 : memref<1000001x32xf32, #tpu.memory_space<hbm>>) target(%dma_start3A_1395 : memref<50x32xf32, #tpu.memory_space<vmem>>) offsets(%dma_start3A_1402 : memref<50xi32, #tpu.memory_space<vmem>>) semaphore(%arg8 : memref<!tpu.dma_semaphore, #tpu.memory_space<semaphore_mem>>)
        %dma_start3A_1406 = arith.constant 0 : i32
        %dma_start3A_1407 = arith.constant 1 : i32
        %dma_start3A_1408 = arith.constant 0 : i32
        %dma_start3A_1409 = arith.constant 0 : i32
        %dma_start3A_1410 = arith.constant 0 : i32
        %dma_start3A_1411 = tpu.memref_slice %arg6[%dma_start3A_1408, %dma_start3A_1409, %dma_start3A_1410] : memref<2x800x32xf32, #tpu.memory_space<vmem>> -> memref<1x800x32xf32, #tpu.memory_space<vmem>>
        %dma_start3A_1412 = tpu.memref_squeeze %dma_start3A_1411 : memref<1x800x32xf32, #tpu.memory_space<vmem>> -> memref<800x32xf32, #tpu.memory_space<vmem>>
        %dma_start3A_1413 = arith.constant 50 : i32
        %dma_start3A_1414 = arith.constant 0 : i32
        %dma_start3A_1415 = tpu.memref_slice %dma_start3A_1412[%dma_start3A_1413, %dma_start3A_1414] : memref<800x32xf32, #tpu.memory_space<vmem>> -> memref<50x32xf32, #tpu.memory_space<vmem>>
        %dma_start3A_1416 = arith.constant 0 : i32
        %dma_start3A_1417 = arith.constant 0 : i32
        %dma_start3A_1418 = tpu.memref_slice %arg5[%dma_start3A_1406, %dma_start3A_1416, %dma_start3A_1417] : memref<2x16x50xi32, #tpu.memory_space<vmem>> -> memref<1x16x50xi32, #tpu.memory_space<vmem>>
        %dma_start3A_1419 = tpu.memref_squeeze %dma_start3A_1418 : memref<1x16x50xi32, #tpu.memory_space<vmem>> -> memref<16x50xi32, #tpu.memory_space<vmem>>
        %dma_start3A_1420 = arith.constant 0 : i32
        %dma_start3A_1421 = tpu.memref_slice %dma_start3A_1419[%dma_start3A_1407, %dma_start3A_1420] : memref<16x50xi32, #tpu.memory_space<vmem>> -> memref<1x50xi32, #tpu.memory_space<vmem>>
        %dma_start3A_1422 = tpu.memref_squeeze %dma_start3A_1421 : memref<1x50xi32, #tpu.memory_space<vmem>> -> memref<50xi32, #tpu.memory_space<vmem>>
        %dma_start3A_1423 = arith.constant 0 : i32
        %dma_start3A_1424 = arith.constant 0 : i32
        %dma_start3A_1425 = tpu.memref_slice %arg2[%dma_start3A_1423, %dma_start3A_1424] : memref<1000001x32xf32, #tpu.memory_space<hbm>> -> memref<1000001x32xf32, #tpu.memory_space<hbm>>
        tpu.enqueue_indirect_dma source(%dma_start3A_1425 : memref<1000001x32xf32, #tpu.memory_space<hbm>>) target(%dma_start3A_1415 : memref<50x32xf32, #tpu.memory_space<vmem>>) offsets(%dma_start3A_1422 : memref<50xi32, #tpu.memory_space<vmem>>) semaphore(%arg8 : memref<!tpu.dma_semaphore, #tpu.memory_space<semaphore_mem>>)
        %dma_start3A_1426 = arith.constant 0 : i32
        %dma_start3A_1427 = arith.constant 2 : i32
        %dma_start3A_1428 = arith.constant 0 : i32
        %dma_start3A_1429 = arith.constant 0 : i32
        %dma_start3A_1430 = arith.constant 0 : i32
        %dma_start3A_1431 = tpu.memref_slice %arg6[%dma_start3A_1428, %dma_start3A_1429, %dma_start3A_1430] : memref<2x800x32xf32, #tpu.memory_space<vmem>> -> memref<1x800x32xf32, #tpu.memory_space<vmem>>
        %dma_start3A_1432 = tpu.memref_squeeze %dma_start3A_1431 : memref<1x800x32xf32, #tpu.memory_space<vmem>> -> memref<800x32xf32, #tpu.memory_space<vmem>>
        %dma_start3A_1433 = arith.constant 100 : i32
        %dma_start3A_1434 = arith.constant 0 : i32
        %dma_start3A_1435 = tpu.memref_slice %dma_start3A_1432[%dma_start3A_1433, %dma_start3A_1434] : memref<800x32xf32, #tpu.memory_space<vmem>> -> memref<50x32xf32, #tpu.memory_space<vmem>>
        %dma_start3A_1436 = arith.constant 0 : i32
        %dma_start3A_1437 = arith.constant 0 : i32
        %dma_start3A_1438 = tpu.memref_slice %arg5[%dma_start3A_1426, %dma_start3A_1436, %dma_start3A_1437] : memref<2x16x50xi32, #tpu.memory_space<vmem>> -> memref<1x16x50xi32, #tpu.memory_space<vmem>>
        %dma_start3A_1439 = tpu.memref_squeeze %dma_start3A_1438 : memref<1x16x50xi32, #tpu.memory_space<vmem>> -> memref<16x50xi32, #tpu.memory_space<vmem>>
        %dma_start3A_1440 = arith.constant 0 : i32
        %dma_start3A_1441 = tpu.memref_slice %dma_start3A_1439[%dma_start3A_1427, %dma_start3A_1440] : memref<16x50xi32, #tpu.memory_space<vmem>> -> memref<1x50xi32, #tpu.memory_space<vmem>>
        %dma_start3A_1442 = tpu.memref_squeeze %dma_start3A_1441 : memref<1x50xi32, #tpu.memory_space<vmem>> -> memref<50xi32, #tpu.memory_space<vmem>>
        %dma_start3A_1443 = arith.constant 0 : i32
        %dma_start3A_1444 = arith.constant 0 : i32
        %dma_start3A_1445 = tpu.memref_slice %arg2[%dma_start3A_1443, %dma_start3A_1444] : memref<1000001x32xf32, #tpu.memory_space<hbm>> -> memref<1000001x32xf32, #tpu.memory_space<hbm>>
        tpu.enqueue_indirect_dma source(%dma_start3A_1445 : memref<1000001x32xf32, #tpu.memory_space<hbm>>) target(%dma_start3A_1435 : memref<50x32xf32, #tpu.memory_space<vmem>>) offsets(%dma_start3A_1442 : memref<50xi32, #tpu.memory_space<vmem>>) semaphore(%arg8 : memref<!tpu.dma_semaphore, #tpu.memory_space<semaphore_mem>>)
        %dma_start3A_1446 = arith.constant 0 : i32
        %dma_start3A_1447 = arith.constant 3 : i32
        %dma_start3A_1448 = arith.constant 0 : i32
        %dma_start3A_1449 = arith.constant 0 : i32
        %dma_start3A_1450 = arith.constant 0 : i32
        %dma_start3A_1451 = tpu.memref_slice %arg6[%dma_start3A_1448, %dma_start3A_1449, %dma_start3A_1450] : memref<2x800x32xf32, #tpu.memory_space<vmem>> -> memref<1x800x32xf32, #tpu.memory_space<vmem>>
        %dma_start3A_1452 = tpu.memref_squeeze %dma_start3A_1451 : memref<1x800x32xf32, #tpu.memory_space<vmem>> -> memref<800x32xf32, #tpu.memory_space<vmem>>
        %dma_start3A_1453 = arith.constant 150 : i32
        %dma_start3A_1454 = arith.constant 0 : i32
        %dma_start3A_1455 = tpu.memref_slice %dma_start3A_1452[%dma_start3A_1453, %dma_start3A_1454] : memref<800x32xf32, #tpu.memory_space<vmem>> -> memref<50x32xf32, #tpu.memory_space<vmem>>
        %dma_start3A_1456 = arith.constant 0 : i32
        %dma_start3A_1457 = arith.constant 0 : i32
        %dma_start3A_1458 = tpu.memref_slice %arg5[%dma_start3A_1446, %dma_start3A_1456, %dma_start3A_1457] : memref<2x16x50xi32, #tpu.memory_space<vmem>> -> memref<1x16x50xi32, #tpu.memory_space<vmem>>
        %dma_start3A_1459 = tpu.memref_squeeze %dma_start3A_1458 : memref<1x16x50xi32, #tpu.memory_space<vmem>> -> memref<16x50xi32, #tpu.memory_space<vmem>>
        %dma_start3A_1460 = arith.constant 0 : i32
        %dma_start3A_1461 = tpu.memref_slice %dma_start3A_1459[%dma_start3A_1447, %dma_start3A_1460] : memref<16x50xi32, #tpu.memory_space<vmem>> -> memref<1x50xi32, #tpu.memory_space<vmem>>
        %dma_start3A_1462 = tpu.memref_squeeze %dma_start3A_1461 : memref<1x50xi32, #tpu.memory_space<vmem>> -> memref<50xi32, #tpu.memory_space<vmem>>
        %dma_start3A_1463 = arith.constant 0 : i32
        %dma_start3A_1464 = arith.constant 0 : i32
        %dma_start3A_1465 = tpu.memref_slice %arg2[%dma_start3A_1463, %dma_start3A_1464] : memref<1000001x32xf32, #tpu.memory_space<hbm>> -> memref<1000001x32xf32, #tpu.memory_space<hbm>>
        tpu.enqueue_indirect_dma source(%dma_start3A_1465 : memref<1000001x32xf32, #tpu.memory_space<hbm>>) target(%dma_start3A_1455 : memref<50x32xf32, #tpu.memory_space<vmem>>) offsets(%dma_start3A_1462 : memref<50xi32, #tpu.memory_space<vmem>>) semaphore(%arg8 : memref<!tpu.dma_semaphore, #tpu.memory_space<semaphore_mem>>)
        %dma_start3A_1466 = arith.constant 0 : i32
        %dma_start3A_1467 = arith.constant 4 : i32
        %dma_start3A_1468 = arith.constant 0 : i32
        %dma_start3A_1469 = arith.constant 0 : i32
        %dma_start3A_1470 = arith.constant 0 : i32
        %dma_start3A_1471 = tpu.memref_slice %arg6[%dma_start3A_1468, %dma_start3A_1469, %dma_start3A_1470] : memref<2x800x32xf32, #tpu.memory_space<vmem>> -> memref<1x800x32xf32, #tpu.memory_space<vmem>>
        %dma_start3A_1472 = tpu.memref_squeeze %dma_start3A_1471 : memref<1x800x32xf32, #tpu.memory_space<vmem>> -> memref<800x32xf32, #tpu.memory_space<vmem>>
        %dma_start3A_1473 = arith.constant 200 : i32
        %dma_start3A_1474 = arith.constant 0 : i32
        %dma_start3A_1475 = tpu.memref_slice %dma_start3A_1472[%dma_start3A_1473, %dma_start3A_1474] : memref<800x32xf32, #tpu.memory_space<vmem>> -> memref<50x32xf32, #tpu.memory_space<vmem>>
        %dma_start3A_1476 = arith.constant 0 : i32
        %dma_start3A_1477 = arith.constant 0 : i32
        %dma_start3A_1478 = tpu.memref_slice %arg5[%dma_start3A_1466, %dma_start3A_1476, %dma_start3A_1477] : memref<2x16x50xi32, #tpu.memory_space<vmem>> -> memref<1x16x50xi32, #tpu.memory_space<vmem>>
        %dma_start3A_1479 = tpu.memref_squeeze %dma_start3A_1478 : memref<1x16x50xi32, #tpu.memory_space<vmem>> -> memref<16x50xi32, #tpu.memory_space<vmem>>
        %dma_start3A_1480 = arith.constant 0 : i32
        %dma_start3A_1481 = tpu.memref_slice %dma_start3A_1479[%dma_start3A_1467, %dma_start3A_1480] : memref<16x50xi32, #tpu.memory_space<vmem>> -> memref<1x50xi32, #tpu.memory_space<vmem>>
        %dma_start3A_1482 = tpu.memref_squeeze %dma_start3A_1481 : memref<1x50xi32, #tpu.memory_space<vmem>> -> memref<50xi32, #tpu.memory_space<vmem>>
        %dma_start3A_1483 = arith.constant 0 : i32
        %dma_start3A_1484 = arith.constant 0 : i32
        %dma_start3A_1485 = tpu.memref_slice %arg2[%dma_start3A_1483, %dma_start3A_1484] : memref<1000001x32xf32, #tpu.memory_space<hbm>> -> memref<1000001x32xf32, #tpu.memory_space<hbm>>
        tpu.enqueue_indirect_dma source(%dma_start3A_1485 : memref<1000001x32xf32, #tpu.memory_space<hbm>>) target(%dma_start3A_1475 : memref<50x32xf32, #tpu.memory_space<vmem>>) offsets(%dma_start3A_1482 : memref<50xi32, #tpu.memory_space<vmem>>) semaphore(%arg8 : memref<!tpu.dma_semaphore, #tpu.memory_space<semaphore_mem>>)
        %dma_start3A_1486 = arith.constant 0 : i32
        %dma_start3A_1487 = arith.constant 5 : i32
        %dma_start3A_1488 = arith.constant 0 : i32
        %dma_start3A_1489 = arith.constant 0 : i32
        %dma_start3A_1490 = arith.constant 0 : i32
        %dma_start3A_1491 = tpu.memref_slice %arg6[%dma_start3A_1488, %dma_start3A_1489, %dma_start3A_1490] : memref<2x800x32xf32, #tpu.memory_space<vmem>> -> memref<1x800x32xf32, #tpu.memory_space<vmem>>
        %dma_start3A_1492 = tpu.memref_squeeze %dma_start3A_1491 : memref<1x800x32xf32, #tpu.memory_space<vmem>> -> memref<800x32xf32, #tpu.memory_space<vmem>>
        %dma_start3A_1493 = arith.constant 250 : i32
        %dma_start3A_1494 = arith.constant 0 : i32
        %dma_start3A_1495 = tpu.memref_slice %dma_start3A_1492[%dma_start3A_1493, %dma_start3A_1494] : memref<800x32xf32, #tpu.memory_space<vmem>> -> memref<50x32xf32, #tpu.memory_space<vmem>>
        %dma_start3A_1496 = arith.constant 0 : i32
        %dma_start3A_1497 = arith.constant 0 : i32
        %dma_start3A_1498 = tpu.memref_slice %arg5[%dma_start3A_1486, %dma_start3A_1496, %dma_start3A_1497] : memref<2x16x50xi32, #tpu.memory_space<vmem>> -> memref<1x16x50xi32, #tpu.memory_space<vmem>>
        %dma_start3A_1499 = tpu.memref_squeeze %dma_start3A_1498 : memref<1x16x50xi32, #tpu.memory_space<vmem>> -> memref<16x50xi32, #tpu.memory_space<vmem>>
        %dma_start3A_1500 = arith.constant 0 : i32
        %dma_start3A_1501 = tpu.memref_slice %dma_start3A_1499[%dma_start3A_1487, %dma_start3A_1500] : memref<16x50xi32, #tpu.memory_space<vmem>> -> memref<1x50xi32, #tpu.memory_space<vmem>>
        %dma_start3A_1502 = tpu.memref_squeeze %dma_start3A_1501 : memref<1x50xi32, #tpu.memory_space<vmem>> -> memref<50xi32, #tpu.memory_space<vmem>>
        %dma_start3A_1503 = arith.constant 0 : i32
        %dma_start3A_1504 = arith.constant 0 : i32
        %dma_start3A_1505 = tpu.memref_slice %arg2[%dma_start3A_1503, %dma_start3A_1504] : memref<1000001x32xf32, #tpu.memory_space<hbm>> -> memref<1000001x32xf32, #tpu.memory_space<hbm>>
        tpu.enqueue_indirect_dma source(%dma_start3A_1505 : memref<1000001x32xf32, #tpu.memory_space<hbm>>) target(%dma_start3A_1495 : memref<50x32xf32, #tpu.memory_space<vmem>>) offsets(%dma_start3A_1502 : memref<50xi32, #tpu.memory_space<vmem>>) semaphore(%arg8 : memref<!tpu.dma_semaphore, #tpu.memory_space<semaphore_mem>>)
        %dma_start3A_1506 = arith.constant 0 : i32
        %dma_start3A_1507 = arith.constant 6 : i32
        %dma_start3A_1508 = arith.constant 0 : i32
        %dma_start3A_1509 = arith.constant 0 : i32
        %dma_start3A_1510 = arith.constant 0 : i32
        %dma_start3A_1511 = tpu.memref_slice %arg6[%dma_start3A_1508, %dma_start3A_1509, %dma_start3A_1510] : memref<2x800x32xf32, #tpu.memory_space<vmem>> -> memref<1x800x32xf32, #tpu.memory_space<vmem>>
        %dma_start3A_1512 = tpu.memref_squeeze %dma_start3A_1511 : memref<1x800x32xf32, #tpu.memory_space<vmem>> -> memref<800x32xf32, #tpu.memory_space<vmem>>
        %dma_start3A_1513 = arith.constant 300 : i32
        %dma_start3A_1514 = arith.constant 0 : i32
        %dma_start3A_1515 = tpu.memref_slice %dma_start3A_1512[%dma_start3A_1513, %dma_start3A_1514] : memref<800x32xf32, #tpu.memory_space<vmem>> -> memref<50x32xf32, #tpu.memory_space<vmem>>
        %dma_start3A_1516 = arith.constant 0 : i32
        %dma_start3A_1517 = arith.constant 0 : i32
        %dma_start3A_1518 = tpu.memref_slice %arg5[%dma_start3A_1506, %dma_start3A_1516, %dma_start3A_1517] : memref<2x16x50xi32, #tpu.memory_space<vmem>> -> memref<1x16x50xi32, #tpu.memory_space<vmem>>
        %dma_start3A_1519 = tpu.memref_squeeze %dma_start3A_1518 : memref<1x16x50xi32, #tpu.memory_space<vmem>> -> memref<16x50xi32, #tpu.memory_space<vmem>>
        %dma_start3A_1520 = arith.constant 0 : i32
        %dma_start3A_1521 = tpu.memref_slice %dma_start3A_1519[%dma_start3A_1507, %dma_start3A_1520] : memref<16x50xi32, #tpu.memory_space<vmem>> -> memref<1x50xi32, #tpu.memory_space<vmem>>
        %dma_start3A_1522 = tpu.memref_squeeze %dma_start3A_1521 : memref<1x50xi32, #tpu.memory_space<vmem>> -> memref<50xi32, #tpu.memory_space<vmem>>
        %dma_start3A_1523 = arith.constant 0 : i32
        %dma_start3A_1524 = arith.constant 0 : i32
        %dma_start3A_1525 = tpu.memref_slice %arg2[%dma_start3A_1523, %dma_start3A_1524] : memref<1000001x32xf32, #tpu.memory_space<hbm>> -> memref<1000001x32xf32, #tpu.memory_space<hbm>>
        tpu.enqueue_indirect_dma source(%dma_start3A_1525 : memref<1000001x32xf32, #tpu.memory_space<hbm>>) target(%dma_start3A_1515 : memref<50x32xf32, #tpu.memory_space<vmem>>) offsets(%dma_start3A_1522 : memref<50xi32, #tpu.memory_space<vmem>>) semaphore(%arg8 : memref<!tpu.dma_semaphore, #tpu.memory_space<semaphore_mem>>)
        %dma_start3A_1526 = arith.constant 0 : i32
        %dma_start3A_1527 = arith.constant 7 : i32
        %dma_start3A_1528 = arith.constant 0 : i32
        %dma_start3A_1529 = arith.constant 0 : i32
        %dma_start3A_1530 = arith.constant 0 : i32
        %dma_start3A_1531 = tpu.memref_slice %arg6[%dma_start3A_1528, %dma_start3A_1529, %dma_start3A_1530] : memref<2x800x32xf32, #tpu.memory_space<vmem>> -> memref<1x800x32xf32, #tpu.memory_space<vmem>>
        %dma_start3A_1532 = tpu.memref_squeeze %dma_start3A_1531 : memref<1x800x32xf32, #tpu.memory_space<vmem>> -> memref<800x32xf32, #tpu.memory_space<vmem>>
        %dma_start3A_1533 = arith.constant 350 : i32
        %dma_start3A_1534 = arith.constant 0 : i32
        %dma_start3A_1535 = tpu.memref_slice %dma_start3A_1532[%dma_start3A_1533, %dma_start3A_1534] : memref<800x32xf32, #tpu.memory_space<vmem>> -> memref<50x32xf32, #tpu.memory_space<vmem>>
        %dma_start3A_1536 = arith.constant 0 : i32
        %dma_start3A_1537 = arith.constant 0 : i32
        %dma_start3A_1538 = tpu.memref_slice %arg5[%dma_start3A_1526, %dma_start3A_1536, %dma_start3A_1537] : memref<2x16x50xi32, #tpu.memory_space<vmem>> -> memref<1x16x50xi32, #tpu.memory_space<vmem>>
        %dma_start3A_1539 = tpu.memref_squeeze %dma_start3A_1538 : memref<1x16x50xi32, #tpu.memory_space<vmem>> -> memref<16x50xi32, #tpu.memory_space<vmem>>
        %dma_start3A_1540 = arith.constant 0 : i32
        %dma_start3A_1541 = tpu.memref_slice %dma_start3A_1539[%dma_start3A_1527, %dma_start3A_1540] : memref<16x50xi32, #tpu.memory_space<vmem>> -> memref<1x50xi32, #tpu.memory_space<vmem>>
        %dma_start3A_1542 = tpu.memref_squeeze %dma_start3A_1541 : memref<1x50xi32, #tpu.memory_space<vmem>> -> memref<50xi32, #tpu.memory_space<vmem>>
        %dma_start3A_1543 = arith.constant 0 : i32
        %dma_start3A_1544 = arith.constant 0 : i32
        %dma_start3A_1545 = tpu.memref_slice %arg2[%dma_start3A_1543, %dma_start3A_1544] : memref<1000001x32xf32, #tpu.memory_space<hbm>> -> memref<1000001x32xf32, #tpu.memory_space<hbm>>
        tpu.enqueue_indirect_dma source(%dma_start3A_1545 : memref<1000001x32xf32, #tpu.memory_space<hbm>>) target(%dma_start3A_1535 : memref<50x32xf32, #tpu.memory_space<vmem>>) offsets(%dma_start3A_1542 : memref<50xi32, #tpu.memory_space<vmem>>) semaphore(%arg8 : memref<!tpu.dma_semaphore, #tpu.memory_space<semaphore_mem>>)
        %dma_start3A_1546 = arith.constant 0 : i32
        %dma_start3A_1547 = arith.constant 8 : i32
        %dma_start3A_1548 = arith.constant 0 : i32
        %dma_start3A_1549 = arith.constant 0 : i32
        %dma_start3A_1550 = arith.constant 0 : i32
        %dma_start3A_1551 = tpu.memref_slice %arg6[%dma_start3A_1548, %dma_start3A_1549, %dma_start3A_1550] : memref<2x800x32xf32, #tpu.memory_space<vmem>> -> memref<1x800x32xf32, #tpu.memory_space<vmem>>
        %dma_start3A_1552 = tpu.memref_squeeze %dma_start3A_1551 : memref<1x800x32xf32, #tpu.memory_space<vmem>> -> memref<800x32xf32, #tpu.memory_space<vmem>>
        %dma_start3A_1553 = arith.constant 400 : i32
        %dma_start3A_1554 = arith.constant 0 : i32
        %dma_start3A_1555 = tpu.memref_slice %dma_start3A_1552[%dma_start3A_1553, %dma_start3A_1554] : memref<800x32xf32, #tpu.memory_space<vmem>> -> memref<50x32xf32, #tpu.memory_space<vmem>>
        %dma_start3A_1556 = arith.constant 0 : i32
        %dma_start3A_1557 = arith.constant 0 : i32
        %dma_start3A_1558 = tpu.memref_slice %arg5[%dma_start3A_1546, %dma_start3A_1556, %dma_start3A_1557] : memref<2x16x50xi32, #tpu.memory_space<vmem>> -> memref<1x16x50xi32, #tpu.memory_space<vmem>>
        %dma_start3A_1559 = tpu.memref_squeeze %dma_start3A_1558 : memref<1x16x50xi32, #tpu.memory_space<vmem>> -> memref<16x50xi32, #tpu.memory_space<vmem>>
        %dma_start3A_1560 = arith.constant 0 : i32
        %dma_start3A_1561 = tpu.memref_slice %dma_start3A_1559[%dma_start3A_1547, %dma_start3A_1560] : memref<16x50xi32, #tpu.memory_space<vmem>> -> memref<1x50xi32, #tpu.memory_space<vmem>>
        %dma_start3A_1562 = tpu.memref_squeeze %dma_start3A_1561 : memref<1x50xi32, #tpu.memory_space<vmem>> -> memref<50xi32, #tpu.memory_space<vmem>>
        %dma_start3A_1563 = arith.constant 0 : i32
        %dma_start3A_1564 = arith.constant 0 : i32
        %dma_start3A_1565 = tpu.memref_slice %arg2[%dma_start3A_1563, %dma_start3A_1564] : memref<1000001x32xf32, #tpu.memory_space<hbm>> -> memref<1000001x32xf32, #tpu.memory_space<hbm>>
        tpu.enqueue_indirect_dma source(%dma_start3A_1565 : memref<1000001x32xf32, #tpu.memory_space<hbm>>) target(%dma_start3A_1555 : memref<50x32xf32, #tpu.memory_space<vmem>>) offsets(%dma_start3A_1562 : memref<50xi32, #tpu.memory_space<vmem>>) semaphore(%arg8 : memref<!tpu.dma_semaphore, #tpu.memory_space<semaphore_mem>>)
        %dma_start3A_1566 = arith.constant 0 : i32
        %dma_start3A_1567 = arith.constant 9 : i32
        %dma_start3A_1568 = arith.constant 0 : i32
        %dma_start3A_1569 = arith.constant 0 : i32
        %dma_start3A_1570 = arith.constant 0 : i32
        %dma_start3A_1571 = tpu.memref_slice %arg6[%dma_start3A_1568, %dma_start3A_1569, %dma_start3A_1570] : memref<2x800x32xf32, #tpu.memory_space<vmem>> -> memref<1x800x32xf32, #tpu.memory_space<vmem>>
        %dma_start3A_1572 = tpu.memref_squeeze %dma_start3A_1571 : memref<1x800x32xf32, #tpu.memory_space<vmem>> -> memref<800x32xf32, #tpu.memory_space<vmem>>
        %dma_start3A_1573 = arith.constant 450 : i32
        %dma_start3A_1574 = arith.constant 0 : i32
        %dma_start3A_1575 = tpu.memref_slice %dma_start3A_1572[%dma_start3A_1573, %dma_start3A_1574] : memref<800x32xf32, #tpu.memory_space<vmem>> -> memref<50x32xf32, #tpu.memory_space<vmem>>
        %dma_start3A_1576 = arith.constant 0 : i32
        %dma_start3A_1577 = arith.constant 0 : i32
        %dma_start3A_1578 = tpu.memref_slice %arg5[%dma_start3A_1566, %dma_start3A_1576, %dma_start3A_1577] : memref<2x16x50xi32, #tpu.memory_space<vmem>> -> memref<1x16x50xi32, #tpu.memory_space<vmem>>
        %dma_start3A_1579 = tpu.memref_squeeze %dma_start3A_1578 : memref<1x16x50xi32, #tpu.memory_space<vmem>> -> memref<16x50xi32, #tpu.memory_space<vmem>>
        %dma_start3A_1580 = arith.constant 0 : i32
        %dma_start3A_1581 = tpu.memref_slice %dma_start3A_1579[%dma_start3A_1567, %dma_start3A_1580] : memref<16x50xi32, #tpu.memory_space<vmem>> -> memref<1x50xi32, #tpu.memory_space<vmem>>
        %dma_start3A_1582 = tpu.memref_squeeze %dma_start3A_1581 : memref<1x50xi32, #tpu.memory_space<vmem>> -> memref<50xi32, #tpu.memory_space<vmem>>
        %dma_start3A_1583 = arith.constant 0 : i32
        %dma_start3A_1584 = arith.constant 0 : i32
        %dma_start3A_1585 = tpu.memref_slice %arg2[%dma_start3A_1583, %dma_start3A_1584] : memref<1000001x32xf32, #tpu.memory_space<hbm>> -> memref<1000001x32xf32, #tpu.memory_space<hbm>>
        tpu.enqueue_indirect_dma source(%dma_start3A_1585 : memref<1000001x32xf32, #tpu.memory_space<hbm>>) target(%dma_start3A_1575 : memref<50x32xf32, #tpu.memory_space<vmem>>) offsets(%dma_start3A_1582 : memref<50xi32, #tpu.memory_space<vmem>>) semaphore(%arg8 : memref<!tpu.dma_semaphore, #tpu.memory_space<semaphore_mem>>)
        %dma_start3A_1586 = arith.constant 0 : i32
        %dma_start3A_1587 = arith.constant 10 : i32
        %dma_start3A_1588 = arith.constant 0 : i32
        %dma_start3A_1589 = arith.constant 0 : i32
        %dma_start3A_1590 = arith.constant 0 : i32
        %dma_start3A_1591 = tpu.memref_slice %arg6[%dma_start3A_1588, %dma_start3A_1589, %dma_start3A_1590] : memref<2x800x32xf32, #tpu.memory_space<vmem>> -> memref<1x800x32xf32, #tpu.memory_space<vmem>>
        %dma_start3A_1592 = tpu.memref_squeeze %dma_start3A_1591 : memref<1x800x32xf32, #tpu.memory_space<vmem>> -> memref<800x32xf32, #tpu.memory_space<vmem>>
        %dma_start3A_1593 = arith.constant 500 : i32
        %dma_start3A_1594 = arith.constant 0 : i32
        %dma_start3A_1595 = tpu.memref_slice %dma_start3A_1592[%dma_start3A_1593, %dma_start3A_1594] : memref<800x32xf32, #tpu.memory_space<vmem>> -> memref<50x32xf32, #tpu.memory_space<vmem>>
        %dma_start3A_1596 = arith.constant 0 : i32
        %dma_start3A_1597 = arith.constant 0 : i32
        %dma_start3A_1598 = tpu.memref_slice %arg5[%dma_start3A_1586, %dma_start3A_1596, %dma_start3A_1597] : memref<2x16x50xi32, #tpu.memory_space<vmem>> -> memref<1x16x50xi32, #tpu.memory_space<vmem>>
        %dma_start3A_1599 = tpu.memref_squeeze %dma_start3A_1598 : memref<1x16x50xi32, #tpu.memory_space<vmem>> -> memref<16x50xi32, #tpu.memory_space<vmem>>
        %dma_start3A_1600 = arith.constant 0 : i32
        %dma_start3A_1601 = tpu.memref_slice %dma_start3A_1599[%dma_start3A_1587, %dma_start3A_1600] : memref<16x50xi32, #tpu.memory_space<vmem>> -> memref<1x50xi32, #tpu.memory_space<vmem>>
        %dma_start3A_1602 = tpu.memref_squeeze %dma_start3A_1601 : memref<1x50xi32, #tpu.memory_space<vmem>> -> memref<50xi32, #tpu.memory_space<vmem>>
        %dma_start3A_1603 = arith.constant 0 : i32
        %dma_start3A_1604 = arith.constant 0 : i32
        %dma_start3A_1605 = tpu.memref_slice %arg2[%dma_start3A_1603, %dma_start3A_1604] : memref<1000001x32xf32, #tpu.memory_space<hbm>> -> memref<1000001x32xf32, #tpu.memory_space<hbm>>
        tpu.enqueue_indirect_dma source(%dma_start3A_1605 : memref<1000001x32xf32, #tpu.memory_space<hbm>>) target(%dma_start3A_1595 : memref<50x32xf32, #tpu.memory_space<vmem>>) offsets(%dma_start3A_1602 : memref<50xi32, #tpu.memory_space<vmem>>) semaphore(%arg8 : memref<!tpu.dma_semaphore, #tpu.memory_space<semaphore_mem>>)
        %dma_start3A_1606 = arith.constant 0 : i32
        %dma_start3A_1607 = arith.constant 11 : i32
        %dma_start3A_1608 = arith.constant 0 : i32
        %dma_start3A_1609 = arith.constant 0 : i32
        %dma_start3A_1610 = arith.constant 0 : i32
        %dma_start3A_1611 = tpu.memref_slice %arg6[%dma_start3A_1608, %dma_start3A_1609, %dma_start3A_1610] : memref<2x800x32xf32, #tpu.memory_space<vmem>> -> memref<1x800x32xf32, #tpu.memory_space<vmem>>
        %dma_start3A_1612 = tpu.memref_squeeze %dma_start3A_1611 : memref<1x800x32xf32, #tpu.memory_space<vmem>> -> memref<800x32xf32, #tpu.memory_space<vmem>>
        %dma_start3A_1613 = arith.constant 550 : i32
        %dma_start3A_1614 = arith.constant 0 : i32
        %dma_start3A_1615 = tpu.memref_slice %dma_start3A_1612[%dma_start3A_1613, %dma_start3A_1614] : memref<800x32xf32, #tpu.memory_space<vmem>> -> memref<50x32xf32, #tpu.memory_space<vmem>>
        %dma_start3A_1616 = arith.constant 0 : i32
        %dma_start3A_1617 = arith.constant 0 : i32
        %dma_start3A_1618 = tpu.memref_slice %arg5[%dma_start3A_1606, %dma_start3A_1616, %dma_start3A_1617] : memref<2x16x50xi32, #tpu.memory_space<vmem>> -> memref<1x16x50xi32, #tpu.memory_space<vmem>>
        %dma_start3A_1619 = tpu.memref_squeeze %dma_start3A_1618 : memref<1x16x50xi32, #tpu.memory_space<vmem>> -> memref<16x50xi32, #tpu.memory_space<vmem>>
        %dma_start3A_1620 = arith.constant 0 : i32
        %dma_start3A_1621 = tpu.memref_slice %dma_start3A_1619[%dma_start3A_1607, %dma_start3A_1620] : memref<16x50xi32, #tpu.memory_space<vmem>> -> memref<1x50xi32, #tpu.memory_space<vmem>>
        %dma_start3A_1622 = tpu.memref_squeeze %dma_start3A_1621 : memref<1x50xi32, #tpu.memory_space<vmem>> -> memref<50xi32, #tpu.memory_space<vmem>>
        %dma_start3A_1623 = arith.constant 0 : i32
        %dma_start3A_1624 = arith.constant 0 : i32
        %dma_start3A_1625 = tpu.memref_slice %arg2[%dma_start3A_1623, %dma_start3A_1624] : memref<1000001x32xf32, #tpu.memory_space<hbm>> -> memref<1000001x32xf32, #tpu.memory_space<hbm>>
        tpu.enqueue_indirect_dma source(%dma_start3A_1625 : memref<1000001x32xf32, #tpu.memory_space<hbm>>) target(%dma_start3A_1615 : memref<50x32xf32, #tpu.memory_space<vmem>>) offsets(%dma_start3A_1622 : memref<50xi32, #tpu.memory_space<vmem>>) semaphore(%arg8 : memref<!tpu.dma_semaphore, #tpu.memory_space<semaphore_mem>>)
        %dma_start3A_1626 = arith.constant 0 : i32
        %dma_start3A_1627 = arith.constant 12 : i32
        %dma_start3A_1628 = arith.constant 0 : i32
        %dma_start3A_1629 = arith.constant 0 : i32
        %dma_start3A_1630 = arith.constant 0 : i32
        %dma_start3A_1631 = tpu.memref_slice %arg6[%dma_start3A_1628, %dma_start3A_1629, %dma_start3A_1630] : memref<2x800x32xf32, #tpu.memory_space<vmem>> -> memref<1x800x32xf32, #tpu.memory_space<vmem>>
        %dma_start3A_1632 = tpu.memref_squeeze %dma_start3A_1631 : memref<1x800x32xf32, #tpu.memory_space<vmem>> -> memref<800x32xf32, #tpu.memory_space<vmem>>
        %dma_start3A_1633 = arith.constant 600 : i32
        %dma_start3A_1634 = arith.constant 0 : i32
        %dma_start3A_1635 = tpu.memref_slice %dma_start3A_1632[%dma_start3A_1633, %dma_start3A_1634] : memref<800x32xf32, #tpu.memory_space<vmem>> -> memref<50x32xf32, #tpu.memory_space<vmem>>
        %dma_start3A_1636 = arith.constant 0 : i32
        %dma_start3A_1637 = arith.constant 0 : i32
        %dma_start3A_1638 = tpu.memref_slice %arg5[%dma_start3A_1626, %dma_start3A_1636, %dma_start3A_1637] : memref<2x16x50xi32, #tpu.memory_space<vmem>> -> memref<1x16x50xi32, #tpu.memory_space<vmem>>
        %dma_start3A_1639 = tpu.memref_squeeze %dma_start3A_1638 : memref<1x16x50xi32, #tpu.memory_space<vmem>> -> memref<16x50xi32, #tpu.memory_space<vmem>>
        %dma_start3A_1640 = arith.constant 0 : i32
        %dma_start3A_1641 = tpu.memref_slice %dma_start3A_1639[%dma_start3A_1627, %dma_start3A_1640] : memref<16x50xi32, #tpu.memory_space<vmem>> -> memref<1x50xi32, #tpu.memory_space<vmem>>
        %dma_start3A_1642 = tpu.memref_squeeze %dma_start3A_1641 : memref<1x50xi32, #tpu.memory_space<vmem>> -> memref<50xi32, #tpu.memory_space<vmem>>
        %dma_start3A_1643 = arith.constant 0 : i32
        %dma_start3A_1644 = arith.constant 0 : i32
        %dma_start3A_1645 = tpu.memref_slice %arg2[%dma_start3A_1643, %dma_start3A_1644] : memref<1000001x32xf32, #tpu.memory_space<hbm>> -> memref<1000001x32xf32, #tpu.memory_space<hbm>>
        tpu.enqueue_indirect_dma source(%dma_start3A_1645 : memref<1000001x32xf32, #tpu.memory_space<hbm>>) target(%dma_start3A_1635 : memref<50x32xf32, #tpu.memory_space<vmem>>) offsets(%dma_start3A_1642 : memref<50xi32, #tpu.memory_space<vmem>>) semaphore(%arg8 : memref<!tpu.dma_semaphore, #tpu.memory_space<semaphore_mem>>)
        %dma_start3A_1646 = arith.constant 0 : i32
        %dma_start3A_1647 = arith.constant 13 : i32
        %dma_start3A_1648 = arith.constant 0 : i32
        %dma_start3A_1649 = arith.constant 0 : i32
        %dma_start3A_1650 = arith.constant 0 : i32
        %dma_start3A_1651 = tpu.memref_slice %arg6[%dma_start3A_1648, %dma_start3A_1649, %dma_start3A_1650] : memref<2x800x32xf32, #tpu.memory_space<vmem>> -> memref<1x800x32xf32, #tpu.memory_space<vmem>>
        %dma_start3A_1652 = tpu.memref_squeeze %dma_start3A_1651 : memref<1x800x32xf32, #tpu.memory_space<vmem>> -> memref<800x32xf32, #tpu.memory_space<vmem>>
        %dma_start3A_1653 = arith.constant 650 : i32
        %dma_start3A_1654 = arith.constant 0 : i32
        %dma_start3A_1655 = tpu.memref_slice %dma_start3A_1652[%dma_start3A_1653, %dma_start3A_1654] : memref<800x32xf32, #tpu.memory_space<vmem>> -> memref<50x32xf32, #tpu.memory_space<vmem>>
        %dma_start3A_1656 = arith.constant 0 : i32
        %dma_start3A_1657 = arith.constant 0 : i32
        %dma_start3A_1658 = tpu.memref_slice %arg5[%dma_start3A_1646, %dma_start3A_1656, %dma_start3A_1657] : memref<2x16x50xi32, #tpu.memory_space<vmem>> -> memref<1x16x50xi32, #tpu.memory_space<vmem>>
        %dma_start3A_1659 = tpu.memref_squeeze %dma_start3A_1658 : memref<1x16x50xi32, #tpu.memory_space<vmem>> -> memref<16x50xi32, #tpu.memory_space<vmem>>
        %dma_start3A_1660 = arith.constant 0 : i32
        %dma_start3A_1661 = tpu.memref_slice %dma_start3A_1659[%dma_start3A_1647, %dma_start3A_1660] : memref<16x50xi32, #tpu.memory_space<vmem>> -> memref<1x50xi32, #tpu.memory_space<vmem>>
        %dma_start3A_1662 = tpu.memref_squeeze %dma_start3A_1661 : memref<1x50xi32, #tpu.memory_space<vmem>> -> memref<50xi32, #tpu.memory_space<vmem>>
        %dma_start3A_1663 = arith.constant 0 : i32
        %dma_start3A_1664 = arith.constant 0 : i32
        %dma_start3A_1665 = tpu.memref_slice %arg2[%dma_start3A_1663, %dma_start3A_1664] : memref<1000001x32xf32, #tpu.memory_space<hbm>> -> memref<1000001x32xf32, #tpu.memory_space<hbm>>
        tpu.enqueue_indirect_dma source(%dma_start3A_1665 : memref<1000001x32xf32, #tpu.memory_space<hbm>>) target(%dma_start3A_1655 : memref<50x32xf32, #tpu.memory_space<vmem>>) offsets(%dma_start3A_1662 : memref<50xi32, #tpu.memory_space<vmem>>) semaphore(%arg8 : memref<!tpu.dma_semaphore, #tpu.memory_space<semaphore_mem>>)
        %dma_start3A_1666 = arith.constant 0 : i32
        %dma_start3A_1667 = arith.constant 14 : i32
        %dma_start3A_1668 = arith.constant 0 : i32
        %dma_start3A_1669 = arith.constant 0 : i32
        %dma_start3A_1670 = arith.constant 0 : i32
        %dma_start3A_1671 = tpu.memref_slice %arg6[%dma_start3A_1668, %dma_start3A_1669, %dma_start3A_1670] : memref<2x800x32xf32, #tpu.memory_space<vmem>> -> memref<1x800x32xf32, #tpu.memory_space<vmem>>
        %dma_start3A_1672 = tpu.memref_squeeze %dma_start3A_1671 : memref<1x800x32xf32, #tpu.memory_space<vmem>> -> memref<800x32xf32, #tpu.memory_space<vmem>>
        %dma_start3A_1673 = arith.constant 700 : i32
        %dma_start3A_1674 = arith.constant 0 : i32
        %dma_start3A_1675 = tpu.memref_slice %dma_start3A_1672[%dma_start3A_1673, %dma_start3A_1674] : memref<800x32xf32, #tpu.memory_space<vmem>> -> memref<50x32xf32, #tpu.memory_space<vmem>>
        %dma_start3A_1676 = arith.constant 0 : i32
        %dma_start3A_1677 = arith.constant 0 : i32
        %dma_start3A_1678 = tpu.memref_slice %arg5[%dma_start3A_1666, %dma_start3A_1676, %dma_start3A_1677] : memref<2x16x50xi32, #tpu.memory_space<vmem>> -> memref<1x16x50xi32, #tpu.memory_space<vmem>>
        %dma_start3A_1679 = tpu.memref_squeeze %dma_start3A_1678 : memref<1x16x50xi32, #tpu.memory_space<vmem>> -> memref<16x50xi32, #tpu.memory_space<vmem>>
        %dma_start3A_1680 = arith.constant 0 : i32
        %dma_start3A_1681 = tpu.memref_slice %dma_start3A_1679[%dma_start3A_1667, %dma_start3A_1680] : memref<16x50xi32, #tpu.memory_space<vmem>> -> memref<1x50xi32, #tpu.memory_space<vmem>>
        %dma_start3A_1682 = tpu.memref_squeeze %dma_start3A_1681 : memref<1x50xi32, #tpu.memory_space<vmem>> -> memref<50xi32, #tpu.memory_space<vmem>>
        %dma_start3A_1683 = arith.constant 0 : i32
        %dma_start3A_1684 = arith.constant 0 : i32
        %dma_start3A_1685 = tpu.memref_slice %arg2[%dma_start3A_1683, %dma_start3A_1684] : memref<1000001x32xf32, #tpu.memory_space<hbm>> -> memref<1000001x32xf32, #tpu.memory_space<hbm>>
        tpu.enqueue_indirect_dma source(%dma_start3A_1685 : memref<1000001x32xf32, #tpu.memory_space<hbm>>) target(%dma_start3A_1675 : memref<50x32xf32, #tpu.memory_space<vmem>>) offsets(%dma_start3A_1682 : memref<50xi32, #tpu.memory_space<vmem>>) semaphore(%arg8 : memref<!tpu.dma_semaphore, #tpu.memory_space<semaphore_mem>>)
        %dma_start3A_1686 = arith.constant 0 : i32
        %dma_start3A_1687 = arith.constant 15 : i32
        %dma_start3A_1688 = arith.constant 0 : i32
        %dma_start3A_1689 = arith.constant 0 : i32
        %dma_start3A_1690 = arith.constant 0 : i32
        %dma_start3A_1691 = tpu.memref_slice %arg6[%dma_start3A_1688, %dma_start3A_1689, %dma_start3A_1690] : memref<2x800x32xf32, #tpu.memory_space<vmem>> -> memref<1x800x32xf32, #tpu.memory_space<vmem>>
        %dma_start3A_1692 = tpu.memref_squeeze %dma_start3A_1691 : memref<1x800x32xf32, #tpu.memory_space<vmem>> -> memref<800x32xf32, #tpu.memory_space<vmem>>
        %dma_start3A_1693 = arith.constant 750 : i32
        %dma_start3A_1694 = arith.constant 0 : i32
        %dma_start3A_1695 = tpu.memref_slice %dma_start3A_1692[%dma_start3A_1693, %dma_start3A_1694] : memref<800x32xf32, #tpu.memory_space<vmem>> -> memref<50x32xf32, #tpu.memory_space<vmem>>
        %dma_start3A_1696 = arith.constant 0 : i32
        %dma_start3A_1697 = arith.constant 0 : i32
        %dma_start3A_1698 = tpu.memref_slice %arg5[%dma_start3A_1686, %dma_start3A_1696, %dma_start3A_1697] : memref<2x16x50xi32, #tpu.memory_space<vmem>> -> memref<1x16x50xi32, #tpu.memory_space<vmem>>
        %dma_start3A_1699 = tpu.memref_squeeze %dma_start3A_1698 : memref<1x16x50xi32, #tpu.memory_space<vmem>> -> memref<16x50xi32, #tpu.memory_space<vmem>>
        %dma_start3A_1700 = arith.constant 0 : i32
        %dma_start3A_1701 = tpu.memref_slice %dma_start3A_1699[%dma_start3A_1687, %dma_start3A_1700] : memref<16x50xi32, #tpu.memory_space<vmem>> -> memref<1x50xi32, #tpu.memory_space<vmem>>
        %dma_start3A_1702 = tpu.memref_squeeze %dma_start3A_1701 : memref<1x50xi32, #tpu.memory_space<vmem>> -> memref<50xi32, #tpu.memory_space<vmem>>
        %dma_start3A_1703 = arith.constant 0 : i32
        %dma_start3A_1704 = arith.constant 0 : i32
        %dma_start3A_1705 = tpu.memref_slice %arg2[%dma_start3A_1703, %dma_start3A_1704] : memref<1000001x32xf32, #tpu.memory_space<hbm>> -> memref<1000001x32xf32, #tpu.memory_space<hbm>>
        tpu.enqueue_indirect_dma source(%dma_start3A_1705 : memref<1000001x32xf32, #tpu.memory_space<hbm>>) target(%dma_start3A_1695 : memref<50x32xf32, #tpu.memory_space<vmem>>) offsets(%dma_start3A_1702 : memref<50xi32, #tpu.memory_space<vmem>>) semaphore(%arg8 : memref<!tpu.dma_semaphore, #tpu.memory_space<semaphore_mem>>)
      } else {
      }
      %dma_wait3A_1039 = arith.constant 1 : i32
      %dma_wait3A_1040 = arith.constant 0 : i32
      %dma_wait3A_1041 = arith.constant 1 : i32
      %dma_wait3A_1042 = arith.constant 0 : i32
      %dma_wait3A_1043 = arith.constant 0 : i32
      %dma_wait3A_1044 = tpu.memref_slice %arg6[%dma_wait3A_1041, %dma_wait3A_1042, %dma_wait3A_1043] : memref<2x800x32xf32, #tpu.memory_space<vmem>> -> memref<1x800x32xf32, #tpu.memory_space<vmem>>
      %dma_wait3A_1045 = tpu.memref_squeeze %dma_wait3A_1044 : memref<1x800x32xf32, #tpu.memory_space<vmem>> -> memref<800x32xf32, #tpu.memory_space<vmem>>
      %dma_wait3A_1046 = arith.constant 0 : i32
      %dma_wait3A_1047 = arith.constant 0 : i32
      %dma_wait3A_1048 = tpu.memref_slice %dma_wait3A_1045[%dma_wait3A_1046, %dma_wait3A_1047] : memref<800x32xf32, #tpu.memory_space<vmem>> -> memref<50x32xf32, #tpu.memory_space<vmem>>
      %dma_wait3A_1049 = arith.constant 0 : i32
      %dma_wait3A_1050 = arith.constant 0 : i32
      %dma_wait3A_1051 = tpu.memref_slice %arg5[%dma_wait3A_1039, %dma_wait3A_1049, %dma_wait3A_1050] : memref<2x16x50xi32, #tpu.memory_space<vmem>> -> memref<1x16x50xi32, #tpu.memory_space<vmem>>
      %dma_wait3A_1052 = tpu.memref_squeeze %dma_wait3A_1051 : memref<1x16x50xi32, #tpu.memory_space<vmem>> -> memref<16x50xi32, #tpu.memory_space<vmem>>
      %dma_wait3A_1053 = arith.constant 0 : i32
      %dma_wait3A_1054 = tpu.memref_slice %dma_wait3A_1052[%dma_wait3A_1040, %dma_wait3A_1053] : memref<16x50xi32, #tpu.memory_space<vmem>> -> memref<1x50xi32, #tpu.memory_space<vmem>>
      %dma_wait3A_1055 = tpu.memref_squeeze %dma_wait3A_1054 : memref<1x50xi32, #tpu.memory_space<vmem>> -> memref<50xi32, #tpu.memory_space<vmem>>
      %dma_wait3A_1056 = arith.constant 0 : i32
      %dma_wait3A_1057 = arith.constant 0 : i32
      %dma_wait3A_1058 = tpu.memref_slice %arg2[%dma_wait3A_1056, %dma_wait3A_1057] : memref<1000001x32xf32, #tpu.memory_space<hbm>> -> memref<1000001x32xf32, #tpu.memory_space<hbm>>
      tpu.wait_indirect_dma semaphore(%arg8 : memref<!tpu.dma_semaphore, #tpu.memory_space<semaphore_mem>>) src(%dma_wait3A_1058 : memref<1000001x32xf32, #tpu.memory_space<hbm>>) dst(%dma_wait3A_1048 : memref<50x32xf32, #tpu.memory_space<vmem>>)
      %dma_wait3A_1059 = arith.constant 1 : i32
      %dma_wait3A_1060 = arith.constant 1 : i32
      %dma_wait3A_1061 = arith.constant 1 : i32
      %dma_wait3A_1062 = arith.constant 0 : i32
      %dma_wait3A_1063 = arith.constant 0 : i32
      %dma_wait3A_1064 = tpu.memref_slice %arg6[%dma_wait3A_1061, %dma_wait3A_1062, %dma_wait3A_1063] : memref<2x800x32xf32, #tpu.memory_space<vmem>> -> memref<1x800x32xf32, #tpu.memory_space<vmem>>
      %dma_wait3A_1065 = tpu.memref_squeeze %dma_wait3A_1064 : memref<1x800x32xf32, #tpu.memory_space<vmem>> -> memref<800x32xf32, #tpu.memory_space<vmem>>
      %dma_wait3A_1066 = arith.constant 50 : i32
      %dma_wait3A_1067 = arith.constant 0 : i32
      %dma_wait3A_1068 = tpu.memref_slice %dma_wait3A_1065[%dma_wait3A_1066, %dma_wait3A_1067] : memref<800x32xf32, #tpu.memory_space<vmem>> -> memref<50x32xf32, #tpu.memory_space<vmem>>
      %dma_wait3A_1069 = arith.constant 0 : i32
      %dma_wait3A_1070 = arith.constant 0 : i32
      %dma_wait3A_1071 = tpu.memref_slice %arg5[%dma_wait3A_1059, %dma_wait3A_1069, %dma_wait3A_1070] : memref<2x16x50xi32, #tpu.memory_space<vmem>> -> memref<1x16x50xi32, #tpu.memory_space<vmem>>
      %dma_wait3A_1072 = tpu.memref_squeeze %dma_wait3A_1071 : memref<1x16x50xi32, #tpu.memory_space<vmem>> -> memref<16x50xi32, #tpu.memory_space<vmem>>
      %dma_wait3A_1073 = arith.constant 0 : i32
      %dma_wait3A_1074 = tpu.memref_slice %dma_wait3A_1072[%dma_wait3A_1060, %dma_wait3A_1073] : memref<16x50xi32, #tpu.memory_space<vmem>> -> memref<1x50xi32, #tpu.memory_space<vmem>>
      %dma_wait3A_1075 = tpu.memref_squeeze %dma_wait3A_1074 : memref<1x50xi32, #tpu.memory_space<vmem>> -> memref<50xi32, #tpu.memory_space<vmem>>
      %dma_wait3A_1076 = arith.constant 0 : i32
      %dma_wait3A_1077 = arith.constant 0 : i32
      %dma_wait3A_1078 = tpu.memref_slice %arg2[%dma_wait3A_1076, %dma_wait3A_1077] : memref<1000001x32xf32, #tpu.memory_space<hbm>> -> memref<1000001x32xf32, #tpu.memory_space<hbm>>
      tpu.wait_indirect_dma semaphore(%arg8 : memref<!tpu.dma_semaphore, #tpu.memory_space<semaphore_mem>>) src(%dma_wait3A_1078 : memref<1000001x32xf32, #tpu.memory_space<hbm>>) dst(%dma_wait3A_1068 : memref<50x32xf32, #tpu.memory_space<vmem>>)
      %dma_wait3A_1079 = arith.constant 1 : i32
      %dma_wait3A_1080 = arith.constant 2 : i32
      %dma_wait3A_1081 = arith.constant 1 : i32
      %dma_wait3A_1082 = arith.constant 0 : i32
      %dma_wait3A_1083 = arith.constant 0 : i32
      %dma_wait3A_1084 = tpu.memref_slice %arg6[%dma_wait3A_1081, %dma_wait3A_1082, %dma_wait3A_1083] : memref<2x800x32xf32, #tpu.memory_space<vmem>> -> memref<1x800x32xf32, #tpu.memory_space<vmem>>
      %dma_wait3A_1085 = tpu.memref_squeeze %dma_wait3A_1084 : memref<1x800x32xf32, #tpu.memory_space<vmem>> -> memref<800x32xf32, #tpu.memory_space<vmem>>
      %dma_wait3A_1086 = arith.constant 100 : i32
      %dma_wait3A_1087 = arith.constant 0 : i32
      %dma_wait3A_1088 = tpu.memref_slice %dma_wait3A_1085[%dma_wait3A_1086, %dma_wait3A_1087] : memref<800x32xf32, #tpu.memory_space<vmem>> -> memref<50x32xf32, #tpu.memory_space<vmem>>
      %dma_wait3A_1089 = arith.constant 0 : i32
      %dma_wait3A_1090 = arith.constant 0 : i32
      %dma_wait3A_1091 = tpu.memref_slice %arg5[%dma_wait3A_1079, %dma_wait3A_1089, %dma_wait3A_1090] : memref<2x16x50xi32, #tpu.memory_space<vmem>> -> memref<1x16x50xi32, #tpu.memory_space<vmem>>
      %dma_wait3A_1092 = tpu.memref_squeeze %dma_wait3A_1091 : memref<1x16x50xi32, #tpu.memory_space<vmem>> -> memref<16x50xi32, #tpu.memory_space<vmem>>
      %dma_wait3A_1093 = arith.constant 0 : i32
      %dma_wait3A_1094 = tpu.memref_slice %dma_wait3A_1092[%dma_wait3A_1080, %dma_wait3A_1093] : memref<16x50xi32, #tpu.memory_space<vmem>> -> memref<1x50xi32, #tpu.memory_space<vmem>>
      %dma_wait3A_1095 = tpu.memref_squeeze %dma_wait3A_1094 : memref<1x50xi32, #tpu.memory_space<vmem>> -> memref<50xi32, #tpu.memory_space<vmem>>
      %dma_wait3A_1096 = arith.constant 0 : i32
      %dma_wait3A_1097 = arith.constant 0 : i32
      %dma_wait3A_1098 = tpu.memref_slice %arg2[%dma_wait3A_1096, %dma_wait3A_1097] : memref<1000001x32xf32, #tpu.memory_space<hbm>> -> memref<1000001x32xf32, #tpu.memory_space<hbm>>
      tpu.wait_indirect_dma semaphore(%arg8 : memref<!tpu.dma_semaphore, #tpu.memory_space<semaphore_mem>>) src(%dma_wait3A_1098 : memref<1000001x32xf32, #tpu.memory_space<hbm>>) dst(%dma_wait3A_1088 : memref<50x32xf32, #tpu.memory_space<vmem>>)
      %dma_wait3A_1099 = arith.constant 1 : i32
      %dma_wait3A_1100 = arith.constant 3 : i32
      %dma_wait3A_1101 = arith.constant 1 : i32
      %dma_wait3A_1102 = arith.constant 0 : i32
      %dma_wait3A_1103 = arith.constant 0 : i32
      %dma_wait3A_1104 = tpu.memref_slice %arg6[%dma_wait3A_1101, %dma_wait3A_1102, %dma_wait3A_1103] : memref<2x800x32xf32, #tpu.memory_space<vmem>> -> memref<1x800x32xf32, #tpu.memory_space<vmem>>
      %dma_wait3A_1105 = tpu.memref_squeeze %dma_wait3A_1104 : memref<1x800x32xf32, #tpu.memory_space<vmem>> -> memref<800x32xf32, #tpu.memory_space<vmem>>
      %dma_wait3A_1106 = arith.constant 150 : i32
      %dma_wait3A_1107 = arith.constant 0 : i32
      %dma_wait3A_1108 = tpu.memref_slice %dma_wait3A_1105[%dma_wait3A_1106, %dma_wait3A_1107] : memref<800x32xf32, #tpu.memory_space<vmem>> -> memref<50x32xf32, #tpu.memory_space<vmem>>
      %dma_wait3A_1109 = arith.constant 0 : i32
      %dma_wait3A_1110 = arith.constant 0 : i32
      %dma_wait3A_1111 = tpu.memref_slice %arg5[%dma_wait3A_1099, %dma_wait3A_1109, %dma_wait3A_1110] : memref<2x16x50xi32, #tpu.memory_space<vmem>> -> memref<1x16x50xi32, #tpu.memory_space<vmem>>
      %dma_wait3A_1112 = tpu.memref_squeeze %dma_wait3A_1111 : memref<1x16x50xi32, #tpu.memory_space<vmem>> -> memref<16x50xi32, #tpu.memory_space<vmem>>
      %dma_wait3A_1113 = arith.constant 0 : i32
      %dma_wait3A_1114 = tpu.memref_slice %dma_wait3A_1112[%dma_wait3A_1100, %dma_wait3A_1113] : memref<16x50xi32, #tpu.memory_space<vmem>> -> memref<1x50xi32, #tpu.memory_space<vmem>>
      %dma_wait3A_1115 = tpu.memref_squeeze %dma_wait3A_1114 : memref<1x50xi32, #tpu.memory_space<vmem>> -> memref<50xi32, #tpu.memory_space<vmem>>
      %dma_wait3A_1116 = arith.constant 0 : i32
      %dma_wait3A_1117 = arith.constant 0 : i32
      %dma_wait3A_1118 = tpu.memref_slice %arg2[%dma_wait3A_1116, %dma_wait3A_1117] : memref<1000001x32xf32, #tpu.memory_space<hbm>> -> memref<1000001x32xf32, #tpu.memory_space<hbm>>
      tpu.wait_indirect_dma semaphore(%arg8 : memref<!tpu.dma_semaphore, #tpu.memory_space<semaphore_mem>>) src(%dma_wait3A_1118 : memref<1000001x32xf32, #tpu.memory_space<hbm>>) dst(%dma_wait3A_1108 : memref<50x32xf32, #tpu.memory_space<vmem>>)
      %dma_wait3A_1119 = arith.constant 1 : i32
      %dma_wait3A_1120 = arith.constant 4 : i32
      %dma_wait3A_1121 = arith.constant 1 : i32
      %dma_wait3A_1122 = arith.constant 0 : i32
      %dma_wait3A_1123 = arith.constant 0 : i32
      %dma_wait3A_1124 = tpu.memref_slice %arg6[%dma_wait3A_1121, %dma_wait3A_1122, %dma_wait3A_1123] : memref<2x800x32xf32, #tpu.memory_space<vmem>> -> memref<1x800x32xf32, #tpu.memory_space<vmem>>
      %dma_wait3A_1125 = tpu.memref_squeeze %dma_wait3A_1124 : memref<1x800x32xf32, #tpu.memory_space<vmem>> -> memref<800x32xf32, #tpu.memory_space<vmem>>
      %dma_wait3A_1126 = arith.constant 200 : i32
      %dma_wait3A_1127 = arith.constant 0 : i32
      %dma_wait3A_1128 = tpu.memref_slice %dma_wait3A_1125[%dma_wait3A_1126, %dma_wait3A_1127] : memref<800x32xf32, #tpu.memory_space<vmem>> -> memref<50x32xf32, #tpu.memory_space<vmem>>
      %dma_wait3A_1129 = arith.constant 0 : i32
      %dma_wait3A_1130 = arith.constant 0 : i32
      %dma_wait3A_1131 = tpu.memref_slice %arg5[%dma_wait3A_1119, %dma_wait3A_1129, %dma_wait3A_1130] : memref<2x16x50xi32, #tpu.memory_space<vmem>> -> memref<1x16x50xi32, #tpu.memory_space<vmem>>
      %dma_wait3A_1132 = tpu.memref_squeeze %dma_wait3A_1131 : memref<1x16x50xi32, #tpu.memory_space<vmem>> -> memref<16x50xi32, #tpu.memory_space<vmem>>
      %dma_wait3A_1133 = arith.constant 0 : i32
      %dma_wait3A_1134 = tpu.memref_slice %dma_wait3A_1132[%dma_wait3A_1120, %dma_wait3A_1133] : memref<16x50xi32, #tpu.memory_space<vmem>> -> memref<1x50xi32, #tpu.memory_space<vmem>>
      %dma_wait3A_1135 = tpu.memref_squeeze %dma_wait3A_1134 : memref<1x50xi32, #tpu.memory_space<vmem>> -> memref<50xi32, #tpu.memory_space<vmem>>
      %dma_wait3A_1136 = arith.constant 0 : i32
      %dma_wait3A_1137 = arith.constant 0 : i32
      %dma_wait3A_1138 = tpu.memref_slice %arg2[%dma_wait3A_1136, %dma_wait3A_1137] : memref<1000001x32xf32, #tpu.memory_space<hbm>> -> memref<1000001x32xf32, #tpu.memory_space<hbm>>
      tpu.wait_indirect_dma semaphore(%arg8 : memref<!tpu.dma_semaphore, #tpu.memory_space<semaphore_mem>>) src(%dma_wait3A_1138 : memref<1000001x32xf32, #tpu.memory_space<hbm>>) dst(%dma_wait3A_1128 : memref<50x32xf32, #tpu.memory_space<vmem>>)
      %dma_wait3A_1139 = arith.constant 1 : i32
      %dma_wait3A_1140 = arith.constant 5 : i32
      %dma_wait3A_1141 = arith.constant 1 : i32
      %dma_wait3A_1142 = arith.constant 0 : i32
      %dma_wait3A_1143 = arith.constant 0 : i32
      %dma_wait3A_1144 = tpu.memref_slice %arg6[%dma_wait3A_1141, %dma_wait3A_1142, %dma_wait3A_1143] : memref<2x800x32xf32, #tpu.memory_space<vmem>> -> memref<1x800x32xf32, #tpu.memory_space<vmem>>
      %dma_wait3A_1145 = tpu.memref_squeeze %dma_wait3A_1144 : memref<1x800x32xf32, #tpu.memory_space<vmem>> -> memref<800x32xf32, #tpu.memory_space<vmem>>
      %dma_wait3A_1146 = arith.constant 250 : i32
      %dma_wait3A_1147 = arith.constant 0 : i32
      %dma_wait3A_1148 = tpu.memref_slice %dma_wait3A_1145[%dma_wait3A_1146, %dma_wait3A_1147] : memref<800x32xf32, #tpu.memory_space<vmem>> -> memref<50x32xf32, #tpu.memory_space<vmem>>
      %dma_wait3A_1149 = arith.constant 0 : i32
      %dma_wait3A_1150 = arith.constant 0 : i32
      %dma_wait3A_1151 = tpu.memref_slice %arg5[%dma_wait3A_1139, %dma_wait3A_1149, %dma_wait3A_1150] : memref<2x16x50xi32, #tpu.memory_space<vmem>> -> memref<1x16x50xi32, #tpu.memory_space<vmem>>
      %dma_wait3A_1152 = tpu.memref_squeeze %dma_wait3A_1151 : memref<1x16x50xi32, #tpu.memory_space<vmem>> -> memref<16x50xi32, #tpu.memory_space<vmem>>
      %dma_wait3A_1153 = arith.constant 0 : i32
      %dma_wait3A_1154 = tpu.memref_slice %dma_wait3A_1152[%dma_wait3A_1140, %dma_wait3A_1153] : memref<16x50xi32, #tpu.memory_space<vmem>> -> memref<1x50xi32, #tpu.memory_space<vmem>>
      %dma_wait3A_1155 = tpu.memref_squeeze %dma_wait3A_1154 : memref<1x50xi32, #tpu.memory_space<vmem>> -> memref<50xi32, #tpu.memory_space<vmem>>
      %dma_wait3A_1156 = arith.constant 0 : i32
      %dma_wait3A_1157 = arith.constant 0 : i32
      %dma_wait3A_1158 = tpu.memref_slice %arg2[%dma_wait3A_1156, %dma_wait3A_1157] : memref<1000001x32xf32, #tpu.memory_space<hbm>> -> memref<1000001x32xf32, #tpu.memory_space<hbm>>
      tpu.wait_indirect_dma semaphore(%arg8 : memref<!tpu.dma_semaphore, #tpu.memory_space<semaphore_mem>>) src(%dma_wait3A_1158 : memref<1000001x32xf32, #tpu.memory_space<hbm>>) dst(%dma_wait3A_1148 : memref<50x32xf32, #tpu.memory_space<vmem>>)
      %dma_wait3A_1159 = arith.constant 1 : i32
      %dma_wait3A_1160 = arith.constant 6 : i32
      %dma_wait3A_1161 = arith.constant 1 : i32
      %dma_wait3A_1162 = arith.constant 0 : i32
      %dma_wait3A_1163 = arith.constant 0 : i32
      %dma_wait3A_1164 = tpu.memref_slice %arg6[%dma_wait3A_1161, %dma_wait3A_1162, %dma_wait3A_1163] : memref<2x800x32xf32, #tpu.memory_space<vmem>> -> memref<1x800x32xf32, #tpu.memory_space<vmem>>
      %dma_wait3A_1165 = tpu.memref_squeeze %dma_wait3A_1164 : memref<1x800x32xf32, #tpu.memory_space<vmem>> -> memref<800x32xf32, #tpu.memory_space<vmem>>
      %dma_wait3A_1166 = arith.constant 300 : i32
      %dma_wait3A_1167 = arith.constant 0 : i32
      %dma_wait3A_1168 = tpu.memref_slice %dma_wait3A_1165[%dma_wait3A_1166, %dma_wait3A_1167] : memref<800x32xf32, #tpu.memory_space<vmem>> -> memref<50x32xf32, #tpu.memory_space<vmem>>
      %dma_wait3A_1169 = arith.constant 0 : i32
      %dma_wait3A_1170 = arith.constant 0 : i32
      %dma_wait3A_1171 = tpu.memref_slice %arg5[%dma_wait3A_1159, %dma_wait3A_1169, %dma_wait3A_1170] : memref<2x16x50xi32, #tpu.memory_space<vmem>> -> memref<1x16x50xi32, #tpu.memory_space<vmem>>
      %dma_wait3A_1172 = tpu.memref_squeeze %dma_wait3A_1171 : memref<1x16x50xi32, #tpu.memory_space<vmem>> -> memref<16x50xi32, #tpu.memory_space<vmem>>
      %dma_wait3A_1173 = arith.constant 0 : i32
      %dma_wait3A_1174 = tpu.memref_slice %dma_wait3A_1172[%dma_wait3A_1160, %dma_wait3A_1173] : memref<16x50xi32, #tpu.memory_space<vmem>> -> memref<1x50xi32, #tpu.memory_space<vmem>>
      %dma_wait3A_1175 = tpu.memref_squeeze %dma_wait3A_1174 : memref<1x50xi32, #tpu.memory_space<vmem>> -> memref<50xi32, #tpu.memory_space<vmem>>
      %dma_wait3A_1176 = arith.constant 0 : i32
      %dma_wait3A_1177 = arith.constant 0 : i32
      %dma_wait3A_1178 = tpu.memref_slice %arg2[%dma_wait3A_1176, %dma_wait3A_1177] : memref<1000001x32xf32, #tpu.memory_space<hbm>> -> memref<1000001x32xf32, #tpu.memory_space<hbm>>
      tpu.wait_indirect_dma semaphore(%arg8 : memref<!tpu.dma_semaphore, #tpu.memory_space<semaphore_mem>>) src(%dma_wait3A_1178 : memref<1000001x32xf32, #tpu.memory_space<hbm>>) dst(%dma_wait3A_1168 : memref<50x32xf32, #tpu.memory_space<vmem>>)
      %dma_wait3A_1179 = arith.constant 1 : i32
      %dma_wait3A_1180 = arith.constant 7 : i32
      %dma_wait3A_1181 = arith.constant 1 : i32
      %dma_wait3A_1182 = arith.constant 0 : i32
      %dma_wait3A_1183 = arith.constant 0 : i32
      %dma_wait3A_1184 = tpu.memref_slice %arg6[%dma_wait3A_1181, %dma_wait3A_1182, %dma_wait3A_1183] : memref<2x800x32xf32, #tpu.memory_space<vmem>> -> memref<1x800x32xf32, #tpu.memory_space<vmem>>
      %dma_wait3A_1185 = tpu.memref_squeeze %dma_wait3A_1184 : memref<1x800x32xf32, #tpu.memory_space<vmem>> -> memref<800x32xf32, #tpu.memory_space<vmem>>
      %dma_wait3A_1186 = arith.constant 350 : i32
      %dma_wait3A_1187 = arith.constant 0 : i32
      %dma_wait3A_1188 = tpu.memref_slice %dma_wait3A_1185[%dma_wait3A_1186, %dma_wait3A_1187] : memref<800x32xf32, #tpu.memory_space<vmem>> -> memref<50x32xf32, #tpu.memory_space<vmem>>
      %dma_wait3A_1189 = arith.constant 0 : i32
      %dma_wait3A_1190 = arith.constant 0 : i32
      %dma_wait3A_1191 = tpu.memref_slice %arg5[%dma_wait3A_1179, %dma_wait3A_1189, %dma_wait3A_1190] : memref<2x16x50xi32, #tpu.memory_space<vmem>> -> memref<1x16x50xi32, #tpu.memory_space<vmem>>
      %dma_wait3A_1192 = tpu.memref_squeeze %dma_wait3A_1191 : memref<1x16x50xi32, #tpu.memory_space<vmem>> -> memref<16x50xi32, #tpu.memory_space<vmem>>
      %dma_wait3A_1193 = arith.constant 0 : i32
      %dma_wait3A_1194 = tpu.memref_slice %dma_wait3A_1192[%dma_wait3A_1180, %dma_wait3A_1193] : memref<16x50xi32, #tpu.memory_space<vmem>> -> memref<1x50xi32, #tpu.memory_space<vmem>>
      %dma_wait3A_1195 = tpu.memref_squeeze %dma_wait3A_1194 : memref<1x50xi32, #tpu.memory_space<vmem>> -> memref<50xi32, #tpu.memory_space<vmem>>
      %dma_wait3A_1196 = arith.constant 0 : i32
      %dma_wait3A_1197 = arith.constant 0 : i32
      %dma_wait3A_1198 = tpu.memref_slice %arg2[%dma_wait3A_1196, %dma_wait3A_1197] : memref<1000001x32xf32, #tpu.memory_space<hbm>> -> memref<1000001x32xf32, #tpu.memory_space<hbm>>
      tpu.wait_indirect_dma semaphore(%arg8 : memref<!tpu.dma_semaphore, #tpu.memory_space<semaphore_mem>>) src(%dma_wait3A_1198 : memref<1000001x32xf32, #tpu.memory_space<hbm>>) dst(%dma_wait3A_1188 : memref<50x32xf32, #tpu.memory_space<vmem>>)
      %dma_wait3A_1199 = arith.constant 1 : i32
      %dma_wait3A_1200 = arith.constant 8 : i32
      %dma_wait3A_1201 = arith.constant 1 : i32
      %dma_wait3A_1202 = arith.constant 0 : i32
      %dma_wait3A_1203 = arith.constant 0 : i32
      %dma_wait3A_1204 = tpu.memref_slice %arg6[%dma_wait3A_1201, %dma_wait3A_1202, %dma_wait3A_1203] : memref<2x800x32xf32, #tpu.memory_space<vmem>> -> memref<1x800x32xf32, #tpu.memory_space<vmem>>
      %dma_wait3A_1205 = tpu.memref_squeeze %dma_wait3A_1204 : memref<1x800x32xf32, #tpu.memory_space<vmem>> -> memref<800x32xf32, #tpu.memory_space<vmem>>
      %dma_wait3A_1206 = arith.constant 400 : i32
      %dma_wait3A_1207 = arith.constant 0 : i32
      %dma_wait3A_1208 = tpu.memref_slice %dma_wait3A_1205[%dma_wait3A_1206, %dma_wait3A_1207] : memref<800x32xf32, #tpu.memory_space<vmem>> -> memref<50x32xf32, #tpu.memory_space<vmem>>
      %dma_wait3A_1209 = arith.constant 0 : i32
      %dma_wait3A_1210 = arith.constant 0 : i32
      %dma_wait3A_1211 = tpu.memref_slice %arg5[%dma_wait3A_1199, %dma_wait3A_1209, %dma_wait3A_1210] : memref<2x16x50xi32, #tpu.memory_space<vmem>> -> memref<1x16x50xi32, #tpu.memory_space<vmem>>
      %dma_wait3A_1212 = tpu.memref_squeeze %dma_wait3A_1211 : memref<1x16x50xi32, #tpu.memory_space<vmem>> -> memref<16x50xi32, #tpu.memory_space<vmem>>
      %dma_wait3A_1213 = arith.constant 0 : i32
      %dma_wait3A_1214 = tpu.memref_slice %dma_wait3A_1212[%dma_wait3A_1200, %dma_wait3A_1213] : memref<16x50xi32, #tpu.memory_space<vmem>> -> memref<1x50xi32, #tpu.memory_space<vmem>>
      %dma_wait3A_1215 = tpu.memref_squeeze %dma_wait3A_1214 : memref<1x50xi32, #tpu.memory_space<vmem>> -> memref<50xi32, #tpu.memory_space<vmem>>
      %dma_wait3A_1216 = arith.constant 0 : i32
      %dma_wait3A_1217 = arith.constant 0 : i32
      %dma_wait3A_1218 = tpu.memref_slice %arg2[%dma_wait3A_1216, %dma_wait3A_1217] : memref<1000001x32xf32, #tpu.memory_space<hbm>> -> memref<1000001x32xf32, #tpu.memory_space<hbm>>
      tpu.wait_indirect_dma semaphore(%arg8 : memref<!tpu.dma_semaphore, #tpu.memory_space<semaphore_mem>>) src(%dma_wait3A_1218 : memref<1000001x32xf32, #tpu.memory_space<hbm>>) dst(%dma_wait3A_1208 : memref<50x32xf32, #tpu.memory_space<vmem>>)
      %dma_wait3A_1219 = arith.constant 1 : i32
      %dma_wait3A_1220 = arith.constant 9 : i32
      %dma_wait3A_1221 = arith.constant 1 : i32
      %dma_wait3A_1222 = arith.constant 0 : i32
      %dma_wait3A_1223 = arith.constant 0 : i32
      %dma_wait3A_1224 = tpu.memref_slice %arg6[%dma_wait3A_1221, %dma_wait3A_1222, %dma_wait3A_1223] : memref<2x800x32xf32, #tpu.memory_space<vmem>> -> memref<1x800x32xf32, #tpu.memory_space<vmem>>
      %dma_wait3A_1225 = tpu.memref_squeeze %dma_wait3A_1224 : memref<1x800x32xf32, #tpu.memory_space<vmem>> -> memref<800x32xf32, #tpu.memory_space<vmem>>
      %dma_wait3A_1226 = arith.constant 450 : i32
      %dma_wait3A_1227 = arith.constant 0 : i32
      %dma_wait3A_1228 = tpu.memref_slice %dma_wait3A_1225[%dma_wait3A_1226, %dma_wait3A_1227] : memref<800x32xf32, #tpu.memory_space<vmem>> -> memref<50x32xf32, #tpu.memory_space<vmem>>
      %dma_wait3A_1229 = arith.constant 0 : i32
      %dma_wait3A_1230 = arith.constant 0 : i32
      %dma_wait3A_1231 = tpu.memref_slice %arg5[%dma_wait3A_1219, %dma_wait3A_1229, %dma_wait3A_1230] : memref<2x16x50xi32, #tpu.memory_space<vmem>> -> memref<1x16x50xi32, #tpu.memory_space<vmem>>
      %dma_wait3A_1232 = tpu.memref_squeeze %dma_wait3A_1231 : memref<1x16x50xi32, #tpu.memory_space<vmem>> -> memref<16x50xi32, #tpu.memory_space<vmem>>
      %dma_wait3A_1233 = arith.constant 0 : i32
      %dma_wait3A_1234 = tpu.memref_slice %dma_wait3A_1232[%dma_wait3A_1220, %dma_wait3A_1233] : memref<16x50xi32, #tpu.memory_space<vmem>> -> memref<1x50xi32, #tpu.memory_space<vmem>>
      %dma_wait3A_1235 = tpu.memref_squeeze %dma_wait3A_1234 : memref<1x50xi32, #tpu.memory_space<vmem>> -> memref<50xi32, #tpu.memory_space<vmem>>
      %dma_wait3A_1236 = arith.constant 0 : i32
      %dma_wait3A_1237 = arith.constant 0 : i32
      %dma_wait3A_1238 = tpu.memref_slice %arg2[%dma_wait3A_1236, %dma_wait3A_1237] : memref<1000001x32xf32, #tpu.memory_space<hbm>> -> memref<1000001x32xf32, #tpu.memory_space<hbm>>
      tpu.wait_indirect_dma semaphore(%arg8 : memref<!tpu.dma_semaphore, #tpu.memory_space<semaphore_mem>>) src(%dma_wait3A_1238 : memref<1000001x32xf32, #tpu.memory_space<hbm>>) dst(%dma_wait3A_1228 : memref<50x32xf32, #tpu.memory_space<vmem>>)
      %dma_wait3A_1239 = arith.constant 1 : i32
      %dma_wait3A_1240 = arith.constant 10 : i32
      %dma_wait3A_1241 = arith.constant 1 : i32
      %dma_wait3A_1242 = arith.constant 0 : i32
      %dma_wait3A_1243 = arith.constant 0 : i32
      %dma_wait3A_1244 = tpu.memref_slice %arg6[%dma_wait3A_1241, %dma_wait3A_1242, %dma_wait3A_1243] : memref<2x800x32xf32, #tpu.memory_space<vmem>> -> memref<1x800x32xf32, #tpu.memory_space<vmem>>
      %dma_wait3A_1245 = tpu.memref_squeeze %dma_wait3A_1244 : memref<1x800x32xf32, #tpu.memory_space<vmem>> -> memref<800x32xf32, #tpu.memory_space<vmem>>
      %dma_wait3A_1246 = arith.constant 500 : i32
      %dma_wait3A_1247 = arith.constant 0 : i32
      %dma_wait3A_1248 = tpu.memref_slice %dma_wait3A_1245[%dma_wait3A_1246, %dma_wait3A_1247] : memref<800x32xf32, #tpu.memory_space<vmem>> -> memref<50x32xf32, #tpu.memory_space<vmem>>
      %dma_wait3A_1249 = arith.constant 0 : i32
      %dma_wait3A_1250 = arith.constant 0 : i32
      %dma_wait3A_1251 = tpu.memref_slice %arg5[%dma_wait3A_1239, %dma_wait3A_1249, %dma_wait3A_1250] : memref<2x16x50xi32, #tpu.memory_space<vmem>> -> memref<1x16x50xi32, #tpu.memory_space<vmem>>
      %dma_wait3A_1252 = tpu.memref_squeeze %dma_wait3A_1251 : memref<1x16x50xi32, #tpu.memory_space<vmem>> -> memref<16x50xi32, #tpu.memory_space<vmem>>
      %dma_wait3A_1253 = arith.constant 0 : i32
      %dma_wait3A_1254 = tpu.memref_slice %dma_wait3A_1252[%dma_wait3A_1240, %dma_wait3A_1253] : memref<16x50xi32, #tpu.memory_space<vmem>> -> memref<1x50xi32, #tpu.memory_space<vmem>>
      %dma_wait3A_1255 = tpu.memref_squeeze %dma_wait3A_1254 : memref<1x50xi32, #tpu.memory_space<vmem>> -> memref<50xi32, #tpu.memory_space<vmem>>
      %dma_wait3A_1256 = arith.constant 0 : i32
      %dma_wait3A_1257 = arith.constant 0 : i32
      %dma_wait3A_1258 = tpu.memref_slice %arg2[%dma_wait3A_1256, %dma_wait3A_1257] : memref<1000001x32xf32, #tpu.memory_space<hbm>> -> memref<1000001x32xf32, #tpu.memory_space<hbm>>
      tpu.wait_indirect_dma semaphore(%arg8 : memref<!tpu.dma_semaphore, #tpu.memory_space<semaphore_mem>>) src(%dma_wait3A_1258 : memref<1000001x32xf32, #tpu.memory_space<hbm>>) dst(%dma_wait3A_1248 : memref<50x32xf32, #tpu.memory_space<vmem>>)
      %dma_wait3A_1259 = arith.constant 1 : i32
      %dma_wait3A_1260 = arith.constant 11 : i32
      %dma_wait3A_1261 = arith.constant 1 : i32
      %dma_wait3A_1262 = arith.constant 0 : i32
      %dma_wait3A_1263 = arith.constant 0 : i32
      %dma_wait3A_1264 = tpu.memref_slice %arg6[%dma_wait3A_1261, %dma_wait3A_1262, %dma_wait3A_1263] : memref<2x800x32xf32, #tpu.memory_space<vmem>> -> memref<1x800x32xf32, #tpu.memory_space<vmem>>
      %dma_wait3A_1265 = tpu.memref_squeeze %dma_wait3A_1264 : memref<1x800x32xf32, #tpu.memory_space<vmem>> -> memref<800x32xf32, #tpu.memory_space<vmem>>
      %dma_wait3A_1266 = arith.constant 550 : i32
      %dma_wait3A_1267 = arith.constant 0 : i32
      %dma_wait3A_1268 = tpu.memref_slice %dma_wait3A_1265[%dma_wait3A_1266, %dma_wait3A_1267] : memref<800x32xf32, #tpu.memory_space<vmem>> -> memref<50x32xf32, #tpu.memory_space<vmem>>
      %dma_wait3A_1269 = arith.constant 0 : i32
      %dma_wait3A_1270 = arith.constant 0 : i32
      %dma_wait3A_1271 = tpu.memref_slice %arg5[%dma_wait3A_1259, %dma_wait3A_1269, %dma_wait3A_1270] : memref<2x16x50xi32, #tpu.memory_space<vmem>> -> memref<1x16x50xi32, #tpu.memory_space<vmem>>
      %dma_wait3A_1272 = tpu.memref_squeeze %dma_wait3A_1271 : memref<1x16x50xi32, #tpu.memory_space<vmem>> -> memref<16x50xi32, #tpu.memory_space<vmem>>
      %dma_wait3A_1273 = arith.constant 0 : i32
      %dma_wait3A_1274 = tpu.memref_slice %dma_wait3A_1272[%dma_wait3A_1260, %dma_wait3A_1273] : memref<16x50xi32, #tpu.memory_space<vmem>> -> memref<1x50xi32, #tpu.memory_space<vmem>>
      %dma_wait3A_1275 = tpu.memref_squeeze %dma_wait3A_1274 : memref<1x50xi32, #tpu.memory_space<vmem>> -> memref<50xi32, #tpu.memory_space<vmem>>
      %dma_wait3A_1276 = arith.constant 0 : i32
      %dma_wait3A_1277 = arith.constant 0 : i32
      %dma_wait3A_1278 = tpu.memref_slice %arg2[%dma_wait3A_1276, %dma_wait3A_1277] : memref<1000001x32xf32, #tpu.memory_space<hbm>> -> memref<1000001x32xf32, #tpu.memory_space<hbm>>
      tpu.wait_indirect_dma semaphore(%arg8 : memref<!tpu.dma_semaphore, #tpu.memory_space<semaphore_mem>>) src(%dma_wait3A_1278 : memref<1000001x32xf32, #tpu.memory_space<hbm>>) dst(%dma_wait3A_1268 : memref<50x32xf32, #tpu.memory_space<vmem>>)
      %dma_wait3A_1279 = arith.constant 1 : i32
      %dma_wait3A_1280 = arith.constant 12 : i32
      %dma_wait3A_1281 = arith.constant 1 : i32
      %dma_wait3A_1282 = arith.constant 0 : i32
      %dma_wait3A_1283 = arith.constant 0 : i32
      %dma_wait3A_1284 = tpu.memref_slice %arg6[%dma_wait3A_1281, %dma_wait3A_1282, %dma_wait3A_1283] : memref<2x800x32xf32, #tpu.memory_space<vmem>> -> memref<1x800x32xf32, #tpu.memory_space<vmem>>
      %dma_wait3A_1285 = tpu.memref_squeeze %dma_wait3A_1284 : memref<1x800x32xf32, #tpu.memory_space<vmem>> -> memref<800x32xf32, #tpu.memory_space<vmem>>
      %dma_wait3A_1286 = arith.constant 600 : i32
      %dma_wait3A_1287 = arith.constant 0 : i32
      %dma_wait3A_1288 = tpu.memref_slice %dma_wait3A_1285[%dma_wait3A_1286, %dma_wait3A_1287] : memref<800x32xf32, #tpu.memory_space<vmem>> -> memref<50x32xf32, #tpu.memory_space<vmem>>
      %dma_wait3A_1289 = arith.constant 0 : i32
      %dma_wait3A_1290 = arith.constant 0 : i32
      %dma_wait3A_1291 = tpu.memref_slice %arg5[%dma_wait3A_1279, %dma_wait3A_1289, %dma_wait3A_1290] : memref<2x16x50xi32, #tpu.memory_space<vmem>> -> memref<1x16x50xi32, #tpu.memory_space<vmem>>
      %dma_wait3A_1292 = tpu.memref_squeeze %dma_wait3A_1291 : memref<1x16x50xi32, #tpu.memory_space<vmem>> -> memref<16x50xi32, #tpu.memory_space<vmem>>
      %dma_wait3A_1293 = arith.constant 0 : i32
      %dma_wait3A_1294 = tpu.memref_slice %dma_wait3A_1292[%dma_wait3A_1280, %dma_wait3A_1293] : memref<16x50xi32, #tpu.memory_space<vmem>> -> memref<1x50xi32, #tpu.memory_space<vmem>>
      %dma_wait3A_1295 = tpu.memref_squeeze %dma_wait3A_1294 : memref<1x50xi32, #tpu.memory_space<vmem>> -> memref<50xi32, #tpu.memory_space<vmem>>
      %dma_wait3A_1296 = arith.constant 0 : i32
      %dma_wait3A_1297 = arith.constant 0 : i32
      %dma_wait3A_1298 = tpu.memref_slice %arg2[%dma_wait3A_1296, %dma_wait3A_1297] : memref<1000001x32xf32, #tpu.memory_space<hbm>> -> memref<1000001x32xf32, #tpu.memory_space<hbm>>
      tpu.wait_indirect_dma semaphore(%arg8 : memref<!tpu.dma_semaphore, #tpu.memory_space<semaphore_mem>>) src(%dma_wait3A_1298 : memref<1000001x32xf32, #tpu.memory_space<hbm>>) dst(%dma_wait3A_1288 : memref<50x32xf32, #tpu.memory_space<vmem>>)
      %dma_wait3A_1299 = arith.constant 1 : i32
      %dma_wait3A_1300 = arith.constant 13 : i32
      %dma_wait3A_1301 = arith.constant 1 : i32
      %dma_wait3A_1302 = arith.constant 0 : i32
      %dma_wait3A_1303 = arith.constant 0 : i32
      %dma_wait3A_1304 = tpu.memref_slice %arg6[%dma_wait3A_1301, %dma_wait3A_1302, %dma_wait3A_1303] : memref<2x800x32xf32, #tpu.memory_space<vmem>> -> memref<1x800x32xf32, #tpu.memory_space<vmem>>
      %dma_wait3A_1305 = tpu.memref_squeeze %dma_wait3A_1304 : memref<1x800x32xf32, #tpu.memory_space<vmem>> -> memref<800x32xf32, #tpu.memory_space<vmem>>
      %dma_wait3A_1306 = arith.constant 650 : i32
      %dma_wait3A_1307 = arith.constant 0 : i32
      %dma_wait3A_1308 = tpu.memref_slice %dma_wait3A_1305[%dma_wait3A_1306, %dma_wait3A_1307] : memref<800x32xf32, #tpu.memory_space<vmem>> -> memref<50x32xf32, #tpu.memory_space<vmem>>
      %dma_wait3A_1309 = arith.constant 0 : i32
      %dma_wait3A_1310 = arith.constant 0 : i32
      %dma_wait3A_1311 = tpu.memref_slice %arg5[%dma_wait3A_1299, %dma_wait3A_1309, %dma_wait3A_1310] : memref<2x16x50xi32, #tpu.memory_space<vmem>> -> memref<1x16x50xi32, #tpu.memory_space<vmem>>
      %dma_wait3A_1312 = tpu.memref_squeeze %dma_wait3A_1311 : memref<1x16x50xi32, #tpu.memory_space<vmem>> -> memref<16x50xi32, #tpu.memory_space<vmem>>
      %dma_wait3A_1313 = arith.constant 0 : i32
      %dma_wait3A_1314 = tpu.memref_slice %dma_wait3A_1312[%dma_wait3A_1300, %dma_wait3A_1313] : memref<16x50xi32, #tpu.memory_space<vmem>> -> memref<1x50xi32, #tpu.memory_space<vmem>>
      %dma_wait3A_1315 = tpu.memref_squeeze %dma_wait3A_1314 : memref<1x50xi32, #tpu.memory_space<vmem>> -> memref<50xi32, #tpu.memory_space<vmem>>
      %dma_wait3A_1316 = arith.constant 0 : i32
      %dma_wait3A_1317 = arith.constant 0 : i32
      %dma_wait3A_1318 = tpu.memref_slice %arg2[%dma_wait3A_1316, %dma_wait3A_1317] : memref<1000001x32xf32, #tpu.memory_space<hbm>> -> memref<1000001x32xf32, #tpu.memory_space<hbm>>
      tpu.wait_indirect_dma semaphore(%arg8 : memref<!tpu.dma_semaphore, #tpu.memory_space<semaphore_mem>>) src(%dma_wait3A_1318 : memref<1000001x32xf32, #tpu.memory_space<hbm>>) dst(%dma_wait3A_1308 : memref<50x32xf32, #tpu.memory_space<vmem>>)
      %dma_wait3A_1319 = arith.constant 1 : i32
      %dma_wait3A_1320 = arith.constant 14 : i32
      %dma_wait3A_1321 = arith.constant 1 : i32
      %dma_wait3A_1322 = arith.constant 0 : i32
      %dma_wait3A_1323 = arith.constant 0 : i32
      %dma_wait3A_1324 = tpu.memref_slice %arg6[%dma_wait3A_1321, %dma_wait3A_1322, %dma_wait3A_1323] : memref<2x800x32xf32, #tpu.memory_space<vmem>> -> memref<1x800x32xf32, #tpu.memory_space<vmem>>
      %dma_wait3A_1325 = tpu.memref_squeeze %dma_wait3A_1324 : memref<1x800x32xf32, #tpu.memory_space<vmem>> -> memref<800x32xf32, #tpu.memory_space<vmem>>
      %dma_wait3A_1326 = arith.constant 700 : i32
      %dma_wait3A_1327 = arith.constant 0 : i32
      %dma_wait3A_1328 = tpu.memref_slice %dma_wait3A_1325[%dma_wait3A_1326, %dma_wait3A_1327] : memref<800x32xf32, #tpu.memory_space<vmem>> -> memref<50x32xf32, #tpu.memory_space<vmem>>
      %dma_wait3A_1329 = arith.constant 0 : i32
      %dma_wait3A_1330 = arith.constant 0 : i32
      %dma_wait3A_1331 = tpu.memref_slice %arg5[%dma_wait3A_1319, %dma_wait3A_1329, %dma_wait3A_1330] : memref<2x16x50xi32, #tpu.memory_space<vmem>> -> memref<1x16x50xi32, #tpu.memory_space<vmem>>
      %dma_wait3A_1332 = tpu.memref_squeeze %dma_wait3A_1331 : memref<1x16x50xi32, #tpu.memory_space<vmem>> -> memref<16x50xi32, #tpu.memory_space<vmem>>
      %dma_wait3A_1333 = arith.constant 0 : i32
      %dma_wait3A_1334 = tpu.memref_slice %dma_wait3A_1332[%dma_wait3A_1320, %dma_wait3A_1333] : memref<16x50xi32, #tpu.memory_space<vmem>> -> memref<1x50xi32, #tpu.memory_space<vmem>>
      %dma_wait3A_1335 = tpu.memref_squeeze %dma_wait3A_1334 : memref<1x50xi32, #tpu.memory_space<vmem>> -> memref<50xi32, #tpu.memory_space<vmem>>
      %dma_wait3A_1336 = arith.constant 0 : i32
      %dma_wait3A_1337 = arith.constant 0 : i32
      %dma_wait3A_1338 = tpu.memref_slice %arg2[%dma_wait3A_1336, %dma_wait3A_1337] : memref<1000001x32xf32, #tpu.memory_space<hbm>> -> memref<1000001x32xf32, #tpu.memory_space<hbm>>
      tpu.wait_indirect_dma semaphore(%arg8 : memref<!tpu.dma_semaphore, #tpu.memory_space<semaphore_mem>>) src(%dma_wait3A_1338 : memref<1000001x32xf32, #tpu.memory_space<hbm>>) dst(%dma_wait3A_1328 : memref<50x32xf32, #tpu.memory_space<vmem>>)
      %dma_wait3A_1339 = arith.constant 1 : i32
      %dma_wait3A_1340 = arith.constant 15 : i32
      %dma_wait3A_1341 = arith.constant 1 : i32
      %dma_wait3A_1342 = arith.constant 0 : i32
      %dma_wait3A_1343 = arith.constant 0 : i32
      %dma_wait3A_1344 = tpu.memref_slice %arg6[%dma_wait3A_1341, %dma_wait3A_1342, %dma_wait3A_1343] : memref<2x800x32xf32, #tpu.memory_space<vmem>> -> memref<1x800x32xf32, #tpu.memory_space<vmem>>
      %dma_wait3A_1345 = tpu.memref_squeeze %dma_wait3A_1344 : memref<1x800x32xf32, #tpu.memory_space<vmem>> -> memref<800x32xf32, #tpu.memory_space<vmem>>
      %dma_wait3A_1346 = arith.constant 750 : i32
      %dma_wait3A_1347 = arith.constant 0 : i32
      %dma_wait3A_1348 = tpu.memref_slice %dma_wait3A_1345[%dma_wait3A_1346, %dma_wait3A_1347] : memref<800x32xf32, #tpu.memory_space<vmem>> -> memref<50x32xf32, #tpu.memory_space<vmem>>
      %dma_wait3A_1349 = arith.constant 0 : i32
      %dma_wait3A_1350 = arith.constant 0 : i32
      %dma_wait3A_1351 = tpu.memref_slice %arg5[%dma_wait3A_1339, %dma_wait3A_1349, %dma_wait3A_1350] : memref<2x16x50xi32, #tpu.memory_space<vmem>> -> memref<1x16x50xi32, #tpu.memory_space<vmem>>
      %dma_wait3A_1352 = tpu.memref_squeeze %dma_wait3A_1351 : memref<1x16x50xi32, #tpu.memory_space<vmem>> -> memref<16x50xi32, #tpu.memory_space<vmem>>
      %dma_wait3A_1353 = arith.constant 0 : i32
      %dma_wait3A_1354 = tpu.memref_slice %dma_wait3A_1352[%dma_wait3A_1340, %dma_wait3A_1353] : memref<16x50xi32, #tpu.memory_space<vmem>> -> memref<1x50xi32, #tpu.memory_space<vmem>>
      %dma_wait3A_1355 = tpu.memref_squeeze %dma_wait3A_1354 : memref<1x50xi32, #tpu.memory_space<vmem>> -> memref<50xi32, #tpu.memory_space<vmem>>
      %dma_wait3A_1356 = arith.constant 0 : i32
      %dma_wait3A_1357 = arith.constant 0 : i32
      %dma_wait3A_1358 = tpu.memref_slice %arg2[%dma_wait3A_1356, %dma_wait3A_1357] : memref<1000001x32xf32, #tpu.memory_space<hbm>> -> memref<1000001x32xf32, #tpu.memory_space<hbm>>
      tpu.wait_indirect_dma semaphore(%arg8 : memref<!tpu.dma_semaphore, #tpu.memory_space<semaphore_mem>>) src(%dma_wait3A_1358 : memref<1000001x32xf32, #tpu.memory_space<hbm>>) dst(%dma_wait3A_1348 : memref<50x32xf32, #tpu.memory_space<vmem>>)
      %gt3A_1359 = arith.constant 0 : i32
      %gt3A_1360 = arith.cmpi sgt, %add3A_370, %gt3A_1359 : i32
      %convert_element_type3A_1361 = arith.extui %gt3A_1360 : i1 to i32
      %cond3A_1362 = arith.constant 0 : i32
      %cond3A_1363 = arith.cmpi ne, %convert_element_type3A_1361, %cond3A_1362 : i32
      scf.if %cond3A_1363 {
        %mul3A_1379 = arith.constant 16 : i32
        %mul3A_1380 = arith.muli %add3A_370, %mul3A_1379 : i32
        %add3A_1381 = arith.addi %mul3A_2, %mul3A_1380 : i32
        %multiple_of3A_1382 = tpu.assume_multiple %add3A_1381, 8 : i32
        %dma_wait3A_1383 = arith.constant 0 : i32
        %dma_wait3A_1384 = tpu.memref_slice %arg4[%dma_wait3A_1383, %multiple_of3A_1382] : memref<1600x16384xf32, #tpu.memory_space<hbm>> -> memref<1600x16xf32, #tpu.memory_space<hbm>>
        %dma_wait3A_1385 = arith.constant 0 : i32
        %dma_wait3A_1386 = tpu.memref_slice %arg4[%dma_wait3A_1385, %multiple_of3A_1382] : memref<1600x16384xf32, #tpu.memory_space<hbm>> -> memref<1600x16xf32, #tpu.memory_space<hbm>>
        tpu.wait_dma2 semaphore(%arg9 : memref<!tpu.dma_semaphore, #tpu.memory_space<semaphore_mem>>) src(%arg7 : memref<1600x16xf32, #tpu.memory_space<vmem>>) dst(%dma_wait3A_1386 : memref<1600x16xf32, #tpu.memory_space<hbm>>)
      } else {
      }
      %scan3A_1364 = arith.constant 0 : i32
      %scan3A_1365 = arith.constant 1 : i32
      %scan3A_1366 = arith.constant 0 : i32
      %scan3A_1367 = arith.constant 50 : i32
      %scan3A_1368 = arith.addi %scan3A_1366, %scan3A_1367 : i32
      %scan3A_1369 = arith.constant 1 : i32
      scf.for %scan3A_1379 = %scan3A_1366 to %scan3A_1368 step %scan3A_1369  : i32 {
        %mul3A_1380 = arith.constant 32 : i32
        %mul3A_1381 = arith.muli %scan3A_1379, %mul3A_1380 : i32
        %add3A_1382 = arith.constant 0 : i32
        %add3A_1383 = arith.addi %mul3A_1381, %add3A_1382 : i32
        %add3A_1384 = vector.broadcast %add3A_1383 : i32 to vector<16xi32>
        %add3A_1385 = arith.addi %iota3A, %add3A_1384 : vector<16xi32>
        %add3A_1386 = arith.constant 0 : i32
        %add3A_1387 = arith.addi %add3A_1386, %scan3A_1379 : i32
        %get3A = arith.constant 0 : i32
        %get3A_1388 = arith.constant 0 : i32
        %get3A_1389 = tpu.memref_slice %arg6[%scan3A_1365, %get3A, %get3A_1388] : memref<2x800x32xf32, #tpu.memory_space<vmem>> -> memref<1x800x32xf32, #tpu.memory_space<vmem>>
        %get3A_1390 = tpu.memref_squeeze %get3A_1389 : memref<1x800x32xf32, #tpu.memory_space<vmem>> -> memref<800x32xf32, #tpu.memory_space<vmem>>
        %get3A_1391 = arith.index_cast %add3A_1387 : i32 to index
        %get3A_1392 = arith.constant 0 : index
        %get3A_1393 = tpu.vector_load %get3A_1390[%get3A_1391, %get3A_1392] {strides = array<i32>} : memref<800x32xf32, #tpu.memory_space<vmem>>, vector<16xf32>,
        tpu.vector_store_idx %arg7[%add3A_1385, %broadcast_in_dim3A_3], %get3A_1393 : memref<1600x16xf32, #tpu.memory_space<vmem>>[vector<16xi32>, vector<16xi32>], vector<16xf32>,
        %add3A_1394 = arith.constant 50 : i32
        %add3A_1395 = arith.addi %add3A_1394, %scan3A_1379 : i32
        %get3A_1396 = arith.constant 0 : i32
        %get3A_1397 = arith.constant 0 : i32
        %get3A_1398 = tpu.memref_slice %arg6[%scan3A_1365, %get3A_1396, %get3A_1397] : memref<2x800x32xf32, #tpu.memory_space<vmem>> -> memref<1x800x32xf32, #tpu.memory_space<vmem>>
        %get3A_1399 = tpu.memref_squeeze %get3A_1398 : memref<1x800x32xf32, #tpu.memory_space<vmem>> -> memref<800x32xf32, #tpu.memory_space<vmem>>
        %get3A_1400 = arith.index_cast %add3A_1395 : i32 to index
        %get3A_1401 = arith.constant 0 : index
        %get3A_1402 = tpu.vector_load %get3A_1399[%get3A_1400, %get3A_1401] {strides = array<i32>} : memref<800x32xf32, #tpu.memory_space<vmem>>, vector<16xf32>,
        tpu.vector_store_idx %arg7[%add3A_1385, %broadcast_in_dim3A_5], %get3A_1402 : memref<1600x16xf32, #tpu.memory_space<vmem>>[vector<16xi32>, vector<16xi32>], vector<16xf32>,
        %add3A_1403 = arith.constant 100 : i32
        %add3A_1404 = arith.addi %add3A_1403, %scan3A_1379 : i32
        %get3A_1405 = arith.constant 0 : i32
        %get3A_1406 = arith.constant 0 : i32
        %get3A_1407 = tpu.memref_slice %arg6[%scan3A_1365, %get3A_1405, %get3A_1406] : memref<2x800x32xf32, #tpu.memory_space<vmem>> -> memref<1x800x32xf32, #tpu.memory_space<vmem>>
        %get3A_1408 = tpu.memref_squeeze %get3A_1407 : memref<1x800x32xf32, #tpu.memory_space<vmem>> -> memref<800x32xf32, #tpu.memory_space<vmem>>
        %get3A_1409 = arith.index_cast %add3A_1404 : i32 to index
        %get3A_1410 = arith.constant 0 : index
        %get3A_1411 = tpu.vector_load %get3A_1408[%get3A_1409, %get3A_1410] {strides = array<i32>} : memref<800x32xf32, #tpu.memory_space<vmem>>, vector<16xf32>,
        tpu.vector_store_idx %arg7[%add3A_1385, %broadcast_in_dim3A_7], %get3A_1411 : memref<1600x16xf32, #tpu.memory_space<vmem>>[vector<16xi32>, vector<16xi32>], vector<16xf32>,
        %add3A_1412 = arith.constant 150 : i32
        %add3A_1413 = arith.addi %add3A_1412, %scan3A_1379 : i32
        %get3A_1414 = arith.constant 0 : i32
        %get3A_1415 = arith.constant 0 : i32
        %get3A_1416 = tpu.memref_slice %arg6[%scan3A_1365, %get3A_1414, %get3A_1415] : memref<2x800x32xf32, #tpu.memory_space<vmem>> -> memref<1x800x32xf32, #tpu.memory_space<vmem>>
        %get3A_1417 = tpu.memref_squeeze %get3A_1416 : memref<1x800x32xf32, #tpu.memory_space<vmem>> -> memref<800x32xf32, #tpu.memory_space<vmem>>
        %get3A_1418 = arith.index_cast %add3A_1413 : i32 to index
        %get3A_1419 = arith.constant 0 : index
        %get3A_1420 = tpu.vector_load %get3A_1417[%get3A_1418, %get3A_1419] {strides = array<i32>} : memref<800x32xf32, #tpu.memory_space<vmem>>, vector<16xf32>,
        tpu.vector_store_idx %arg7[%add3A_1385, %broadcast_in_dim3A_9], %get3A_1420 : memref<1600x16xf32, #tpu.memory_space<vmem>>[vector<16xi32>, vector<16xi32>], vector<16xf32>,
        %add3A_1421 = arith.constant 200 : i32
        %add3A_1422 = arith.addi %add3A_1421, %scan3A_1379 : i32
        %get3A_1423 = arith.constant 0 : i32
        %get3A_1424 = arith.constant 0 : i32
        %get3A_1425 = tpu.memref_slice %arg6[%scan3A_1365, %get3A_1423, %get3A_1424] : memref<2x800x32xf32, #tpu.memory_space<vmem>> -> memref<1x800x32xf32, #tpu.memory_space<vmem>>
        %get3A_1426 = tpu.memref_squeeze %get3A_1425 : memref<1x800x32xf32, #tpu.memory_space<vmem>> -> memref<800x32xf32, #tpu.memory_space<vmem>>
        %get3A_1427 = arith.index_cast %add3A_1422 : i32 to index
        %get3A_1428 = arith.constant 0 : index
        %get3A_1429 = tpu.vector_load %get3A_1426[%get3A_1427, %get3A_1428] {strides = array<i32>} : memref<800x32xf32, #tpu.memory_space<vmem>>, vector<16xf32>,
        tpu.vector_store_idx %arg7[%add3A_1385, %broadcast_in_dim3A_11], %get3A_1429 : memref<1600x16xf32, #tpu.memory_space<vmem>>[vector<16xi32>, vector<16xi32>], vector<16xf32>,
        %add3A_1430 = arith.constant 250 : i32
        %add3A_1431 = arith.addi %add3A_1430, %scan3A_1379 : i32
        %get3A_1432 = arith.constant 0 : i32
        %get3A_1433 = arith.constant 0 : i32
        %get3A_1434 = tpu.memref_slice %arg6[%scan3A_1365, %get3A_1432, %get3A_1433] : memref<2x800x32xf32, #tpu.memory_space<vmem>> -> memref<1x800x32xf32, #tpu.memory_space<vmem>>
        %get3A_1435 = tpu.memref_squeeze %get3A_1434 : memref<1x800x32xf32, #tpu.memory_space<vmem>> -> memref<800x32xf32, #tpu.memory_space<vmem>>
        %get3A_1436 = arith.index_cast %add3A_1431 : i32 to index
        %get3A_1437 = arith.constant 0 : index
        %get3A_1438 = tpu.vector_load %get3A_1435[%get3A_1436, %get3A_1437] {strides = array<i32>} : memref<800x32xf32, #tpu.memory_space<vmem>>, vector<16xf32>,
        tpu.vector_store_idx %arg7[%add3A_1385, %broadcast_in_dim3A_13], %get3A_1438 : memref<1600x16xf32, #tpu.memory_space<vmem>>[vector<16xi32>, vector<16xi32>], vector<16xf32>,
        %add3A_1439 = arith.constant 300 : i32
        %add3A_1440 = arith.addi %add3A_1439, %scan3A_1379 : i32
        %get3A_1441 = arith.constant 0 : i32
        %get3A_1442 = arith.constant 0 : i32
        %get3A_1443 = tpu.memref_slice %arg6[%scan3A_1365, %get3A_1441, %get3A_1442] : memref<2x800x32xf32, #tpu.memory_space<vmem>> -> memref<1x800x32xf32, #tpu.memory_space<vmem>>
        %get3A_1444 = tpu.memref_squeeze %get3A_1443 : memref<1x800x32xf32, #tpu.memory_space<vmem>> -> memref<800x32xf32, #tpu.memory_space<vmem>>
        %get3A_1445 = arith.index_cast %add3A_1440 : i32 to index
        %get3A_1446 = arith.constant 0 : index
        %get3A_1447 = tpu.vector_load %get3A_1444[%get3A_1445, %get3A_1446] {strides = array<i32>} : memref<800x32xf32, #tpu.memory_space<vmem>>, vector<16xf32>,
        tpu.vector_store_idx %arg7[%add3A_1385, %broadcast_in_dim3A_15], %get3A_1447 : memref<1600x16xf32, #tpu.memory_space<vmem>>[vector<16xi32>, vector<16xi32>], vector<16xf32>,
        %add3A_1448 = arith.constant 350 : i32
        %add3A_1449 = arith.addi %add3A_1448, %scan3A_1379 : i32
        %get3A_1450 = arith.constant 0 : i32
        %get3A_1451 = arith.constant 0 : i32
        %get3A_1452 = tpu.memref_slice %arg6[%scan3A_1365, %get3A_1450, %get3A_1451] : memref<2x800x32xf32, #tpu.memory_space<vmem>> -> memref<1x800x32xf32, #tpu.memory_space<vmem>>
        %get3A_1453 = tpu.memref_squeeze %get3A_1452 : memref<1x800x32xf32, #tpu.memory_space<vmem>> -> memref<800x32xf32, #tpu.memory_space<vmem>>
        %get3A_1454 = arith.index_cast %add3A_1449 : i32 to index
        %get3A_1455 = arith.constant 0 : index
        %get3A_1456 = tpu.vector_load %get3A_1453[%get3A_1454, %get3A_1455] {strides = array<i32>} : memref<800x32xf32, #tpu.memory_space<vmem>>, vector<16xf32>,
        tpu.vector_store_idx %arg7[%add3A_1385, %broadcast_in_dim3A_17], %get3A_1456 : memref<1600x16xf32, #tpu.memory_space<vmem>>[vector<16xi32>, vector<16xi32>], vector<16xf32>,
        %add3A_1457 = arith.constant 400 : i32
        %add3A_1458 = arith.addi %add3A_1457, %scan3A_1379 : i32
        %get3A_1459 = arith.constant 0 : i32
        %get3A_1460 = arith.constant 0 : i32
        %get3A_1461 = tpu.memref_slice %arg6[%scan3A_1365, %get3A_1459, %get3A_1460] : memref<2x800x32xf32, #tpu.memory_space<vmem>> -> memref<1x800x32xf32, #tpu.memory_space<vmem>>
        %get3A_1462 = tpu.memref_squeeze %get3A_1461 : memref<1x800x32xf32, #tpu.memory_space<vmem>> -> memref<800x32xf32, #tpu.memory_space<vmem>>
        %get3A_1463 = arith.index_cast %add3A_1458 : i32 to index
        %get3A_1464 = arith.constant 0 : index
        %get3A_1465 = tpu.vector_load %get3A_1462[%get3A_1463, %get3A_1464] {strides = array<i32>} : memref<800x32xf32, #tpu.memory_space<vmem>>, vector<16xf32>,
        tpu.vector_store_idx %arg7[%add3A_1385, %broadcast_in_dim3A_19], %get3A_1465 : memref<1600x16xf32, #tpu.memory_space<vmem>>[vector<16xi32>, vector<16xi32>], vector<16xf32>,
        %add3A_1466 = arith.constant 450 : i32
        %add3A_1467 = arith.addi %add3A_1466, %scan3A_1379 : i32
        %get3A_1468 = arith.constant 0 : i32
        %get3A_1469 = arith.constant 0 : i32
        %get3A_1470 = tpu.memref_slice %arg6[%scan3A_1365, %get3A_1468, %get3A_1469] : memref<2x800x32xf32, #tpu.memory_space<vmem>> -> memref<1x800x32xf32, #tpu.memory_space<vmem>>
        %get3A_1471 = tpu.memref_squeeze %get3A_1470 : memref<1x800x32xf32, #tpu.memory_space<vmem>> -> memref<800x32xf32, #tpu.memory_space<vmem>>
        %get3A_1472 = arith.index_cast %add3A_1467 : i32 to index
        %get3A_1473 = arith.constant 0 : index
        %get3A_1474 = tpu.vector_load %get3A_1471[%get3A_1472, %get3A_1473] {strides = array<i32>} : memref<800x32xf32, #tpu.memory_space<vmem>>, vector<16xf32>,
        tpu.vector_store_idx %arg7[%add3A_1385, %broadcast_in_dim3A_21], %get3A_1474 : memref<1600x16xf32, #tpu.memory_space<vmem>>[vector<16xi32>, vector<16xi32>], vector<16xf32>,
        %add3A_1475 = arith.constant 500 : i32
        %add3A_1476 = arith.addi %add3A_1475, %scan3A_1379 : i32
        %get3A_1477 = arith.constant 0 : i32
        %get3A_1478 = arith.constant 0 : i32
        %get3A_1479 = tpu.memref_slice %arg6[%scan3A_1365, %get3A_1477, %get3A_1478] : memref<2x800x32xf32, #tpu.memory_space<vmem>> -> memref<1x800x32xf32, #tpu.memory_space<vmem>>
        %get3A_1480 = tpu.memref_squeeze %get3A_1479 : memref<1x800x32xf32, #tpu.memory_space<vmem>> -> memref<800x32xf32, #tpu.memory_space<vmem>>
        %get3A_1481 = arith.index_cast %add3A_1476 : i32 to index
        %get3A_1482 = arith.constant 0 : index
        %get3A_1483 = tpu.vector_load %get3A_1480[%get3A_1481, %get3A_1482] {strides = array<i32>} : memref<800x32xf32, #tpu.memory_space<vmem>>, vector<16xf32>,
        tpu.vector_store_idx %arg7[%add3A_1385, %broadcast_in_dim3A_23], %get3A_1483 : memref<1600x16xf32, #tpu.memory_space<vmem>>[vector<16xi32>, vector<16xi32>], vector<16xf32>,
        %add3A_1484 = arith.constant 550 : i32
        %add3A_1485 = arith.addi %add3A_1484, %scan3A_1379 : i32
        %get3A_1486 = arith.constant 0 : i32
        %get3A_1487 = arith.constant 0 : i32
        %get3A_1488 = tpu.memref_slice %arg6[%scan3A_1365, %get3A_1486, %get3A_1487] : memref<2x800x32xf32, #tpu.memory_space<vmem>> -> memref<1x800x32xf32, #tpu.memory_space<vmem>>
        %get3A_1489 = tpu.memref_squeeze %get3A_1488 : memref<1x800x32xf32, #tpu.memory_space<vmem>> -> memref<800x32xf32, #tpu.memory_space<vmem>>
        %get3A_1490 = arith.index_cast %add3A_1485 : i32 to index
        %get3A_1491 = arith.constant 0 : index
        %get3A_1492 = tpu.vector_load %get3A_1489[%get3A_1490, %get3A_1491] {strides = array<i32>} : memref<800x32xf32, #tpu.memory_space<vmem>>, vector<16xf32>,
        tpu.vector_store_idx %arg7[%add3A_1385, %broadcast_in_dim3A_25], %get3A_1492 : memref<1600x16xf32, #tpu.memory_space<vmem>>[vector<16xi32>, vector<16xi32>], vector<16xf32>,
        %add3A_1493 = arith.constant 600 : i32
        %add3A_1494 = arith.addi %add3A_1493, %scan3A_1379 : i32
        %get3A_1495 = arith.constant 0 : i32
        %get3A_1496 = arith.constant 0 : i32
        %get3A_1497 = tpu.memref_slice %arg6[%scan3A_1365, %get3A_1495, %get3A_1496] : memref<2x800x32xf32, #tpu.memory_space<vmem>> -> memref<1x800x32xf32, #tpu.memory_space<vmem>>
        %get3A_1498 = tpu.memref_squeeze %get3A_1497 : memref<1x800x32xf32, #tpu.memory_space<vmem>> -> memref<800x32xf32, #tpu.memory_space<vmem>>
        %get3A_1499 = arith.index_cast %add3A_1494 : i32 to index
        %get3A_1500 = arith.constant 0 : index
        %get3A_1501 = tpu.vector_load %get3A_1498[%get3A_1499, %get3A_1500] {strides = array<i32>} : memref<800x32xf32, #tpu.memory_space<vmem>>, vector<16xf32>,
        tpu.vector_store_idx %arg7[%add3A_1385, %broadcast_in_dim3A_27], %get3A_1501 : memref<1600x16xf32, #tpu.memory_space<vmem>>[vector<16xi32>, vector<16xi32>], vector<16xf32>,
        %add3A_1502 = arith.constant 650 : i32
        %add3A_1503 = arith.addi %add3A_1502, %scan3A_1379 : i32
        %get3A_1504 = arith.constant 0 : i32
        %get3A_1505 = arith.constant 0 : i32
        %get3A_1506 = tpu.memref_slice %arg6[%scan3A_1365, %get3A_1504, %get3A_1505] : memref<2x800x32xf32, #tpu.memory_space<vmem>> -> memref<1x800x32xf32, #tpu.memory_space<vmem>>
        %get3A_1507 = tpu.memref_squeeze %get3A_1506 : memref<1x800x32xf32, #tpu.memory_space<vmem>> -> memref<800x32xf32, #tpu.memory_space<vmem>>
        %get3A_1508 = arith.index_cast %add3A_1503 : i32 to index
        %get3A_1509 = arith.constant 0 : index
        %get3A_1510 = tpu.vector_load %get3A_1507[%get3A_1508, %get3A_1509] {strides = array<i32>} : memref<800x32xf32, #tpu.memory_space<vmem>>, vector<16xf32>,
        tpu.vector_store_idx %arg7[%add3A_1385, %broadcast_in_dim3A_29], %get3A_1510 : memref<1600x16xf32, #tpu.memory_space<vmem>>[vector<16xi32>, vector<16xi32>], vector<16xf32>,
        %add3A_1511 = arith.constant 700 : i32
        %add3A_1512 = arith.addi %add3A_1511, %scan3A_1379 : i32
        %get3A_1513 = arith.constant 0 : i32
        %get3A_1514 = arith.constant 0 : i32
        %get3A_1515 = tpu.memref_slice %arg6[%scan3A_1365, %get3A_1513, %get3A_1514] : memref<2x800x32xf32, #tpu.memory_space<vmem>> -> memref<1x800x32xf32, #tpu.memory_space<vmem>>
        %get3A_1516 = tpu.memref_squeeze %get3A_1515 : memref<1x800x32xf32, #tpu.memory_space<vmem>> -> memref<800x32xf32, #tpu.memory_space<vmem>>
        %get3A_1517 = arith.index_cast %add3A_1512 : i32 to index
        %get3A_1518 = arith.constant 0 : index
        %get3A_1519 = tpu.vector_load %get3A_1516[%get3A_1517, %get3A_1518] {strides = array<i32>} : memref<800x32xf32, #tpu.memory_space<vmem>>, vector<16xf32>,
        tpu.vector_store_idx %arg7[%add3A_1385, %broadcast_in_dim3A_31], %get3A_1519 : memref<1600x16xf32, #tpu.memory_space<vmem>>[vector<16xi32>, vector<16xi32>], vector<16xf32>,
        %add3A_1520 = arith.constant 750 : i32
        %add3A_1521 = arith.addi %add3A_1520, %scan3A_1379 : i32
        %get3A_1522 = arith.constant 0 : i32
        %get3A_1523 = arith.constant 0 : i32
        %get3A_1524 = tpu.memref_slice %arg6[%scan3A_1365, %get3A_1522, %get3A_1523] : memref<2x800x32xf32, #tpu.memory_space<vmem>> -> memref<1x800x32xf32, #tpu.memory_space<vmem>>
        %get3A_1525 = tpu.memref_squeeze %get3A_1524 : memref<1x800x32xf32, #tpu.memory_space<vmem>> -> memref<800x32xf32, #tpu.memory_space<vmem>>
        %get3A_1526 = arith.index_cast %add3A_1521 : i32 to index
        %get3A_1527 = arith.constant 0 : index
        %get3A_1528 = tpu.vector_load %get3A_1525[%get3A_1526, %get3A_1527] {strides = array<i32>} : memref<800x32xf32, #tpu.memory_space<vmem>>, vector<16xf32>,
        tpu.vector_store_idx %arg7[%add3A_1385, %broadcast_in_dim3A_33], %get3A_1528 : memref<1600x16xf32, #tpu.memory_space<vmem>>[vector<16xi32>, vector<16xi32>], vector<16xf32>,
        %mul3A_1529 = arith.constant 32 : i32
        %mul3A_1530 = arith.muli %scan3A_1379, %mul3A_1529 : i32
        %add3A_1531 = arith.constant 16 : i32
        %add3A_1532 = arith.addi %mul3A_1530, %add3A_1531 : i32
        %add3A_1533 = vector.broadcast %add3A_1532 : i32 to vector<16xi32>
        %add3A_1534 = arith.addi %iota3A, %add3A_1533 : vector<16xi32>
        %add3A_1535 = arith.constant 0 : i32
        %add3A_1536 = arith.addi %add3A_1535, %scan3A_1379 : i32
        %get3A_1537 = arith.constant 0 : i32
        %get3A_1538 = arith.constant 0 : i32
        %get3A_1539 = tpu.memref_slice %arg6[%scan3A_1365, %get3A_1537, %get3A_1538] : memref<2x800x32xf32, #tpu.memory_space<vmem>> -> memref<1x800x32xf32, #tpu.memory_space<vmem>>
        %get3A_1540 = tpu.memref_squeeze %get3A_1539 : memref<1x800x32xf32, #tpu.memory_space<vmem>> -> memref<800x32xf32, #tpu.memory_space<vmem>>
        %get3A_1541 = arith.index_cast %add3A_1536 : i32 to index
        %get3A_1542 = arith.constant 16 : index
        %get3A_1543 = tpu.vector_load %get3A_1540[%get3A_1541, %get3A_1542] {strides = array<i32>} : memref<800x32xf32, #tpu.memory_space<vmem>>, vector<16xf32>,
        tpu.vector_store_idx %arg7[%add3A_1534, %broadcast_in_dim3A_3], %get3A_1543 : memref<1600x16xf32, #tpu.memory_space<vmem>>[vector<16xi32>, vector<16xi32>], vector<16xf32>,
        %add3A_1544 = arith.constant 50 : i32
        %add3A_1545 = arith.addi %add3A_1544, %scan3A_1379 : i32
        %get3A_1546 = arith.constant 0 : i32
        %get3A_1547 = arith.constant 0 : i32
        %get3A_1548 = tpu.memref_slice %arg6[%scan3A_1365, %get3A_1546, %get3A_1547] : memref<2x800x32xf32, #tpu.memory_space<vmem>> -> memref<1x800x32xf32, #tpu.memory_space<vmem>>
        %get3A_1549 = tpu.memref_squeeze %get3A_1548 : memref<1x800x32xf32, #tpu.memory_space<vmem>> -> memref<800x32xf32, #tpu.memory_space<vmem>>
        %get3A_1550 = arith.index_cast %add3A_1545 : i32 to index
        %get3A_1551 = arith.constant 16 : index
        %get3A_1552 = tpu.vector_load %get3A_1549[%get3A_1550, %get3A_1551] {strides = array<i32>} : memref<800x32xf32, #tpu.memory_space<vmem>>, vector<16xf32>,
        tpu.vector_store_idx %arg7[%add3A_1534, %broadcast_in_dim3A_5], %get3A_1552 : memref<1600x16xf32, #tpu.memory_space<vmem>>[vector<16xi32>, vector<16xi32>], vector<16xf32>,
        %add3A_1553 = arith.constant 100 : i32
        %add3A_1554 = arith.addi %add3A_1553, %scan3A_1379 : i32
        %get3A_1555 = arith.constant 0 : i32
        %get3A_1556 = arith.constant 0 : i32
        %get3A_1557 = tpu.memref_slice %arg6[%scan3A_1365, %get3A_1555, %get3A_1556] : memref<2x800x32xf32, #tpu.memory_space<vmem>> -> memref<1x800x32xf32, #tpu.memory_space<vmem>>
        %get3A_1558 = tpu.memref_squeeze %get3A_1557 : memref<1x800x32xf32, #tpu.memory_space<vmem>> -> memref<800x32xf32, #tpu.memory_space<vmem>>
        %get3A_1559 = arith.index_cast %add3A_1554 : i32 to index
        %get3A_1560 = arith.constant 16 : index
        %get3A_1561 = tpu.vector_load %get3A_1558[%get3A_1559, %get3A_1560] {strides = array<i32>} : memref<800x32xf32, #tpu.memory_space<vmem>>, vector<16xf32>,
        tpu.vector_store_idx %arg7[%add3A_1534, %broadcast_in_dim3A_7], %get3A_1561 : memref<1600x16xf32, #tpu.memory_space<vmem>>[vector<16xi32>, vector<16xi32>], vector<16xf32>,
        %add3A_1562 = arith.constant 150 : i32
        %add3A_1563 = arith.addi %add3A_1562, %scan3A_1379 : i32
        %get3A_1564 = arith.constant 0 : i32
        %get3A_1565 = arith.constant 0 : i32
        %get3A_1566 = tpu.memref_slice %arg6[%scan3A_1365, %get3A_1564, %get3A_1565] : memref<2x800x32xf32, #tpu.memory_space<vmem>> -> memref<1x800x32xf32, #tpu.memory_space<vmem>>
        %get3A_1567 = tpu.memref_squeeze %get3A_1566 : memref<1x800x32xf32, #tpu.memory_space<vmem>> -> memref<800x32xf32, #tpu.memory_space<vmem>>
        %get3A_1568 = arith.index_cast %add3A_1563 : i32 to index
        %get3A_1569 = arith.constant 16 : index
        %get3A_1570 = tpu.vector_load %get3A_1567[%get3A_1568, %get3A_1569] {strides = array<i32>} : memref<800x32xf32, #tpu.memory_space<vmem>>, vector<16xf32>,
        tpu.vector_store_idx %arg7[%add3A_1534, %broadcast_in_dim3A_9], %get3A_1570 : memref<1600x16xf32, #tpu.memory_space<vmem>>[vector<16xi32>, vector<16xi32>], vector<16xf32>,
        %add3A_1571 = arith.constant 200 : i32
        %add3A_1572 = arith.addi %add3A_1571, %scan3A_1379 : i32
        %get3A_1573 = arith.constant 0 : i32
        %get3A_1574 = arith.constant 0 : i32
        %get3A_1575 = tpu.memref_slice %arg6[%scan3A_1365, %get3A_1573, %get3A_1574] : memref<2x800x32xf32, #tpu.memory_space<vmem>> -> memref<1x800x32xf32, #tpu.memory_space<vmem>>
        %get3A_1576 = tpu.memref_squeeze %get3A_1575 : memref<1x800x32xf32, #tpu.memory_space<vmem>> -> memref<800x32xf32, #tpu.memory_space<vmem>>
        %get3A_1577 = arith.index_cast %add3A_1572 : i32 to index
        %get3A_1578 = arith.constant 16 : index
        %get3A_1579 = tpu.vector_load %get3A_1576[%get3A_1577, %get3A_1578] {strides = array<i32>} : memref<800x32xf32, #tpu.memory_space<vmem>>, vector<16xf32>,
        tpu.vector_store_idx %arg7[%add3A_1534, %broadcast_in_dim3A_11], %get3A_1579 : memref<1600x16xf32, #tpu.memory_space<vmem>>[vector<16xi32>, vector<16xi32>], vector<16xf32>,
        %add3A_1580 = arith.constant 250 : i32
        %add3A_1581 = arith.addi %add3A_1580, %scan3A_1379 : i32
        %get3A_1582 = arith.constant 0 : i32
        %get3A_1583 = arith.constant 0 : i32
        %get3A_1584 = tpu.memref_slice %arg6[%scan3A_1365, %get3A_1582, %get3A_1583] : memref<2x800x32xf32, #tpu.memory_space<vmem>> -> memref<1x800x32xf32, #tpu.memory_space<vmem>>
        %get3A_1585 = tpu.memref_squeeze %get3A_1584 : memref<1x800x32xf32, #tpu.memory_space<vmem>> -> memref<800x32xf32, #tpu.memory_space<vmem>>
        %get3A_1586 = arith.index_cast %add3A_1581 : i32 to index
        %get3A_1587 = arith.constant 16 : index
        %get3A_1588 = tpu.vector_load %get3A_1585[%get3A_1586, %get3A_1587] {strides = array<i32>} : memref<800x32xf32, #tpu.memory_space<vmem>>, vector<16xf32>,
        tpu.vector_store_idx %arg7[%add3A_1534, %broadcast_in_dim3A_13], %get3A_1588 : memref<1600x16xf32, #tpu.memory_space<vmem>>[vector<16xi32>, vector<16xi32>], vector<16xf32>,
        %add3A_1589 = arith.constant 300 : i32
        %add3A_1590 = arith.addi %add3A_1589, %scan3A_1379 : i32
        %get3A_1591 = arith.constant 0 : i32
        %get3A_1592 = arith.constant 0 : i32
        %get3A_1593 = tpu.memref_slice %arg6[%scan3A_1365, %get3A_1591, %get3A_1592] : memref<2x800x32xf32, #tpu.memory_space<vmem>> -> memref<1x800x32xf32, #tpu.memory_space<vmem>>
        %get3A_1594 = tpu.memref_squeeze %get3A_1593 : memref<1x800x32xf32, #tpu.memory_space<vmem>> -> memref<800x32xf32, #tpu.memory_space<vmem>>
        %get3A_1595 = arith.index_cast %add3A_1590 : i32 to index
        %get3A_1596 = arith.constant 16 : index
        %get3A_1597 = tpu.vector_load %get3A_1594[%get3A_1595, %get3A_1596] {strides = array<i32>} : memref<800x32xf32, #tpu.memory_space<vmem>>, vector<16xf32>,
        tpu.vector_store_idx %arg7[%add3A_1534, %broadcast_in_dim3A_15], %get3A_1597 : memref<1600x16xf32, #tpu.memory_space<vmem>>[vector<16xi32>, vector<16xi32>], vector<16xf32>,
        %add3A_1598 = arith.constant 350 : i32
        %add3A_1599 = arith.addi %add3A_1598, %scan3A_1379 : i32
        %get3A_1600 = arith.constant 0 : i32
        %get3A_1601 = arith.constant 0 : i32
        %get3A_1602 = tpu.memref_slice %arg6[%scan3A_1365, %get3A_1600, %get3A_1601] : memref<2x800x32xf32, #tpu.memory_space<vmem>> -> memref<1x800x32xf32, #tpu.memory_space<vmem>>
        %get3A_1603 = tpu.memref_squeeze %get3A_1602 : memref<1x800x32xf32, #tpu.memory_space<vmem>> -> memref<800x32xf32, #tpu.memory_space<vmem>>
        %get3A_1604 = arith.index_cast %add3A_1599 : i32 to index
        %get3A_1605 = arith.constant 16 : index
        %get3A_1606 = tpu.vector_load %get3A_1603[%get3A_1604, %get3A_1605] {strides = array<i32>} : memref<800x32xf32, #tpu.memory_space<vmem>>, vector<16xf32>,
        tpu.vector_store_idx %arg7[%add3A_1534, %broadcast_in_dim3A_17], %get3A_1606 : memref<1600x16xf32, #tpu.memory_space<vmem>>[vector<16xi32>, vector<16xi32>], vector<16xf32>,
        %add3A_1607 = arith.constant 400 : i32
        %add3A_1608 = arith.addi %add3A_1607, %scan3A_1379 : i32
        %get3A_1609 = arith.constant 0 : i32
        %get3A_1610 = arith.constant 0 : i32
        %get3A_1611 = tpu.memref_slice %arg6[%scan3A_1365, %get3A_1609, %get3A_1610] : memref<2x800x32xf32, #tpu.memory_space<vmem>> -> memref<1x800x32xf32, #tpu.memory_space<vmem>>
        %get3A_1612 = tpu.memref_squeeze %get3A_1611 : memref<1x800x32xf32, #tpu.memory_space<vmem>> -> memref<800x32xf32, #tpu.memory_space<vmem>>
        %get3A_1613 = arith.index_cast %add3A_1608 : i32 to index
        %get3A_1614 = arith.constant 16 : index
        %get3A_1615 = tpu.vector_load %get3A_1612[%get3A_1613, %get3A_1614] {strides = array<i32>} : memref<800x32xf32, #tpu.memory_space<vmem>>, vector<16xf32>,
        tpu.vector_store_idx %arg7[%add3A_1534, %broadcast_in_dim3A_19], %get3A_1615 : memref<1600x16xf32, #tpu.memory_space<vmem>>[vector<16xi32>, vector<16xi32>], vector<16xf32>,
        %add3A_1616 = arith.constant 450 : i32
        %add3A_1617 = arith.addi %add3A_1616, %scan3A_1379 : i32
        %get3A_1618 = arith.constant 0 : i32
        %get3A_1619 = arith.constant 0 : i32
        %get3A_1620 = tpu.memref_slice %arg6[%scan3A_1365, %get3A_1618, %get3A_1619] : memref<2x800x32xf32, #tpu.memory_space<vmem>> -> memref<1x800x32xf32, #tpu.memory_space<vmem>>
        %get3A_1621 = tpu.memref_squeeze %get3A_1620 : memref<1x800x32xf32, #tpu.memory_space<vmem>> -> memref<800x32xf32, #tpu.memory_space<vmem>>
        %get3A_1622 = arith.index_cast %add3A_1617 : i32 to index
        %get3A_1623 = arith.constant 16 : index
        %get3A_1624 = tpu.vector_load %get3A_1621[%get3A_1622, %get3A_1623] {strides = array<i32>} : memref<800x32xf32, #tpu.memory_space<vmem>>, vector<16xf32>,
        tpu.vector_store_idx %arg7[%add3A_1534, %broadcast_in_dim3A_21], %get3A_1624 : memref<1600x16xf32, #tpu.memory_space<vmem>>[vector<16xi32>, vector<16xi32>], vector<16xf32>,
        %add3A_1625 = arith.constant 500 : i32
        %add3A_1626 = arith.addi %add3A_1625, %scan3A_1379 : i32
        %get3A_1627 = arith.constant 0 : i32
        %get3A_1628 = arith.constant 0 : i32
        %get3A_1629 = tpu.memref_slice %arg6[%scan3A_1365, %get3A_1627, %get3A_1628] : memref<2x800x32xf32, #tpu.memory_space<vmem>> -> memref<1x800x32xf32, #tpu.memory_space<vmem>>
        %get3A_1630 = tpu.memref_squeeze %get3A_1629 : memref<1x800x32xf32, #tpu.memory_space<vmem>> -> memref<800x32xf32, #tpu.memory_space<vmem>>
        %get3A_1631 = arith.index_cast %add3A_1626 : i32 to index
        %get3A_1632 = arith.constant 16 : index
        %get3A_1633 = tpu.vector_load %get3A_1630[%get3A_1631, %get3A_1632] {strides = array<i32>} : memref<800x32xf32, #tpu.memory_space<vmem>>, vector<16xf32>,
        tpu.vector_store_idx %arg7[%add3A_1534, %broadcast_in_dim3A_23], %get3A_1633 : memref<1600x16xf32, #tpu.memory_space<vmem>>[vector<16xi32>, vector<16xi32>], vector<16xf32>,
        %add3A_1634 = arith.constant 550 : i32
        %add3A_1635 = arith.addi %add3A_1634, %scan3A_1379 : i32
        %get3A_1636 = arith.constant 0 : i32
        %get3A_1637 = arith.constant 0 : i32
        %get3A_1638 = tpu.memref_slice %arg6[%scan3A_1365, %get3A_1636, %get3A_1637] : memref<2x800x32xf32, #tpu.memory_space<vmem>> -> memref<1x800x32xf32, #tpu.memory_space<vmem>>
        %get3A_1639 = tpu.memref_squeeze %get3A_1638 : memref<1x800x32xf32, #tpu.memory_space<vmem>> -> memref<800x32xf32, #tpu.memory_space<vmem>>
        %get3A_1640 = arith.index_cast %add3A_1635 : i32 to index
        %get3A_1641 = arith.constant 16 : index
        %get3A_1642 = tpu.vector_load %get3A_1639[%get3A_1640, %get3A_1641] {strides = array<i32>} : memref<800x32xf32, #tpu.memory_space<vmem>>, vector<16xf32>,
        tpu.vector_store_idx %arg7[%add3A_1534, %broadcast_in_dim3A_25], %get3A_1642 : memref<1600x16xf32, #tpu.memory_space<vmem>>[vector<16xi32>, vector<16xi32>], vector<16xf32>,
        %add3A_1643 = arith.constant 600 : i32
        %add3A_1644 = arith.addi %add3A_1643, %scan3A_1379 : i32
        %get3A_1645 = arith.constant 0 : i32
        %get3A_1646 = arith.constant 0 : i32
        %get3A_1647 = tpu.memref_slice %arg6[%scan3A_1365, %get3A_1645, %get3A_1646] : memref<2x800x32xf32, #tpu.memory_space<vmem>> -> memref<1x800x32xf32, #tpu.memory_space<vmem>>
        %get3A_1648 = tpu.memref_squeeze %get3A_1647 : memref<1x800x32xf32, #tpu.memory_space<vmem>> -> memref<800x32xf32, #tpu.memory_space<vmem>>
        %get3A_1649 = arith.index_cast %add3A_1644 : i32 to index
        %get3A_1650 = arith.constant 16 : index
        %get3A_1651 = tpu.vector_load %get3A_1648[%get3A_1649, %get3A_1650] {strides = array<i32>} : memref<800x32xf32, #tpu.memory_space<vmem>>, vector<16xf32>,
        tpu.vector_store_idx %arg7[%add3A_1534, %broadcast_in_dim3A_27], %get3A_1651 : memref<1600x16xf32, #tpu.memory_space<vmem>>[vector<16xi32>, vector<16xi32>], vector<16xf32>,
        %add3A_1652 = arith.constant 650 : i32
        %add3A_1653 = arith.addi %add3A_1652, %scan3A_1379 : i32
        %get3A_1654 = arith.constant 0 : i32
        %get3A_1655 = arith.constant 0 : i32
        %get3A_1656 = tpu.memref_slice %arg6[%scan3A_1365, %get3A_1654, %get3A_1655] : memref<2x800x32xf32, #tpu.memory_space<vmem>> -> memref<1x800x32xf32, #tpu.memory_space<vmem>>
        %get3A_1657 = tpu.memref_squeeze %get3A_1656 : memref<1x800x32xf32, #tpu.memory_space<vmem>> -> memref<800x32xf32, #tpu.memory_space<vmem>>
        %get3A_1658 = arith.index_cast %add3A_1653 : i32 to index
        %get3A_1659 = arith.constant 16 : index
        %get3A_1660 = tpu.vector_load %get3A_1657[%get3A_1658, %get3A_1659] {strides = array<i32>} : memref<800x32xf32, #tpu.memory_space<vmem>>, vector<16xf32>,
        tpu.vector_store_idx %arg7[%add3A_1534, %broadcast_in_dim3A_29], %get3A_1660 : memref<1600x16xf32, #tpu.memory_space<vmem>>[vector<16xi32>, vector<16xi32>], vector<16xf32>,
        %add3A_1661 = arith.constant 700 : i32
        %add3A_1662 = arith.addi %add3A_1661, %scan3A_1379 : i32
        %get3A_1663 = arith.constant 0 : i32
        %get3A_1664 = arith.constant 0 : i32
        %get3A_1665 = tpu.memref_slice %arg6[%scan3A_1365, %get3A_1663, %get3A_1664] : memref<2x800x32xf32, #tpu.memory_space<vmem>> -> memref<1x800x32xf32, #tpu.memory_space<vmem>>
        %get3A_1666 = tpu.memref_squeeze %get3A_1665 : memref<1x800x32xf32, #tpu.memory_space<vmem>> -> memref<800x32xf32, #tpu.memory_space<vmem>>
        %get3A_1667 = arith.index_cast %add3A_1662 : i32 to index
        %get3A_1668 = arith.constant 16 : index
        %get3A_1669 = tpu.vector_load %get3A_1666[%get3A_1667, %get3A_1668] {strides = array<i32>} : memref<800x32xf32, #tpu.memory_space<vmem>>, vector<16xf32>,
        tpu.vector_store_idx %arg7[%add3A_1534, %broadcast_in_dim3A_31], %get3A_1669 : memref<1600x16xf32, #tpu.memory_space<vmem>>[vector<16xi32>, vector<16xi32>], vector<16xf32>,
        %add3A_1670 = arith.constant 750 : i32
        %add3A_1671 = arith.addi %add3A_1670, %scan3A_1379 : i32
        %get3A_1672 = arith.constant 0 : i32
        %get3A_1673 = arith.constant 0 : i32
        %get3A_1674 = tpu.memref_slice %arg6[%scan3A_1365, %get3A_1672, %get3A_1673] : memref<2x800x32xf32, #tpu.memory_space<vmem>> -> memref<1x800x32xf32, #tpu.memory_space<vmem>>
        %get3A_1675 = tpu.memref_squeeze %get3A_1674 : memref<1x800x32xf32, #tpu.memory_space<vmem>> -> memref<800x32xf32, #tpu.memory_space<vmem>>
        %get3A_1676 = arith.index_cast %add3A_1671 : i32 to index
        %get3A_1677 = arith.constant 16 : index
        %get3A_1678 = tpu.vector_load %get3A_1675[%get3A_1676, %get3A_1677] {strides = array<i32>} : memref<800x32xf32, #tpu.memory_space<vmem>>, vector<16xf32>,
        tpu.vector_store_idx %arg7[%add3A_1534, %broadcast_in_dim3A_33], %get3A_1678 : memref<1600x16xf32, #tpu.memory_space<vmem>>[vector<16xi32>, vector<16xi32>], vector<16xf32>,
      }
      %scan3A_1370 = arith.constant 50 : i32
      %mul3A_1371 = arith.constant 16 : i32
      %mul3A_1372 = arith.muli %add3A_370, %mul3A_1371 : i32
      %add3A_1373 = arith.addi %mul3A_2, %mul3A_1372 : i32
      %multiple_of3A_1374 = tpu.assume_multiple %add3A_1373, 8 : i32
      %dma_start3A_1375 = arith.constant 0 : i32
      %dma_start3A_1376 = tpu.memref_slice %arg4[%dma_start3A_1375, %multiple_of3A_1374] : memref<1600x16384xf32, #tpu.memory_space<hbm>> -> memref<1600x16xf32, #tpu.memory_space<hbm>>
      %dma_start3A_1377 = arith.constant 0 : i32
      %dma_start3A_1378 = tpu.memref_slice %arg4[%dma_start3A_1377, %multiple_of3A_1374] : memref<1600x16384xf32, #tpu.memory_space<hbm>> -> memref<1600x16xf32, #tpu.memory_space<hbm>>
      tpu.enqueue_dma source(%arg7 : memref<1600x16xf32, #tpu.memory_space<vmem>>) target(%dma_start3A_1378 : memref<1600x16xf32, #tpu.memory_space<hbm>>) target_semaphore(%arg9 : memref<!tpu.dma_semaphore, #tpu.memory_space<semaphore_mem>>)
    }
    %scan3A_359 = arith.constant 16 : i32
    %add3A_360 = arith.constant 496 : i32
    %add3A_361 = arith.addi %mul3A_2, %add3A_360 : i32
    %multiple_of3A_362 = tpu.assume_multiple %add3A_361, 8 : i32
    %dma_wait3A = arith.constant 0 : i32
    %dma_wait3A_363 = tpu.memref_slice %arg4[%dma_wait3A, %multiple_of3A_362] : memref<1600x16384xf32, #tpu.memory_space<hbm>> -> memref<1600x16xf32, #tpu.memory_space<hbm>>
    %dma_wait3A_364 = arith.constant 0 : i32
    %dma_wait3A_365 = tpu.memref_slice %arg4[%dma_wait3A_364, %multiple_of3A_362] : memref<1600x16384xf32, #tpu.memory_space<hbm>> -> memref<1600x16xf32, #tpu.memory_space<hbm>>
    tpu.wait_dma2 semaphore(%arg9 : memref<!tpu.dma_semaphore, #tpu.memory_space<semaphore_mem>>) src(%arg7 : memref<1600x16xf32, #tpu.memory_space<vmem>>) dst(%dma_wait3A_365 : memref<1600x16xf32, #tpu.memory_space<hbm>>)
    return
  }
}

</mosaic_0001>

<sc_bundles>
// kernel: _embed.3.cloned.1.call-start
scs
__scs_entry_jumppad:
0x0: {  	(pc) =	sbr.rel $0x88, $3  }
0x1: {  	(tag) =	ssettag $0x0;
	lr =	simm.s32 $0x1  }
0x2: {  	[smem:$0x3F9F] =	sst lr;
	_ =	strace $0xD0000000  }
0x3: {  	_ = 	snop  }
0x4: {  	_ = 	snop  }
0x5: {  	_ = 	snop  }
0x6: {  	_ = 	snop  }
0x7: {  	_ = 	snop  }
__scs_overlays_trampoline_lowered:
0x8: {  	[smem:$0x3FAE] =	sst s0  }
0x9: {  	[smem:$0x3FAF] =	sst s1  }
0xa: {  	[smem:$0x3FB0] =	sst s2  }
0xb: {  	[smem:$0x3FB1] =	sst s3  }
0xc: {  	[smem:$0x3FB2] =	sst s4  }
0xd: {  	[smem:$0x3FB3] =	sst s5  }
0xe: {  	[smem:$0x3FB4] =	sst s6  }
0xf: {  	[smem:$0x3FB5] =	sst s7  }
0x10: {  	[smem:$0x3FB6] =	sst s8  }
0x11: {  	[smem:$0x3FB7] =	sst s9;
	s0 =	simm.s32 @!p0 $0x0  }
0x12: {  	s1 =	sld [smem:$0x3F9D];
	s0 =	simm.s32 @p0 $0x1  }
0x13: {  	[smem:$0x3FB8] =	sst s0;
	s0 =	simm.s32 @!p1 $0x0  }
0x14: {  	s2 =	sld [smem:$0x3F9C];
	s0 =	simm.s32 @p1 $0x1  }
0x15: {  	[smem:$0x3FB9] =	sst s0;
	s0 =	simm.s32 @!p2 $0x0  }
0x16: {  	s3 =	sld [smem:$0x3FDB];
	s0 =	simm.s32 @p2 $0x1  }
0x17: {  	s4 =	simm.s32 $0x1BF5;
	[smem:$0x3FBB] =	sst s0  }
0x18: {  	s0 =	sld [smem:$0x3F9E];
	_ =	swait.ge [sflag:s4], $0x0  }
0x19: {  	s7 =	sld [smem:$0x3F9F]  }
0x1a: {  	s8 =	sadd.s32 $0xFFFFE003, lr  }
0x1b: {  	s9 =	sadd.s32 $0xFFFFFEF7, lr;
	s5 =	simm.s32 $0xFFFFFFFF;
	p2 =	slt.u32 s8, $0xFFFFF086  }
0x1c: {  	p1 =	slt.u32 s9, $0xF7A;
	s5 =	simm.s32 @!p2 $0x0  }
0x1d: {  	s5 =	simm.s32 @p1 $0x1;
	p0 =	seq.s32 s7, s2  }
0x1e: {  	s7 =	smul.u32 @!p0 $0xF7A, s2;
	p2 =	seq.s32 @!p0 s5, $0x0  }
0x1f: {  	s9 =	smul.u32 $0xF7A, s1;
	s8 =	simm.s32 @!p0 $0x1BF5;
	p2 =	por !p2, p0  }
0x20: {  	[sflag:s8] =	ssyncset.s32 @!p0 $0xFFFFF086;
	s6 =	sadd.s32 @!p0 s3, s7;
	s7 =	simm.s32 @!p0 $0x108  }
0x21: {  	s3 =	sadd.s32 s3, s9;
	s6 =	sadd.s32 @!p0 $0x88, s6;
	s7 =	simm.s32 @p2 $0x1082  }
0x22: {  	[simem:s7], [sflag:s8] =	dma.local @!p0 [hbm:s6], $0xF7A  }
0x23: {  	s9 =	sor.u32 $0xD0000000, s2;
	s6 =	simm.s32 $0x108;
	_ =	swait.ge @!p0 [sflag:s8], $0x0  }
0x24: {  	s3 =	sadd.s32 $0x88, s3;
	s6 =	simm.s32 @!p1 $0x1082;
	[sflag:s4] =	ssyncset.s32 $0xFFFFF086  }
0x25: {  	[simem:s6], [sflag:s4] =	dma.local [hbm:s3], $0xF7A  }
0x26: {  	[smem:$0x3F9F] =	sst s1;
	(tag) =	ssettag s2;
	_ =	strace s9  }
0x27: {  	s1 =	sld [smem:$0x3FAF]  }
0x28: {  	s2 =	sld [smem:$0x3FB0]  }
0x29: {  	s4 =	sld [smem:$0x3FB2]  }
0x2a: {  	p0 =	seq.s32 s5, $0x0;
	s5 =	sld [smem:$0x3FB3]  }
0x2b: {  	s6 =	sld [smem:$0x3FB4]  }
0x2c: {  	s7 =	sld [smem:$0x3FB5]  }
0x2d: {  	s3 =	simm.s32 $0x108;
	s8 =	sld [smem:$0x3FB6]  }
0x2e: {  	s3 =	simm.s32 @!p0 $0x1082;
	s9 =	sld [smem:$0x3FB7]  }
0x2f: {  	lr =	sadd.s32 s0, s3;
	s0 =	sld [smem:$0x3FAE]  }
0x30: {  	s3 =	sld [smem:$0x3FB1]  }
0x31: {  	[smem:$0x3FBA] =	sst s10  }
0x32: {  	s10 =	sld [smem:$0x3FB8];
	_ =	sdelay $0x3  }
0x33: {  	p0 =	seq.s32 s10, $0x1;
	s10 =	sld [smem:$0x3FBA];
	_ =	sdelay $0x3  }
0x34: {  	[smem:$0x3FBA] =	sst s10  }
0x35: {  	s10 =	sld [smem:$0x3FB9];
	_ =	sdelay $0x3  }
0x36: {  	p1 =	seq.s32 s10, $0x1;
	s10 =	sld [smem:$0x3FBA];
	_ =	sdelay $0x3  }
0x37: {  	[smem:$0x3FBA] =	sst s10  }
0x38: {  	s10 =	sld [smem:$0x3FBB]  }
0x39: {  	_ = 	snop;
	(pc) =	sbr.ind lr, $3  }
0x3a: {  	_ = 	snop  }
0x3b: {  	_ = 	snop  }
0x3c: {  	p2 =	seq.s32 s10, $0x1;
	s10 =	sld [smem:$0x3FBA]  }
0x3d: {  	_ =	shalt  }
0x3e: {  	_ =	shalt  }
0x3f: {  	_ =	shalt  }
0x40: {  	_ =	shalt  }
0x41: {  	_ =	shalt  }
0x42: {  	_ =	shalt  }
0x43: {  	_ =	shalt  }
0x44: {  	_ =	shalt  }
0x45: {  	_ =	shalt  }
0x46: {  	_ =	shalt  }
0x47: {  	_ =	shalt  }
0x48: {  	_ =	shalt  }
0x49: {  	_ =	shalt  }
0x4a: {  	_ =	shalt  }
0x4b: {  	_ =	shalt  }
0x4c: {  	_ =	shalt  }
0x4d: {  	_ =	shalt  }
0x4e: {  	_ =	shalt  }
0x4f: {  	_ =	shalt  }
0x50: {  	_ =	shalt  }
0x51: {  	_ =	shalt  }
0x52: {  	_ =	shalt  }
0x53: {  	_ =	shalt  }
0x54: {  	_ =	shalt  }
0x55: {  	_ =	shalt  }
0x56: {  	_ =	shalt  }
0x57: {  	_ =	shalt  }
0x58: {  	_ =	shalt  }
0x59: {  	_ =	shalt  }
0x5a: {  	_ =	shalt  }
0x5b: {  	_ =	shalt  }
0x5c: {  	_ =	shalt  }
0x5d: {  	_ =	shalt  }
0x5e: {  	_ =	shalt  }
0x5f: {  	_ =	shalt  }
0x60: {  	_ =	shalt  }
0x61: {  	_ =	shalt  }
0x62: {  	_ =	shalt  }
0x63: {  	_ =	shalt  }
0x64: {  	_ =	shalt  }
0x65: {  	_ =	shalt  }
0x66: {  	_ =	shalt  }
0x67: {  	_ =	shalt  }
0x68: {  	_ =	shalt  }
0x69: {  	_ =	shalt  }
0x6a: {  	_ =	shalt  }
0x6b: {  	_ =	shalt  }
0x6c: {  	_ =	shalt  }
0x6d: {  	_ =	shalt  }
0x6e: {  	_ =	shalt  }
0x6f: {  	_ =	shalt  }
0x70: {  	_ =	shalt  }
0x71: {  	_ =	shalt  }
0x72: {  	_ =	shalt  }
0x73: {  	_ =	shalt  }
0x74: {  	_ =	shalt  }
0x75: {  	_ =	shalt  }
0x76: {  	_ =	shalt  }
0x77: {  	_ =	shalt  }
0x78: {  	_ =	shalt  }
0x79: {  	_ =	shalt  }
0x7a: {  	_ =	shalt  }
0x7b: {  	_ =	shalt  }
0x7c: {  	_ =	shalt  }
0x7d: {  	_ =	shalt  }
0x7e: {  	_ =	shalt  }
0x7f: {  	_ =	shalt  }
0x80: {  	_ =	shalt  }
0x81: {  	_ =	shalt  }
0x82: {  	_ =	shalt  }
0x83: {  	_ =	shalt  }
0x84: {  	_ =	shalt  }
0x85: {  	_ =	shalt  }
0x86: {  	_ =	shalt  }
0x87: {  	_ =	shalt  }
.Lfunc_end0:
.L_simem_size_0:
called_computation_lowered:
.L_overlay_start_0:
0x88: {  	s2 =	sld [smem:$0x3FD9]  }
0x89: {  	s3 =	sld [smem:$0x3FFE];
	_ =	sdelay $0x1  }
0x8a: {  	s1 =	srdreg.scid  }
0x8b: {  	s0 =	sand.u32 $0x1, s1  }
0x8c: {  	s17 =	sshll.u32 s0, $0xA;
	s2 =	sadd.s32 s3, s2  }
0x8d: {  	s2 =	sadd.s32 s2, s17  }
0x8e: {  	[smem:$0x3FC6] =	sst s2  }
0x8f: {  	_ = 	snop  }
0x90: {  	s2 =	sld [smem:$0x3FD0];
	(tm) =	ssettm $0x1  }
0x91: {  	s18 =	sld [smem:$0x3FFB];
	_ =	sdelay $0x3  }
0x92: {  	_ =	strace s18  }
0x93: {  	s3 =	sld [smem:$0x3FFC];
	_ =	sdelay $0x3  }
0x94: {  	_ =	strace s3  }
0x95: {  	s3 =	sld [smem:$0x3FFD];
	_ =	sdelay $0x3  }
0x96: {  	_ =	strace s3  }
0x97: {  	_ =	strace $0x8FFFFFFF  }
0x98: {  	s19 =	sld [smem:$0x3FDB];
	_ =	sdelay $0x1  }
0x99: {  	s4 =	simm.s32 $_scs_section_size  }
0x9a: {  	s5 =	simm.s32 $_size__tile_overlayer_lowered;
	s6 =	simm.s32 $_tile_overlayer_lowered  }
0x9b: {  	s22 =	simm.s32 $0x1BFF;
	s21 =	sshll.u32 s6, $0x1;
	s3 =	sadd.s32 s4, s19  }
0x9c: {  	s7 =	simm.s32 $0x0;
	s20 =	sshll.u32 s5, $0x1;
	s5 =	sadd.s32 s21, s3  }
0x9d: {  	[timem:s7], [sflag:s22] =	dma.local [hbm:s5], s20  }
0x9e: {  	_ =	swait.ge [sflag:s22], s20  }
0x9f: {  	s4 =	ssub.s32 $0x0, s20;
	[sflag:s22] =	ssyncset.done $0x0  }
0xa0: {  	[sflag:s22] =	ssyncadd.s32 s4;
	_ =	sdelay $0x1  }
0xa1: {  	s23 =	simm.s32 $0x1B8B  }
0xa2: {  	_ =	swait.ge [sflag:s23], $0x1  }
0xa3: {  	[sflag:s23] =	ssyncset.done $0x0  }
0xa4: {  	s25 =	simm.s32 $0x1B8E;
	s24 =	sld [smem:$0x3FFE];
	[sflag:s23] =	ssyncadd.s32 $0xFFFFFFFF  }
0xa5: {  	s26 =	simm.s32 $execute0_lowered;
	[smem:$0x3FD2] =	sst s25  }
0xa6: {  	s5 =	sshll.u32 s26, $0x1;
	_ =	strace $0x80000046;
	[dreg:$0x1] =	wrdreg $0xFFFFFFFF  }
0xa7: {  	s28 =	simm.s32 $_size_execute0_lowered;
	s3 =	sadd.s32 s3, s5;
	[dreg:$0x0] =	wrdreg $0x0  }
0xa8: {  	s5 =	sshll.u32 s28, $0x1;
	[dreg:$0x2] =	wrdreg s3  }
0xa9: {  	[dreg:$0x3] =	wrdreg s5  }
0xaa: {  	[dreg:$0x4] =	wrdreg $0xC0  }
0xab: {  	_ =	task [dreg:s7], $0x5FFFF  }
0xac: {  	[dreg:$0x1] =	wrdreg $0xFFFFFFFF  }
0xad: {  	[dreg:$0x0] =	wrdreg $0x60  }
0xae: {  	[dreg:$0x2] =	wrdreg s24  }
0xaf: {  	[dreg:$0x3] =	wrdreg s2  }
0xb0: {  	[dreg:$0x4] =	wrdreg $0x9  }
0xb1: {  	_ =	task.clear_ibuf [dreg:s7], $0x5FFFF;
	_ =	strace $0x90000046  }
0xb2: {  	s29 =	simm.s32 $0x9;
	_ =	strace $0x80000048  }
0xb3: {  	_ =	swait.ge [sflag:s29], $0x1  }
0xb4: {  	[sflag:s29] =	ssyncadd.s32 $0xFFFFFFFF  }
0xb5: {  	_ =	strace $0x90000048  }
0xb6: {  	_ =	sfence  }
0xb7: {  	s30 =	sld [smem:$0x0];
	_ =	sdelay $0x2  }
0xb8: {  	s31 =	sshll.u32 s1, $0xD;
	s1 =	sshrl.u32 s1, $0x2  }
0xb9: {  	s3 =	sand.u32 $0x4000, s31;
	s1 =	sadd.s32 s1, s30  }
0xba: {  	s0 =	sor.u32 s3, s0;
	s1 =	sshll.u32 s1, $0x11  }
0xbb: {  	s0 =	sor.u32 s1, s0  }
0xbc: {  	s0 =	sadd.s32 $0x8F2B, s0  }
0xbd: {  	[sflag:s0] =	ssyncadd.remote.s32 $0x1  }
0xbe: {  	_ =	sfence.sel $0xFFFF  }
0xbf: {  	[dreg:$0x0] =	wrdreg $0xFFFFFFFF;
	(pc) =	sbr.abs _section_cstart, $3  }
0xc0: {  	[dreg:$0x1] =	wrdreg $0xFFFFFFFF  }
0xc1: {  	_ =	task.clear_ibuf [dreg:s7], $0x2FFFF;
	_ =	strace $0x9FFFFFFF  }
0xc2: {  	(tm) =	ssettm $0x7FFFFFFF  }
0xc3: {  	_ =	shalt  }
tec
execute0_lowered:
.L_overlay_start_1:
0x0: {  	(tag) =	ssettag $0x1  }
0x1: {  	s0 =	rddreg [dreg:$0x0]  }
0x2: {  	s2 =	rddreg [dreg:$0x1]  }
0x3: {  	s1 =	srdreg.scid;
	s4 =	stileid.u32  }
0x4: {  	s3 =	simm.s32 $0x0;
	s10 =	simm.s32 $0x3;
	s11 =	simm.s32 $0x32  }
0x5: {  	s22 =	simm.s32 $0x380;
	s23 =	simm.s32 $0xAFC0;
	s24 =	simm.s32 $0x620  }
0x6: {  	s28 =	simm.s32 $0xBC40;
	s29 =	simm.s32 $0x690;
	s30 =	simm.s32 $0xC280  }
0x7: {  	s31 =	simm.s32 $0x6C8;
	s12 =	simm.s32 $0xCF00;
	s13 =	simm.s32 $0x10  }
0x8: {  	s14 =	simm.s32 $0x4000;
	s15 =	simm.s32 $0x2;
	s9 =	simm.s32 $0x0  }
0x9: {  	s1 =	sand.u32 $0x1, s1;
	s4 =	sshll.u32 s4, $0xA;
	[smem:$0x7FF] =	sst s3  }
0xa: {  	s6 =	sadd.s32 $0x600, s0;
	s5 =	sshll.u32 s1, $0x9;
	s1 =	ssub.s32 $0x2, s1  }
0xb: {  	_ =	strace $0x80000047;
	s4 =	sor.u32 s5, s4;
	s25 =	sshrl.u32 s1, $0x1  }
0xc: {  	s5 =	sadd.s32 $0xF42C00, s0;
	s7 =	smul.u32 $0x7, s4;
	s0 =	ssub.s32 s1, s25  }
0xd: {  	s8 =	sor.u32 $0x20, s4;
	s25 =	simm.s32 $0xB600;
	s0 =	smax.u32 s0, $0x1  }
0xe: {  	v0 =	vlaneseq.u32;
	s1 =	simm.s32 $0x1;
	s26 =	sadd.s32 s2, s7;
	[dreg:$0x4] =	wrdreg s0  }
0xf: {  	v0 =	vmul.u32 $0x10, v0;
	s0 =	simm.s32 $0xC8C0;
	[dreg:$0x3] =	wrdreg s26;
	s26 =	simm.s32 $0x658  }
.LBB2_1:
0x10: {  	[dreg:$0x5] =	wrdreg s9  }
0x11: {  	s7 =	rddreg [dreg:$0x3]  }
0x12: {  	[tilespmem:s3], [sflag:$0x3] =	stream.linear.gather [hbm4b:s7+s3], $0x380, $0x38;
	[tilespmem:$0x13300] =	vst v63  }
0x13: {  	_ =	swait.ge [sflag:s10], $0x380  }
0x14: {  	[sflag:s10] =	ssyncset.done $0x0  }
0x15: {  	s9 =	simm.s32 $0x700;
	[sflag:s10] =	ssyncadd.s32 $0xFFFFFC80  }
0x16: {  	[tilespmem:s9], [sflag:$0x1] =	stream.indirect.gather [hbm4b:s5+s11], $0x20, s3, s11, $0xb8;
	[tilespmem:$0x13300] =	vst v63  }
0x17: {  	s16 =	simm.s32 $0x38;
	s17 =	simm.s32 $0xD40  }
0x18: {  	[tilespmem:s17], [sflag:$0x1] =	stream.indirect.gather [hbm4b:s5+s11], $0x20, s16, s11, $0xb8;
	[tilespmem:$0x13300] =	vst v63  }
0x19: {  	s18 =	simm.s32 $0x70;
	s19 =	simm.s32 $0x1380  }
0x1a: {  	[tilespmem:s19], [sflag:$0x1] =	stream.indirect.gather [hbm4b:s5+s11], $0x20, s18, s11, $0xb8;
	[tilespmem:$0x13300] =	vst v63  }
0x1b: {  	s20 =	simm.s32 $0xA8;
	s21 =	simm.s32 $0x19C0  }
0x1c: {  	[tilespmem:s21], [sflag:$0x1] =	stream.indirect.gather [hbm4b:s5+s11], $0x20, s20, s11, $0xb8;
	[tilespmem:$0x13300] =	vst v63  }
0x1d: {  	s16 =	simm.s32 $0xE0;
	s17 =	simm.s32 $0x2000  }
0x1e: {  	[tilespmem:s17], [sflag:$0x1] =	stream.indirect.gather [hbm4b:s5+s11], $0x20, s16, s11, $0xb8;
	[tilespmem:$0x13300] =	vst v63  }
0x1f: {  	s18 =	simm.s32 $0x118;
	s19 =	simm.s32 $0x2640  }
0x20: {  	[tilespmem:s19], [sflag:$0x1] =	stream.indirect.gather [hbm4b:s5+s11], $0x20, s18, s11, $0xb8;
	[tilespmem:$0x13300] =	vst v63  }
0x21: {  	s20 =	simm.s32 $0x150;
	s21 =	simm.s32 $0x2C80  }
0x22: {  	[tilespmem:s21], [sflag:$0x1] =	stream.indirect.gather [hbm4b:s5+s11], $0x20, s20, s11, $0xb8;
	[tilespmem:$0x13300] =	vst v63  }
0x23: {  	s16 =	simm.s32 $0x188;
	s17 =	simm.s32 $0x32C0  }
0x24: {  	[tilespmem:s17], [sflag:$0x1] =	stream.indirect.gather [hbm4b:s5+s11], $0x20, s16, s11, $0xb8;
	[tilespmem:$0x13300] =	vst v63  }
0x25: {  	s18 =	simm.s32 $0x1C0;
	s19 =	simm.s32 $0x3900  }
0x26: {  	[tilespmem:s19], [sflag:$0x1] =	stream.indirect.gather [hbm4b:s5+s11], $0x20, s18, s11, $0xb8;
	[tilespmem:$0x13300] =	vst v63  }
0x27: {  	s20 =	simm.s32 $0x1F8;
	s21 =	simm.s32 $0x3F40  }
0x28: {  	[tilespmem:s21], [sflag:$0x1] =	stream.indirect.gather [hbm4b:s5+s11], $0x20, s20, s11, $0xb8;
	[tilespmem:$0x13300] =	vst v63  }
0x29: {  	s16 =	simm.s32 $0x230;
	s17 =	simm.s32 $0x4580  }
0x2a: {  	[tilespmem:s17], [sflag:$0x1] =	stream.indirect.gather [hbm4b:s5+s11], $0x20, s16, s11, $0xb8;
	[tilespmem:$0x13300] =	vst v63  }
0x2b: {  	s18 =	simm.s32 $0x268;
	s19 =	simm.s32 $0x4BC0  }
0x2c: {  	[tilespmem:s19], [sflag:$0x1] =	stream.indirect.gather [hbm4b:s5+s11], $0x20, s18, s11, $0xb8;
	[tilespmem:$0x13300] =	vst v63  }
0x2d: {  	s20 =	simm.s32 $0x2A0;
	s21 =	simm.s32 $0x5200  }
0x2e: {  	[tilespmem:s21], [sflag:$0x1] =	stream.indirect.gather [hbm4b:s5+s11], $0x20, s20, s11, $0xb8;
	[tilespmem:$0x13300] =	vst v63  }
0x2f: {  	s16 =	simm.s32 $0x2D8;
	s17 =	simm.s32 $0x5840  }
0x30: {  	[tilespmem:s17], [sflag:$0x1] =	stream.indirect.gather [hbm4b:s5+s11], $0x20, s16, s11, $0xb8;
	[tilespmem:$0x13300] =	vst v63  }
0x31: {  	s18 =	simm.s32 $0x310;
	s19 =	simm.s32 $0x5E80  }
0x32: {  	[tilespmem:s19], [sflag:$0x1] =	stream.indirect.gather [hbm4b:s5+s11], $0x20, s18, s11, $0xb8;
	[tilespmem:$0x13300] =	vst v63  }
0x33: {  	s20 =	simm.s32 $0x348;
	s21 =	simm.s32 $0x64C0;
	s16 =	simm.s32 $0x0  }
0x34: {  	[tilespmem:s21], [sflag:$0x1] =	stream.indirect.gather [hbm4b:s5+s11], $0x20, s20, s11, $0xb8;
	[tilespmem:$0x13300] =	vst v63  }
.LBB2_2:
0x35: {  	s18 =	sshll.u32 s16, $0x5  }
0x36: {  	s19 =	sor.u32 s18, s4  }
0x37: {  	s17 =	sor.u32 $0x10, s19  }
0x38: {  	s7 =	smul.u32 $0x7, s17;
	_ =	sdelay $0x1  }
0x39: {  	s7 =	sadd.s32 s2, s7  }
0x3a: {  	[tilespmem:s22], [sflag:$0x3] =	stream.linear.gather [hbm4b:s7+s3], $0x380, $0x38;
	[tilespmem:$0x13300] =	vst v63  }
0x3b: {  	_ =	swait.ge [sflag:s10], $0x380  }
0x3c: {  	[sflag:s10] =	ssyncset.done $0x0  }
0x3d: {  	s20 =	simm.s32 $0x6B00;
	[sflag:s10] =	ssyncadd.s32 $0xFFFFFC80  }
0x3e: {  	[tilespmem:s20], [sflag:$0x1] =	stream.indirect.gather [hbm4b:s5+s11], $0x20, s22, s11, $0xb8;
	[tilespmem:$0x13300] =	vst v63  }
0x3f: {  	s21 =	simm.s32 $0x3B8;
	s9 =	simm.s32 $0x7140  }
0x40: {  	[tilespmem:s9], [sflag:$0x1] =	stream.indirect.gather [hbm4b:s5+s11], $0x20, s21, s11, $0xb8;
	[tilespmem:$0x13300] =	vst v63  }
0x41: {  	s20 =	simm.s32 $0x3F0;
	s21 =	simm.s32 $0x7780  }
0x42: {  	[tilespmem:s21], [sflag:$0x1] =	stream.indirect.gather [hbm4b:s5+s11], $0x20, s20, s11, $0xb8;
	[tilespmem:$0x13300] =	vst v63  }
0x43: {  	s20 =	simm.s32 $0x428;
	s21 =	simm.s32 $0x7DC0  }
0x44: {  	[tilespmem:s21], [sflag:$0x1] =	stream.indirect.gather [hbm4b:s5+s11], $0x20, s20, s11, $0xb8;
	[tilespmem:$0x13300] =	vst v63  }
0x45: {  	s20 =	simm.s32 $0x460;
	s21 =	simm.s32 $0x8400  }
0x46: {  	[tilespmem:s21], [sflag:$0x1] =	stream.indirect.gather [hbm4b:s5+s11], $0x20, s20, s11, $0xb8;
	[tilespmem:$0x13300] =	vst v63  }
0x47: {  	s20 =	simm.s32 $0x498;
	s21 =	simm.s32 $0x8A40  }
0x48: {  	[tilespmem:s21], [sflag:$0x1] =	stream.indirect.gather [hbm4b:s5+s11], $0x20, s20, s11, $0xb8;
	[tilespmem:$0x13300] =	vst v63  }
0x49: {  	s20 =	simm.s32 $0x4D0;
	s21 =	simm.s32 $0x9080  }
0x4a: {  	[tilespmem:s21], [sflag:$0x1] =	stream.indirect.gather [hbm4b:s5+s11], $0x20, s20, s11, $0xb8;
	[tilespmem:$0x13300] =	vst v63  }
0x4b: {  	s20 =	simm.s32 $0x508;
	s21 =	simm.s32 $0x96C0  }
0x4c: {  	[tilespmem:s21], [sflag:$0x1] =	stream.indirect.gather [hbm4b:s5+s11], $0x20, s20, s11, $0xb8;
	[tilespmem:$0x13300] =	vst v63  }
0x4d: {  	s20 =	simm.s32 $0x540;
	s21 =	simm.s32 $0x9D00  }
0x4e: {  	[tilespmem:s21], [sflag:$0x1] =	stream.indirect.gather [hbm4b:s5+s11], $0x20, s20, s11, $0xb8;
	[tilespmem:$0x13300] =	vst v63  }
0x4f: {  	s20 =	simm.s32 $0x578;
	s21 =	simm.s32 $0xA340  }
0x50: {  	[tilespmem:s21], [sflag:$0x1] =	stream.indirect.gather [hbm4b:s5+s11], $0x20, s20, s11, $0xb8;
	[tilespmem:$0x13300] =	vst v63  }
0x51: {  	s20 =	simm.s32 $0x5B0;
	s21 =	simm.s32 $0xA980  }
0x52: {  	[tilespmem:s21], [sflag:$0x1] =	stream.indirect.gather [hbm4b:s5+s11], $0x20, s20, s11, $0xb8;
	[tilespmem:$0x13300] =	vst v63  }
0x53: {  	s20 =	simm.s32 $0x5E8  }
0x54: {  	[tilespmem:s23], [sflag:$0x1] =	stream.indirect.gather [hbm4b:s5+s11], $0x20, s20, s11, $0xb8;
	[tilespmem:$0x13300] =	vst v63  }
0x55: {  	_ = 	snop  }
0x56: {  	[tilespmem:s25], [sflag:$0x1] =	stream.indirect.gather [hbm4b:s5+s11], $0x20, s24, s11, $0xb8;
	[tilespmem:$0x13300] =	vst v63  }
0x57: {  	_ = 	snop  }
0x58: {  	[tilespmem:s28], [sflag:$0x1] =	stream.indirect.gather [hbm4b:s5+s11], $0x20, s26, s11, $0xb8;
	[tilespmem:$0x13300] =	vst v63  }
0x59: {  	_ = 	snop  }
0x5a: {  	[tilespmem:s30], [sflag:$0x1] =	stream.indirect.gather [hbm4b:s5+s11], $0x20, s29, s11, $0xb8;
	[tilespmem:$0x13300] =	vst v63  }
0x5b: {  	_ = 	snop  }
0x5c: {  	[tilespmem:s0], [sflag:$0x1] =	stream.indirect.gather [hbm4b:s5+s11], $0x20, s31, s11, $0xb8;
	[tilespmem:$0x13300] =	vst v63  }
0x5d: {  	_ =	swait.ge [sflag:s1], $0x640  }
0x5e: {  	[sflag:s1] =	ssyncset.done $0x0  }
0x5f: {  	[sflag:s1] =	ssyncadd.s32 $0xFFFFF9C0  }
0x60: {  	_ =	swait.ge [sflag:s1], $0x640  }
0x61: {  	[sflag:s1] =	ssyncset.done $0x0  }
0x62: {  	[sflag:s1] =	ssyncadd.s32 $0xFFFFF9C0  }
0x63: {  	_ =	swait.ge [sflag:s1], $0x640  }
0x64: {  	[sflag:s1] =	ssyncset.done $0x0  }
0x65: {  	[sflag:s1] =	ssyncadd.s32 $0xFFFFF9C0  }
0x66: {  	_ =	swait.ge [sflag:s1], $0x640  }
0x67: {  	[sflag:s1] =	ssyncset.done $0x0  }
0x68: {  	[sflag:s1] =	ssyncadd.s32 $0xFFFFF9C0  }
0x69: {  	_ =	swait.ge [sflag:s1], $0x640  }
0x6a: {  	[sflag:s1] =	ssyncset.done $0x0  }
0x6b: {  	[sflag:s1] =	ssyncadd.s32 $0xFFFFF9C0  }
0x6c: {  	_ =	swait.ge [sflag:s1], $0x640  }
0x6d: {  	[sflag:s1] =	ssyncset.done $0x0  }
0x6e: {  	[sflag:s1] =	ssyncadd.s32 $0xFFFFF9C0  }
0x6f: {  	_ =	swait.ge [sflag:s1], $0x640  }
0x70: {  	[sflag:s1] =	ssyncset.done $0x0  }
0x71: {  	[sflag:s1] =	ssyncadd.s32 $0xFFFFF9C0  }
0x72: {  	_ =	swait.ge [sflag:s1], $0x640  }
0x73: {  	[sflag:s1] =	ssyncset.done $0x0  }
0x74: {  	[sflag:s1] =	ssyncadd.s32 $0xFFFFF9C0  }
0x75: {  	_ =	swait.ge [sflag:s1], $0x640  }
0x76: {  	[sflag:s1] =	ssyncset.done $0x0  }
0x77: {  	[sflag:s1] =	ssyncadd.s32 $0xFFFFF9C0  }
0x78: {  	_ =	swait.ge [sflag:s1], $0x640  }
0x79: {  	[sflag:s1] =	ssyncset.done $0x0  }
0x7a: {  	[sflag:s1] =	ssyncadd.s32 $0xFFFFF9C0  }
0x7b: {  	_ =	swait.ge [sflag:s1], $0x640  }
0x7c: {  	[sflag:s1] =	ssyncset.done $0x0  }
0x7d: {  	[sflag:s1] =	ssyncadd.s32 $0xFFFFF9C0  }
0x7e: {  	_ =	swait.ge [sflag:s1], $0x640  }
0x7f: {  	[sflag:s1] =	ssyncset.done $0x0  }
0x80: {  	[sflag:s1] =	ssyncadd.s32 $0xFFFFF9C0  }
0x81: {  	_ =	swait.ge [sflag:s1], $0x640  }
0x82: {  	[sflag:s1] =	ssyncset.done $0x0  }
0x83: {  	[sflag:s1] =	ssyncadd.s32 $0xFFFFF9C0  }
0x84: {  	_ =	swait.ge [sflag:s1], $0x640  }
0x85: {  	[sflag:s1] =	ssyncset.done $0x0  }
0x86: {  	[sflag:s1] =	ssyncadd.s32 $0xFFFFF9C0  }
0x87: {  	_ =	swait.ge [sflag:s1], $0x640  }
0x88: {  	[sflag:s1] =	ssyncset.done $0x0  }
0x89: {  	[sflag:s1] =	ssyncadd.s32 $0xFFFFF9C0  }
0x8a: {  	_ =	swait.ge [sflag:s1], $0x640  }
0x8b: {  	p0 =	seq.s32 s16, $0x0;
	[sflag:s1] =	ssyncset.done $0x0  }
0x8c: {  	s7 =	simm.s32 @!p0 $0x2;
	[sflag:s1] =	ssyncadd.s32 $0xFFFFF9C0  }
0x8d: {  	s21 =	simm.s32 $0x0;
	_ =	swait.ge @!p0 [sflag:s7], $0x6400  }
0x8e: {  	v1 =	vmov s21;
	[sflag:s7] =	ssyncset.done @!p0 $0x0  }
0x8f: {  	v1 =	vshll.u32 v1, $0x4;
	s20 =	simm.s32 $0x0;
	[sflag:s7] =	ssyncadd.s32 @!p0 $0xFFFF9C00  }
0x90: {  	v1 =	vor.u32 v0, v1;
	v2 =	vld [tilespmem:s20+$0x700];
	_ =	sdelay $0x4  }
0x91: {  	[tilespmem:v1+s12+$0x0] =	vst.idx.msk $0xffff, v2  }
0x92: {  	v3 =	vor.u32 $0x1, v1;
	v2 =	vld [tilespmem:s20+$0xD40];
	_ =	sdelay $0x4  }
0x93: {  	[tilespmem:v3+s12+$0x0] =	vst.idx.msk $0xffff, v2  }
0x94: {  	v3 =	vor.u32 $0x2, v1;
	v2 =	vld [tilespmem:s20+$0x1380];
	_ =	sdelay $0x4  }
0x95: {  	[tilespmem:v3+s12+$0x0] =	vst.idx.msk $0xffff, v2  }
0x96: {  	v3 =	vor.u32 $0x3, v1;
	v2 =	vld [tilespmem:s20+$0x19C0];
	_ =	sdelay $0x4  }
0x97: {  	[tilespmem:v3+s12+$0x0] =	vst.idx.msk $0xffff, v2  }
0x98: {  	v3 =	vor.u32 $0x4, v1;
	v2 =	vld [tilespmem:s20+$0x2000];
	_ =	sdelay $0x4  }
0x99: {  	[tilespmem:v3+s12+$0x0] =	vst.idx.msk $0xffff, v2  }
0x9a: {  	v3 =	vor.u32 $0x5, v1;
	v2 =	vld [tilespmem:s20+$0x2640];
	_ =	sdelay $0x4  }
0x9b: {  	[tilespmem:v3+s12+$0x0] =	vst.idx.msk $0xffff, v2  }
0x9c: {  	v3 =	vor.u32 $0x6, v1;
	v2 =	vld [tilespmem:s20+$0x2C80];
	_ =	sdelay $0x4  }
0x9d: {  	[tilespmem:v3+s12+$0x0] =	vst.idx.msk $0xffff, v2  }
0x9e: {  	v3 =	vor.u32 $0x7, v1;
	v2 =	vld [tilespmem:s20+$0x32C0];
	_ =	sdelay $0x4  }
0x9f: {  	[tilespmem:v3+s12+$0x0] =	vst.idx.msk $0xffff, v2  }
0xa0: {  	v3 =	vor.u32 $0x8, v1;
	v2 =	vld [tilespmem:s20+$0x3900];
	_ =	sdelay $0x4  }
0xa1: {  	[tilespmem:v3+s12+$0x0] =	vst.idx.msk $0xffff, v2  }
0xa2: {  	v3 =	vor.u32 $0x9, v1;
	v2 =	vld [tilespmem:s20+$0x3F40];
	_ =	sdelay $0x4  }
0xa3: {  	[tilespmem:v3+s12+$0x0] =	vst.idx.msk $0xffff, v2  }
0xa4: {  	v3 =	vor.u32 $0xA, v1;
	v2 =	vld [tilespmem:s20+$0x4580];
	_ =	sdelay $0x4  }
0xa5: {  	[tilespmem:v3+s12+$0x0] =	vst.idx.msk $0xffff, v2  }
0xa6: {  	v3 =	vor.u32 $0xB, v1;
	v2 =	vld [tilespmem:s20+$0x4BC0];
	_ =	sdelay $0x4  }
0xa7: {  	[tilespmem:v3+s12+$0x0] =	vst.idx.msk $0xffff, v2  }
0xa8: {  	v3 =	vor.u32 $0xC, v1;
	v2 =	vld [tilespmem:s20+$0x5200];
	_ =	sdelay $0x4  }
0xa9: {  	[tilespmem:v3+s12+$0x0] =	vst.idx.msk $0xffff, v2  }
0xaa: {  	v3 =	vor.u32 $0xD, v1;
	v2 =	vld [tilespmem:s20+$0x5840];
	_ =	sdelay $0x4  }
0xab: {  	[tilespmem:v3+s12+$0x0] =	vst.idx.msk $0xffff, v2  }
0xac: {  	v3 =	vor.u32 $0xE, v1;
	v2 =	vld [tilespmem:s20+$0x5E80];
	_ =	sdelay $0x4  }
0xad: {  	[tilespmem:v3+s12+$0x0] =	vst.idx.msk $0xffff, v2  }
0xae: {  	v1 =	vor.u32 $0xF, v1;
	v2 =	vld [tilespmem:s20+$0x64C0];
	_ =	sdelay $0x2  }
0xaf: {  	s21 =	simm.s32 $0x10  }
0xb0: {  	v3 =	vmov s21  }
0xb1: {  	[tilespmem:v1+s12+$0x0] =	vst.idx.msk $0xffff, v2;
	v1 =	vshll.u32 v3, $0x4  }
0xb2: {  	v2 =	vld [tilespmem:s20+$0x710];
	v1 =	vor.u32 v0, v1;
	_ =	sdelay $0x4  }
0xb3: {  	[tilespmem:v1+s12+$0x0] =	vst.idx.msk $0xffff, v2  }
0xb4: {  	v3 =	vor.u32 $0x1, v1;
	v2 =	vld [tilespmem:s20+$0xD50];
	_ =	sdelay $0x4  }
0xb5: {  	[tilespmem:v3+s12+$0x0] =	vst.idx.msk $0xffff, v2  }
0xb6: {  	v3 =	vor.u32 $0x2, v1;
	v2 =	vld [tilespmem:s20+$0x1390];
	_ =	sdelay $0x4  }
0xb7: {  	[tilespmem:v3+s12+$0x0] =	vst.idx.msk $0xffff, v2  }
0xb8: {  	v3 =	vor.u32 $0x3, v1;
	v2 =	vld [tilespmem:s20+$0x19D0];
	_ =	sdelay $0x4  }
0xb9: {  	[tilespmem:v3+s12+$0x0] =	vst.idx.msk $0xffff, v2  }
0xba: {  	v3 =	vor.u32 $0x4, v1;
	v2 =	vld [tilespmem:s20+$0x2010];
	_ =	sdelay $0x4  }
0xbb: {  	[tilespmem:v3+s12+$0x0] =	vst.idx.msk $0xffff, v2  }
0xbc: {  	v3 =	vor.u32 $0x5, v1;
	v2 =	vld [tilespmem:s20+$0x2650];
	_ =	sdelay $0x4  }
0xbd: {  	[tilespmem:v3+s12+$0x0] =	vst.idx.msk $0xffff, v2  }
0xbe: {  	v3 =	vor.u32 $0x6, v1;
	v2 =	vld [tilespmem:s20+$0x2C90];
	_ =	sdelay $0x4  }
0xbf: {  	[tilespmem:v3+s12+$0x0] =	vst.idx.msk $0xffff, v2  }
0xc0: {  	v3 =	vor.u32 $0x7, v1;
	v2 =	vld [tilespmem:s20+$0x32D0];
	_ =	sdelay $0x4  }
0xc1: {  	[tilespmem:v3+s12+$0x0] =	vst.idx.msk $0xffff, v2  }
0xc2: {  	v3 =	vor.u32 $0x8, v1;
	v2 =	vld [tilespmem:s20+$0x3910];
	_ =	sdelay $0x4  }
0xc3: {  	[tilespmem:v3+s12+$0x0] =	vst.idx.msk $0xffff, v2  }
0xc4: {  	v3 =	vor.u32 $0x9, v1;
	v2 =	vld [tilespmem:s20+$0x3F50];
	_ =	sdelay $0x4  }
0xc5: {  	[tilespmem:v3+s12+$0x0] =	vst.idx.msk $0xffff, v2  }
0xc6: {  	v3 =	vor.u32 $0xA, v1;
	v2 =	vld [tilespmem:s20+$0x4590];
	_ =	sdelay $0x4  }
0xc7: {  	[tilespmem:v3+s12+$0x0] =	vst.idx.msk $0xffff, v2  }
0xc8: {  	v3 =	vor.u32 $0xB, v1;
	v2 =	vld [tilespmem:s20+$0x4BD0];
	_ =	sdelay $0x4  }
0xc9: {  	[tilespmem:v3+s12+$0x0] =	vst.idx.msk $0xffff, v2  }
0xca: {  	v3 =	vor.u32 $0xC, v1;
	v2 =	vld [tilespmem:s20+$0x5210];
	_ =	sdelay $0x4  }
0xcb: {  	[tilespmem:v3+s12+$0x0] =	vst.idx.msk $0xffff, v2  }
0xcc: {  	v3 =	vor.u32 $0xD, v1;
	v2 =	vld [tilespmem:s20+$0x5850];
	_ =	sdelay $0x4  }
0xcd: {  	[tilespmem:v3+s12+$0x0] =	vst.idx.msk $0xffff, v2  }
0xce: {  	v3 =	vor.u32 $0xE, v1;
	v2 =	vld [tilespmem:s20+$0x5E90];
	_ =	sdelay $0x4  }
0xcf: {  	[tilespmem:v3+s12+$0x0] =	vst.idx.msk $0xffff, v2  }
0xd0: {  	v1 =	vor.u32 $0xF, v1;
	v2 =	vld [tilespmem:s20+$0x64D0];
	_ =	sdelay $0x1  }
0xd1: {  	s9 =	simm.s32 $0x20  }
0xd2: {  	s7 =	simm.s32 $0x100;
	s21 =	simm.s32 $0x80;
	s20 =	simm.s32 $0x30  }
.LBB2_3:
0xd3: {  	p0 =	sne.s32 s7, $0x1880;
	v3 =	vmov s9  }
0xd4: {  	s9 =	sshra.s32 s21, $0x2;
	s21 =	smov.u32 s7;
	v3 =	vshll.u32 v3, $0x4;
	[tilespmem:v1+s12+$0x0] =	vst.idx.msk $0xffff, v2  }
0xd5: {  	v2 =	vld [tilespmem:s9+$0x700];
	v1 =	vor.u32 v0, v3;
	_ =	sdelay $0x4  }
0xd6: {  	[tilespmem:v1+s12+$0x0] =	vst.idx.msk $0xffff, v2  }
0xd7: {  	v3 =	vor.u32 $0x1, v1;
	v2 =	vld [tilespmem:s9+$0xD40];
	_ =	sdelay $0x4  }
0xd8: {  	[tilespmem:v3+s12+$0x0] =	vst.idx.msk $0xffff, v2  }
0xd9: {  	v3 =	vor.u32 $0x2, v1;
	v2 =	vld [tilespmem:s9+$0x1380];
	_ =	sdelay $0x4  }
0xda: {  	[tilespmem:v3+s12+$0x0] =	vst.idx.msk $0xffff, v2  }
0xdb: {  	v3 =	vor.u32 $0x3, v1;
	v2 =	vld [tilespmem:s9+$0x19C0];
	_ =	sdelay $0x4  }
0xdc: {  	[tilespmem:v3+s12+$0x0] =	vst.idx.msk $0xffff, v2  }
0xdd: {  	v3 =	vor.u32 $0x4, v1;
	v2 =	vld [tilespmem:s9+$0x2000];
	_ =	sdelay $0x4  }
0xde: {  	[tilespmem:v3+s12+$0x0] =	vst.idx.msk $0xffff, v2  }
0xdf: {  	v3 =	vor.u32 $0x5, v1;
	v2 =	vld [tilespmem:s9+$0x2640];
	_ =	sdelay $0x4  }
0xe0: {  	[tilespmem:v3+s12+$0x0] =	vst.idx.msk $0xffff, v2  }
0xe1: {  	v3 =	vor.u32 $0x6, v1;
	v2 =	vld [tilespmem:s9+$0x2C80];
	_ =	sdelay $0x4  }
0xe2: {  	[tilespmem:v3+s12+$0x0] =	vst.idx.msk $0xffff, v2  }
0xe3: {  	v3 =	vor.u32 $0x7, v1;
	v2 =	vld [tilespmem:s9+$0x32C0];
	_ =	sdelay $0x4  }
0xe4: {  	[tilespmem:v3+s12+$0x0] =	vst.idx.msk $0xffff, v2  }
0xe5: {  	v3 =	vor.u32 $0x8, v1;
	v2 =	vld [tilespmem:s9+$0x3900];
	_ =	sdelay $0x4  }
0xe6: {  	[tilespmem:v3+s12+$0x0] =	vst.idx.msk $0xffff, v2  }
0xe7: {  	v3 =	vor.u32 $0x9, v1;
	v2 =	vld [tilespmem:s9+$0x3F40];
	_ =	sdelay $0x4  }
0xe8: {  	[tilespmem:v3+s12+$0x0] =	vst.idx.msk $0xffff, v2  }
0xe9: {  	v3 =	vor.u32 $0xA, v1;
	v2 =	vld [tilespmem:s9+$0x4580];
	_ =	sdelay $0x4  }
0xea: {  	[tilespmem:v3+s12+$0x0] =	vst.idx.msk $0xffff, v2  }
0xeb: {  	v3 =	vor.u32 $0xB, v1;
	v2 =	vld [tilespmem:s9+$0x4BC0];
	_ =	sdelay $0x4  }
0xec: {  	[tilespmem:v3+s12+$0x0] =	vst.idx.msk $0xffff, v2  }
0xed: {  	v3 =	vor.u32 $0xC, v1;
	v2 =	vld [tilespmem:s9+$0x5200];
	_ =	sdelay $0x4  }
0xee: {  	[tilespmem:v3+s12+$0x0] =	vst.idx.msk $0xffff, v2  }
0xef: {  	v3 =	vor.u32 $0xD, v1;
	v2 =	vld [tilespmem:s9+$0x5840];
	_ =	sdelay $0x4  }
0xf0: {  	[tilespmem:v3+s12+$0x0] =	vst.idx.msk $0xffff, v2  }
0xf1: {  	v3 =	vor.u32 $0xE, v1;
	v2 =	vld [tilespmem:s9+$0x5E80];
	_ =	sdelay $0x4  }
0xf2: {  	[tilespmem:v3+s12+$0x0] =	vst.idx.msk $0xffff, v2  }
0xf3: {  	v1 =	vor.u32 $0xF, v1;
	v2 =	vld [tilespmem:s9+$0x64C0];
	_ =	sdelay $0x3  }
0xf4: {  	v3 =	vmov s20  }
0xf5: {  	[tilespmem:v1+s12+$0x0] =	vst.idx.msk $0xffff, v2;
	v1 =	vshll.u32 v3, $0x4  }
0xf6: {  	v2 =	vld [tilespmem:s9+$0x710];
	v1 =	vor.u32 v0, v1;
	_ =	sdelay $0x4  }
0xf7: {  	[tilespmem:v1+s12+$0x0] =	vst.idx.msk $0xffff, v2  }
0xf8: {  	v3 =	vor.u32 $0x1, v1;
	v2 =	vld [tilespmem:s9+$0xD50];
	_ =	sdelay $0x4  }
0xf9: {  	[tilespmem:v3+s12+$0x0] =	vst.idx.msk $0xffff, v2  }
0xfa: {  	v3 =	vor.u32 $0x2, v1;
	v2 =	vld [tilespmem:s9+$0x1390];
	_ =	sdelay $0x4  }
0xfb: {  	[tilespmem:v3+s12+$0x0] =	vst.idx.msk $0xffff, v2  }
0xfc: {  	v3 =	vor.u32 $0x3, v1;
	v2 =	vld [tilespmem:s9+$0x19D0];
	_ =	sdelay $0x4  }
0xfd: {  	[tilespmem:v3+s12+$0x0] =	vst.idx.msk $0xffff, v2  }
0xfe: {  	v3 =	vor.u32 $0x4, v1;
	v2 =	vld [tilespmem:s9+$0x2010];
	_ =	sdelay $0x4  }
0xff: {  	[tilespmem:v3+s12+$0x0] =	vst.idx.msk $0xffff, v2  }
0x100: {  	v3 =	vor.u32 $0x5, v1;
	v2 =	vld [tilespmem:s9+$0x2650];
	_ =	sdelay $0x4  }
0x101: {  	[tilespmem:v3+s12+$0x0] =	vst.idx.msk $0xffff, v2  }
0x102: {  	v3 =	vor.u32 $0x6, v1;
	v2 =	vld [tilespmem:s9+$0x2C90];
	_ =	sdelay $0x4  }
0x103: {  	[tilespmem:v3+s12+$0x0] =	vst.idx.msk $0xffff, v2  }
0x104: {  	v3 =	vor.u32 $0x7, v1;
	v2 =	vld [tilespmem:s9+$0x32D0];
	_ =	sdelay $0x4  }
0x105: {  	[tilespmem:v3+s12+$0x0] =	vst.idx.msk $0xffff, v2  }
0x106: {  	v3 =	vor.u32 $0x8, v1;
	v2 =	vld [tilespmem:s9+$0x3910];
	_ =	sdelay $0x4  }
0x107: {  	[tilespmem:v3+s12+$0x0] =	vst.idx.msk $0xffff, v2  }
0x108: {  	v3 =	vor.u32 $0x9, v1;
	v2 =	vld [tilespmem:s9+$0x3F50];
	_ =	sdelay $0x4  }
0x109: {  	[tilespmem:v3+s12+$0x0] =	vst.idx.msk $0xffff, v2  }
0x10a: {  	v3 =	vor.u32 $0xA, v1;
	v2 =	vld [tilespmem:s9+$0x4590];
	_ =	sdelay $0x4  }
0x10b: {  	[tilespmem:v3+s12+$0x0] =	vst.idx.msk $0xffff, v2  }
0x10c: {  	v3 =	vor.u32 $0xB, v1;
	v2 =	vld [tilespmem:s9+$0x4BD0];
	_ =	sdelay $0x4  }
0x10d: {  	[tilespmem:v3+s12+$0x0] =	vst.idx.msk $0xffff, v2  }
0x10e: {  	v3 =	vor.u32 $0xC, v1;
	v2 =	vld [tilespmem:s9+$0x5210];
	_ =	sdelay $0x4  }
0x10f: {  	[tilespmem:v3+s12+$0x0] =	vst.idx.msk $0xffff, v2  }
0x110: {  	v3 =	vor.u32 $0xD, v1;
	v2 =	vld [tilespmem:s9+$0x5850];
	_ =	sdelay $0x4  }
0x111: {  	[tilespmem:v3+s12+$0x0] =	vst.idx.msk $0xffff, v2  }
0x112: {  	v3 =	vor.u32 $0xE, v1;
	v2 =	vld [tilespmem:s9+$0x5E90];
	_ =	sdelay $0x4  }
.Ltmp0:
0x113: {  	[tilespmem:v3+s12+$0x0] =	vst.idx.msk $0xffff, v2;
	(pc) =	sbr.rel @p0 .LBB2_3-.Ltmp0, $3  }
0x114: {  	v1 =	vor.u32 $0xF, v1;
	v2 =	vld [tilespmem:s9+$0x64D0];
	_ =	sdelay $0x1  }
0x115: {  	s20 =	sadd.s32 $0x20, s20  }
0x116: {  	s7 =	sadd.s32 $0x80, s7;
	s9 =	sadd.s32 $0xFFFFFFF0, s20  }
0x117: {  	_ =	sdelay $0x2  }
0x118: {  	v3 =	vmov s9  }
0x119: {  	s7 =	sshra.s32 s21, $0x2;
	v3 =	vshll.u32 v3, $0x4;
	[tilespmem:v1+s12+$0x0] =	vst.idx.msk $0xffff, v2  }
0x11a: {  	v1 =	vld [tilespmem:s7+$0x700];
	v2 =	vor.u32 v0, v3;
	_ =	sdelay $0x4  }
0x11b: {  	[tilespmem:v2+s12+$0x0] =	vst.idx.msk $0xffff, v1  }
0x11c: {  	v3 =	vor.u32 $0x1, v2;
	v1 =	vld [tilespmem:s7+$0xD40];
	_ =	sdelay $0x4  }
0x11d: {  	[tilespmem:v3+s12+$0x0] =	vst.idx.msk $0xffff, v1  }
0x11e: {  	v3 =	vor.u32 $0x2, v2;
	v1 =	vld [tilespmem:s7+$0x1380];
	_ =	sdelay $0x4  }
0x11f: {  	[tilespmem:v3+s12+$0x0] =	vst.idx.msk $0xffff, v1  }
0x120: {  	v3 =	vor.u32 $0x3, v2;
	v1 =	vld [tilespmem:s7+$0x19C0];
	_ =	sdelay $0x4  }
0x121: {  	[tilespmem:v3+s12+$0x0] =	vst.idx.msk $0xffff, v1  }
0x122: {  	v3 =	vor.u32 $0x4, v2;
	v1 =	vld [tilespmem:s7+$0x2000];
	_ =	sdelay $0x4  }
0x123: {  	[tilespmem:v3+s12+$0x0] =	vst.idx.msk $0xffff, v1  }
0x124: {  	v3 =	vor.u32 $0x5, v2;
	v1 =	vld [tilespmem:s7+$0x2640];
	_ =	sdelay $0x4  }
0x125: {  	[tilespmem:v3+s12+$0x0] =	vst.idx.msk $0xffff, v1  }
0x126: {  	v3 =	vor.u32 $0x6, v2;
	v1 =	vld [tilespmem:s7+$0x2C80];
	_ =	sdelay $0x4  }
0x127: {  	[tilespmem:v3+s12+$0x0] =	vst.idx.msk $0xffff, v1  }
0x128: {  	v3 =	vor.u32 $0x7, v2;
	v1 =	vld [tilespmem:s7+$0x32C0];
	_ =	sdelay $0x4  }
0x129: {  	[tilespmem:v3+s12+$0x0] =	vst.idx.msk $0xffff, v1  }
0x12a: {  	v3 =	vor.u32 $0x8, v2;
	v1 =	vld [tilespmem:s7+$0x3900];
	_ =	sdelay $0x4  }
0x12b: {  	[tilespmem:v3+s12+$0x0] =	vst.idx.msk $0xffff, v1  }
0x12c: {  	v3 =	vor.u32 $0x9, v2;
	v1 =	vld [tilespmem:s7+$0x3F40];
	_ =	sdelay $0x4  }
0x12d: {  	[tilespmem:v3+s12+$0x0] =	vst.idx.msk $0xffff, v1  }
0x12e: {  	v3 =	vor.u32 $0xA, v2;
	v1 =	vld [tilespmem:s7+$0x4580];
	_ =	sdelay $0x4  }
0x12f: {  	[tilespmem:v3+s12+$0x0] =	vst.idx.msk $0xffff, v1  }
0x130: {  	v3 =	vor.u32 $0xB, v2;
	v1 =	vld [tilespmem:s7+$0x4BC0];
	_ =	sdelay $0x4  }
0x131: {  	[tilespmem:v3+s12+$0x0] =	vst.idx.msk $0xffff, v1  }
0x132: {  	v3 =	vor.u32 $0xC, v2;
	v1 =	vld [tilespmem:s7+$0x5200];
	_ =	sdelay $0x4  }
0x133: {  	[tilespmem:v3+s12+$0x0] =	vst.idx.msk $0xffff, v1  }
0x134: {  	v3 =	vor.u32 $0xD, v2;
	v1 =	vld [tilespmem:s7+$0x5840];
	_ =	sdelay $0x4  }
0x135: {  	[tilespmem:v3+s12+$0x0] =	vst.idx.msk $0xffff, v1  }
0x136: {  	v3 =	vor.u32 $0xE, v2;
	v1 =	vld [tilespmem:s7+$0x5E80];
	_ =	sdelay $0x4  }
0x137: {  	[tilespmem:v3+s12+$0x0] =	vst.idx.msk $0xffff, v1  }
0x138: {  	v2 =	vor.u32 $0xF, v2;
	v1 =	vld [tilespmem:s7+$0x64C0];
	_ =	sdelay $0x3  }
0x139: {  	v3 =	vmov s20  }
0x13a: {  	[tilespmem:v2+s12+$0x0] =	vst.idx.msk $0xffff, v1;
	v1 =	vshll.u32 v3, $0x4  }
0x13b: {  	v2 =	vld [tilespmem:s7+$0x710];
	v1 =	vor.u32 v0, v1;
	_ =	sdelay $0x4  }
0x13c: {  	[tilespmem:v1+s12+$0x0] =	vst.idx.msk $0xffff, v2  }
0x13d: {  	v3 =	vor.u32 $0x1, v1;
	v2 =	vld [tilespmem:s7+$0xD50];
	_ =	sdelay $0x4  }
0x13e: {  	[tilespmem:v3+s12+$0x0] =	vst.idx.msk $0xffff, v2  }
0x13f: {  	v3 =	vor.u32 $0x2, v1;
	v2 =	vld [tilespmem:s7+$0x1390];
	_ =	sdelay $0x4  }
0x140: {  	[tilespmem:v3+s12+$0x0] =	vst.idx.msk $0xffff, v2  }
0x141: {  	v3 =	vor.u32 $0x3, v1;
	v2 =	vld [tilespmem:s7+$0x19D0];
	_ =	sdelay $0x4  }
0x142: {  	[tilespmem:v3+s12+$0x0] =	vst.idx.msk $0xffff, v2  }
0x143: {  	v3 =	vor.u32 $0x4, v1;
	v2 =	vld [tilespmem:s7+$0x2010];
	_ =	sdelay $0x4  }
0x144: {  	[tilespmem:v3+s12+$0x0] =	vst.idx.msk $0xffff, v2  }
0x145: {  	v3 =	vor.u32 $0x5, v1;
	v2 =	vld [tilespmem:s7+$0x2650];
	_ =	sdelay $0x4  }
0x146: {  	[tilespmem:v3+s12+$0x0] =	vst.idx.msk $0xffff, v2  }
0x147: {  	v3 =	vor.u32 $0x6, v1;
	v2 =	vld [tilespmem:s7+$0x2C90];
	_ =	sdelay $0x4  }
0x148: {  	[tilespmem:v3+s12+$0x0] =	vst.idx.msk $0xffff, v2  }
0x149: {  	v3 =	vor.u32 $0x7, v1;
	v2 =	vld [tilespmem:s7+$0x32D0];
	_ =	sdelay $0x4  }
0x14a: {  	[tilespmem:v3+s12+$0x0] =	vst.idx.msk $0xffff, v2  }
0x14b: {  	v3 =	vor.u32 $0x8, v1;
	v2 =	vld [tilespmem:s7+$0x3910];
	_ =	sdelay $0x4  }
0x14c: {  	[tilespmem:v3+s12+$0x0] =	vst.idx.msk $0xffff, v2  }
0x14d: {  	v3 =	vor.u32 $0x9, v1;
	v2 =	vld [tilespmem:s7+$0x3F50];
	_ =	sdelay $0x4  }
0x14e: {  	[tilespmem:v3+s12+$0x0] =	vst.idx.msk $0xffff, v2  }
0x14f: {  	v3 =	vor.u32 $0xA, v1;
	v2 =	vld [tilespmem:s7+$0x4590];
	_ =	sdelay $0x4  }
0x150: {  	[tilespmem:v3+s12+$0x0] =	vst.idx.msk $0xffff, v2  }
0x151: {  	v3 =	vor.u32 $0xB, v1;
	v2 =	vld [tilespmem:s7+$0x4BD0];
	_ =	sdelay $0x4  }
0x152: {  	[tilespmem:v3+s12+$0x0] =	vst.idx.msk $0xffff, v2  }
0x153: {  	v3 =	vor.u32 $0xC, v1;
	v2 =	vld [tilespmem:s7+$0x5210];
	_ =	sdelay $0x4  }
0x154: {  	[tilespmem:v3+s12+$0x0] =	vst.idx.msk $0xffff, v2  }
0x155: {  	v3 =	vor.u32 $0xD, v1;
	v2 =	vld [tilespmem:s7+$0x5850];
	_ =	sdelay $0x4  }
0x156: {  	[tilespmem:v3+s12+$0x0] =	vst.idx.msk $0xffff, v2  }
0x157: {  	v3 =	vor.u32 $0xE, v1;
	v2 =	vld [tilespmem:s7+$0x5E90];
	_ =	sdelay $0x4  }
0x158: {  	[tilespmem:v3+s12+$0x0] =	vst.idx.msk $0xffff, v2  }
0x159: {  	v1 =	vor.u32 $0xF, v1;
	v2 =	vld [tilespmem:s7+$0x64D0];
	_ =	sdelay $0x2  }
0x15a: {  	p0 =	seq.s32 s16, $0xF  }
0x15b: {  	s21 =	sshrl.u32 s19, $0x3;
	s9 =	sadd.s32 @!p0 s18, s8  }
0x15c: {  	s9 =	smul.u32 @!p0 $0x7, s9;
	s7 =	sadd.s32 s6, s21;
	[tilespmem:v1+s12+$0x0] =	vst.idx.msk $0xffff, v2  }
0x15d: {  	[hbm4b:s7+s13] =	stream.strided.scatter [tilespmem:s12], [sflag:$0x2], $0x6400, s14, s13, $0x38;
	[tilespmem:$0x13300] =	vst v63  }
0x15e: {  	s7 =	sadd.s32 @!p0 s2, s9;
	s9 =	simm.s32 @!p0 $0x0  }
0x15f: {  	[tilespmem:s9], [sflag:$0x3] =	stream.linear.gather @!p0 [hbm4b:s7+s9], $0x380, $0x38;
	[tilespmem:$0x13300] =	vst v63  }
0x160: {  	s7 =	simm.s32 @!p0 $0x3  }
0x161: {  	_ =	swait.ge @!p0 [sflag:s7], $0x380  }
0x162: {  	[sflag:s7] =	ssyncset.done @!p0 $0x0  }
0x163: {  	s18 =	simm.s32 @!p0 $0x700;
	[sflag:s7] =	ssyncadd.s32 @!p0 $0xFFFFFC80;
	s7 =	simm.s32 @!p0 $0x32  }
0x164: {  	[tilespmem:s18], [sflag:$0x1] =	stream.indirect.gather @!p0 [hbm4b:s5+s7], $0x20, s9, s7, $0xb8;
	[tilespmem:$0x13300] =	vst v63  }
0x165: {  	s9 =	simm.s32 @!p0 $0x38;
	s18 =	simm.s32 @!p0 $0xD40  }
0x166: {  	[tilespmem:s18], [sflag:$0x1] =	stream.indirect.gather @!p0 [hbm4b:s5+s7], $0x20, s9, s7, $0xb8;
	[tilespmem:$0x13300] =	vst v63  }
0x167: {  	s9 =	simm.s32 @!p0 $0x70;
	s18 =	simm.s32 @!p0 $0x1380  }
0x168: {  	[tilespmem:s18], [sflag:$0x1] =	stream.indirect.gather @!p0 [hbm4b:s5+s7], $0x20, s9, s7, $0xb8;
	[tilespmem:$0x13300] =	vst v63  }
0x169: {  	s9 =	simm.s32 @!p0 $0xA8;
	s18 =	simm.s32 @!p0 $0x19C0  }
0x16a: {  	[tilespmem:s18], [sflag:$0x1] =	stream.indirect.gather @!p0 [hbm4b:s5+s7], $0x20, s9, s7, $0xb8;
	[tilespmem:$0x13300] =	vst v63  }
0x16b: {  	s9 =	simm.s32 @!p0 $0xE0;
	s18 =	simm.s32 @!p0 $0x2000  }
0x16c: {  	[tilespmem:s18], [sflag:$0x1] =	stream.indirect.gather @!p0 [hbm4b:s5+s7], $0x20, s9, s7, $0xb8;
	[tilespmem:$0x13300] =	vst v63  }
0x16d: {  	s9 =	simm.s32 @!p0 $0x118;
	s18 =	simm.s32 @!p0 $0x2640  }
0x16e: {  	[tilespmem:s18], [sflag:$0x1] =	stream.indirect.gather @!p0 [hbm4b:s5+s7], $0x20, s9, s7, $0xb8;
	[tilespmem:$0x13300] =	vst v63  }
0x16f: {  	s9 =	simm.s32 @!p0 $0x150;
	s18 =	simm.s32 @!p0 $0x2C80  }
0x170: {  	[tilespmem:s18], [sflag:$0x1] =	stream.indirect.gather @!p0 [hbm4b:s5+s7], $0x20, s9, s7, $0xb8;
	[tilespmem:$0x13300] =	vst v63  }
0x171: {  	s9 =	simm.s32 @!p0 $0x188;
	s18 =	simm.s32 @!p0 $0x32C0  }
0x172: {  	[tilespmem:s18], [sflag:$0x1] =	stream.indirect.gather @!p0 [hbm4b:s5+s7], $0x20, s9, s7, $0xb8;
	[tilespmem:$0x13300] =	vst v63  }
0x173: {  	s9 =	simm.s32 @!p0 $0x1C0;
	s18 =	simm.s32 @!p0 $0x3900  }
0x174: {  	[tilespmem:s18], [sflag:$0x1] =	stream.indirect.gather @!p0 [hbm4b:s5+s7], $0x20, s9, s7, $0xb8;
	[tilespmem:$0x13300] =	vst v63  }
0x175: {  	s9 =	simm.s32 @!p0 $0x1F8;
	s18 =	simm.s32 @!p0 $0x3F40  }
0x176: {  	[tilespmem:s18], [sflag:$0x1] =	stream.indirect.gather @!p0 [hbm4b:s5+s7], $0x20, s9, s7, $0xb8;
	[tilespmem:$0x13300] =	vst v63  }
0x177: {  	s9 =	simm.s32 @!p0 $0x230;
	s18 =	simm.s32 @!p0 $0x4580  }
0x178: {  	[tilespmem:s18], [sflag:$0x1] =	stream.indirect.gather @!p0 [hbm4b:s5+s7], $0x20, s9, s7, $0xb8;
	[tilespmem:$0x13300] =	vst v63  }
0x179: {  	s9 =	simm.s32 @!p0 $0x268;
	s18 =	simm.s32 @!p0 $0x4BC0  }
0x17a: {  	[tilespmem:s18], [sflag:$0x1] =	stream.indirect.gather @!p0 [hbm4b:s5+s7], $0x20, s9, s7, $0xb8;
	[tilespmem:$0x13300] =	vst v63  }
0x17b: {  	s9 =	simm.s32 @!p0 $0x2A0;
	s18 =	simm.s32 @!p0 $0x5200  }
0x17c: {  	[tilespmem:s18], [sflag:$0x1] =	stream.indirect.gather @!p0 [hbm4b:s5+s7], $0x20, s9, s7, $0xb8;
	[tilespmem:$0x13300] =	vst v63  }
0x17d: {  	s9 =	simm.s32 @!p0 $0x2D8;
	s18 =	simm.s32 @!p0 $0x5840  }
0x17e: {  	[tilespmem:s18], [sflag:$0x1] =	stream.indirect.gather @!p0 [hbm4b:s5+s7], $0x20, s9, s7, $0xb8;
	[tilespmem:$0x13300] =	vst v63  }
0x17f: {  	s9 =	simm.s32 @!p0 $0x310;
	s18 =	simm.s32 @!p0 $0x5E80  }
0x180: {  	[tilespmem:s18], [sflag:$0x1] =	stream.indirect.gather @!p0 [hbm4b:s5+s7], $0x20, s9, s7, $0xb8;
	[tilespmem:$0x13300] =	vst v63  }
0x181: {  	s9 =	simm.s32 @!p0 $0x348;
	s18 =	simm.s32 @!p0 $0x64C0  }
0x182: {  	[tilespmem:s18], [sflag:$0x1] =	stream.indirect.gather @!p0 [hbm4b:s5+s7], $0x20, s9, s7, $0xb8;
	[tilespmem:$0x13300] =	vst v63  }
0x183: {  	_ =	swait.ge [sflag:s1], $0x640  }
0x184: {  	[sflag:s1] =	ssyncset.done $0x0  }
0x185: {  	[sflag:s1] =	ssyncadd.s32 $0xFFFFF9C0  }
0x186: {  	_ =	swait.ge [sflag:s1], $0x640  }
0x187: {  	[sflag:s1] =	ssyncset.done $0x0  }
0x188: {  	[sflag:s1] =	ssyncadd.s32 $0xFFFFF9C0  }
0x189: {  	_ =	swait.ge [sflag:s1], $0x640  }
0x18a: {  	[sflag:s1] =	ssyncset.done $0x0  }
0x18b: {  	[sflag:s1] =	ssyncadd.s32 $0xFFFFF9C0  }
0x18c: {  	_ =	swait.ge [sflag:s1], $0x640  }
0x18d: {  	[sflag:s1] =	ssyncset.done $0x0  }
0x18e: {  	[sflag:s1] =	ssyncadd.s32 $0xFFFFF9C0  }
0x18f: {  	_ =	swait.ge [sflag:s1], $0x640  }
0x190: {  	[sflag:s1] =	ssyncset.done $0x0  }
0x191: {  	[sflag:s1] =	ssyncadd.s32 $0xFFFFF9C0  }
0x192: {  	_ =	swait.ge [sflag:s1], $0x640  }
0x193: {  	[sflag:s1] =	ssyncset.done $0x0  }
0x194: {  	[sflag:s1] =	ssyncadd.s32 $0xFFFFF9C0  }
0x195: {  	_ =	swait.ge [sflag:s1], $0x640  }
0x196: {  	[sflag:s1] =	ssyncset.done $0x0  }
0x197: {  	[sflag:s1] =	ssyncadd.s32 $0xFFFFF9C0  }
0x198: {  	_ =	swait.ge [sflag:s1], $0x640  }
0x199: {  	[sflag:s1] =	ssyncset.done $0x0  }
0x19a: {  	[sflag:s1] =	ssyncadd.s32 $0xFFFFF9C0  }
0x19b: {  	_ =	swait.ge [sflag:s1], $0x640  }
0x19c: {  	[sflag:s1] =	ssyncset.done $0x0  }
0x19d: {  	[sflag:s1] =	ssyncadd.s32 $0xFFFFF9C0  }
0x19e: {  	_ =	swait.ge [sflag:s1], $0x640  }
0x19f: {  	[sflag:s1] =	ssyncset.done $0x0  }
0x1a0: {  	[sflag:s1] =	ssyncadd.s32 $0xFFFFF9C0  }
0x1a1: {  	_ =	swait.ge [sflag:s1], $0x640  }
0x1a2: {  	[sflag:s1] =	ssyncset.done $0x0  }
0x1a3: {  	[sflag:s1] =	ssyncadd.s32 $0xFFFFF9C0  }
0x1a4: {  	_ =	swait.ge [sflag:s1], $0x640  }
0x1a5: {  	[sflag:s1] =	ssyncset.done $0x0  }
0x1a6: {  	[sflag:s1] =	ssyncadd.s32 $0xFFFFF9C0  }
0x1a7: {  	_ =	swait.ge [sflag:s1], $0x640  }
0x1a8: {  	[sflag:s1] =	ssyncset.done $0x0  }
0x1a9: {  	[sflag:s1] =	ssyncadd.s32 $0xFFFFF9C0  }
0x1aa: {  	_ =	swait.ge [sflag:s1], $0x640  }
0x1ab: {  	[sflag:s1] =	ssyncset.done $0x0  }
0x1ac: {  	[sflag:s1] =	ssyncadd.s32 $0xFFFFF9C0  }
0x1ad: {  	_ =	swait.ge [sflag:s1], $0x640  }
0x1ae: {  	[sflag:s1] =	ssyncset.done $0x0  }
0x1af: {  	[sflag:s1] =	ssyncadd.s32 $0xFFFFF9C0  }
0x1b0: {  	_ =	swait.ge [sflag:s1], $0x640  }
0x1b1: {  	[sflag:s1] =	ssyncset.done $0x0  }
0x1b2: {  	[sflag:s1] =	ssyncadd.s32 $0xFFFFF9C0  }
0x1b3: {  	s19 =	simm.s32 $0x0;
	_ =	swait.ge [sflag:s15], $0x6400  }
0x1b4: {  	v1 =	vmov s19;
	[sflag:s15] =	ssyncset.done $0x0  }
0x1b5: {  	s20 =	simm.s32 $0x0;
	v1 =	vshll.u32 v1, $0x4;
	[sflag:s15] =	ssyncadd.s32 $0xFFFF9C00  }
0x1b6: {  	v1 =	vor.u32 v0, v1;
	v2 =	vld [tilespmem:s20+$0x6B00];
	_ =	sdelay $0x4  }
0x1b7: {  	[tilespmem:v1+s12+$0x0] =	vst.idx.msk $0xffff, v2  }
0x1b8: {  	v3 =	vor.u32 $0x1, v1;
	v2 =	vld [tilespmem:s20+$0x7140];
	_ =	sdelay $0x4  }
0x1b9: {  	[tilespmem:v3+s12+$0x0] =	vst.idx.msk $0xffff, v2  }
0x1ba: {  	v3 =	vor.u32 $0x2, v1;
	v2 =	vld [tilespmem:s20+$0x7780];
	_ =	sdelay $0x4  }
0x1bb: {  	[tilespmem:v3+s12+$0x0] =	vst.idx.msk $0xffff, v2  }
0x1bc: {  	v3 =	vor.u32 $0x3, v1;
	v2 =	vld [tilespmem:s20+$0x7DC0];
	_ =	sdelay $0x4  }
0x1bd: {  	[tilespmem:v3+s12+$0x0] =	vst.idx.msk $0xffff, v2  }
0x1be: {  	v3 =	vor.u32 $0x4, v1;
	v2 =	vld [tilespmem:s20+$0x8400];
	_ =	sdelay $0x4  }
0x1bf: {  	[tilespmem:v3+s12+$0x0] =	vst.idx.msk $0xffff, v2  }
0x1c0: {  	v3 =	vor.u32 $0x5, v1;
	v2 =	vld [tilespmem:s20+$0x8A40];
	_ =	sdelay $0x4  }
0x1c1: {  	[tilespmem:v3+s12+$0x0] =	vst.idx.msk $0xffff, v2  }
0x1c2: {  	v3 =	vor.u32 $0x6, v1;
	v2 =	vld [tilespmem:s20+$0x9080];
	_ =	sdelay $0x4  }
0x1c3: {  	[tilespmem:v3+s12+$0x0] =	vst.idx.msk $0xffff, v2  }
0x1c4: {  	v3 =	vor.u32 $0x7, v1;
	v2 =	vld [tilespmem:s20+$0x96C0];
	_ =	sdelay $0x4  }
0x1c5: {  	[tilespmem:v3+s12+$0x0] =	vst.idx.msk $0xffff, v2  }
0x1c6: {  	v3 =	vor.u32 $0x8, v1;
	v2 =	vld [tilespmem:s20+$0x9D00];
	_ =	sdelay $0x4  }
0x1c7: {  	[tilespmem:v3+s12+$0x0] =	vst.idx.msk $0xffff, v2  }
0x1c8: {  	v3 =	vor.u32 $0x9, v1;
	v2 =	vld [tilespmem:s20+$0xA340];
	_ =	sdelay $0x4  }
0x1c9: {  	[tilespmem:v3+s12+$0x0] =	vst.idx.msk $0xffff, v2  }
0x1ca: {  	v3 =	vor.u32 $0xA, v1;
	v2 =	vld [tilespmem:s20+$0xA980];
	_ =	sdelay $0x4  }
0x1cb: {  	[tilespmem:v3+s12+$0x0] =	vst.idx.msk $0xffff, v2  }
0x1cc: {  	v3 =	vor.u32 $0xB, v1;
	v2 =	vld [tilespmem:s20+$0xAFC0];
	_ =	sdelay $0x4  }
0x1cd: {  	[tilespmem:v3+s12+$0x0] =	vst.idx.msk $0xffff, v2  }
0x1ce: {  	v3 =	vor.u32 $0xC, v1;
	v2 =	vld [tilespmem:s20+$0xB600];
	_ =	sdelay $0x4  }
0x1cf: {  	[tilespmem:v3+s12+$0x0] =	vst.idx.msk $0xffff, v2  }
0x1d0: {  	v3 =	vor.u32 $0xD, v1;
	v2 =	vld [tilespmem:s20+$0xBC40];
	_ =	sdelay $0x4  }
0x1d1: {  	[tilespmem:v3+s12+$0x0] =	vst.idx.msk $0xffff, v2  }
0x1d2: {  	v3 =	vor.u32 $0xE, v1;
	v2 =	vld [tilespmem:s20+$0xC280];
	_ =	sdelay $0x4  }
0x1d3: {  	[tilespmem:v3+s12+$0x0] =	vst.idx.msk $0xffff, v2  }
0x1d4: {  	v1 =	vor.u32 $0xF, v1;
	v2 =	vld [tilespmem:s20+$0xC8C0];
	_ =	sdelay $0x2  }
0x1d5: {  	s21 =	simm.s32 $0x10  }
0x1d6: {  	v3 =	vmov s21  }
0x1d7: {  	[tilespmem:v1+s12+$0x0] =	vst.idx.msk $0xffff, v2;
	v1 =	vshll.u32 v3, $0x4  }
0x1d8: {  	v2 =	vld [tilespmem:s20+$0x6B10];
	v1 =	vor.u32 v0, v1;
	_ =	sdelay $0x4  }
0x1d9: {  	[tilespmem:v1+s12+$0x0] =	vst.idx.msk $0xffff, v2  }
0x1da: {  	v3 =	vor.u32 $0x1, v1;
	v2 =	vld [tilespmem:s20+$0x7150];
	_ =	sdelay $0x4  }
0x1db: {  	[tilespmem:v3+s12+$0x0] =	vst.idx.msk $0xffff, v2  }
0x1dc: {  	v3 =	vor.u32 $0x2, v1;
	v2 =	vld [tilespmem:s20+$0x7790];
	_ =	sdelay $0x4  }
0x1dd: {  	[tilespmem:v3+s12+$0x0] =	vst.idx.msk $0xffff, v2  }
0x1de: {  	v3 =	vor.u32 $0x3, v1;
	v2 =	vld [tilespmem:s20+$0x7DD0];
	_ =	sdelay $0x4  }
0x1df: {  	[tilespmem:v3+s12+$0x0] =	vst.idx.msk $0xffff, v2  }
0x1e0: {  	v3 =	vor.u32 $0x4, v1;
	v2 =	vld [tilespmem:s20+$0x8410];
	_ =	sdelay $0x4  }
0x1e1: {  	[tilespmem:v3+s12+$0x0] =	vst.idx.msk $0xffff, v2  }
0x1e2: {  	v3 =	vor.u32 $0x5, v1;
	v2 =	vld [tilespmem:s20+$0x8A50];
	_ =	sdelay $0x4  }
0x1e3: {  	[tilespmem:v3+s12+$0x0] =	vst.idx.msk $0xffff, v2  }
0x1e4: {  	v3 =	vor.u32 $0x6, v1;
	v2 =	vld [tilespmem:s20+$0x9090];
	_ =	sdelay $0x4  }
0x1e5: {  	[tilespmem:v3+s12+$0x0] =	vst.idx.msk $0xffff, v2  }
0x1e6: {  	v3 =	vor.u32 $0x7, v1;
	v2 =	vld [tilespmem:s20+$0x96D0];
	_ =	sdelay $0x4  }
0x1e7: {  	[tilespmem:v3+s12+$0x0] =	vst.idx.msk $0xffff, v2  }
0x1e8: {  	v3 =	vor.u32 $0x8, v1;
	v2 =	vld [tilespmem:s20+$0x9D10];
	_ =	sdelay $0x4  }
0x1e9: {  	[tilespmem:v3+s12+$0x0] =	vst.idx.msk $0xffff, v2  }
0x1ea: {  	v3 =	vor.u32 $0x9, v1;
	v2 =	vld [tilespmem:s20+$0xA350];
	_ =	sdelay $0x4  }
0x1eb: {  	[tilespmem:v3+s12+$0x0] =	vst.idx.msk $0xffff, v2  }
0x1ec: {  	v3 =	vor.u32 $0xA, v1;
	v2 =	vld [tilespmem:s20+$0xA990];
	_ =	sdelay $0x4  }
0x1ed: {  	[tilespmem:v3+s12+$0x0] =	vst.idx.msk $0xffff, v2  }
0x1ee: {  	v3 =	vor.u32 $0xB, v1;
	v2 =	vld [tilespmem:s20+$0xAFD0];
	_ =	sdelay $0x4  }
0x1ef: {  	[tilespmem:v3+s12+$0x0] =	vst.idx.msk $0xffff, v2  }
0x1f0: {  	v3 =	vor.u32 $0xC, v1;
	v2 =	vld [tilespmem:s20+$0xB610];
	_ =	sdelay $0x4  }
0x1f1: {  	[tilespmem:v3+s12+$0x0] =	vst.idx.msk $0xffff, v2  }
0x1f2: {  	v3 =	vor.u32 $0xD, v1;
	v2 =	vld [tilespmem:s20+$0xBC50];
	_ =	sdelay $0x4  }
0x1f3: {  	[tilespmem:v3+s12+$0x0] =	vst.idx.msk $0xffff, v2  }
0x1f4: {  	v3 =	vor.u32 $0xE, v1;
	v2 =	vld [tilespmem:s20+$0xC290];
	_ =	sdelay $0x4  }
0x1f5: {  	[tilespmem:v3+s12+$0x0] =	vst.idx.msk $0xffff, v2  }
0x1f6: {  	v1 =	vor.u32 $0xF, v1;
	v2 =	vld [tilespmem:s20+$0xC8D0];
	_ =	sdelay $0x1  }
0x1f7: {  	s19 =	simm.s32 $0x80  }
0x1f8: {  	s18 =	simm.s32 $0x30;
	s9 =	simm.s32 $0x20;
	s7 =	simm.s32 $0x100  }
.LBB2_5:
0x1f9: {  	p0 =	sne.s32 s7, $0x1880;
	v3 =	vmov s9  }
0x1fa: {  	s9 =	sshra.s32 s19, $0x2;
	s19 =	smov.u32 s7;
	v3 =	vshll.u32 v3, $0x4;
	[tilespmem:v1+s12+$0x0] =	vst.idx.msk $0xffff, v2  }
0x1fb: {  	v2 =	vld [tilespmem:s9+$0x6B00];
	v1 =	vor.u32 v0, v3;
	_ =	sdelay $0x4  }
0x1fc: {  	[tilespmem:v1+s12+$0x0] =	vst.idx.msk $0xffff, v2  }
0x1fd: {  	v3 =	vor.u32 $0x1, v1;
	v2 =	vld [tilespmem:s9+$0x7140];
	_ =	sdelay $0x4  }
0x1fe: {  	[tilespmem:v3+s12+$0x0] =	vst.idx.msk $0xffff, v2  }
0x1ff: {  	v3 =	vor.u32 $0x2, v1;
	v2 =	vld [tilespmem:s9+$0x7780];
	_ =	sdelay $0x4  }
0x200: {  	[tilespmem:v3+s12+$0x0] =	vst.idx.msk $0xffff, v2  }
0x201: {  	v3 =	vor.u32 $0x3, v1;
	v2 =	vld [tilespmem:s9+$0x7DC0];
	_ =	sdelay $0x4  }
0x202: {  	[tilespmem:v3+s12+$0x0] =	vst.idx.msk $0xffff, v2  }
0x203: {  	v3 =	vor.u32 $0x4, v1;
	v2 =	vld [tilespmem:s9+$0x8400];
	_ =	sdelay $0x4  }
0x204: {  	[tilespmem:v3+s12+$0x0] =	vst.idx.msk $0xffff, v2  }
0x205: {  	v3 =	vor.u32 $0x5, v1;
	v2 =	vld [tilespmem:s9+$0x8A40];
	_ =	sdelay $0x4  }
0x206: {  	[tilespmem:v3+s12+$0x0] =	vst.idx.msk $0xffff, v2  }
0x207: {  	v3 =	vor.u32 $0x6, v1;
	v2 =	vld [tilespmem:s9+$0x9080];
	_ =	sdelay $0x4  }
0x208: {  	[tilespmem:v3+s12+$0x0] =	vst.idx.msk $0xffff, v2  }
0x209: {  	v3 =	vor.u32 $0x7, v1;
	v2 =	vld [tilespmem:s9+$0x96C0];
	_ =	sdelay $0x4  }
0x20a: {  	[tilespmem:v3+s12+$0x0] =	vst.idx.msk $0xffff, v2  }
0x20b: {  	v3 =	vor.u32 $0x8, v1;
	v2 =	vld [tilespmem:s9+$0x9D00];
	_ =	sdelay $0x4  }
0x20c: {  	[tilespmem:v3+s12+$0x0] =	vst.idx.msk $0xffff, v2  }
0x20d: {  	v3 =	vor.u32 $0x9, v1;
	v2 =	vld [tilespmem:s9+$0xA340];
	_ =	sdelay $0x4  }
0x20e: {  	[tilespmem:v3+s12+$0x0] =	vst.idx.msk $0xffff, v2  }
0x20f: {  	v3 =	vor.u32 $0xA, v1;
	v2 =	vld [tilespmem:s9+$0xA980];
	_ =	sdelay $0x4  }
0x210: {  	[tilespmem:v3+s12+$0x0] =	vst.idx.msk $0xffff, v2  }
0x211: {  	v3 =	vor.u32 $0xB, v1;
	v2 =	vld [tilespmem:s9+$0xAFC0];
	_ =	sdelay $0x4  }
0x212: {  	[tilespmem:v3+s12+$0x0] =	vst.idx.msk $0xffff, v2  }
0x213: {  	v3 =	vor.u32 $0xC, v1;
	v2 =	vld [tilespmem:s9+$0xB600];
	_ =	sdelay $0x4  }
0x214: {  	[tilespmem:v3+s12+$0x0] =	vst.idx.msk $0xffff, v2  }
0x215: {  	v3 =	vor.u32 $0xD, v1;
	v2 =	vld [tilespmem:s9+$0xBC40];
	_ =	sdelay $0x4  }
0x216: {  	[tilespmem:v3+s12+$0x0] =	vst.idx.msk $0xffff, v2  }
0x217: {  	v3 =	vor.u32 $0xE, v1;
	v2 =	vld [tilespmem:s9+$0xC280];
	_ =	sdelay $0x4  }
0x218: {  	[tilespmem:v3+s12+$0x0] =	vst.idx.msk $0xffff, v2  }
0x219: {  	v1 =	vor.u32 $0xF, v1;
	v2 =	vld [tilespmem:s9+$0xC8C0];
	_ =	sdelay $0x3  }
0x21a: {  	v3 =	vmov s18  }
0x21b: {  	[tilespmem:v1+s12+$0x0] =	vst.idx.msk $0xffff, v2;
	v1 =	vshll.u32 v3, $0x4  }
0x21c: {  	v2 =	vld [tilespmem:s9+$0x6B10];
	v1 =	vor.u32 v0, v1;
	_ =	sdelay $0x4  }
0x21d: {  	[tilespmem:v1+s12+$0x0] =	vst.idx.msk $0xffff, v2  }
0x21e: {  	v3 =	vor.u32 $0x1, v1;
	v2 =	vld [tilespmem:s9+$0x7150];
	_ =	sdelay $0x4  }
0x21f: {  	[tilespmem:v3+s12+$0x0] =	vst.idx.msk $0xffff, v2  }
0x220: {  	v3 =	vor.u32 $0x2, v1;
	v2 =	vld [tilespmem:s9+$0x7790];
	_ =	sdelay $0x4  }
0x221: {  	[tilespmem:v3+s12+$0x0] =	vst.idx.msk $0xffff, v2  }
0x222: {  	v3 =	vor.u32 $0x3, v1;
	v2 =	vld [tilespmem:s9+$0x7DD0];
	_ =	sdelay $0x4  }
0x223: {  	[tilespmem:v3+s12+$0x0] =	vst.idx.msk $0xffff, v2  }
0x224: {  	v3 =	vor.u32 $0x4, v1;
	v2 =	vld [tilespmem:s9+$0x8410];
	_ =	sdelay $0x4  }
0x225: {  	[tilespmem:v3+s12+$0x0] =	vst.idx.msk $0xffff, v2  }
0x226: {  	v3 =	vor.u32 $0x5, v1;
	v2 =	vld [tilespmem:s9+$0x8A50];
	_ =	sdelay $0x4  }
0x227: {  	[tilespmem:v3+s12+$0x0] =	vst.idx.msk $0xffff, v2  }
0x228: {  	v3 =	vor.u32 $0x6, v1;
	v2 =	vld [tilespmem:s9+$0x9090];
	_ =	sdelay $0x4  }
0x229: {  	[tilespmem:v3+s12+$0x0] =	vst.idx.msk $0xffff, v2  }
0x22a: {  	v3 =	vor.u32 $0x7, v1;
	v2 =	vld [tilespmem:s9+$0x96D0];
	_ =	sdelay $0x4  }
0x22b: {  	[tilespmem:v3+s12+$0x0] =	vst.idx.msk $0xffff, v2  }
0x22c: {  	v3 =	vor.u32 $0x8, v1;
	v2 =	vld [tilespmem:s9+$0x9D10];
	_ =	sdelay $0x4  }
0x22d: {  	[tilespmem:v3+s12+$0x0] =	vst.idx.msk $0xffff, v2  }
0x22e: {  	v3 =	vor.u32 $0x9, v1;
	v2 =	vld [tilespmem:s9+$0xA350];
	_ =	sdelay $0x4  }
0x22f: {  	[tilespmem:v3+s12+$0x0] =	vst.idx.msk $0xffff, v2  }
0x230: {  	v3 =	vor.u32 $0xA, v1;
	v2 =	vld [tilespmem:s9+$0xA990];
	_ =	sdelay $0x4  }
0x231: {  	[tilespmem:v3+s12+$0x0] =	vst.idx.msk $0xffff, v2  }
0x232: {  	v3 =	vor.u32 $0xB, v1;
	v2 =	vld [tilespmem:s9+$0xAFD0];
	_ =	sdelay $0x4  }
0x233: {  	[tilespmem:v3+s12+$0x0] =	vst.idx.msk $0xffff, v2  }
0x234: {  	v3 =	vor.u32 $0xC, v1;
	v2 =	vld [tilespmem:s9+$0xB610];
	_ =	sdelay $0x4  }
0x235: {  	[tilespmem:v3+s12+$0x0] =	vst.idx.msk $0xffff, v2  }
0x236: {  	v3 =	vor.u32 $0xD, v1;
	v2 =	vld [tilespmem:s9+$0xBC50];
	_ =	sdelay $0x4  }
0x237: {  	[tilespmem:v3+s12+$0x0] =	vst.idx.msk $0xffff, v2  }
0x238: {  	v3 =	vor.u32 $0xE, v1;
	v2 =	vld [tilespmem:s9+$0xC290];
	_ =	sdelay $0x4  }
.Ltmp1:
0x239: {  	[tilespmem:v3+s12+$0x0] =	vst.idx.msk $0xffff, v2;
	(pc) =	sbr.rel @p0 .LBB2_5-.Ltmp1, $3  }
0x23a: {  	v1 =	vor.u32 $0xF, v1;
	v2 =	vld [tilespmem:s9+$0xC8D0];
	_ =	sdelay $0x1  }
0x23b: {  	s18 =	sadd.s32 $0x20, s18  }
0x23c: {  	s7 =	sadd.s32 $0x80, s7;
	s9 =	sadd.s32 $0xFFFFFFF0, s18  }
0x23d: {  	_ =	sdelay $0x2  }
0x23e: {  	v3 =	vmov s9  }
0x23f: {  	s7 =	sshra.s32 s19, $0x2;
	v3 =	vshll.u32 v3, $0x4;
	[tilespmem:v1+s12+$0x0] =	vst.idx.msk $0xffff, v2  }
0x240: {  	v1 =	vld [tilespmem:s7+$0x6B00];
	v2 =	vor.u32 v0, v3;
	_ =	sdelay $0x4  }
0x241: {  	[tilespmem:v2+s12+$0x0] =	vst.idx.msk $0xffff, v1  }
0x242: {  	v3 =	vor.u32 $0x1, v2;
	v1 =	vld [tilespmem:s7+$0x7140];
	_ =	sdelay $0x4  }
0x243: {  	[tilespmem:v3+s12+$0x0] =	vst.idx.msk $0xffff, v1  }
0x244: {  	v3 =	vor.u32 $0x2, v2;
	v1 =	vld [tilespmem:s7+$0x7780];
	_ =	sdelay $0x4  }
0x245: {  	[tilespmem:v3+s12+$0x0] =	vst.idx.msk $0xffff, v1  }
0x246: {  	v3 =	vor.u32 $0x3, v2;
	v1 =	vld [tilespmem:s7+$0x7DC0];
	_ =	sdelay $0x4  }
0x247: {  	[tilespmem:v3+s12+$0x0] =	vst.idx.msk $0xffff, v1  }
0x248: {  	v3 =	vor.u32 $0x4, v2;
	v1 =	vld [tilespmem:s7+$0x8400];
	_ =	sdelay $0x4  }
0x249: {  	[tilespmem:v3+s12+$0x0] =	vst.idx.msk $0xffff, v1  }
0x24a: {  	v3 =	vor.u32 $0x5, v2;
	v1 =	vld [tilespmem:s7+$0x8A40];
	_ =	sdelay $0x4  }
0x24b: {  	[tilespmem:v3+s12+$0x0] =	vst.idx.msk $0xffff, v1  }
0x24c: {  	v3 =	vor.u32 $0x6, v2;
	v1 =	vld [tilespmem:s7+$0x9080];
	_ =	sdelay $0x4  }
0x24d: {  	[tilespmem:v3+s12+$0x0] =	vst.idx.msk $0xffff, v1  }
0x24e: {  	v3 =	vor.u32 $0x7, v2;
	v1 =	vld [tilespmem:s7+$0x96C0];
	_ =	sdelay $0x4  }
0x24f: {  	[tilespmem:v3+s12+$0x0] =	vst.idx.msk $0xffff, v1  }
0x250: {  	v3 =	vor.u32 $0x8, v2;
	v1 =	vld [tilespmem:s7+$0x9D00];
	_ =	sdelay $0x4  }
0x251: {  	[tilespmem:v3+s12+$0x0] =	vst.idx.msk $0xffff, v1  }
0x252: {  	v3 =	vor.u32 $0x9, v2;
	v1 =	vld [tilespmem:s7+$0xA340];
	_ =	sdelay $0x4  }
0x253: {  	[tilespmem:v3+s12+$0x0] =	vst.idx.msk $0xffff, v1  }
0x254: {  	v3 =	vor.u32 $0xA, v2;
	v1 =	vld [tilespmem:s7+$0xA980];
	_ =	sdelay $0x4  }
0x255: {  	[tilespmem:v3+s12+$0x0] =	vst.idx.msk $0xffff, v1  }
0x256: {  	v3 =	vor.u32 $0xB, v2;
	v1 =	vld [tilespmem:s7+$0xAFC0];
	_ =	sdelay $0x4  }
0x257: {  	[tilespmem:v3+s12+$0x0] =	vst.idx.msk $0xffff, v1  }
0x258: {  	v3 =	vor.u32 $0xC, v2;
	v1 =	vld [tilespmem:s7+$0xB600];
	_ =	sdelay $0x4  }
0x259: {  	[tilespmem:v3+s12+$0x0] =	vst.idx.msk $0xffff, v1  }
0x25a: {  	v3 =	vor.u32 $0xD, v2;
	v1 =	vld [tilespmem:s7+$0xBC40];
	_ =	sdelay $0x4  }
0x25b: {  	[tilespmem:v3+s12+$0x0] =	vst.idx.msk $0xffff, v1  }
0x25c: {  	v3 =	vor.u32 $0xE, v2;
	v1 =	vld [tilespmem:s7+$0xC280];
	_ =	sdelay $0x4  }
0x25d: {  	[tilespmem:v3+s12+$0x0] =	vst.idx.msk $0xffff, v1  }
0x25e: {  	v2 =	vor.u32 $0xF, v2;
	v1 =	vld [tilespmem:s7+$0xC8C0];
	_ =	sdelay $0x3  }
0x25f: {  	v3 =	vmov s18  }
0x260: {  	[tilespmem:v2+s12+$0x0] =	vst.idx.msk $0xffff, v1;
	v1 =	vshll.u32 v3, $0x4  }
0x261: {  	v2 =	vld [tilespmem:s7+$0x6B10];
	v1 =	vor.u32 v0, v1;
	_ =	sdelay $0x4  }
0x262: {  	[tilespmem:v1+s12+$0x0] =	vst.idx.msk $0xffff, v2  }
0x263: {  	v3 =	vor.u32 $0x1, v1;
	v2 =	vld [tilespmem:s7+$0x7150];
	_ =	sdelay $0x4  }
0x264: {  	[tilespmem:v3+s12+$0x0] =	vst.idx.msk $0xffff, v2  }
0x265: {  	v3 =	vor.u32 $0x2, v1;
	v2 =	vld [tilespmem:s7+$0x7790];
	_ =	sdelay $0x4  }
0x266: {  	[tilespmem:v3+s12+$0x0] =	vst.idx.msk $0xffff, v2  }
0x267: {  	v3 =	vor.u32 $0x3, v1;
	v2 =	vld [tilespmem:s7+$0x7DD0];
	_ =	sdelay $0x4  }
0x268: {  	[tilespmem:v3+s12+$0x0] =	vst.idx.msk $0xffff, v2  }
0x269: {  	v3 =	vor.u32 $0x4, v1;
	v2 =	vld [tilespmem:s7+$0x8410];
	_ =	sdelay $0x4  }
0x26a: {  	[tilespmem:v3+s12+$0x0] =	vst.idx.msk $0xffff, v2  }
0x26b: {  	v3 =	vor.u32 $0x5, v1;
	v2 =	vld [tilespmem:s7+$0x8A50];
	_ =	sdelay $0x4  }
0x26c: {  	[tilespmem:v3+s12+$0x0] =	vst.idx.msk $0xffff, v2  }
0x26d: {  	v3 =	vor.u32 $0x6, v1;
	v2 =	vld [tilespmem:s7+$0x9090];
	_ =	sdelay $0x4  }
0x26e: {  	[tilespmem:v3+s12+$0x0] =	vst.idx.msk $0xffff, v2  }
0x26f: {  	v3 =	vor.u32 $0x7, v1;
	v2 =	vld [tilespmem:s7+$0x96D0];
	_ =	sdelay $0x4  }
0x270: {  	[tilespmem:v3+s12+$0x0] =	vst.idx.msk $0xffff, v2  }
0x271: {  	v3 =	vor.u32 $0x8, v1;
	v2 =	vld [tilespmem:s7+$0x9D10];
	_ =	sdelay $0x4  }
0x272: {  	[tilespmem:v3+s12+$0x0] =	vst.idx.msk $0xffff, v2  }
0x273: {  	v3 =	vor.u32 $0x9, v1;
	v2 =	vld [tilespmem:s7+$0xA350];
	_ =	sdelay $0x4  }
0x274: {  	[tilespmem:v3+s12+$0x0] =	vst.idx.msk $0xffff, v2  }
0x275: {  	v3 =	vor.u32 $0xA, v1;
	v2 =	vld [tilespmem:s7+$0xA990];
	_ =	sdelay $0x4  }
0x276: {  	[tilespmem:v3+s12+$0x0] =	vst.idx.msk $0xffff, v2  }
0x277: {  	v3 =	vor.u32 $0xB, v1;
	v2 =	vld [tilespmem:s7+$0xAFD0];
	_ =	sdelay $0x4  }
0x278: {  	[tilespmem:v3+s12+$0x0] =	vst.idx.msk $0xffff, v2  }
0x279: {  	v3 =	vor.u32 $0xC, v1;
	v2 =	vld [tilespmem:s7+$0xB610];
	_ =	sdelay $0x4  }
0x27a: {  	[tilespmem:v3+s12+$0x0] =	vst.idx.msk $0xffff, v2  }
0x27b: {  	v3 =	vor.u32 $0xD, v1;
	v2 =	vld [tilespmem:s7+$0xBC50];
	_ =	sdelay $0x4  }
0x27c: {  	[tilespmem:v3+s12+$0x0] =	vst.idx.msk $0xffff, v2  }
0x27d: {  	v3 =	vor.u32 $0xE, v1;
	v2 =	vld [tilespmem:s7+$0xC290];
	_ =	sdelay $0x4  }
0x27e: {  	[tilespmem:v3+s12+$0x0] =	vst.idx.msk $0xffff, v2  }
0x27f: {  	s16 =	sadd.s32 $0x1, s16;
	v1 =	vor.u32 $0xF, v1;
	v2 =	vld [tilespmem:s7+$0xC8D0]  }
0x280: {  	p0 =	sne.s32 s16, $0x10  }
.Ltmp2:
0x281: {  	_ = 	snop;
	(pc) =	sbr.rel @p0 .LBB2_2-.Ltmp2, $4  }
0x282: {  	_ = 	snop  }
0x283: {  	s21 =	sshrl.u32 s17, $0x3  }
0x284: {  	s7 =	sadd.s32 s6, s21;
	[tilespmem:v1+s12+$0x0] =	vst.idx.msk $0xffff, v2  }
0x285: {  	[hbm4b:s7+s13] =	stream.strided.scatter [tilespmem:s12], [sflag:$0x2], $0x6400, s14, s13, $0x38;
	[tilespmem:$0x13300] =	vst v63  }
0x286: {  	_ =	swait.ge [sflag:s15], $0x6400  }
0x287: {  	s9 =	rddreg [dreg:$0x5]  }
0x288: {  	s7 =	rddreg [dreg:$0x4];
	s9 =	sadd.s32 $0x1, s9  }
0x289: {  	p0 =	sne.s32 s9, s7  }
.Ltmp3:
0x28a: {  	_ = 	snop;
	(pc) =	sbr.rel @p0 .LBB2_1-.Ltmp3, $3  }
0x28b: {  	_ =	sdelay $0x1  }
0x28c: {  	[sflag:s15] =	ssyncset.done $0x0  }
0x28d: {  	[sflag:s15] =	ssyncadd.s32 $0xFFFF9C00  }
0x28e: {  	_ =	sfence.sel $0x180000  }
0x28f: {  	[bflag:$0x0] =	sbarrier.arrive $0xFFFF  }
0x290: {  	_ =	strace $0x90000047  }
0x291: {  	s0 =	stileid.u32;
	[bflag:$0x2] =	sbarrier.arrive $0xFFFF  }
0x292: {  	p0 =	sne.s32 s0, $0x0;
	s0 =	rddreg [dreg:$0x2]  }
0x293: {  	s0 =	sadd.s32 @!p0 $0x100000, s0  }
0x294: {  	[sflag:s0] =	ssyncadd.tile.s32 @!p0 $0x1;
	_ =	shalt  }
.Lfunc_end2:
_tile_overlayer_lowered:
.L_overlay_start_2:
0x295: {  	(tag) =	ssettag $0x2  }
0x296: {  	s0 =	rddreg [dreg:$0x0];
	s2 =	stileid.u32  }
0x297: {  	s1 =	rddreg [dreg:$0x1];
	p0 =	sne.s32 s2, $0x0  }
0x298: {  	s3 =	rddreg [dreg:$0x2];
	[bflag:$0x3] =	sbarrier.arrive $0xFFFF;
	s2 =	simm.s32 @!p0 $0x1C03  }
0x299: {  	[timem:s3], [sflag:s2] =	dma.local @!p0 [hbm:s0], s1  }
0x29a: {  	s0 =	simm.s32 @!p0 $0x3  }
0x29b: {  	_ =	swait.ge @!p0 [sflag:s0], s1  }
0x29c: {  	s1 =	ssub.s32 @!p0 $0x0, s1;
	[sflag:s0] =	ssyncset.done @!p0 $0x0  }
0x29d: {  	[sflag:s0] =	ssyncadd.s32 @!p0 s1  }
0x29e: {  	[bflag:$0x3] =	sbarrier.arrive $0xFFFF  }
0x29f: {  	_ =	shalt  }

</sc_bundles>
